<compile_context>
chip_gen: v7x
topology: tpu7x:2x2x1
jax: 0.10.2.dev20260603
libtpu: 0.0.44.dev20260713+nightly
codegen_flags: <defaults>
</compile_context>

<pallas_src>
import functools

import jax
import jax.numpy as jnp
from jax import lax
from jax.experimental import pallas as pl
from jax.experimental.pallas import tpu as pltpu
from jax.experimental.pallas import tpu_sc as plsc

DIM = 128
NIDX = 1024 * 50
NWORKERS = 32
PER_W = NIDX // NWORKERS
CHUNK = 40
NCHUNKS = PER_W // CHUNK
OUT_ROW = DIM * 4

_RSQRT_MAGIC = 0x5F1FFFF9
_RSQRT_A = 0.703952253
_RSQRT_B = 2.38924456


def _body(x_hbm, scale_hbm, r_hbm, i_hbm, j_hbm, k_hbm, out_hbm,
          idx_v, scale_v, qv0, ov0, qv1, ov1, gsem0, gsem1, osem):
    nc = 2
    wid = lax.axis_index("s") * nc + lax.axis_index("c")
    base = wid * PER_W

    pltpu.sync_copy(x_hbm.at[pl.ds(base, PER_W)], idx_v)
    pltpu.sync_copy(scale_hbm, scale_v)

    scale_regs = [scale_v[pl.ds(16 * g, 16)] for g in range(8)]
    scale2_regs = [s * s for s in scale_regs]
    tabs = (r_hbm, i_hbm, j_hbm, k_hbm)
    qvs = (qv0, qv1)
    outs = (ov0, ov1)

    gsems = (gsem0, gsem1)

    def fire_gathers(c, s):
        idx_ref = idx_v.at[pl.ds(c * CHUNK, CHUNK)]
        for t, tab in enumerate(tabs):
            pltpu.async_copy(
                tab.at[idx_ref], qvs[s].at[pl.ds(t * CHUNK, CHUNK)], gsems[s])

    def drain_gathers(s):
        pltpu.make_async_copy(
            r_hbm.at[pl.ds(0, 4 * CHUNK)], qvs[s], gsems[s]).wait()

    def drain_out(s):
        pltpu.make_async_copy(
            outs[s], out_hbm.at[pl.ds(0, CHUNK * OUT_ROW)], osem).wait()

    fire_gathers(0, 0)

    def super_body(c2, carry):
        for s in range(2):
            c = c2 * 2 + s
            qv = qvs[s]
            ov = outs[s]
            drain_gathers(s)

            @pl.when(c + 1 < NCHUNKS)
            def _():
                fire_gathers(c + 1, 1 - s)

            @pl.when(c >= 2)
            def _():
                drain_out(s)

            @plsc.parallel_loop(0, CHUNK, unroll=8)
            def row_body(b):
                out_base = b * OUT_ROW
                for g in range(8):
                    sl = pl.ds(g * 16, 16)
                    rr = qv[b, sl]
                    ii = qv[CHUNK + b, sl]
                    jj = qv[2 * CHUNK + b, sl]
                    kk = qv[3 * CHUNK + b, sl]
                    sq = (rr * rr + 1e-6
                          + (ii * ii + jj * jj + kk * kk) * scale2_regs[g])
                    y = plsc.bitcast(
                        _RSQRT_MAGIC - lax.shift_right_logical(
                            plsc.bitcast(sq, jnp.int32), 1),
                        jnp.float32)
                    y = _RSQRT_A * y * (_RSQRT_B - sq * y * y)
                    sy = y * scale_regs[g]
                    ov[pl.ds(out_base + g * 16, 16)] = rr * y
                    ov[pl.ds(out_base + DIM + g * 16, 16)] = ii * sy
                    ov[pl.ds(out_base + 2 * DIM + g * 16, 16)] = jj * sy
                    ov[pl.ds(out_base + 3 * DIM + g * 16, 16)] = kk * sy

            pltpu.async_copy(
                ov, out_hbm.at[pl.ds((base + c * CHUNK) * OUT_ROW,
                                     CHUNK * OUT_ROW)], osem)
        return carry

    lax.fori_loop(0, NCHUNKS // 2, super_body, 0)
    drain_out(0)
    drain_out(1)


_qembed = functools.partial(
    pl.kernel,
    out_type=jax.ShapeDtypeStruct((NIDX * OUT_ROW,), jnp.float32),
    mesh=plsc.VectorSubcoreMesh(core_axis_name="c", subcore_axis_name="s"),
    compiler_params=pltpu.CompilerParams(needs_layout_passes=False),
    scratch_types=(
        [pltpu.VMEM((PER_W,), jnp.int32), pltpu.VMEM((DIM,), jnp.float32)]
        + [pltpu.VMEM((4 * CHUNK, DIM), jnp.float32),
           pltpu.VMEM((CHUNK * OUT_ROW,), jnp.float32)] * 2
        + [pltpu.SemaphoreType.DMA] * 3
    ),
)(_body)


def kernel(x, scalar, vector_i, vector_j, vector_k):
    dim = scalar.shape[1]
    scale = 1.0 / (10000.0 ** (jnp.arange(dim, dtype=jnp.float32) / dim))
    xf = x.reshape(-1).astype(jnp.int32)
    out = _qembed(xf, scale.astype(jnp.float32), scalar,
                  vector_i, vector_j, vector_k)
    out = out.reshape(x.shape[0], x.shape[1], 4, dim)
    return jnp.swapaxes(out, -1, -2)

# --- scband reference (transcript-rebuilt; emitter-appended) ---
"""Pipeline reference for scband-quaternion-embedding-944892805663 (READ-ONLY COPY).

The authoritative reference and input builder live on the scoring server;
editing this copy changes nothing except your own understanding.
"""

import jax, jax.numpy as jnp
import numpy as np

VOCAB = 100000
DIM = 128
B = 1024
L = 50

def setup_inputs(seed: int = 0) -> dict:
    key = jax.random.key(seed)
    k1, k2, k3, k4, k5 = jax.random.split(key, 5)
    x = jax.random.randint(k1, (B, L), 0, VOCAB, dtype=jnp.int64)
    scalar = jax.random.normal(k2, (VOCAB, DIM), dtype=jnp.float32)
    vector_i = jax.random.normal(k3, (VOCAB, DIM), dtype=jnp.float32)
    vector_j = jax.random.normal(k4, (VOCAB, DIM), dtype=jnp.float32)
    vector_k = jax.random.normal(k5, (VOCAB, DIM), dtype=jnp.float32)
    return {"x": x, "scalar": scalar, "vector_i": vector_i, "vector_j": vector_j, "vector_k": vector_k}

def reference(x, scalar, vector_i, vector_j, vector_k):
    dim = scalar.shape[1]
    scale_factor = 1.0 / (10000.0 ** (jnp.arange(dim, dtype=jnp.float32) / dim))
    r = jnp.take(scalar, x, axis=0)
    i = jnp.take(vector_i, x, axis=0)
    j = jnp.take(vector_j, x, axis=0)
    k = jnp.take(vector_k, x, axis=0)
    i = i * scale_factor
    j = j * scale_factor
    k = k * scale_factor
    norm = jnp.sqrt(r ** 2 + i ** 2 + j ** 2 + k ** 2 + 1e-06)
    r, i, j, k = r / norm, i / norm, j / norm, k / norm
    out = jnp.stack([r, i, j, k], axis=-1)
    return out

if __name__ == "__main__":
    import jax
    _d = setup_inputs()
    print(jax.jit(kernel)(*tuple(_d.values())))

</pallas_src>

<mosaic_0001>
#map = affine_map<(d0, d1) -> (0)>
#map1 = affine_map<(d0, d1) -> (0, 0)>
module attributes {stable_mosaic.version = 14 : i64} {
  func.func @_body(%arg0: i32, %arg1: i32, %arg2: memref<51200xi32, #tpu.memory_space<hbm>>, %arg3: memref<128xf32, #tpu.memory_space<hbm>>, %arg4: memref<100000x128xf32, #tpu.memory_space<hbm>>, %arg5: memref<100000x128xf32, #tpu.memory_space<hbm>>, %arg6: memref<100000x128xf32, #tpu.memory_space<hbm>>, %arg7: memref<100000x128xf32, #tpu.memory_space<hbm>>, %arg8: memref<26214400xf32, #tpu.memory_space<hbm>>, %arg9: memref<1600xi32, #tpu.memory_space<vmem>>, %arg10: memref<128xf32, #tpu.memory_space<vmem>>, %arg11: memref<160x128xf32, #tpu.memory_space<vmem>>, %arg12: memref<20480xf32, #tpu.memory_space<vmem>>, %arg13: memref<160x128xf32, #tpu.memory_space<vmem>>, %arg14: memref<20480xf32, #tpu.memory_space<vmem>>, %arg15: memref<!tpu.dma_semaphore, #tpu.memory_space<semaphore_mem>>, %arg16: memref<!tpu.dma_semaphore, #tpu.memory_space<semaphore_mem>>, %arg17: memref<!tpu.dma_semaphore, #tpu.memory_space<semaphore_mem>>) attributes {dimension_semantics = [#tpu.dimension_semantics<core_parallel>, #tpu.dimension_semantics<subcore_parallel>], iteration_bounds = array<i64: 2, 16>, scalar_prefetch = 0 : i64, scratch_operands = 9 : i64, tpu.core_type = #tpu.core_type<sc_vector_subcore>, window_params = [{transform_indices = #map}, {transform_indices = #map}, {transform_indices = #map1}, {transform_indices = #map1}, {transform_indices = #map1}, {transform_indices = #map1}, {transform_indices = #map}]} {
    %mul3A = arith.constant 2 : i32
    %mul3A_0 = arith.muli %arg1, %mul3A : i32
    %add3A = arith.addi %mul3A_0, %arg0 : i32
    %mul3A_1 = arith.constant 1600 : i32
    %mul3A_2 = arith.muli %add3A, %mul3A_1 : i32
    "tpu.region"() ({
      %run_scoped3A = tpu.sem_alloc : memref<!tpu.dma_semaphore, #tpu.memory_space<semaphore_mem>>
      %dma_start3A_69 = tpu.memref_slice %arg2[%mul3A_2] : memref<51200xi32, #tpu.memory_space<hbm>> -> memref<1600xi32, #tpu.memory_space<hbm>>
      %dma_start3A_70 = tpu.memref_slice %arg2[%mul3A_2] : memref<51200xi32, #tpu.memory_space<hbm>> -> memref<1600xi32, #tpu.memory_space<hbm>>
      tpu.enqueue_dma source(%dma_start3A_70 : memref<1600xi32, #tpu.memory_space<hbm>>) target(%arg9 : memref<1600xi32, #tpu.memory_space<vmem>>) target_semaphore(%run_scoped3A : memref<!tpu.dma_semaphore, #tpu.memory_space<semaphore_mem>>)
      %dma_wait3A_71 = tpu.memref_slice %arg2[%mul3A_2] : memref<51200xi32, #tpu.memory_space<hbm>> -> memref<1600xi32, #tpu.memory_space<hbm>>
      %dma_wait3A_72 = tpu.memref_slice %arg2[%mul3A_2] : memref<51200xi32, #tpu.memory_space<hbm>> -> memref<1600xi32, #tpu.memory_space<hbm>>
      tpu.wait_dma2 semaphore(%run_scoped3A : memref<!tpu.dma_semaphore, #tpu.memory_space<semaphore_mem>>) src(%dma_wait3A_72 : memref<1600xi32, #tpu.memory_space<hbm>>) dst(%arg9 : memref<1600xi32, #tpu.memory_space<vmem>>)
      tpu.yield
    }) : () -> ()
    "tpu.region"() ({
      %run_scoped3A = tpu.sem_alloc : memref<!tpu.dma_semaphore, #tpu.memory_space<semaphore_mem>>
      tpu.enqueue_dma source(%arg3 : memref<128xf32, #tpu.memory_space<hbm>>) target(%arg10 : memref<128xf32, #tpu.memory_space<vmem>>) target_semaphore(%run_scoped3A : memref<!tpu.dma_semaphore, #tpu.memory_space<semaphore_mem>>)
      tpu.wait_dma2 semaphore(%run_scoped3A : memref<!tpu.dma_semaphore, #tpu.memory_space<semaphore_mem>>) src(%arg3 : memref<128xf32, #tpu.memory_space<hbm>>) dst(%arg10 : memref<128xf32, #tpu.memory_space<vmem>>)
      tpu.yield
    }) : () -> ()
    %get3A = arith.constant 0 : index
    %get3A_3 = tpu.vector_load %arg10[%get3A] {strides = array<i32>} : memref<128xf32, #tpu.memory_space<vmem>>, vector<16xf32>,
    %get3A_4 = arith.constant 16 : index
    %get3A_5 = tpu.vector_load %arg10[%get3A_4] {strides = array<i32>} : memref<128xf32, #tpu.memory_space<vmem>>, vector<16xf32>,
    %get3A_6 = arith.constant 32 : index
    %get3A_7 = tpu.vector_load %arg10[%get3A_6] {strides = array<i32>} : memref<128xf32, #tpu.memory_space<vmem>>, vector<16xf32>,
    %get3A_8 = arith.constant 48 : index
    %get3A_9 = tpu.vector_load %arg10[%get3A_8] {strides = array<i32>} : memref<128xf32, #tpu.memory_space<vmem>>, vector<16xf32>,
    %get3A_10 = arith.constant 64 : index
    %get3A_11 = tpu.vector_load %arg10[%get3A_10] {strides = array<i32>} : memref<128xf32, #tpu.memory_space<vmem>>, vector<16xf32>,
    %get3A_12 = arith.constant 80 : index
    %get3A_13 = tpu.vector_load %arg10[%get3A_12] {strides = array<i32>} : memref<128xf32, #tpu.memory_space<vmem>>, vector<16xf32>,
    %get3A_14 = arith.constant 96 : index
    %get3A_15 = tpu.vector_load %arg10[%get3A_14] {strides = array<i32>} : memref<128xf32, #tpu.memory_space<vmem>>, vector<16xf32>,
    %get3A_16 = arith.constant 112 : index
    %get3A_17 = tpu.vector_load %arg10[%get3A_16] {strides = array<i32>} : memref<128xf32, #tpu.memory_space<vmem>>, vector<16xf32>,
    %mul3A_18 = arith.mulf %get3A_3, %get3A_3 : vector<16xf32>
    %mul3A_19 = arith.mulf %get3A_5, %get3A_5 : vector<16xf32>
    %mul3A_20 = arith.mulf %get3A_7, %get3A_7 : vector<16xf32>
    %mul3A_21 = arith.mulf %get3A_9, %get3A_9 : vector<16xf32>
    %mul3A_22 = arith.mulf %get3A_11, %get3A_11 : vector<16xf32>
    %mul3A_23 = arith.mulf %get3A_13, %get3A_13 : vector<16xf32>
    %mul3A_24 = arith.mulf %get3A_15, %get3A_15 : vector<16xf32>
    %mul3A_25 = arith.mulf %get3A_17, %get3A_17 : vector<16xf32>
    %dma_start3A = arith.constant 0 : i32
    %dma_start3A_26 = arith.constant 0 : i32
    %dma_start3A_27 = tpu.memref_slice %arg11[%dma_start3A, %dma_start3A_26] : memref<160x128xf32, #tpu.memory_space<vmem>> -> memref<40x128xf32, #tpu.memory_space<vmem>>
    %dma_start3A_28 = arith.constant 0 : i32
    %dma_start3A_29 = tpu.memref_slice %arg9[%dma_start3A_28] : memref<1600xi32, #tpu.memory_space<vmem>> -> memref<40xi32, #tpu.memory_space<vmem>>
    %dma_start3A_30 = arith.constant 0 : i32
    %dma_start3A_31 = arith.constant 0 : i32
    %dma_start3A_32 = tpu.memref_slice %arg4[%dma_start3A_30, %dma_start3A_31] : memref<100000x128xf32, #tpu.memory_space<hbm>> -> memref<100000x128xf32, #tpu.memory_space<hbm>>
    tpu.enqueue_indirect_dma source(%dma_start3A_32 : memref<100000x128xf32, #tpu.memory_space<hbm>>) target(%dma_start3A_27 : memref<40x128xf32, #tpu.memory_space<vmem>>) offsets(%dma_start3A_29 : memref<40xi32, #tpu.memory_space<vmem>>) semaphore(%arg15 : memref<!tpu.dma_semaphore, #tpu.memory_space<semaphore_mem>>)
    %dma_start3A_33 = arith.constant 40 : i32
    %dma_start3A_34 = arith.constant 0 : i32
    %dma_start3A_35 = tpu.memref_slice %arg11[%dma_start3A_33, %dma_start3A_34] : memref<160x128xf32, #tpu.memory_space<vmem>> -> memref<40x128xf32, #tpu.memory_space<vmem>>
    %dma_start3A_36 = arith.constant 0 : i32
    %dma_start3A_37 = tpu.memref_slice %arg9[%dma_start3A_36] : memref<1600xi32, #tpu.memory_space<vmem>> -> memref<40xi32, #tpu.memory_space<vmem>>
    %dma_start3A_38 = arith.constant 0 : i32
    %dma_start3A_39 = arith.constant 0 : i32
    %dma_start3A_40 = tpu.memref_slice %arg5[%dma_start3A_38, %dma_start3A_39] : memref<100000x128xf32, #tpu.memory_space<hbm>> -> memref<100000x128xf32, #tpu.memory_space<hbm>>
    tpu.enqueue_indirect_dma source(%dma_start3A_40 : memref<100000x128xf32, #tpu.memory_space<hbm>>) target(%dma_start3A_35 : memref<40x128xf32, #tpu.memory_space<vmem>>) offsets(%dma_start3A_37 : memref<40xi32, #tpu.memory_space<vmem>>) semaphore(%arg15 : memref<!tpu.dma_semaphore, #tpu.memory_space<semaphore_mem>>)
    %dma_start3A_41 = arith.constant 80 : i32
    %dma_start3A_42 = arith.constant 0 : i32
    %dma_start3A_43 = tpu.memref_slice %arg11[%dma_start3A_41, %dma_start3A_42] : memref<160x128xf32, #tpu.memory_space<vmem>> -> memref<40x128xf32, #tpu.memory_space<vmem>>
    %dma_start3A_44 = arith.constant 0 : i32
    %dma_start3A_45 = tpu.memref_slice %arg9[%dma_start3A_44] : memref<1600xi32, #tpu.memory_space<vmem>> -> memref<40xi32, #tpu.memory_space<vmem>>
    %dma_start3A_46 = arith.constant 0 : i32
    %dma_start3A_47 = arith.constant 0 : i32
    %dma_start3A_48 = tpu.memref_slice %arg6[%dma_start3A_46, %dma_start3A_47] : memref<100000x128xf32, #tpu.memory_space<hbm>> -> memref<100000x128xf32, #tpu.memory_space<hbm>>
    tpu.enqueue_indirect_dma source(%dma_start3A_48 : memref<100000x128xf32, #tpu.memory_space<hbm>>) target(%dma_start3A_43 : memref<40x128xf32, #tpu.memory_space<vmem>>) offsets(%dma_start3A_45 : memref<40xi32, #tpu.memory_space<vmem>>) semaphore(%arg15 : memref<!tpu.dma_semaphore, #tpu.memory_space<semaphore_mem>>)
    %dma_start3A_49 = arith.constant 120 : i32
    %dma_start3A_50 = arith.constant 0 : i32
    %dma_start3A_51 = tpu.memref_slice %arg11[%dma_start3A_49, %dma_start3A_50] : memref<160x128xf32, #tpu.memory_space<vmem>> -> memref<40x128xf32, #tpu.memory_space<vmem>>
    %dma_start3A_52 = arith.constant 0 : i32
    %dma_start3A_53 = tpu.memref_slice %arg9[%dma_start3A_52] : memref<1600xi32, #tpu.memory_space<vmem>> -> memref<40xi32, #tpu.memory_space<vmem>>
    %dma_start3A_54 = arith.constant 0 : i32
    %dma_start3A_55 = arith.constant 0 : i32
    %dma_start3A_56 = tpu.memref_slice %arg7[%dma_start3A_54, %dma_start3A_55] : memref<100000x128xf32, #tpu.memory_space<hbm>> -> memref<100000x128xf32, #tpu.memory_space<hbm>>
    tpu.enqueue_indirect_dma source(%dma_start3A_56 : memref<100000x128xf32, #tpu.memory_space<hbm>>) target(%dma_start3A_51 : memref<40x128xf32, #tpu.memory_space<vmem>>) offsets(%dma_start3A_53 : memref<40xi32, #tpu.memory_space<vmem>>) semaphore(%arg15 : memref<!tpu.dma_semaphore, #tpu.memory_space<semaphore_mem>>)
    %scan3A = arith.constant 0 : i32
    %scan3A_57 = arith.constant 0 : i32
    %scan3A_58 = arith.constant 20 : i32
    %scan3A_59 = arith.addi %scan3A_57, %scan3A_58 : i32
    %scan3A_60 = arith.constant 1 : i32
    scf.for %scan3A_69 = %scan3A_57 to %scan3A_59 step %scan3A_60  : i32 {
      %mul3A_70 = arith.constant 2 : i32
      %mul3A_71 = arith.muli %scan3A_69, %mul3A_70 : i32
      %add3A_72 = arith.constant 0 : i32
      %add3A_73 = arith.addi %mul3A_71, %add3A_72 : i32
      %dma_wait3A_74 = arith.constant 0 : i32
      %dma_wait3A_75 = arith.constant 0 : i32
      %dma_wait3A_76 = tpu.memref_slice %arg4[%dma_wait3A_74, %dma_wait3A_75] : memref<100000x128xf32, #tpu.memory_space<hbm>> -> memref<160x128xf32, #tpu.memory_space<hbm>>
      %dma_wait3A_77 = arith.constant 0 : i32
      %dma_wait3A_78 = arith.constant 0 : i32
      %dma_wait3A_79 = tpu.memref_slice %arg4[%dma_wait3A_77, %dma_wait3A_78] : memref<100000x128xf32, #tpu.memory_space<hbm>> -> memref<160x128xf32, #tpu.memory_space<hbm>>
      tpu.wait_dma2 semaphore(%arg15 : memref<!tpu.dma_semaphore, #tpu.memory_space<semaphore_mem>>) src(%dma_wait3A_79 : memref<160x128xf32, #tpu.memory_space<hbm>>) dst(%arg11 : memref<160x128xf32, #tpu.memory_space<vmem>>)
      %add3A_80 = arith.constant 1 : i32
      %add3A_81 = arith.addi %add3A_73, %add3A_80 : i32
      %lt3A = arith.constant 40 : i32
      %lt3A_82 = arith.cmpi slt, %add3A_81, %lt3A : i32
      %convert_element_type3A = arith.extui %lt3A_82 : i1 to i32
      %cond3A = arith.constant 0 : i32
      %cond3A_83 = arith.cmpi ne, %convert_element_type3A, %cond3A : i32
      scf.if %cond3A_83 {
        %add3A_129 = arith.constant 1 : i32
        %add3A_130 = arith.addi %add3A_73, %add3A_129 : i32
        %mul3A_131 = arith.constant 40 : i32
        %mul3A_132 = arith.muli %add3A_130, %mul3A_131 : i32
        %dma_start3A_133 = arith.constant 0 : i32
        %dma_start3A_134 = arith.constant 0 : i32
        %dma_start3A_135 = tpu.memref_slice %arg13[%dma_start3A_133, %dma_start3A_134] : memref<160x128xf32, #tpu.memory_space<vmem>> -> memref<40x128xf32, #tpu.memory_space<vmem>>
        %dma_start3A_136 = tpu.memref_slice %arg9[%mul3A_132] : memref<1600xi32, #tpu.memory_space<vmem>> -> memref<40xi32, #tpu.memory_space<vmem>>
        %dma_start3A_137 = arith.constant 0 : i32
        %dma_start3A_138 = arith.constant 0 : i32
        %dma_start3A_139 = tpu.memref_slice %arg4[%dma_start3A_137, %dma_start3A_138] : memref<100000x128xf32, #tpu.memory_space<hbm>> -> memref<100000x128xf32, #tpu.memory_space<hbm>>
        tpu.enqueue_indirect_dma source(%dma_start3A_139 : memref<100000x128xf32, #tpu.memory_space<hbm>>) target(%dma_start3A_135 : memref<40x128xf32, #tpu.memory_space<vmem>>) offsets(%dma_start3A_136 : memref<40xi32, #tpu.memory_space<vmem>>) semaphore(%arg16 : memref<!tpu.dma_semaphore, #tpu.memory_space<semaphore_mem>>)
        %dma_start3A_140 = arith.constant 40 : i32
        %dma_start3A_141 = arith.constant 0 : i32
        %dma_start3A_142 = tpu.memref_slice %arg13[%dma_start3A_140, %dma_start3A_141] : memref<160x128xf32, #tpu.memory_space<vmem>> -> memref<40x128xf32, #tpu.memory_space<vmem>>
        %dma_start3A_143 = tpu.memref_slice %arg9[%mul3A_132] : memref<1600xi32, #tpu.memory_space<vmem>> -> memref<40xi32, #tpu.memory_space<vmem>>
        %dma_start3A_144 = arith.constant 0 : i32
        %dma_start3A_145 = arith.constant 0 : i32
        %dma_start3A_146 = tpu.memref_slice %arg5[%dma_start3A_144, %dma_start3A_145] : memref<100000x128xf32, #tpu.memory_space<hbm>> -> memref<100000x128xf32, #tpu.memory_space<hbm>>
        tpu.enqueue_indirect_dma source(%dma_start3A_146 : memref<100000x128xf32, #tpu.memory_space<hbm>>) target(%dma_start3A_142 : memref<40x128xf32, #tpu.memory_space<vmem>>) offsets(%dma_start3A_143 : memref<40xi32, #tpu.memory_space<vmem>>) semaphore(%arg16 : memref<!tpu.dma_semaphore, #tpu.memory_space<semaphore_mem>>)
        %dma_start3A_147 = arith.constant 80 : i32
        %dma_start3A_148 = arith.constant 0 : i32
        %dma_start3A_149 = tpu.memref_slice %arg13[%dma_start3A_147, %dma_start3A_148] : memref<160x128xf32, #tpu.memory_space<vmem>> -> memref<40x128xf32, #tpu.memory_space<vmem>>
        %dma_start3A_150 = tpu.memref_slice %arg9[%mul3A_132] : memref<1600xi32, #tpu.memory_space<vmem>> -> memref<40xi32, #tpu.memory_space<vmem>>
        %dma_start3A_151 = arith.constant 0 : i32
        %dma_start3A_152 = arith.constant 0 : i32
        %dma_start3A_153 = tpu.memref_slice %arg6[%dma_start3A_151, %dma_start3A_152] : memref<100000x128xf32, #tpu.memory_space<hbm>> -> memref<100000x128xf32, #tpu.memory_space<hbm>>
        tpu.enqueue_indirect_dma source(%dma_start3A_153 : memref<100000x128xf32, #tpu.memory_space<hbm>>) target(%dma_start3A_149 : memref<40x128xf32, #tpu.memory_space<vmem>>) offsets(%dma_start3A_150 : memref<40xi32, #tpu.memory_space<vmem>>) semaphore(%arg16 : memref<!tpu.dma_semaphore, #tpu.memory_space<semaphore_mem>>)
        %dma_start3A_154 = arith.constant 120 : i32
        %dma_start3A_155 = arith.constant 0 : i32
        %dma_start3A_156 = tpu.memref_slice %arg13[%dma_start3A_154, %dma_start3A_155] : memref<160x128xf32, #tpu.memory_space<vmem>> -> memref<40x128xf32, #tpu.memory_space<vmem>>
        %dma_start3A_157 = tpu.memref_slice %arg9[%mul3A_132] : memref<1600xi32, #tpu.memory_space<vmem>> -> memref<40xi32, #tpu.memory_space<vmem>>
        %dma_start3A_158 = arith.constant 0 : i32
        %dma_start3A_159 = arith.constant 0 : i32
        %dma_start3A_160 = tpu.memref_slice %arg7[%dma_start3A_158, %dma_start3A_159] : memref<100000x128xf32, #tpu.memory_space<hbm>> -> memref<100000x128xf32, #tpu.memory_space<hbm>>
        tpu.enqueue_indirect_dma source(%dma_start3A_160 : memref<100000x128xf32, #tpu.memory_space<hbm>>) target(%dma_start3A_156 : memref<40x128xf32, #tpu.memory_space<vmem>>) offsets(%dma_start3A_157 : memref<40xi32, #tpu.memory_space<vmem>>) semaphore(%arg16 : memref<!tpu.dma_semaphore, #tpu.memory_space<semaphore_mem>>)
      } else {
      }
      %ge3A = arith.constant 2 : i32
      %ge3A_84 = arith.cmpi sge, %add3A_73, %ge3A : i32
      %convert_element_type3A_85 = arith.extui %ge3A_84 : i1 to i32
      %cond3A_86 = arith.constant 0 : i32
      %cond3A_87 = arith.cmpi ne, %convert_element_type3A_85, %cond3A_86 : i32
      scf.if %cond3A_87 {
        %dma_wait3A_129 = arith.constant 0 : i32
        %dma_wait3A_130 = tpu.memref_slice %arg8[%dma_wait3A_129] : memref<26214400xf32, #tpu.memory_space<hbm>> -> memref<20480xf32, #tpu.memory_space<hbm>>
        %dma_wait3A_131 = arith.constant 0 : i32
        %dma_wait3A_132 = tpu.memref_slice %arg8[%dma_wait3A_131] : memref<26214400xf32, #tpu.memory_space<hbm>> -> memref<20480xf32, #tpu.memory_space<hbm>>
        tpu.wait_dma2 semaphore(%arg17 : memref<!tpu.dma_semaphore, #tpu.memory_space<semaphore_mem>>) src(%arg12 : memref<20480xf32, #tpu.memory_space<vmem>>) dst(%dma_wait3A_132 : memref<20480xf32, #tpu.memory_space<hbm>>)
      } else {
      }
      %parallel_loop3A = arith.constant 0 : i32
      %parallel_loop3A_88 = arith.constant 40 : i32
      %parallel_loop3A_89 = arith.constant 1 : i32
      scf.for %parallel_loop3A_129 = %parallel_loop3A to %parallel_loop3A_88 step %parallel_loop3A_89  : i32 {
        %parallel_loop3A_130 = arith.constant 512 : i32
        %parallel_loop3A_131 = arith.muli %parallel_loop3A_129, %parallel_loop3A_130 : i32
        %parallel_loop3A_132 = arith.index_cast %parallel_loop3A_129 : i32 to index
        %parallel_loop3A_133 = arith.constant 0 : index
        %parallel_loop3A_134 = tpu.vector_load %arg11[%parallel_loop3A_132, %parallel_loop3A_133] {strides = array<i32>} : memref<160x128xf32, #tpu.memory_space<vmem>>, vector<16xf32>,
        %parallel_loop3A_135 = arith.constant 40 : i32
        %parallel_loop3A_136 = arith.addi %parallel_loop3A_135, %parallel_loop3A_129 : i32
        %parallel_loop3A_137 = arith.index_cast %parallel_loop3A_136 : i32 to index
        %parallel_loop3A_138 = arith.constant 0 : index
        %parallel_loop3A_139 = tpu.vector_load %arg11[%parallel_loop3A_137, %parallel_loop3A_138] {strides = array<i32>} : memref<160x128xf32, #tpu.memory_space<vmem>>, vector<16xf32>,
        %parallel_loop3A_140 = arith.constant 80 : i32
        %parallel_loop3A_141 = arith.addi %parallel_loop3A_140, %parallel_loop3A_129 : i32
        %parallel_loop3A_142 = arith.index_cast %parallel_loop3A_141 : i32 to index
        %parallel_loop3A_143 = arith.constant 0 : index
        %parallel_loop3A_144 = tpu.vector_load %arg11[%parallel_loop3A_142, %parallel_loop3A_143] {strides = array<i32>} : memref<160x128xf32, #tpu.memory_space<vmem>>, vector<16xf32>,
        %parallel_loop3A_145 = arith.constant 120 : i32
        %parallel_loop3A_146 = arith.addi %parallel_loop3A_145, %parallel_loop3A_129 : i32
        %parallel_loop3A_147 = arith.index_cast %parallel_loop3A_146 : i32 to index
        %parallel_loop3A_148 = arith.constant 0 : index
        %parallel_loop3A_149 = tpu.vector_load %arg11[%parallel_loop3A_147, %parallel_loop3A_148] {strides = array<i32>} : memref<160x128xf32, #tpu.memory_space<vmem>>, vector<16xf32>,
        %parallel_loop3A_150 = arith.mulf %parallel_loop3A_134, %parallel_loop3A_134 : vector<16xf32>
        %parallel_loop3A_151 = arith.constant 9.99999997E-7 : f32
        %parallel_loop3A_152 = vector.broadcast %parallel_loop3A_151 : f32 to vector<16xf32>
        %parallel_loop3A_153 = arith.addf %parallel_loop3A_150, %parallel_loop3A_152 : vector<16xf32>
        %parallel_loop3A_154 = arith.mulf %parallel_loop3A_139, %parallel_loop3A_139 : vector<16xf32>
        %parallel_loop3A_155 = arith.mulf %parallel_loop3A_144, %parallel_loop3A_144 : vector<16xf32>
        %parallel_loop3A_156 = arith.addf %parallel_loop3A_154, %parallel_loop3A_155 : vector<16xf32>
        %parallel_loop3A_157 = arith.mulf %parallel_loop3A_149, %parallel_loop3A_149 : vector<16xf32>
        %parallel_loop3A_158 = arith.addf %parallel_loop3A_156, %parallel_loop3A_157 : vector<16xf32>
        %parallel_loop3A_159 = arith.mulf %parallel_loop3A_158, %mul3A_18 : vector<16xf32>
        %parallel_loop3A_160 = arith.addf %parallel_loop3A_153, %parallel_loop3A_159 : vector<16xf32>
        %parallel_loop3A_161 = vector.bitcast %parallel_loop3A_160 : vector<16xf32> to vector<16xi32>
        %parallel_loop3A_162 = arith.constant 1 : i32
        %parallel_loop3A_163 = vector.broadcast %parallel_loop3A_162 : i32 to vector<16xi32>
        %parallel_loop3A_164 = arith.shrui %parallel_loop3A_161, %parallel_loop3A_163 : vector<16xi32>
        %parallel_loop3A_165 = arith.constant 1595932665 : i32
        %parallel_loop3A_166 = vector.broadcast %parallel_loop3A_165 : i32 to vector<16xi32>
        %parallel_loop3A_167 = arith.subi %parallel_loop3A_166, %parallel_loop3A_164 : vector<16xi32>
        %parallel_loop3A_168 = vector.bitcast %parallel_loop3A_167 : vector<16xi32> to vector<16xf32>
        %parallel_loop3A_169 = arith.constant 0.703952252 : f32
        %parallel_loop3A_170 = vector.broadcast %parallel_loop3A_169 : f32 to vector<16xf32>
        %parallel_loop3A_171 = arith.mulf %parallel_loop3A_170, %parallel_loop3A_168 : vector<16xf32>
        %parallel_loop3A_172 = arith.mulf %parallel_loop3A_160, %parallel_loop3A_168 : vector<16xf32>
        %parallel_loop3A_173 = arith.mulf %parallel_loop3A_172, %parallel_loop3A_168 : vector<16xf32>
        %parallel_loop3A_174 = arith.constant 2.38924456 : f32
        %parallel_loop3A_175 = vector.broadcast %parallel_loop3A_174 : f32 to vector<16xf32>
        %parallel_loop3A_176 = arith.subf %parallel_loop3A_175, %parallel_loop3A_173 : vector<16xf32>
        %parallel_loop3A_177 = arith.mulf %parallel_loop3A_171, %parallel_loop3A_176 : vector<16xf32>
        %parallel_loop3A_178 = arith.mulf %parallel_loop3A_177, %get3A_3 : vector<16xf32>
        %parallel_loop3A_179 = arith.mulf %parallel_loop3A_134, %parallel_loop3A_177 : vector<16xf32>
        %parallel_loop3A_180 = arith.constant 0 : i32
        %parallel_loop3A_181 = arith.addi %parallel_loop3A_131, %parallel_loop3A_180 : i32
        %parallel_loop3A_182 = arith.index_cast %parallel_loop3A_181 : i32 to index
        %parallel_loop3A_183 = tpu.vector_load %arg12[%parallel_loop3A_182] {strides = array<i32>} : memref<20480xf32, #tpu.memory_space<vmem>>, vector<16xf32>,
        tpu.vector_store %arg12[%parallel_loop3A_182], %parallel_loop3A_179 {strides = array<i32>} : memref<20480xf32, #tpu.memory_space<vmem>>, vector<16xf32>,
        %parallel_loop3A_184 = arith.mulf %parallel_loop3A_139, %parallel_loop3A_178 : vector<16xf32>
        %parallel_loop3A_185 = arith.constant 128 : i32
        %parallel_loop3A_186 = arith.addi %parallel_loop3A_131, %parallel_loop3A_185 : i32
        %parallel_loop3A_187 = arith.constant 0 : i32
        %parallel_loop3A_188 = arith.addi %parallel_loop3A_186, %parallel_loop3A_187 : i32
        %parallel_loop3A_189 = arith.index_cast %parallel_loop3A_188 : i32 to index
        %parallel_loop3A_190 = tpu.vector_load %arg12[%parallel_loop3A_189] {strides = array<i32>} : memref<20480xf32, #tpu.memory_space<vmem>>, vector<16xf32>,
        tpu.vector_store %arg12[%parallel_loop3A_189], %parallel_loop3A_184 {strides = array<i32>} : memref<20480xf32, #tpu.memory_space<vmem>>, vector<16xf32>,
        %parallel_loop3A_191 = arith.mulf %parallel_loop3A_144, %parallel_loop3A_178 : vector<16xf32>
        %parallel_loop3A_192 = arith.constant 256 : i32
        %parallel_loop3A_193 = arith.addi %parallel_loop3A_131, %parallel_loop3A_192 : i32
        %parallel_loop3A_194 = arith.constant 0 : i32
        %parallel_loop3A_195 = arith.addi %parallel_loop3A_193, %parallel_loop3A_194 : i32
        %parallel_loop3A_196 = arith.index_cast %parallel_loop3A_195 : i32 to index
        %parallel_loop3A_197 = tpu.vector_load %arg12[%parallel_loop3A_196] {strides = array<i32>} : memref<20480xf32, #tpu.memory_space<vmem>>, vector<16xf32>,
        tpu.vector_store %arg12[%parallel_loop3A_196], %parallel_loop3A_191 {strides = array<i32>} : memref<20480xf32, #tpu.memory_space<vmem>>, vector<16xf32>,
        %parallel_loop3A_198 = arith.mulf %parallel_loop3A_149, %parallel_loop3A_178 : vector<16xf32>
        %parallel_loop3A_199 = arith.constant 384 : i32
        %parallel_loop3A_200 = arith.addi %parallel_loop3A_131, %parallel_loop3A_199 : i32
        %parallel_loop3A_201 = arith.constant 0 : i32
        %parallel_loop3A_202 = arith.addi %parallel_loop3A_200, %parallel_loop3A_201 : i32
        %parallel_loop3A_203 = arith.index_cast %parallel_loop3A_202 : i32 to index
        %parallel_loop3A_204 = tpu.vector_load %arg12[%parallel_loop3A_203] {strides = array<i32>} : memref<20480xf32, #tpu.memory_space<vmem>>, vector<16xf32>,
        tpu.vector_store %arg12[%parallel_loop3A_203], %parallel_loop3A_198 {strides = array<i32>} : memref<20480xf32, #tpu.memory_space<vmem>>, vector<16xf32>,
        %parallel_loop3A_205 = arith.index_cast %parallel_loop3A_129 : i32 to index
        %parallel_loop3A_206 = arith.constant 16 : index
        %parallel_loop3A_207 = tpu.vector_load %arg11[%parallel_loop3A_205, %parallel_loop3A_206] {strides = array<i32>} : memref<160x128xf32, #tpu.memory_space<vmem>>, vector<16xf32>,
        %parallel_loop3A_208 = arith.constant 40 : i32
        %parallel_loop3A_209 = arith.addi %parallel_loop3A_208, %parallel_loop3A_129 : i32
        %parallel_loop3A_210 = arith.index_cast %parallel_loop3A_209 : i32 to index
        %parallel_loop3A_211 = arith.constant 16 : index
        %parallel_loop3A_212 = tpu.vector_load %arg11[%parallel_loop3A_210, %parallel_loop3A_211] {strides = array<i32>} : memref<160x128xf32, #tpu.memory_space<vmem>>, vector<16xf32>,
        %parallel_loop3A_213 = arith.constant 80 : i32
        %parallel_loop3A_214 = arith.addi %parallel_loop3A_213, %parallel_loop3A_129 : i32
        %parallel_loop3A_215 = arith.index_cast %parallel_loop3A_214 : i32 to index
        %parallel_loop3A_216 = arith.constant 16 : index
        %parallel_loop3A_217 = tpu.vector_load %arg11[%parallel_loop3A_215, %parallel_loop3A_216] {strides = array<i32>} : memref<160x128xf32, #tpu.memory_space<vmem>>, vector<16xf32>,
        %parallel_loop3A_218 = arith.constant 120 : i32
        %parallel_loop3A_219 = arith.addi %parallel_loop3A_218, %parallel_loop3A_129 : i32
        %parallel_loop3A_220 = arith.index_cast %parallel_loop3A_219 : i32 to index
        %parallel_loop3A_221 = arith.constant 16 : index
        %parallel_loop3A_222 = tpu.vector_load %arg11[%parallel_loop3A_220, %parallel_loop3A_221] {strides = array<i32>} : memref<160x128xf32, #tpu.memory_space<vmem>>, vector<16xf32>,
        %parallel_loop3A_223 = arith.mulf %parallel_loop3A_207, %parallel_loop3A_207 : vector<16xf32>
        %parallel_loop3A_224 = arith.constant 9.99999997E-7 : f32
        %parallel_loop3A_225 = vector.broadcast %parallel_loop3A_224 : f32 to vector<16xf32>
        %parallel_loop3A_226 = arith.addf %parallel_loop3A_223, %parallel_loop3A_225 : vector<16xf32>
        %parallel_loop3A_227 = arith.mulf %parallel_loop3A_212, %parallel_loop3A_212 : vector<16xf32>
        %parallel_loop3A_228 = arith.mulf %parallel_loop3A_217, %parallel_loop3A_217 : vector<16xf32>
        %parallel_loop3A_229 = arith.addf %parallel_loop3A_227, %parallel_loop3A_228 : vector<16xf32>
        %parallel_loop3A_230 = arith.mulf %parallel_loop3A_222, %parallel_loop3A_222 : vector<16xf32>
        %parallel_loop3A_231 = arith.addf %parallel_loop3A_229, %parallel_loop3A_230 : vector<16xf32>
        %parallel_loop3A_232 = arith.mulf %parallel_loop3A_231, %mul3A_19 : vector<16xf32>
        %parallel_loop3A_233 = arith.addf %parallel_loop3A_226, %parallel_loop3A_232 : vector<16xf32>
        %parallel_loop3A_234 = vector.bitcast %parallel_loop3A_233 : vector<16xf32> to vector<16xi32>
        %parallel_loop3A_235 = arith.constant 1 : i32
        %parallel_loop3A_236 = vector.broadcast %parallel_loop3A_235 : i32 to vector<16xi32>
        %parallel_loop3A_237 = arith.shrui %parallel_loop3A_234, %parallel_loop3A_236 : vector<16xi32>
        %parallel_loop3A_238 = arith.constant 1595932665 : i32
        %parallel_loop3A_239 = vector.broadcast %parallel_loop3A_238 : i32 to vector<16xi32>
        %parallel_loop3A_240 = arith.subi %parallel_loop3A_239, %parallel_loop3A_237 : vector<16xi32>
        %parallel_loop3A_241 = vector.bitcast %parallel_loop3A_240 : vector<16xi32> to vector<16xf32>
        %parallel_loop3A_242 = arith.constant 0.703952252 : f32
        %parallel_loop3A_243 = vector.broadcast %parallel_loop3A_242 : f32 to vector<16xf32>
        %parallel_loop3A_244 = arith.mulf %parallel_loop3A_243, %parallel_loop3A_241 : vector<16xf32>
        %parallel_loop3A_245 = arith.mulf %parallel_loop3A_233, %parallel_loop3A_241 : vector<16xf32>
        %parallel_loop3A_246 = arith.mulf %parallel_loop3A_245, %parallel_loop3A_241 : vector<16xf32>
        %parallel_loop3A_247 = arith.constant 2.38924456 : f32
        %parallel_loop3A_248 = vector.broadcast %parallel_loop3A_247 : f32 to vector<16xf32>
        %parallel_loop3A_249 = arith.subf %parallel_loop3A_248, %parallel_loop3A_246 : vector<16xf32>
        %parallel_loop3A_250 = arith.mulf %parallel_loop3A_244, %parallel_loop3A_249 : vector<16xf32>
        %parallel_loop3A_251 = arith.mulf %parallel_loop3A_250, %get3A_5 : vector<16xf32>
        %parallel_loop3A_252 = arith.mulf %parallel_loop3A_207, %parallel_loop3A_250 : vector<16xf32>
        %parallel_loop3A_253 = arith.constant 16 : i32
        %parallel_loop3A_254 = arith.addi %parallel_loop3A_131, %parallel_loop3A_253 : i32
        %parallel_loop3A_255 = arith.index_cast %parallel_loop3A_254 : i32 to index
        %parallel_loop3A_256 = tpu.vector_load %arg12[%parallel_loop3A_255] {strides = array<i32>} : memref<20480xf32, #tpu.memory_space<vmem>>, vector<16xf32>,
        tpu.vector_store %arg12[%parallel_loop3A_255], %parallel_loop3A_252 {strides = array<i32>} : memref<20480xf32, #tpu.memory_space<vmem>>, vector<16xf32>,
        %parallel_loop3A_257 = arith.mulf %parallel_loop3A_212, %parallel_loop3A_251 : vector<16xf32>
        %parallel_loop3A_258 = arith.constant 128 : i32
        %parallel_loop3A_259 = arith.addi %parallel_loop3A_131, %parallel_loop3A_258 : i32
        %parallel_loop3A_260 = arith.constant 16 : i32
        %parallel_loop3A_261 = arith.addi %parallel_loop3A_259, %parallel_loop3A_260 : i32
        %parallel_loop3A_262 = arith.index_cast %parallel_loop3A_261 : i32 to index
        %parallel_loop3A_263 = tpu.vector_load %arg12[%parallel_loop3A_262] {strides = array<i32>} : memref<20480xf32, #tpu.memory_space<vmem>>, vector<16xf32>,
        tpu.vector_store %arg12[%parallel_loop3A_262], %parallel_loop3A_257 {strides = array<i32>} : memref<20480xf32, #tpu.memory_space<vmem>>, vector<16xf32>,
        %parallel_loop3A_264 = arith.mulf %parallel_loop3A_217, %parallel_loop3A_251 : vector<16xf32>
        %parallel_loop3A_265 = arith.constant 256 : i32
        %parallel_loop3A_266 = arith.addi %parallel_loop3A_131, %parallel_loop3A_265 : i32
        %parallel_loop3A_267 = arith.constant 16 : i32
        %parallel_loop3A_268 = arith.addi %parallel_loop3A_266, %parallel_loop3A_267 : i32
        %parallel_loop3A_269 = arith.index_cast %parallel_loop3A_268 : i32 to index
        %parallel_loop3A_270 = tpu.vector_load %arg12[%parallel_loop3A_269] {strides = array<i32>} : memref<20480xf32, #tpu.memory_space<vmem>>, vector<16xf32>,
        tpu.vector_store %arg12[%parallel_loop3A_269], %parallel_loop3A_264 {strides = array<i32>} : memref<20480xf32, #tpu.memory_space<vmem>>, vector<16xf32>,
        %parallel_loop3A_271 = arith.mulf %parallel_loop3A_222, %parallel_loop3A_251 : vector<16xf32>
        %parallel_loop3A_272 = arith.constant 384 : i32
        %parallel_loop3A_273 = arith.addi %parallel_loop3A_131, %parallel_loop3A_272 : i32
        %parallel_loop3A_274 = arith.constant 16 : i32
        %parallel_loop3A_275 = arith.addi %parallel_loop3A_273, %parallel_loop3A_274 : i32
        %parallel_loop3A_276 = arith.index_cast %parallel_loop3A_275 : i32 to index
        %parallel_loop3A_277 = tpu.vector_load %arg12[%parallel_loop3A_276] {strides = array<i32>} : memref<20480xf32, #tpu.memory_space<vmem>>, vector<16xf32>,
        tpu.vector_store %arg12[%parallel_loop3A_276], %parallel_loop3A_271 {strides = array<i32>} : memref<20480xf32, #tpu.memory_space<vmem>>, vector<16xf32>,
        %parallel_loop3A_278 = arith.index_cast %parallel_loop3A_129 : i32 to index
        %parallel_loop3A_279 = arith.constant 32 : index
        %parallel_loop3A_280 = tpu.vector_load %arg11[%parallel_loop3A_278, %parallel_loop3A_279] {strides = array<i32>} : memref<160x128xf32, #tpu.memory_space<vmem>>, vector<16xf32>,
        %parallel_loop3A_281 = arith.constant 40 : i32
        %parallel_loop3A_282 = arith.addi %parallel_loop3A_281, %parallel_loop3A_129 : i32
        %parallel_loop3A_283 = arith.index_cast %parallel_loop3A_282 : i32 to index
        %parallel_loop3A_284 = arith.constant 32 : index
        %parallel_loop3A_285 = tpu.vector_load %arg11[%parallel_loop3A_283, %parallel_loop3A_284] {strides = array<i32>} : memref<160x128xf32, #tpu.memory_space<vmem>>, vector<16xf32>,
        %parallel_loop3A_286 = arith.constant 80 : i32
        %parallel_loop3A_287 = arith.addi %parallel_loop3A_286, %parallel_loop3A_129 : i32
        %parallel_loop3A_288 = arith.index_cast %parallel_loop3A_287 : i32 to index
        %parallel_loop3A_289 = arith.constant 32 : index
        %parallel_loop3A_290 = tpu.vector_load %arg11[%parallel_loop3A_288, %parallel_loop3A_289] {strides = array<i32>} : memref<160x128xf32, #tpu.memory_space<vmem>>, vector<16xf32>,
        %parallel_loop3A_291 = arith.constant 120 : i32
        %parallel_loop3A_292 = arith.addi %parallel_loop3A_291, %parallel_loop3A_129 : i32
        %parallel_loop3A_293 = arith.index_cast %parallel_loop3A_292 : i32 to index
        %parallel_loop3A_294 = arith.constant 32 : index
        %parallel_loop3A_295 = tpu.vector_load %arg11[%parallel_loop3A_293, %parallel_loop3A_294] {strides = array<i32>} : memref<160x128xf32, #tpu.memory_space<vmem>>, vector<16xf32>,
        %parallel_loop3A_296 = arith.mulf %parallel_loop3A_280, %parallel_loop3A_280 : vector<16xf32>
        %parallel_loop3A_297 = arith.constant 9.99999997E-7 : f32
        %parallel_loop3A_298 = vector.broadcast %parallel_loop3A_297 : f32 to vector<16xf32>
        %parallel_loop3A_299 = arith.addf %parallel_loop3A_296, %parallel_loop3A_298 : vector<16xf32>
        %parallel_loop3A_300 = arith.mulf %parallel_loop3A_285, %parallel_loop3A_285 : vector<16xf32>
        %parallel_loop3A_301 = arith.mulf %parallel_loop3A_290, %parallel_loop3A_290 : vector<16xf32>
        %parallel_loop3A_302 = arith.addf %parallel_loop3A_300, %parallel_loop3A_301 : vector<16xf32>
        %parallel_loop3A_303 = arith.mulf %parallel_loop3A_295, %parallel_loop3A_295 : vector<16xf32>
        %parallel_loop3A_304 = arith.addf %parallel_loop3A_302, %parallel_loop3A_303 : vector<16xf32>
        %parallel_loop3A_305 = arith.mulf %parallel_loop3A_304, %mul3A_20 : vector<16xf32>
        %parallel_loop3A_306 = arith.addf %parallel_loop3A_299, %parallel_loop3A_305 : vector<16xf32>
        %parallel_loop3A_307 = vector.bitcast %parallel_loop3A_306 : vector<16xf32> to vector<16xi32>
        %parallel_loop3A_308 = arith.constant 1 : i32
        %parallel_loop3A_309 = vector.broadcast %parallel_loop3A_308 : i32 to vector<16xi32>
        %parallel_loop3A_310 = arith.shrui %parallel_loop3A_307, %parallel_loop3A_309 : vector<16xi32>
        %parallel_loop3A_311 = arith.constant 1595932665 : i32
        %parallel_loop3A_312 = vector.broadcast %parallel_loop3A_311 : i32 to vector<16xi32>
        %parallel_loop3A_313 = arith.subi %parallel_loop3A_312, %parallel_loop3A_310 : vector<16xi32>
        %parallel_loop3A_314 = vector.bitcast %parallel_loop3A_313 : vector<16xi32> to vector<16xf32>
        %parallel_loop3A_315 = arith.constant 0.703952252 : f32
        %parallel_loop3A_316 = vector.broadcast %parallel_loop3A_315 : f32 to vector<16xf32>
        %parallel_loop3A_317 = arith.mulf %parallel_loop3A_316, %parallel_loop3A_314 : vector<16xf32>
        %parallel_loop3A_318 = arith.mulf %parallel_loop3A_306, %parallel_loop3A_314 : vector<16xf32>
        %parallel_loop3A_319 = arith.mulf %parallel_loop3A_318, %parallel_loop3A_314 : vector<16xf32>
        %parallel_loop3A_320 = arith.constant 2.38924456 : f32
        %parallel_loop3A_321 = vector.broadcast %parallel_loop3A_320 : f32 to vector<16xf32>
        %parallel_loop3A_322 = arith.subf %parallel_loop3A_321, %parallel_loop3A_319 : vector<16xf32>
        %parallel_loop3A_323 = arith.mulf %parallel_loop3A_317, %parallel_loop3A_322 : vector<16xf32>
        %parallel_loop3A_324 = arith.mulf %parallel_loop3A_323, %get3A_7 : vector<16xf32>
        %parallel_loop3A_325 = arith.mulf %parallel_loop3A_280, %parallel_loop3A_323 : vector<16xf32>
        %parallel_loop3A_326 = arith.constant 32 : i32
        %parallel_loop3A_327 = arith.addi %parallel_loop3A_131, %parallel_loop3A_326 : i32
        %parallel_loop3A_328 = arith.index_cast %parallel_loop3A_327 : i32 to index
        %parallel_loop3A_329 = tpu.vector_load %arg12[%parallel_loop3A_328] {strides = array<i32>} : memref<20480xf32, #tpu.memory_space<vmem>>, vector<16xf32>,
        tpu.vector_store %arg12[%parallel_loop3A_328], %parallel_loop3A_325 {strides = array<i32>} : memref<20480xf32, #tpu.memory_space<vmem>>, vector<16xf32>,
        %parallel_loop3A_330 = arith.mulf %parallel_loop3A_285, %parallel_loop3A_324 : vector<16xf32>
        %parallel_loop3A_331 = arith.constant 128 : i32
        %parallel_loop3A_332 = arith.addi %parallel_loop3A_131, %parallel_loop3A_331 : i32
        %parallel_loop3A_333 = arith.constant 32 : i32
        %parallel_loop3A_334 = arith.addi %parallel_loop3A_332, %parallel_loop3A_333 : i32
        %parallel_loop3A_335 = arith.index_cast %parallel_loop3A_334 : i32 to index
        %parallel_loop3A_336 = tpu.vector_load %arg12[%parallel_loop3A_335] {strides = array<i32>} : memref<20480xf32, #tpu.memory_space<vmem>>, vector<16xf32>,
        tpu.vector_store %arg12[%parallel_loop3A_335], %parallel_loop3A_330 {strides = array<i32>} : memref<20480xf32, #tpu.memory_space<vmem>>, vector<16xf32>,
        %parallel_loop3A_337 = arith.mulf %parallel_loop3A_290, %parallel_loop3A_324 : vector<16xf32>
        %parallel_loop3A_338 = arith.constant 256 : i32
        %parallel_loop3A_339 = arith.addi %parallel_loop3A_131, %parallel_loop3A_338 : i32
        %parallel_loop3A_340 = arith.constant 32 : i32
        %parallel_loop3A_341 = arith.addi %parallel_loop3A_339, %parallel_loop3A_340 : i32
        %parallel_loop3A_342 = arith.index_cast %parallel_loop3A_341 : i32 to index
        %parallel_loop3A_343 = tpu.vector_load %arg12[%parallel_loop3A_342] {strides = array<i32>} : memref<20480xf32, #tpu.memory_space<vmem>>, vector<16xf32>,
        tpu.vector_store %arg12[%parallel_loop3A_342], %parallel_loop3A_337 {strides = array<i32>} : memref<20480xf32, #tpu.memory_space<vmem>>, vector<16xf32>,
        %parallel_loop3A_344 = arith.mulf %parallel_loop3A_295, %parallel_loop3A_324 : vector<16xf32>
        %parallel_loop3A_345 = arith.constant 384 : i32
        %parallel_loop3A_346 = arith.addi %parallel_loop3A_131, %parallel_loop3A_345 : i32
        %parallel_loop3A_347 = arith.constant 32 : i32
        %parallel_loop3A_348 = arith.addi %parallel_loop3A_346, %parallel_loop3A_347 : i32
        %parallel_loop3A_349 = arith.index_cast %parallel_loop3A_348 : i32 to index
        %parallel_loop3A_350 = tpu.vector_load %arg12[%parallel_loop3A_349] {strides = array<i32>} : memref<20480xf32, #tpu.memory_space<vmem>>, vector<16xf32>,
        tpu.vector_store %arg12[%parallel_loop3A_349], %parallel_loop3A_344 {strides = array<i32>} : memref<20480xf32, #tpu.memory_space<vmem>>, vector<16xf32>,
        %parallel_loop3A_351 = arith.index_cast %parallel_loop3A_129 : i32 to index
        %parallel_loop3A_352 = arith.constant 48 : index
        %parallel_loop3A_353 = tpu.vector_load %arg11[%parallel_loop3A_351, %parallel_loop3A_352] {strides = array<i32>} : memref<160x128xf32, #tpu.memory_space<vmem>>, vector<16xf32>,
        %parallel_loop3A_354 = arith.constant 40 : i32
        %parallel_loop3A_355 = arith.addi %parallel_loop3A_354, %parallel_loop3A_129 : i32
        %parallel_loop3A_356 = arith.index_cast %parallel_loop3A_355 : i32 to index
        %parallel_loop3A_357 = arith.constant 48 : index
        %parallel_loop3A_358 = tpu.vector_load %arg11[%parallel_loop3A_356, %parallel_loop3A_357] {strides = array<i32>} : memref<160x128xf32, #tpu.memory_space<vmem>>, vector<16xf32>,
        %parallel_loop3A_359 = arith.constant 80 : i32
        %parallel_loop3A_360 = arith.addi %parallel_loop3A_359, %parallel_loop3A_129 : i32
        %parallel_loop3A_361 = arith.index_cast %parallel_loop3A_360 : i32 to index
        %parallel_loop3A_362 = arith.constant 48 : index
        %parallel_loop3A_363 = tpu.vector_load %arg11[%parallel_loop3A_361, %parallel_loop3A_362] {strides = array<i32>} : memref<160x128xf32, #tpu.memory_space<vmem>>, vector<16xf32>,
        %parallel_loop3A_364 = arith.constant 120 : i32
        %parallel_loop3A_365 = arith.addi %parallel_loop3A_364, %parallel_loop3A_129 : i32
        %parallel_loop3A_366 = arith.index_cast %parallel_loop3A_365 : i32 to index
        %parallel_loop3A_367 = arith.constant 48 : index
        %parallel_loop3A_368 = tpu.vector_load %arg11[%parallel_loop3A_366, %parallel_loop3A_367] {strides = array<i32>} : memref<160x128xf32, #tpu.memory_space<vmem>>, vector<16xf32>,
        %parallel_loop3A_369 = arith.mulf %parallel_loop3A_353, %parallel_loop3A_353 : vector<16xf32>
        %parallel_loop3A_370 = arith.constant 9.99999997E-7 : f32
        %parallel_loop3A_371 = vector.broadcast %parallel_loop3A_370 : f32 to vector<16xf32>
        %parallel_loop3A_372 = arith.addf %parallel_loop3A_369, %parallel_loop3A_371 : vector<16xf32>
        %parallel_loop3A_373 = arith.mulf %parallel_loop3A_358, %parallel_loop3A_358 : vector<16xf32>
        %parallel_loop3A_374 = arith.mulf %parallel_loop3A_363, %parallel_loop3A_363 : vector<16xf32>
        %parallel_loop3A_375 = arith.addf %parallel_loop3A_373, %parallel_loop3A_374 : vector<16xf32>
        %parallel_loop3A_376 = arith.mulf %parallel_loop3A_368, %parallel_loop3A_368 : vector<16xf32>
        %parallel_loop3A_377 = arith.addf %parallel_loop3A_375, %parallel_loop3A_376 : vector<16xf32>
        %parallel_loop3A_378 = arith.mulf %parallel_loop3A_377, %mul3A_21 : vector<16xf32>
        %parallel_loop3A_379 = arith.addf %parallel_loop3A_372, %parallel_loop3A_378 : vector<16xf32>
        %parallel_loop3A_380 = vector.bitcast %parallel_loop3A_379 : vector<16xf32> to vector<16xi32>
        %parallel_loop3A_381 = arith.constant 1 : i32
        %parallel_loop3A_382 = vector.broadcast %parallel_loop3A_381 : i32 to vector<16xi32>
        %parallel_loop3A_383 = arith.shrui %parallel_loop3A_380, %parallel_loop3A_382 : vector<16xi32>
        %parallel_loop3A_384 = arith.constant 1595932665 : i32
        %parallel_loop3A_385 = vector.broadcast %parallel_loop3A_384 : i32 to vector<16xi32>
        %parallel_loop3A_386 = arith.subi %parallel_loop3A_385, %parallel_loop3A_383 : vector<16xi32>
        %parallel_loop3A_387 = vector.bitcast %parallel_loop3A_386 : vector<16xi32> to vector<16xf32>
        %parallel_loop3A_388 = arith.constant 0.703952252 : f32
        %parallel_loop3A_389 = vector.broadcast %parallel_loop3A_388 : f32 to vector<16xf32>
        %parallel_loop3A_390 = arith.mulf %parallel_loop3A_389, %parallel_loop3A_387 : vector<16xf32>
        %parallel_loop3A_391 = arith.mulf %parallel_loop3A_379, %parallel_loop3A_387 : vector<16xf32>
        %parallel_loop3A_392 = arith.mulf %parallel_loop3A_391, %parallel_loop3A_387 : vector<16xf32>
        %parallel_loop3A_393 = arith.constant 2.38924456 : f32
        %parallel_loop3A_394 = vector.broadcast %parallel_loop3A_393 : f32 to vector<16xf32>
        %parallel_loop3A_395 = arith.subf %parallel_loop3A_394, %parallel_loop3A_392 : vector<16xf32>
        %parallel_loop3A_396 = arith.mulf %parallel_loop3A_390, %parallel_loop3A_395 : vector<16xf32>
        %parallel_loop3A_397 = arith.mulf %parallel_loop3A_396, %get3A_9 : vector<16xf32>
        %parallel_loop3A_398 = arith.mulf %parallel_loop3A_353, %parallel_loop3A_396 : vector<16xf32>
        %parallel_loop3A_399 = arith.constant 48 : i32
        %parallel_loop3A_400 = arith.addi %parallel_loop3A_131, %parallel_loop3A_399 : i32
        %parallel_loop3A_401 = arith.index_cast %parallel_loop3A_400 : i32 to index
        %parallel_loop3A_402 = tpu.vector_load %arg12[%parallel_loop3A_401] {strides = array<i32>} : memref<20480xf32, #tpu.memory_space<vmem>>, vector<16xf32>,
        tpu.vector_store %arg12[%parallel_loop3A_401], %parallel_loop3A_398 {strides = array<i32>} : memref<20480xf32, #tpu.memory_space<vmem>>, vector<16xf32>,
        %parallel_loop3A_403 = arith.mulf %parallel_loop3A_358, %parallel_loop3A_397 : vector<16xf32>
        %parallel_loop3A_404 = arith.constant 128 : i32
        %parallel_loop3A_405 = arith.addi %parallel_loop3A_131, %parallel_loop3A_404 : i32
        %parallel_loop3A_406 = arith.constant 48 : i32
        %parallel_loop3A_407 = arith.addi %parallel_loop3A_405, %parallel_loop3A_406 : i32
        %parallel_loop3A_408 = arith.index_cast %parallel_loop3A_407 : i32 to index
        %parallel_loop3A_409 = tpu.vector_load %arg12[%parallel_loop3A_408] {strides = array<i32>} : memref<20480xf32, #tpu.memory_space<vmem>>, vector<16xf32>,
        tpu.vector_store %arg12[%parallel_loop3A_408], %parallel_loop3A_403 {strides = array<i32>} : memref<20480xf32, #tpu.memory_space<vmem>>, vector<16xf32>,
        %parallel_loop3A_410 = arith.mulf %parallel_loop3A_363, %parallel_loop3A_397 : vector<16xf32>
        %parallel_loop3A_411 = arith.constant 256 : i32
        %parallel_loop3A_412 = arith.addi %parallel_loop3A_131, %parallel_loop3A_411 : i32
        %parallel_loop3A_413 = arith.constant 48 : i32
        %parallel_loop3A_414 = arith.addi %parallel_loop3A_412, %parallel_loop3A_413 : i32
        %parallel_loop3A_415 = arith.index_cast %parallel_loop3A_414 : i32 to index
        %parallel_loop3A_416 = tpu.vector_load %arg12[%parallel_loop3A_415] {strides = array<i32>} : memref<20480xf32, #tpu.memory_space<vmem>>, vector<16xf32>,
        tpu.vector_store %arg12[%parallel_loop3A_415], %parallel_loop3A_410 {strides = array<i32>} : memref<20480xf32, #tpu.memory_space<vmem>>, vector<16xf32>,
        %parallel_loop3A_417 = arith.mulf %parallel_loop3A_368, %parallel_loop3A_397 : vector<16xf32>
        %parallel_loop3A_418 = arith.constant 384 : i32
        %parallel_loop3A_419 = arith.addi %parallel_loop3A_131, %parallel_loop3A_418 : i32
        %parallel_loop3A_420 = arith.constant 48 : i32
        %parallel_loop3A_421 = arith.addi %parallel_loop3A_419, %parallel_loop3A_420 : i32
        %parallel_loop3A_422 = arith.index_cast %parallel_loop3A_421 : i32 to index
        %parallel_loop3A_423 = tpu.vector_load %arg12[%parallel_loop3A_422] {strides = array<i32>} : memref<20480xf32, #tpu.memory_space<vmem>>, vector<16xf32>,
        tpu.vector_store %arg12[%parallel_loop3A_422], %parallel_loop3A_417 {strides = array<i32>} : memref<20480xf32, #tpu.memory_space<vmem>>, vector<16xf32>,
        %parallel_loop3A_424 = arith.index_cast %parallel_loop3A_129 : i32 to index
        %parallel_loop3A_425 = arith.constant 64 : index
        %parallel_loop3A_426 = tpu.vector_load %arg11[%parallel_loop3A_424, %parallel_loop3A_425] {strides = array<i32>} : memref<160x128xf32, #tpu.memory_space<vmem>>, vector<16xf32>,
        %parallel_loop3A_427 = arith.constant 40 : i32
        %parallel_loop3A_428 = arith.addi %parallel_loop3A_427, %parallel_loop3A_129 : i32
        %parallel_loop3A_429 = arith.index_cast %parallel_loop3A_428 : i32 to index
        %parallel_loop3A_430 = arith.constant 64 : index
        %parallel_loop3A_431 = tpu.vector_load %arg11[%parallel_loop3A_429, %parallel_loop3A_430] {strides = array<i32>} : memref<160x128xf32, #tpu.memory_space<vmem>>, vector<16xf32>,
        %parallel_loop3A_432 = arith.constant 80 : i32
        %parallel_loop3A_433 = arith.addi %parallel_loop3A_432, %parallel_loop3A_129 : i32
        %parallel_loop3A_434 = arith.index_cast %parallel_loop3A_433 : i32 to index
        %parallel_loop3A_435 = arith.constant 64 : index
        %parallel_loop3A_436 = tpu.vector_load %arg11[%parallel_loop3A_434, %parallel_loop3A_435] {strides = array<i32>} : memref<160x128xf32, #tpu.memory_space<vmem>>, vector<16xf32>,
        %parallel_loop3A_437 = arith.constant 120 : i32
        %parallel_loop3A_438 = arith.addi %parallel_loop3A_437, %parallel_loop3A_129 : i32
        %parallel_loop3A_439 = arith.index_cast %parallel_loop3A_438 : i32 to index
        %parallel_loop3A_440 = arith.constant 64 : index
        %parallel_loop3A_441 = tpu.vector_load %arg11[%parallel_loop3A_439, %parallel_loop3A_440] {strides = array<i32>} : memref<160x128xf32, #tpu.memory_space<vmem>>, vector<16xf32>,
        %parallel_loop3A_442 = arith.mulf %parallel_loop3A_426, %parallel_loop3A_426 : vector<16xf32>
        %parallel_loop3A_443 = arith.constant 9.99999997E-7 : f32
        %parallel_loop3A_444 = vector.broadcast %parallel_loop3A_443 : f32 to vector<16xf32>
        %parallel_loop3A_445 = arith.addf %parallel_loop3A_442, %parallel_loop3A_444 : vector<16xf32>
        %parallel_loop3A_446 = arith.mulf %parallel_loop3A_431, %parallel_loop3A_431 : vector<16xf32>
        %parallel_loop3A_447 = arith.mulf %parallel_loop3A_436, %parallel_loop3A_436 : vector<16xf32>
        %parallel_loop3A_448 = arith.addf %parallel_loop3A_446, %parallel_loop3A_447 : vector<16xf32>
        %parallel_loop3A_449 = arith.mulf %parallel_loop3A_441, %parallel_loop3A_441 : vector<16xf32>
        %parallel_loop3A_450 = arith.addf %parallel_loop3A_448, %parallel_loop3A_449 : vector<16xf32>
        %parallel_loop3A_451 = arith.mulf %parallel_loop3A_450, %mul3A_22 : vector<16xf32>
        %parallel_loop3A_452 = arith.addf %parallel_loop3A_445, %parallel_loop3A_451 : vector<16xf32>
        %parallel_loop3A_453 = vector.bitcast %parallel_loop3A_452 : vector<16xf32> to vector<16xi32>
        %parallel_loop3A_454 = arith.constant 1 : i32
        %parallel_loop3A_455 = vector.broadcast %parallel_loop3A_454 : i32 to vector<16xi32>
        %parallel_loop3A_456 = arith.shrui %parallel_loop3A_453, %parallel_loop3A_455 : vector<16xi32>
        %parallel_loop3A_457 = arith.constant 1595932665 : i32
        %parallel_loop3A_458 = vector.broadcast %parallel_loop3A_457 : i32 to vector<16xi32>
        %parallel_loop3A_459 = arith.subi %parallel_loop3A_458, %parallel_loop3A_456 : vector<16xi32>
        %parallel_loop3A_460 = vector.bitcast %parallel_loop3A_459 : vector<16xi32> to vector<16xf32>
        %parallel_loop3A_461 = arith.constant 0.703952252 : f32
        %parallel_loop3A_462 = vector.broadcast %parallel_loop3A_461 : f32 to vector<16xf32>
        %parallel_loop3A_463 = arith.mulf %parallel_loop3A_462, %parallel_loop3A_460 : vector<16xf32>
        %parallel_loop3A_464 = arith.mulf %parallel_loop3A_452, %parallel_loop3A_460 : vector<16xf32>
        %parallel_loop3A_465 = arith.mulf %parallel_loop3A_464, %parallel_loop3A_460 : vector<16xf32>
        %parallel_loop3A_466 = arith.constant 2.38924456 : f32
        %parallel_loop3A_467 = vector.broadcast %parallel_loop3A_466 : f32 to vector<16xf32>
        %parallel_loop3A_468 = arith.subf %parallel_loop3A_467, %parallel_loop3A_465 : vector<16xf32>
        %parallel_loop3A_469 = arith.mulf %parallel_loop3A_463, %parallel_loop3A_468 : vector<16xf32>
        %parallel_loop3A_470 = arith.mulf %parallel_loop3A_469, %get3A_11 : vector<16xf32>
        %parallel_loop3A_471 = arith.mulf %parallel_loop3A_426, %parallel_loop3A_469 : vector<16xf32>
        %parallel_loop3A_472 = arith.constant 64 : i32
        %parallel_loop3A_473 = arith.addi %parallel_loop3A_131, %parallel_loop3A_472 : i32
        %parallel_loop3A_474 = arith.index_cast %parallel_loop3A_473 : i32 to index
        %parallel_loop3A_475 = tpu.vector_load %arg12[%parallel_loop3A_474] {strides = array<i32>} : memref<20480xf32, #tpu.memory_space<vmem>>, vector<16xf32>,
        tpu.vector_store %arg12[%parallel_loop3A_474], %parallel_loop3A_471 {strides = array<i32>} : memref<20480xf32, #tpu.memory_space<vmem>>, vector<16xf32>,
        %parallel_loop3A_476 = arith.mulf %parallel_loop3A_431, %parallel_loop3A_470 : vector<16xf32>
        %parallel_loop3A_477 = arith.constant 128 : i32
        %parallel_loop3A_478 = arith.addi %parallel_loop3A_131, %parallel_loop3A_477 : i32
        %parallel_loop3A_479 = arith.constant 64 : i32
        %parallel_loop3A_480 = arith.addi %parallel_loop3A_478, %parallel_loop3A_479 : i32
        %parallel_loop3A_481 = arith.index_cast %parallel_loop3A_480 : i32 to index
        %parallel_loop3A_482 = tpu.vector_load %arg12[%parallel_loop3A_481] {strides = array<i32>} : memref<20480xf32, #tpu.memory_space<vmem>>, vector<16xf32>,
        tpu.vector_store %arg12[%parallel_loop3A_481], %parallel_loop3A_476 {strides = array<i32>} : memref<20480xf32, #tpu.memory_space<vmem>>, vector<16xf32>,
        %parallel_loop3A_483 = arith.mulf %parallel_loop3A_436, %parallel_loop3A_470 : vector<16xf32>
        %parallel_loop3A_484 = arith.constant 256 : i32
        %parallel_loop3A_485 = arith.addi %parallel_loop3A_131, %parallel_loop3A_484 : i32
        %parallel_loop3A_486 = arith.constant 64 : i32
        %parallel_loop3A_487 = arith.addi %parallel_loop3A_485, %parallel_loop3A_486 : i32
        %parallel_loop3A_488 = arith.index_cast %parallel_loop3A_487 : i32 to index
        %parallel_loop3A_489 = tpu.vector_load %arg12[%parallel_loop3A_488] {strides = array<i32>} : memref<20480xf32, #tpu.memory_space<vmem>>, vector<16xf32>,
        tpu.vector_store %arg12[%parallel_loop3A_488], %parallel_loop3A_483 {strides = array<i32>} : memref<20480xf32, #tpu.memory_space<vmem>>, vector<16xf32>,
        %parallel_loop3A_490 = arith.mulf %parallel_loop3A_441, %parallel_loop3A_470 : vector<16xf32>
        %parallel_loop3A_491 = arith.constant 384 : i32
        %parallel_loop3A_492 = arith.addi %parallel_loop3A_131, %parallel_loop3A_491 : i32
        %parallel_loop3A_493 = arith.constant 64 : i32
        %parallel_loop3A_494 = arith.addi %parallel_loop3A_492, %parallel_loop3A_493 : i32
        %parallel_loop3A_495 = arith.index_cast %parallel_loop3A_494 : i32 to index
        %parallel_loop3A_496 = tpu.vector_load %arg12[%parallel_loop3A_495] {strides = array<i32>} : memref<20480xf32, #tpu.memory_space<vmem>>, vector<16xf32>,
        tpu.vector_store %arg12[%parallel_loop3A_495], %parallel_loop3A_490 {strides = array<i32>} : memref<20480xf32, #tpu.memory_space<vmem>>, vector<16xf32>,
        %parallel_loop3A_497 = arith.index_cast %parallel_loop3A_129 : i32 to index
        %parallel_loop3A_498 = arith.constant 80 : index
        %parallel_loop3A_499 = tpu.vector_load %arg11[%parallel_loop3A_497, %parallel_loop3A_498] {strides = array<i32>} : memref<160x128xf32, #tpu.memory_space<vmem>>, vector<16xf32>,
        %parallel_loop3A_500 = arith.constant 40 : i32
        %parallel_loop3A_501 = arith.addi %parallel_loop3A_500, %parallel_loop3A_129 : i32
        %parallel_loop3A_502 = arith.index_cast %parallel_loop3A_501 : i32 to index
        %parallel_loop3A_503 = arith.constant 80 : index
        %parallel_loop3A_504 = tpu.vector_load %arg11[%parallel_loop3A_502, %parallel_loop3A_503] {strides = array<i32>} : memref<160x128xf32, #tpu.memory_space<vmem>>, vector<16xf32>,
        %parallel_loop3A_505 = arith.constant 80 : i32
        %parallel_loop3A_506 = arith.addi %parallel_loop3A_505, %parallel_loop3A_129 : i32
        %parallel_loop3A_507 = arith.index_cast %parallel_loop3A_506 : i32 to index
        %parallel_loop3A_508 = arith.constant 80 : index
        %parallel_loop3A_509 = tpu.vector_load %arg11[%parallel_loop3A_507, %parallel_loop3A_508] {strides = array<i32>} : memref<160x128xf32, #tpu.memory_space<vmem>>, vector<16xf32>,
        %parallel_loop3A_510 = arith.constant 120 : i32
        %parallel_loop3A_511 = arith.addi %parallel_loop3A_510, %parallel_loop3A_129 : i32
        %parallel_loop3A_512 = arith.index_cast %parallel_loop3A_511 : i32 to index
        %parallel_loop3A_513 = arith.constant 80 : index
        %parallel_loop3A_514 = tpu.vector_load %arg11[%parallel_loop3A_512, %parallel_loop3A_513] {strides = array<i32>} : memref<160x128xf32, #tpu.memory_space<vmem>>, vector<16xf32>,
        %parallel_loop3A_515 = arith.mulf %parallel_loop3A_499, %parallel_loop3A_499 : vector<16xf32>
        %parallel_loop3A_516 = arith.constant 9.99999997E-7 : f32
        %parallel_loop3A_517 = vector.broadcast %parallel_loop3A_516 : f32 to vector<16xf32>
        %parallel_loop3A_518 = arith.addf %parallel_loop3A_515, %parallel_loop3A_517 : vector<16xf32>
        %parallel_loop3A_519 = arith.mulf %parallel_loop3A_504, %parallel_loop3A_504 : vector<16xf32>
        %parallel_loop3A_520 = arith.mulf %parallel_loop3A_509, %parallel_loop3A_509 : vector<16xf32>
        %parallel_loop3A_521 = arith.addf %parallel_loop3A_519, %parallel_loop3A_520 : vector<16xf32>
        %parallel_loop3A_522 = arith.mulf %parallel_loop3A_514, %parallel_loop3A_514 : vector<16xf32>
        %parallel_loop3A_523 = arith.addf %parallel_loop3A_521, %parallel_loop3A_522 : vector<16xf32>
        %parallel_loop3A_524 = arith.mulf %parallel_loop3A_523, %mul3A_23 : vector<16xf32>
        %parallel_loop3A_525 = arith.addf %parallel_loop3A_518, %parallel_loop3A_524 : vector<16xf32>
        %parallel_loop3A_526 = vector.bitcast %parallel_loop3A_525 : vector<16xf32> to vector<16xi32>
        %parallel_loop3A_527 = arith.constant 1 : i32
        %parallel_loop3A_528 = vector.broadcast %parallel_loop3A_527 : i32 to vector<16xi32>
        %parallel_loop3A_529 = arith.shrui %parallel_loop3A_526, %parallel_loop3A_528 : vector<16xi32>
        %parallel_loop3A_530 = arith.constant 1595932665 : i32
        %parallel_loop3A_531 = vector.broadcast %parallel_loop3A_530 : i32 to vector<16xi32>
        %parallel_loop3A_532 = arith.subi %parallel_loop3A_531, %parallel_loop3A_529 : vector<16xi32>
        %parallel_loop3A_533 = vector.bitcast %parallel_loop3A_532 : vector<16xi32> to vector<16xf32>
        %parallel_loop3A_534 = arith.constant 0.703952252 : f32
        %parallel_loop3A_535 = vector.broadcast %parallel_loop3A_534 : f32 to vector<16xf32>
        %parallel_loop3A_536 = arith.mulf %parallel_loop3A_535, %parallel_loop3A_533 : vector<16xf32>
        %parallel_loop3A_537 = arith.mulf %parallel_loop3A_525, %parallel_loop3A_533 : vector<16xf32>
        %parallel_loop3A_538 = arith.mulf %parallel_loop3A_537, %parallel_loop3A_533 : vector<16xf32>
        %parallel_loop3A_539 = arith.constant 2.38924456 : f32
        %parallel_loop3A_540 = vector.broadcast %parallel_loop3A_539 : f32 to vector<16xf32>
        %parallel_loop3A_541 = arith.subf %parallel_loop3A_540, %parallel_loop3A_538 : vector<16xf32>
        %parallel_loop3A_542 = arith.mulf %parallel_loop3A_536, %parallel_loop3A_541 : vector<16xf32>
        %parallel_loop3A_543 = arith.mulf %parallel_loop3A_542, %get3A_13 : vector<16xf32>
        %parallel_loop3A_544 = arith.mulf %parallel_loop3A_499, %parallel_loop3A_542 : vector<16xf32>
        %parallel_loop3A_545 = arith.constant 80 : i32
        %parallel_loop3A_546 = arith.addi %parallel_loop3A_131, %parallel_loop3A_545 : i32
        %parallel_loop3A_547 = arith.index_cast %parallel_loop3A_546 : i32 to index
        %parallel_loop3A_548 = tpu.vector_load %arg12[%parallel_loop3A_547] {strides = array<i32>} : memref<20480xf32, #tpu.memory_space<vmem>>, vector<16xf32>,
        tpu.vector_store %arg12[%parallel_loop3A_547], %parallel_loop3A_544 {strides = array<i32>} : memref<20480xf32, #tpu.memory_space<vmem>>, vector<16xf32>,
        %parallel_loop3A_549 = arith.mulf %parallel_loop3A_504, %parallel_loop3A_543 : vector<16xf32>
        %parallel_loop3A_550 = arith.constant 128 : i32
        %parallel_loop3A_551 = arith.addi %parallel_loop3A_131, %parallel_loop3A_550 : i32
        %parallel_loop3A_552 = arith.constant 80 : i32
        %parallel_loop3A_553 = arith.addi %parallel_loop3A_551, %parallel_loop3A_552 : i32
        %parallel_loop3A_554 = arith.index_cast %parallel_loop3A_553 : i32 to index
        %parallel_loop3A_555 = tpu.vector_load %arg12[%parallel_loop3A_554] {strides = array<i32>} : memref<20480xf32, #tpu.memory_space<vmem>>, vector<16xf32>,
        tpu.vector_store %arg12[%parallel_loop3A_554], %parallel_loop3A_549 {strides = array<i32>} : memref<20480xf32, #tpu.memory_space<vmem>>, vector<16xf32>,
        %parallel_loop3A_556 = arith.mulf %parallel_loop3A_509, %parallel_loop3A_543 : vector<16xf32>
        %parallel_loop3A_557 = arith.constant 256 : i32
        %parallel_loop3A_558 = arith.addi %parallel_loop3A_131, %parallel_loop3A_557 : i32
        %parallel_loop3A_559 = arith.constant 80 : i32
        %parallel_loop3A_560 = arith.addi %parallel_loop3A_558, %parallel_loop3A_559 : i32
        %parallel_loop3A_561 = arith.index_cast %parallel_loop3A_560 : i32 to index
        %parallel_loop3A_562 = tpu.vector_load %arg12[%parallel_loop3A_561] {strides = array<i32>} : memref<20480xf32, #tpu.memory_space<vmem>>, vector<16xf32>,
        tpu.vector_store %arg12[%parallel_loop3A_561], %parallel_loop3A_556 {strides = array<i32>} : memref<20480xf32, #tpu.memory_space<vmem>>, vector<16xf32>,
        %parallel_loop3A_563 = arith.mulf %parallel_loop3A_514, %parallel_loop3A_543 : vector<16xf32>
        %parallel_loop3A_564 = arith.constant 384 : i32
        %parallel_loop3A_565 = arith.addi %parallel_loop3A_131, %parallel_loop3A_564 : i32
        %parallel_loop3A_566 = arith.constant 80 : i32
        %parallel_loop3A_567 = arith.addi %parallel_loop3A_565, %parallel_loop3A_566 : i32
        %parallel_loop3A_568 = arith.index_cast %parallel_loop3A_567 : i32 to index
        %parallel_loop3A_569 = tpu.vector_load %arg12[%parallel_loop3A_568] {strides = array<i32>} : memref<20480xf32, #tpu.memory_space<vmem>>, vector<16xf32>,
        tpu.vector_store %arg12[%parallel_loop3A_568], %parallel_loop3A_563 {strides = array<i32>} : memref<20480xf32, #tpu.memory_space<vmem>>, vector<16xf32>,
        %parallel_loop3A_570 = arith.index_cast %parallel_loop3A_129 : i32 to index
        %parallel_loop3A_571 = arith.constant 96 : index
        %parallel_loop3A_572 = tpu.vector_load %arg11[%parallel_loop3A_570, %parallel_loop3A_571] {strides = array<i32>} : memref<160x128xf32, #tpu.memory_space<vmem>>, vector<16xf32>,
        %parallel_loop3A_573 = arith.constant 40 : i32
        %parallel_loop3A_574 = arith.addi %parallel_loop3A_573, %parallel_loop3A_129 : i32
        %parallel_loop3A_575 = arith.index_cast %parallel_loop3A_574 : i32 to index
        %parallel_loop3A_576 = arith.constant 96 : index
        %parallel_loop3A_577 = tpu.vector_load %arg11[%parallel_loop3A_575, %parallel_loop3A_576] {strides = array<i32>} : memref<160x128xf32, #tpu.memory_space<vmem>>, vector<16xf32>,
        %parallel_loop3A_578 = arith.constant 80 : i32
        %parallel_loop3A_579 = arith.addi %parallel_loop3A_578, %parallel_loop3A_129 : i32
        %parallel_loop3A_580 = arith.index_cast %parallel_loop3A_579 : i32 to index
        %parallel_loop3A_581 = arith.constant 96 : index
        %parallel_loop3A_582 = tpu.vector_load %arg11[%parallel_loop3A_580, %parallel_loop3A_581] {strides = array<i32>} : memref<160x128xf32, #tpu.memory_space<vmem>>, vector<16xf32>,
        %parallel_loop3A_583 = arith.constant 120 : i32
        %parallel_loop3A_584 = arith.addi %parallel_loop3A_583, %parallel_loop3A_129 : i32
        %parallel_loop3A_585 = arith.index_cast %parallel_loop3A_584 : i32 to index
        %parallel_loop3A_586 = arith.constant 96 : index
        %parallel_loop3A_587 = tpu.vector_load %arg11[%parallel_loop3A_585, %parallel_loop3A_586] {strides = array<i32>} : memref<160x128xf32, #tpu.memory_space<vmem>>, vector<16xf32>,
        %parallel_loop3A_588 = arith.mulf %parallel_loop3A_572, %parallel_loop3A_572 : vector<16xf32>
        %parallel_loop3A_589 = arith.constant 9.99999997E-7 : f32
        %parallel_loop3A_590 = vector.broadcast %parallel_loop3A_589 : f32 to vector<16xf32>
        %parallel_loop3A_591 = arith.addf %parallel_loop3A_588, %parallel_loop3A_590 : vector<16xf32>
        %parallel_loop3A_592 = arith.mulf %parallel_loop3A_577, %parallel_loop3A_577 : vector<16xf32>
        %parallel_loop3A_593 = arith.mulf %parallel_loop3A_582, %parallel_loop3A_582 : vector<16xf32>
        %parallel_loop3A_594 = arith.addf %parallel_loop3A_592, %parallel_loop3A_593 : vector<16xf32>
        %parallel_loop3A_595 = arith.mulf %parallel_loop3A_587, %parallel_loop3A_587 : vector<16xf32>
        %parallel_loop3A_596 = arith.addf %parallel_loop3A_594, %parallel_loop3A_595 : vector<16xf32>
        %parallel_loop3A_597 = arith.mulf %parallel_loop3A_596, %mul3A_24 : vector<16xf32>
        %parallel_loop3A_598 = arith.addf %parallel_loop3A_591, %parallel_loop3A_597 : vector<16xf32>
        %parallel_loop3A_599 = vector.bitcast %parallel_loop3A_598 : vector<16xf32> to vector<16xi32>
        %parallel_loop3A_600 = arith.constant 1 : i32
        %parallel_loop3A_601 = vector.broadcast %parallel_loop3A_600 : i32 to vector<16xi32>
        %parallel_loop3A_602 = arith.shrui %parallel_loop3A_599, %parallel_loop3A_601 : vector<16xi32>
        %parallel_loop3A_603 = arith.constant 1595932665 : i32
        %parallel_loop3A_604 = vector.broadcast %parallel_loop3A_603 : i32 to vector<16xi32>
        %parallel_loop3A_605 = arith.subi %parallel_loop3A_604, %parallel_loop3A_602 : vector<16xi32>
        %parallel_loop3A_606 = vector.bitcast %parallel_loop3A_605 : vector<16xi32> to vector<16xf32>
        %parallel_loop3A_607 = arith.constant 0.703952252 : f32
        %parallel_loop3A_608 = vector.broadcast %parallel_loop3A_607 : f32 to vector<16xf32>
        %parallel_loop3A_609 = arith.mulf %parallel_loop3A_608, %parallel_loop3A_606 : vector<16xf32>
        %parallel_loop3A_610 = arith.mulf %parallel_loop3A_598, %parallel_loop3A_606 : vector<16xf32>
        %parallel_loop3A_611 = arith.mulf %parallel_loop3A_610, %parallel_loop3A_606 : vector<16xf32>
        %parallel_loop3A_612 = arith.constant 2.38924456 : f32
        %parallel_loop3A_613 = vector.broadcast %parallel_loop3A_612 : f32 to vector<16xf32>
        %parallel_loop3A_614 = arith.subf %parallel_loop3A_613, %parallel_loop3A_611 : vector<16xf32>
        %parallel_loop3A_615 = arith.mulf %parallel_loop3A_609, %parallel_loop3A_614 : vector<16xf32>
        %parallel_loop3A_616 = arith.mulf %parallel_loop3A_615, %get3A_15 : vector<16xf32>
        %parallel_loop3A_617 = arith.mulf %parallel_loop3A_572, %parallel_loop3A_615 : vector<16xf32>
        %parallel_loop3A_618 = arith.constant 96 : i32
        %parallel_loop3A_619 = arith.addi %parallel_loop3A_131, %parallel_loop3A_618 : i32
        %parallel_loop3A_620 = arith.index_cast %parallel_loop3A_619 : i32 to index
        %parallel_loop3A_621 = tpu.vector_load %arg12[%parallel_loop3A_620] {strides = array<i32>} : memref<20480xf32, #tpu.memory_space<vmem>>, vector<16xf32>,
        tpu.vector_store %arg12[%parallel_loop3A_620], %parallel_loop3A_617 {strides = array<i32>} : memref<20480xf32, #tpu.memory_space<vmem>>, vector<16xf32>,
        %parallel_loop3A_622 = arith.mulf %parallel_loop3A_577, %parallel_loop3A_616 : vector<16xf32>
        %parallel_loop3A_623 = arith.constant 128 : i32
        %parallel_loop3A_624 = arith.addi %parallel_loop3A_131, %parallel_loop3A_623 : i32
        %parallel_loop3A_625 = arith.constant 96 : i32
        %parallel_loop3A_626 = arith.addi %parallel_loop3A_624, %parallel_loop3A_625 : i32
        %parallel_loop3A_627 = arith.index_cast %parallel_loop3A_626 : i32 to index
        %parallel_loop3A_628 = tpu.vector_load %arg12[%parallel_loop3A_627] {strides = array<i32>} : memref<20480xf32, #tpu.memory_space<vmem>>, vector<16xf32>,
        tpu.vector_store %arg12[%parallel_loop3A_627], %parallel_loop3A_622 {strides = array<i32>} : memref<20480xf32, #tpu.memory_space<vmem>>, vector<16xf32>,
        %parallel_loop3A_629 = arith.mulf %parallel_loop3A_582, %parallel_loop3A_616 : vector<16xf32>
        %parallel_loop3A_630 = arith.constant 256 : i32
        %parallel_loop3A_631 = arith.addi %parallel_loop3A_131, %parallel_loop3A_630 : i32
        %parallel_loop3A_632 = arith.constant 96 : i32
        %parallel_loop3A_633 = arith.addi %parallel_loop3A_631, %parallel_loop3A_632 : i32
        %parallel_loop3A_634 = arith.index_cast %parallel_loop3A_633 : i32 to index
        %parallel_loop3A_635 = tpu.vector_load %arg12[%parallel_loop3A_634] {strides = array<i32>} : memref<20480xf32, #tpu.memory_space<vmem>>, vector<16xf32>,
        tpu.vector_store %arg12[%parallel_loop3A_634], %parallel_loop3A_629 {strides = array<i32>} : memref<20480xf32, #tpu.memory_space<vmem>>, vector<16xf32>,
        %parallel_loop3A_636 = arith.mulf %parallel_loop3A_587, %parallel_loop3A_616 : vector<16xf32>
        %parallel_loop3A_637 = arith.constant 384 : i32
        %parallel_loop3A_638 = arith.addi %parallel_loop3A_131, %parallel_loop3A_637 : i32
        %parallel_loop3A_639 = arith.constant 96 : i32
        %parallel_loop3A_640 = arith.addi %parallel_loop3A_638, %parallel_loop3A_639 : i32
        %parallel_loop3A_641 = arith.index_cast %parallel_loop3A_640 : i32 to index
        %parallel_loop3A_642 = tpu.vector_load %arg12[%parallel_loop3A_641] {strides = array<i32>} : memref<20480xf32, #tpu.memory_space<vmem>>, vector<16xf32>,
        tpu.vector_store %arg12[%parallel_loop3A_641], %parallel_loop3A_636 {strides = array<i32>} : memref<20480xf32, #tpu.memory_space<vmem>>, vector<16xf32>,
        %parallel_loop3A_643 = arith.index_cast %parallel_loop3A_129 : i32 to index
        %parallel_loop3A_644 = arith.constant 112 : index
        %parallel_loop3A_645 = tpu.vector_load %arg11[%parallel_loop3A_643, %parallel_loop3A_644] {strides = array<i32>} : memref<160x128xf32, #tpu.memory_space<vmem>>, vector<16xf32>,
        %parallel_loop3A_646 = arith.constant 40 : i32
        %parallel_loop3A_647 = arith.addi %parallel_loop3A_646, %parallel_loop3A_129 : i32
        %parallel_loop3A_648 = arith.index_cast %parallel_loop3A_647 : i32 to index
        %parallel_loop3A_649 = arith.constant 112 : index
        %parallel_loop3A_650 = tpu.vector_load %arg11[%parallel_loop3A_648, %parallel_loop3A_649] {strides = array<i32>} : memref<160x128xf32, #tpu.memory_space<vmem>>, vector<16xf32>,
        %parallel_loop3A_651 = arith.constant 80 : i32
        %parallel_loop3A_652 = arith.addi %parallel_loop3A_651, %parallel_loop3A_129 : i32
        %parallel_loop3A_653 = arith.index_cast %parallel_loop3A_652 : i32 to index
        %parallel_loop3A_654 = arith.constant 112 : index
        %parallel_loop3A_655 = tpu.vector_load %arg11[%parallel_loop3A_653, %parallel_loop3A_654] {strides = array<i32>} : memref<160x128xf32, #tpu.memory_space<vmem>>, vector<16xf32>,
        %parallel_loop3A_656 = arith.constant 120 : i32
        %parallel_loop3A_657 = arith.addi %parallel_loop3A_656, %parallel_loop3A_129 : i32
        %parallel_loop3A_658 = arith.index_cast %parallel_loop3A_657 : i32 to index
        %parallel_loop3A_659 = arith.constant 112 : index
        %parallel_loop3A_660 = tpu.vector_load %arg11[%parallel_loop3A_658, %parallel_loop3A_659] {strides = array<i32>} : memref<160x128xf32, #tpu.memory_space<vmem>>, vector<16xf32>,
        %parallel_loop3A_661 = arith.mulf %parallel_loop3A_645, %parallel_loop3A_645 : vector<16xf32>
        %parallel_loop3A_662 = arith.constant 9.99999997E-7 : f32
        %parallel_loop3A_663 = vector.broadcast %parallel_loop3A_662 : f32 to vector<16xf32>
        %parallel_loop3A_664 = arith.addf %parallel_loop3A_661, %parallel_loop3A_663 : vector<16xf32>
        %parallel_loop3A_665 = arith.mulf %parallel_loop3A_650, %parallel_loop3A_650 : vector<16xf32>
        %parallel_loop3A_666 = arith.mulf %parallel_loop3A_655, %parallel_loop3A_655 : vector<16xf32>
        %parallel_loop3A_667 = arith.addf %parallel_loop3A_665, %parallel_loop3A_666 : vector<16xf32>
        %parallel_loop3A_668 = arith.mulf %parallel_loop3A_660, %parallel_loop3A_660 : vector<16xf32>
        %parallel_loop3A_669 = arith.addf %parallel_loop3A_667, %parallel_loop3A_668 : vector<16xf32>
        %parallel_loop3A_670 = arith.mulf %parallel_loop3A_669, %mul3A_25 : vector<16xf32>
        %parallel_loop3A_671 = arith.addf %parallel_loop3A_664, %parallel_loop3A_670 : vector<16xf32>
        %parallel_loop3A_672 = vector.bitcast %parallel_loop3A_671 : vector<16xf32> to vector<16xi32>
        %parallel_loop3A_673 = arith.constant 1 : i32
        %parallel_loop3A_674 = vector.broadcast %parallel_loop3A_673 : i32 to vector<16xi32>
        %parallel_loop3A_675 = arith.shrui %parallel_loop3A_672, %parallel_loop3A_674 : vector<16xi32>
        %parallel_loop3A_676 = arith.constant 1595932665 : i32
        %parallel_loop3A_677 = vector.broadcast %parallel_loop3A_676 : i32 to vector<16xi32>
        %parallel_loop3A_678 = arith.subi %parallel_loop3A_677, %parallel_loop3A_675 : vector<16xi32>
        %parallel_loop3A_679 = vector.bitcast %parallel_loop3A_678 : vector<16xi32> to vector<16xf32>
        %parallel_loop3A_680 = arith.constant 0.703952252 : f32
        %parallel_loop3A_681 = vector.broadcast %parallel_loop3A_680 : f32 to vector<16xf32>
        %parallel_loop3A_682 = arith.mulf %parallel_loop3A_681, %parallel_loop3A_679 : vector<16xf32>
        %parallel_loop3A_683 = arith.mulf %parallel_loop3A_671, %parallel_loop3A_679 : vector<16xf32>
        %parallel_loop3A_684 = arith.mulf %parallel_loop3A_683, %parallel_loop3A_679 : vector<16xf32>
        %parallel_loop3A_685 = arith.constant 2.38924456 : f32
        %parallel_loop3A_686 = vector.broadcast %parallel_loop3A_685 : f32 to vector<16xf32>
        %parallel_loop3A_687 = arith.subf %parallel_loop3A_686, %parallel_loop3A_684 : vector<16xf32>
        %parallel_loop3A_688 = arith.mulf %parallel_loop3A_682, %parallel_loop3A_687 : vector<16xf32>
        %parallel_loop3A_689 = arith.mulf %parallel_loop3A_688, %get3A_17 : vector<16xf32>
        %parallel_loop3A_690 = arith.mulf %parallel_loop3A_645, %parallel_loop3A_688 : vector<16xf32>
        %parallel_loop3A_691 = arith.constant 112 : i32
        %parallel_loop3A_692 = arith.addi %parallel_loop3A_131, %parallel_loop3A_691 : i32
        %parallel_loop3A_693 = arith.index_cast %parallel_loop3A_692 : i32 to index
        %parallel_loop3A_694 = tpu.vector_load %arg12[%parallel_loop3A_693] {strides = array<i32>} : memref<20480xf32, #tpu.memory_space<vmem>>, vector<16xf32>,
        tpu.vector_store %arg12[%parallel_loop3A_693], %parallel_loop3A_690 {strides = array<i32>} : memref<20480xf32, #tpu.memory_space<vmem>>, vector<16xf32>,
        %parallel_loop3A_695 = arith.mulf %parallel_loop3A_650, %parallel_loop3A_689 : vector<16xf32>
        %parallel_loop3A_696 = arith.constant 128 : i32
        %parallel_loop3A_697 = arith.addi %parallel_loop3A_131, %parallel_loop3A_696 : i32
        %parallel_loop3A_698 = arith.constant 112 : i32
        %parallel_loop3A_699 = arith.addi %parallel_loop3A_697, %parallel_loop3A_698 : i32
        %parallel_loop3A_700 = arith.index_cast %parallel_loop3A_699 : i32 to index
        %parallel_loop3A_701 = tpu.vector_load %arg12[%parallel_loop3A_700] {strides = array<i32>} : memref<20480xf32, #tpu.memory_space<vmem>>, vector<16xf32>,
        tpu.vector_store %arg12[%parallel_loop3A_700], %parallel_loop3A_695 {strides = array<i32>} : memref<20480xf32, #tpu.memory_space<vmem>>, vector<16xf32>,
        %parallel_loop3A_702 = arith.mulf %parallel_loop3A_655, %parallel_loop3A_689 : vector<16xf32>
        %parallel_loop3A_703 = arith.constant 256 : i32
        %parallel_loop3A_704 = arith.addi %parallel_loop3A_131, %parallel_loop3A_703 : i32
        %parallel_loop3A_705 = arith.constant 112 : i32
        %parallel_loop3A_706 = arith.addi %parallel_loop3A_704, %parallel_loop3A_705 : i32
        %parallel_loop3A_707 = arith.index_cast %parallel_loop3A_706 : i32 to index
        %parallel_loop3A_708 = tpu.vector_load %arg12[%parallel_loop3A_707] {strides = array<i32>} : memref<20480xf32, #tpu.memory_space<vmem>>, vector<16xf32>,
        tpu.vector_store %arg12[%parallel_loop3A_707], %parallel_loop3A_702 {strides = array<i32>} : memref<20480xf32, #tpu.memory_space<vmem>>, vector<16xf32>,
        %parallel_loop3A_709 = arith.mulf %parallel_loop3A_660, %parallel_loop3A_689 : vector<16xf32>
        %parallel_loop3A_710 = arith.constant 384 : i32
        %parallel_loop3A_711 = arith.addi %parallel_loop3A_131, %parallel_loop3A_710 : i32
        %parallel_loop3A_712 = arith.constant 112 : i32
        %parallel_loop3A_713 = arith.addi %parallel_loop3A_711, %parallel_loop3A_712 : i32
        %parallel_loop3A_714 = arith.index_cast %parallel_loop3A_713 : i32 to index
        %parallel_loop3A_715 = tpu.vector_load %arg12[%parallel_loop3A_714] {strides = array<i32>} : memref<20480xf32, #tpu.memory_space<vmem>>, vector<16xf32>,
        tpu.vector_store %arg12[%parallel_loop3A_714], %parallel_loop3A_709 {strides = array<i32>} : memref<20480xf32, #tpu.memory_space<vmem>>, vector<16xf32>,
      } {sc.loop_unroll_factor = 8 : i64, sc.parallel_access}
      %mul3A_90 = arith.constant 40 : i32
      %mul3A_91 = arith.muli %add3A_73, %mul3A_90 : i32
      %add3A_92 = arith.addi %mul3A_2, %mul3A_91 : i32
      %mul3A_93 = arith.constant 512 : i32
      %mul3A_94 = arith.muli %add3A_92, %mul3A_93 : i32
      %dma_start3A_95 = tpu.memref_slice %arg8[%mul3A_94] : memref<26214400xf32, #tpu.memory_space<hbm>> -> memref<20480xf32, #tpu.memory_space<hbm>>
      %dma_start3A_96 = tpu.memref_slice %arg8[%mul3A_94] : memref<26214400xf32, #tpu.memory_space<hbm>> -> memref<20480xf32, #tpu.memory_space<hbm>>
      tpu.enqueue_dma source(%arg12 : memref<20480xf32, #tpu.memory_space<vmem>>) target(%dma_start3A_96 : memref<20480xf32, #tpu.memory_space<hbm>>) target_semaphore(%arg17 : memref<!tpu.dma_semaphore, #tpu.memory_space<semaphore_mem>>)
      %mul3A_97 = arith.constant 2 : i32
      %mul3A_98 = arith.muli %scan3A_69, %mul3A_97 : i32
      %add3A_99 = arith.constant 1 : i32
      %add3A_100 = arith.addi %mul3A_98, %add3A_99 : i32
      %dma_wait3A_101 = arith.constant 0 : i32
      %dma_wait3A_102 = arith.constant 0 : i32
      %dma_wait3A_103 = tpu.memref_slice %arg4[%dma_wait3A_101, %dma_wait3A_102] : memref<100000x128xf32, #tpu.memory_space<hbm>> -> memref<160x128xf32, #tpu.memory_space<hbm>>
      %dma_wait3A_104 = arith.constant 0 : i32
      %dma_wait3A_105 = arith.constant 0 : i32
      %dma_wait3A_106 = tpu.memref_slice %arg4[%dma_wait3A_104, %dma_wait3A_105] : memref<100000x128xf32, #tpu.memory_space<hbm>> -> memref<160x128xf32, #tpu.memory_space<hbm>>
      tpu.wait_dma2 semaphore(%arg16 : memref<!tpu.dma_semaphore, #tpu.memory_space<semaphore_mem>>) src(%dma_wait3A_106 : memref<160x128xf32, #tpu.memory_space<hbm>>) dst(%arg13 : memref<160x128xf32, #tpu.memory_space<vmem>>)
      %add3A_107 = arith.constant 1 : i32
      %add3A_108 = arith.addi %add3A_100, %add3A_107 : i32
      %lt3A_109 = arith.constant 40 : i32
      %lt3A_110 = arith.cmpi slt, %add3A_108, %lt3A_109 : i32
      %convert_element_type3A_111 = arith.extui %lt3A_110 : i1 to i32
      %cond3A_112 = arith.constant 0 : i32
      %cond3A_113 = arith.cmpi ne, %convert_element_type3A_111, %cond3A_112 : i32
      scf.if %cond3A_113 {
        %add3A_129 = arith.constant 1 : i32
        %add3A_130 = arith.addi %add3A_100, %add3A_129 : i32
        %mul3A_131 = arith.constant 40 : i32
        %mul3A_132 = arith.muli %add3A_130, %mul3A_131 : i32
        %dma_start3A_133 = arith.constant 0 : i32
        %dma_start3A_134 = arith.constant 0 : i32
        %dma_start3A_135 = tpu.memref_slice %arg11[%dma_start3A_133, %dma_start3A_134] : memref<160x128xf32, #tpu.memory_space<vmem>> -> memref<40x128xf32, #tpu.memory_space<vmem>>
        %dma_start3A_136 = tpu.memref_slice %arg9[%mul3A_132] : memref<1600xi32, #tpu.memory_space<vmem>> -> memref<40xi32, #tpu.memory_space<vmem>>
        %dma_start3A_137 = arith.constant 0 : i32
        %dma_start3A_138 = arith.constant 0 : i32
        %dma_start3A_139 = tpu.memref_slice %arg4[%dma_start3A_137, %dma_start3A_138] : memref<100000x128xf32, #tpu.memory_space<hbm>> -> memref<100000x128xf32, #tpu.memory_space<hbm>>
        tpu.enqueue_indirect_dma source(%dma_start3A_139 : memref<100000x128xf32, #tpu.memory_space<hbm>>) target(%dma_start3A_135 : memref<40x128xf32, #tpu.memory_space<vmem>>) offsets(%dma_start3A_136 : memref<40xi32, #tpu.memory_space<vmem>>) semaphore(%arg15 : memref<!tpu.dma_semaphore, #tpu.memory_space<semaphore_mem>>)
        %dma_start3A_140 = arith.constant 40 : i32
        %dma_start3A_141 = arith.constant 0 : i32
        %dma_start3A_142 = tpu.memref_slice %arg11[%dma_start3A_140, %dma_start3A_141] : memref<160x128xf32, #tpu.memory_space<vmem>> -> memref<40x128xf32, #tpu.memory_space<vmem>>
        %dma_start3A_143 = tpu.memref_slice %arg9[%mul3A_132] : memref<1600xi32, #tpu.memory_space<vmem>> -> memref<40xi32, #tpu.memory_space<vmem>>
        %dma_start3A_144 = arith.constant 0 : i32
        %dma_start3A_145 = arith.constant 0 : i32
        %dma_start3A_146 = tpu.memref_slice %arg5[%dma_start3A_144, %dma_start3A_145] : memref<100000x128xf32, #tpu.memory_space<hbm>> -> memref<100000x128xf32, #tpu.memory_space<hbm>>
        tpu.enqueue_indirect_dma source(%dma_start3A_146 : memref<100000x128xf32, #tpu.memory_space<hbm>>) target(%dma_start3A_142 : memref<40x128xf32, #tpu.memory_space<vmem>>) offsets(%dma_start3A_143 : memref<40xi32, #tpu.memory_space<vmem>>) semaphore(%arg15 : memref<!tpu.dma_semaphore, #tpu.memory_space<semaphore_mem>>)
        %dma_start3A_147 = arith.constant 80 : i32
        %dma_start3A_148 = arith.constant 0 : i32
        %dma_start3A_149 = tpu.memref_slice %arg11[%dma_start3A_147, %dma_start3A_148] : memref<160x128xf32, #tpu.memory_space<vmem>> -> memref<40x128xf32, #tpu.memory_space<vmem>>
        %dma_start3A_150 = tpu.memref_slice %arg9[%mul3A_132] : memref<1600xi32, #tpu.memory_space<vmem>> -> memref<40xi32, #tpu.memory_space<vmem>>
        %dma_start3A_151 = arith.constant 0 : i32
        %dma_start3A_152 = arith.constant 0 : i32
        %dma_start3A_153 = tpu.memref_slice %arg6[%dma_start3A_151, %dma_start3A_152] : memref<100000x128xf32, #tpu.memory_space<hbm>> -> memref<100000x128xf32, #tpu.memory_space<hbm>>
        tpu.enqueue_indirect_dma source(%dma_start3A_153 : memref<100000x128xf32, #tpu.memory_space<hbm>>) target(%dma_start3A_149 : memref<40x128xf32, #tpu.memory_space<vmem>>) offsets(%dma_start3A_150 : memref<40xi32, #tpu.memory_space<vmem>>) semaphore(%arg15 : memref<!tpu.dma_semaphore, #tpu.memory_space<semaphore_mem>>)
        %dma_start3A_154 = arith.constant 120 : i32
        %dma_start3A_155 = arith.constant 0 : i32
        %dma_start3A_156 = tpu.memref_slice %arg11[%dma_start3A_154, %dma_start3A_155] : memref<160x128xf32, #tpu.memory_space<vmem>> -> memref<40x128xf32, #tpu.memory_space<vmem>>
        %dma_start3A_157 = tpu.memref_slice %arg9[%mul3A_132] : memref<1600xi32, #tpu.memory_space<vmem>> -> memref<40xi32, #tpu.memory_space<vmem>>
        %dma_start3A_158 = arith.constant 0 : i32
        %dma_start3A_159 = arith.constant 0 : i32
        %dma_start3A_160 = tpu.memref_slice %arg7[%dma_start3A_158, %dma_start3A_159] : memref<100000x128xf32, #tpu.memory_space<hbm>> -> memref<100000x128xf32, #tpu.memory_space<hbm>>
        tpu.enqueue_indirect_dma source(%dma_start3A_160 : memref<100000x128xf32, #tpu.memory_space<hbm>>) target(%dma_start3A_156 : memref<40x128xf32, #tpu.memory_space<vmem>>) offsets(%dma_start3A_157 : memref<40xi32, #tpu.memory_space<vmem>>) semaphore(%arg15 : memref<!tpu.dma_semaphore, #tpu.memory_space<semaphore_mem>>)
      } else {
      }
      %ge3A_114 = arith.constant 2 : i32
      %ge3A_115 = arith.cmpi sge, %add3A_100, %ge3A_114 : i32
      %convert_element_type3A_116 = arith.extui %ge3A_115 : i1 to i32
      %cond3A_117 = arith.constant 0 : i32
      %cond3A_118 = arith.cmpi ne, %convert_element_type3A_116, %cond3A_117 : i32
      scf.if %cond3A_118 {
        %dma_wait3A_129 = arith.constant 0 : i32
        %dma_wait3A_130 = tpu.memref_slice %arg8[%dma_wait3A_129] : memref<26214400xf32, #tpu.memory_space<hbm>> -> memref<20480xf32, #tpu.memory_space<hbm>>
        %dma_wait3A_131 = arith.constant 0 : i32
        %dma_wait3A_132 = tpu.memref_slice %arg8[%dma_wait3A_131] : memref<26214400xf32, #tpu.memory_space<hbm>> -> memref<20480xf32, #tpu.memory_space<hbm>>
        tpu.wait_dma2 semaphore(%arg17 : memref<!tpu.dma_semaphore, #tpu.memory_space<semaphore_mem>>) src(%arg14 : memref<20480xf32, #tpu.memory_space<vmem>>) dst(%dma_wait3A_132 : memref<20480xf32, #tpu.memory_space<hbm>>)
      } else {
      }
      %parallel_loop3A_119 = arith.constant 0 : i32
      %parallel_loop3A_120 = arith.constant 40 : i32
      %parallel_loop3A_121 = arith.constant 1 : i32
      scf.for %parallel_loop3A_129 = %parallel_loop3A_119 to %parallel_loop3A_120 step %parallel_loop3A_121  : i32 {
        %parallel_loop3A_130 = arith.constant 512 : i32
        %parallel_loop3A_131 = arith.muli %parallel_loop3A_129, %parallel_loop3A_130 : i32
        %parallel_loop3A_132 = arith.index_cast %parallel_loop3A_129 : i32 to index
        %parallel_loop3A_133 = arith.constant 0 : index
        %parallel_loop3A_134 = tpu.vector_load %arg13[%parallel_loop3A_132, %parallel_loop3A_133] {strides = array<i32>} : memref<160x128xf32, #tpu.memory_space<vmem>>, vector<16xf32>,
        %parallel_loop3A_135 = arith.constant 40 : i32
        %parallel_loop3A_136 = arith.addi %parallel_loop3A_135, %parallel_loop3A_129 : i32
        %parallel_loop3A_137 = arith.index_cast %parallel_loop3A_136 : i32 to index
        %parallel_loop3A_138 = arith.constant 0 : index
        %parallel_loop3A_139 = tpu.vector_load %arg13[%parallel_loop3A_137, %parallel_loop3A_138] {strides = array<i32>} : memref<160x128xf32, #tpu.memory_space<vmem>>, vector<16xf32>,
        %parallel_loop3A_140 = arith.constant 80 : i32
        %parallel_loop3A_141 = arith.addi %parallel_loop3A_140, %parallel_loop3A_129 : i32
        %parallel_loop3A_142 = arith.index_cast %parallel_loop3A_141 : i32 to index
        %parallel_loop3A_143 = arith.constant 0 : index
        %parallel_loop3A_144 = tpu.vector_load %arg13[%parallel_loop3A_142, %parallel_loop3A_143] {strides = array<i32>} : memref<160x128xf32, #tpu.memory_space<vmem>>, vector<16xf32>,
        %parallel_loop3A_145 = arith.constant 120 : i32
        %parallel_loop3A_146 = arith.addi %parallel_loop3A_145, %parallel_loop3A_129 : i32
        %parallel_loop3A_147 = arith.index_cast %parallel_loop3A_146 : i32 to index
        %parallel_loop3A_148 = arith.constant 0 : index
        %parallel_loop3A_149 = tpu.vector_load %arg13[%parallel_loop3A_147, %parallel_loop3A_148] {strides = array<i32>} : memref<160x128xf32, #tpu.memory_space<vmem>>, vector<16xf32>,
        %parallel_loop3A_150 = arith.mulf %parallel_loop3A_134, %parallel_loop3A_134 : vector<16xf32>
        %parallel_loop3A_151 = arith.constant 9.99999997E-7 : f32
        %parallel_loop3A_152 = vector.broadcast %parallel_loop3A_151 : f32 to vector<16xf32>
        %parallel_loop3A_153 = arith.addf %parallel_loop3A_150, %parallel_loop3A_152 : vector<16xf32>
        %parallel_loop3A_154 = arith.mulf %parallel_loop3A_139, %parallel_loop3A_139 : vector<16xf32>
        %parallel_loop3A_155 = arith.mulf %parallel_loop3A_144, %parallel_loop3A_144 : vector<16xf32>
        %parallel_loop3A_156 = arith.addf %parallel_loop3A_154, %parallel_loop3A_155 : vector<16xf32>
        %parallel_loop3A_157 = arith.mulf %parallel_loop3A_149, %parallel_loop3A_149 : vector<16xf32>
        %parallel_loop3A_158 = arith.addf %parallel_loop3A_156, %parallel_loop3A_157 : vector<16xf32>
        %parallel_loop3A_159 = arith.mulf %parallel_loop3A_158, %mul3A_18 : vector<16xf32>
        %parallel_loop3A_160 = arith.addf %parallel_loop3A_153, %parallel_loop3A_159 : vector<16xf32>
        %parallel_loop3A_161 = vector.bitcast %parallel_loop3A_160 : vector<16xf32> to vector<16xi32>
        %parallel_loop3A_162 = arith.constant 1 : i32
        %parallel_loop3A_163 = vector.broadcast %parallel_loop3A_162 : i32 to vector<16xi32>
        %parallel_loop3A_164 = arith.shrui %parallel_loop3A_161, %parallel_loop3A_163 : vector<16xi32>
        %parallel_loop3A_165 = arith.constant 1595932665 : i32
        %parallel_loop3A_166 = vector.broadcast %parallel_loop3A_165 : i32 to vector<16xi32>
        %parallel_loop3A_167 = arith.subi %parallel_loop3A_166, %parallel_loop3A_164 : vector<16xi32>
        %parallel_loop3A_168 = vector.bitcast %parallel_loop3A_167 : vector<16xi32> to vector<16xf32>
        %parallel_loop3A_169 = arith.constant 0.703952252 : f32
        %parallel_loop3A_170 = vector.broadcast %parallel_loop3A_169 : f32 to vector<16xf32>
        %parallel_loop3A_171 = arith.mulf %parallel_loop3A_170, %parallel_loop3A_168 : vector<16xf32>
        %parallel_loop3A_172 = arith.mulf %parallel_loop3A_160, %parallel_loop3A_168 : vector<16xf32>
        %parallel_loop3A_173 = arith.mulf %parallel_loop3A_172, %parallel_loop3A_168 : vector<16xf32>
        %parallel_loop3A_174 = arith.constant 2.38924456 : f32
        %parallel_loop3A_175 = vector.broadcast %parallel_loop3A_174 : f32 to vector<16xf32>
        %parallel_loop3A_176 = arith.subf %parallel_loop3A_175, %parallel_loop3A_173 : vector<16xf32>
        %parallel_loop3A_177 = arith.mulf %parallel_loop3A_171, %parallel_loop3A_176 : vector<16xf32>
        %parallel_loop3A_178 = arith.mulf %parallel_loop3A_177, %get3A_3 : vector<16xf32>
        %parallel_loop3A_179 = arith.mulf %parallel_loop3A_134, %parallel_loop3A_177 : vector<16xf32>
        %parallel_loop3A_180 = arith.constant 0 : i32
        %parallel_loop3A_181 = arith.addi %parallel_loop3A_131, %parallel_loop3A_180 : i32
        %parallel_loop3A_182 = arith.index_cast %parallel_loop3A_181 : i32 to index
        %parallel_loop3A_183 = tpu.vector_load %arg14[%parallel_loop3A_182] {strides = array<i32>} : memref<20480xf32, #tpu.memory_space<vmem>>, vector<16xf32>,
        tpu.vector_store %arg14[%parallel_loop3A_182], %parallel_loop3A_179 {strides = array<i32>} : memref<20480xf32, #tpu.memory_space<vmem>>, vector<16xf32>,
        %parallel_loop3A_184 = arith.mulf %parallel_loop3A_139, %parallel_loop3A_178 : vector<16xf32>
        %parallel_loop3A_185 = arith.constant 128 : i32
        %parallel_loop3A_186 = arith.addi %parallel_loop3A_131, %parallel_loop3A_185 : i32
        %parallel_loop3A_187 = arith.constant 0 : i32
        %parallel_loop3A_188 = arith.addi %parallel_loop3A_186, %parallel_loop3A_187 : i32
        %parallel_loop3A_189 = arith.index_cast %parallel_loop3A_188 : i32 to index
        %parallel_loop3A_190 = tpu.vector_load %arg14[%parallel_loop3A_189] {strides = array<i32>} : memref<20480xf32, #tpu.memory_space<vmem>>, vector<16xf32>,
        tpu.vector_store %arg14[%parallel_loop3A_189], %parallel_loop3A_184 {strides = array<i32>} : memref<20480xf32, #tpu.memory_space<vmem>>, vector<16xf32>,
        %parallel_loop3A_191 = arith.mulf %parallel_loop3A_144, %parallel_loop3A_178 : vector<16xf32>
        %parallel_loop3A_192 = arith.constant 256 : i32
        %parallel_loop3A_193 = arith.addi %parallel_loop3A_131, %parallel_loop3A_192 : i32
        %parallel_loop3A_194 = arith.constant 0 : i32
        %parallel_loop3A_195 = arith.addi %parallel_loop3A_193, %parallel_loop3A_194 : i32
        %parallel_loop3A_196 = arith.index_cast %parallel_loop3A_195 : i32 to index
        %parallel_loop3A_197 = tpu.vector_load %arg14[%parallel_loop3A_196] {strides = array<i32>} : memref<20480xf32, #tpu.memory_space<vmem>>, vector<16xf32>,
        tpu.vector_store %arg14[%parallel_loop3A_196], %parallel_loop3A_191 {strides = array<i32>} : memref<20480xf32, #tpu.memory_space<vmem>>, vector<16xf32>,
        %parallel_loop3A_198 = arith.mulf %parallel_loop3A_149, %parallel_loop3A_178 : vector<16xf32>
        %parallel_loop3A_199 = arith.constant 384 : i32
        %parallel_loop3A_200 = arith.addi %parallel_loop3A_131, %parallel_loop3A_199 : i32
        %parallel_loop3A_201 = arith.constant 0 : i32
        %parallel_loop3A_202 = arith.addi %parallel_loop3A_200, %parallel_loop3A_201 : i32
        %parallel_loop3A_203 = arith.index_cast %parallel_loop3A_202 : i32 to index
        %parallel_loop3A_204 = tpu.vector_load %arg14[%parallel_loop3A_203] {strides = array<i32>} : memref<20480xf32, #tpu.memory_space<vmem>>, vector<16xf32>,
        tpu.vector_store %arg14[%parallel_loop3A_203], %parallel_loop3A_198 {strides = array<i32>} : memref<20480xf32, #tpu.memory_space<vmem>>, vector<16xf32>,
        %parallel_loop3A_205 = arith.index_cast %parallel_loop3A_129 : i32 to index
        %parallel_loop3A_206 = arith.constant 16 : index
        %parallel_loop3A_207 = tpu.vector_load %arg13[%parallel_loop3A_205, %parallel_loop3A_206] {strides = array<i32>} : memref<160x128xf32, #tpu.memory_space<vmem>>, vector<16xf32>,
        %parallel_loop3A_208 = arith.constant 40 : i32
        %parallel_loop3A_209 = arith.addi %parallel_loop3A_208, %parallel_loop3A_129 : i32
        %parallel_loop3A_210 = arith.index_cast %parallel_loop3A_209 : i32 to index
        %parallel_loop3A_211 = arith.constant 16 : index
        %parallel_loop3A_212 = tpu.vector_load %arg13[%parallel_loop3A_210, %parallel_loop3A_211] {strides = array<i32>} : memref<160x128xf32, #tpu.memory_space<vmem>>, vector<16xf32>,
        %parallel_loop3A_213 = arith.constant 80 : i32
        %parallel_loop3A_214 = arith.addi %parallel_loop3A_213, %parallel_loop3A_129 : i32
        %parallel_loop3A_215 = arith.index_cast %parallel_loop3A_214 : i32 to index
        %parallel_loop3A_216 = arith.constant 16 : index
        %parallel_loop3A_217 = tpu.vector_load %arg13[%parallel_loop3A_215, %parallel_loop3A_216] {strides = array<i32>} : memref<160x128xf32, #tpu.memory_space<vmem>>, vector<16xf32>,
        %parallel_loop3A_218 = arith.constant 120 : i32
        %parallel_loop3A_219 = arith.addi %parallel_loop3A_218, %parallel_loop3A_129 : i32
        %parallel_loop3A_220 = arith.index_cast %parallel_loop3A_219 : i32 to index
        %parallel_loop3A_221 = arith.constant 16 : index
        %parallel_loop3A_222 = tpu.vector_load %arg13[%parallel_loop3A_220, %parallel_loop3A_221] {strides = array<i32>} : memref<160x128xf32, #tpu.memory_space<vmem>>, vector<16xf32>,
        %parallel_loop3A_223 = arith.mulf %parallel_loop3A_207, %parallel_loop3A_207 : vector<16xf32>
        %parallel_loop3A_224 = arith.constant 9.99999997E-7 : f32
        %parallel_loop3A_225 = vector.broadcast %parallel_loop3A_224 : f32 to vector<16xf32>
        %parallel_loop3A_226 = arith.addf %parallel_loop3A_223, %parallel_loop3A_225 : vector<16xf32>
        %parallel_loop3A_227 = arith.mulf %parallel_loop3A_212, %parallel_loop3A_212 : vector<16xf32>
        %parallel_loop3A_228 = arith.mulf %parallel_loop3A_217, %parallel_loop3A_217 : vector<16xf32>
        %parallel_loop3A_229 = arith.addf %parallel_loop3A_227, %parallel_loop3A_228 : vector<16xf32>
        %parallel_loop3A_230 = arith.mulf %parallel_loop3A_222, %parallel_loop3A_222 : vector<16xf32>
        %parallel_loop3A_231 = arith.addf %parallel_loop3A_229, %parallel_loop3A_230 : vector<16xf32>
        %parallel_loop3A_232 = arith.mulf %parallel_loop3A_231, %mul3A_19 : vector<16xf32>
        %parallel_loop3A_233 = arith.addf %parallel_loop3A_226, %parallel_loop3A_232 : vector<16xf32>
        %parallel_loop3A_234 = vector.bitcast %parallel_loop3A_233 : vector<16xf32> to vector<16xi32>
        %parallel_loop3A_235 = arith.constant 1 : i32
        %parallel_loop3A_236 = vector.broadcast %parallel_loop3A_235 : i32 to vector<16xi32>
        %parallel_loop3A_237 = arith.shrui %parallel_loop3A_234, %parallel_loop3A_236 : vector<16xi32>
        %parallel_loop3A_238 = arith.constant 1595932665 : i32
        %parallel_loop3A_239 = vector.broadcast %parallel_loop3A_238 : i32 to vector<16xi32>
        %parallel_loop3A_240 = arith.subi %parallel_loop3A_239, %parallel_loop3A_237 : vector<16xi32>
        %parallel_loop3A_241 = vector.bitcast %parallel_loop3A_240 : vector<16xi32> to vector<16xf32>
        %parallel_loop3A_242 = arith.constant 0.703952252 : f32
        %parallel_loop3A_243 = vector.broadcast %parallel_loop3A_242 : f32 to vector<16xf32>
        %parallel_loop3A_244 = arith.mulf %parallel_loop3A_243, %parallel_loop3A_241 : vector<16xf32>
        %parallel_loop3A_245 = arith.mulf %parallel_loop3A_233, %parallel_loop3A_241 : vector<16xf32>
        %parallel_loop3A_246 = arith.mulf %parallel_loop3A_245, %parallel_loop3A_241 : vector<16xf32>
        %parallel_loop3A_247 = arith.constant 2.38924456 : f32
        %parallel_loop3A_248 = vector.broadcast %parallel_loop3A_247 : f32 to vector<16xf32>
        %parallel_loop3A_249 = arith.subf %parallel_loop3A_248, %parallel_loop3A_246 : vector<16xf32>
        %parallel_loop3A_250 = arith.mulf %parallel_loop3A_244, %parallel_loop3A_249 : vector<16xf32>
        %parallel_loop3A_251 = arith.mulf %parallel_loop3A_250, %get3A_5 : vector<16xf32>
        %parallel_loop3A_252 = arith.mulf %parallel_loop3A_207, %parallel_loop3A_250 : vector<16xf32>
        %parallel_loop3A_253 = arith.constant 16 : i32
        %parallel_loop3A_254 = arith.addi %parallel_loop3A_131, %parallel_loop3A_253 : i32
        %parallel_loop3A_255 = arith.index_cast %parallel_loop3A_254 : i32 to index
        %parallel_loop3A_256 = tpu.vector_load %arg14[%parallel_loop3A_255] {strides = array<i32>} : memref<20480xf32, #tpu.memory_space<vmem>>, vector<16xf32>,
        tpu.vector_store %arg14[%parallel_loop3A_255], %parallel_loop3A_252 {strides = array<i32>} : memref<20480xf32, #tpu.memory_space<vmem>>, vector<16xf32>,
        %parallel_loop3A_257 = arith.mulf %parallel_loop3A_212, %parallel_loop3A_251 : vector<16xf32>
        %parallel_loop3A_258 = arith.constant 128 : i32
        %parallel_loop3A_259 = arith.addi %parallel_loop3A_131, %parallel_loop3A_258 : i32
        %parallel_loop3A_260 = arith.constant 16 : i32
        %parallel_loop3A_261 = arith.addi %parallel_loop3A_259, %parallel_loop3A_260 : i32
        %parallel_loop3A_262 = arith.index_cast %parallel_loop3A_261 : i32 to index
        %parallel_loop3A_263 = tpu.vector_load %arg14[%parallel_loop3A_262] {strides = array<i32>} : memref<20480xf32, #tpu.memory_space<vmem>>, vector<16xf32>,
        tpu.vector_store %arg14[%parallel_loop3A_262], %parallel_loop3A_257 {strides = array<i32>} : memref<20480xf32, #tpu.memory_space<vmem>>, vector<16xf32>,
        %parallel_loop3A_264 = arith.mulf %parallel_loop3A_217, %parallel_loop3A_251 : vector<16xf32>
        %parallel_loop3A_265 = arith.constant 256 : i32
        %parallel_loop3A_266 = arith.addi %parallel_loop3A_131, %parallel_loop3A_265 : i32
        %parallel_loop3A_267 = arith.constant 16 : i32
        %parallel_loop3A_268 = arith.addi %parallel_loop3A_266, %parallel_loop3A_267 : i32
        %parallel_loop3A_269 = arith.index_cast %parallel_loop3A_268 : i32 to index
        %parallel_loop3A_270 = tpu.vector_load %arg14[%parallel_loop3A_269] {strides = array<i32>} : memref<20480xf32, #tpu.memory_space<vmem>>, vector<16xf32>,
        tpu.vector_store %arg14[%parallel_loop3A_269], %parallel_loop3A_264 {strides = array<i32>} : memref<20480xf32, #tpu.memory_space<vmem>>, vector<16xf32>,
        %parallel_loop3A_271 = arith.mulf %parallel_loop3A_222, %parallel_loop3A_251 : vector<16xf32>
        %parallel_loop3A_272 = arith.constant 384 : i32
        %parallel_loop3A_273 = arith.addi %parallel_loop3A_131, %parallel_loop3A_272 : i32
        %parallel_loop3A_274 = arith.constant 16 : i32
        %parallel_loop3A_275 = arith.addi %parallel_loop3A_273, %parallel_loop3A_274 : i32
        %parallel_loop3A_276 = arith.index_cast %parallel_loop3A_275 : i32 to index
        %parallel_loop3A_277 = tpu.vector_load %arg14[%parallel_loop3A_276] {strides = array<i32>} : memref<20480xf32, #tpu.memory_space<vmem>>, vector<16xf32>,
        tpu.vector_store %arg14[%parallel_loop3A_276], %parallel_loop3A_271 {strides = array<i32>} : memref<20480xf32, #tpu.memory_space<vmem>>, vector<16xf32>,
        %parallel_loop3A_278 = arith.index_cast %parallel_loop3A_129 : i32 to index
        %parallel_loop3A_279 = arith.constant 32 : index
        %parallel_loop3A_280 = tpu.vector_load %arg13[%parallel_loop3A_278, %parallel_loop3A_279] {strides = array<i32>} : memref<160x128xf32, #tpu.memory_space<vmem>>, vector<16xf32>,
        %parallel_loop3A_281 = arith.constant 40 : i32
        %parallel_loop3A_282 = arith.addi %parallel_loop3A_281, %parallel_loop3A_129 : i32
        %parallel_loop3A_283 = arith.index_cast %parallel_loop3A_282 : i32 to index
        %parallel_loop3A_284 = arith.constant 32 : index
        %parallel_loop3A_285 = tpu.vector_load %arg13[%parallel_loop3A_283, %parallel_loop3A_284] {strides = array<i32>} : memref<160x128xf32, #tpu.memory_space<vmem>>, vector<16xf32>,
        %parallel_loop3A_286 = arith.constant 80 : i32
        %parallel_loop3A_287 = arith.addi %parallel_loop3A_286, %parallel_loop3A_129 : i32
        %parallel_loop3A_288 = arith.index_cast %parallel_loop3A_287 : i32 to index
        %parallel_loop3A_289 = arith.constant 32 : index
        %parallel_loop3A_290 = tpu.vector_load %arg13[%parallel_loop3A_288, %parallel_loop3A_289] {strides = array<i32>} : memref<160x128xf32, #tpu.memory_space<vmem>>, vector<16xf32>,
        %parallel_loop3A_291 = arith.constant 120 : i32
        %parallel_loop3A_292 = arith.addi %parallel_loop3A_291, %parallel_loop3A_129 : i32
        %parallel_loop3A_293 = arith.index_cast %parallel_loop3A_292 : i32 to index
        %parallel_loop3A_294 = arith.constant 32 : index
        %parallel_loop3A_295 = tpu.vector_load %arg13[%parallel_loop3A_293, %parallel_loop3A_294] {strides = array<i32>} : memref<160x128xf32, #tpu.memory_space<vmem>>, vector<16xf32>,
        %parallel_loop3A_296 = arith.mulf %parallel_loop3A_280, %parallel_loop3A_280 : vector<16xf32>
        %parallel_loop3A_297 = arith.constant 9.99999997E-7 : f32
        %parallel_loop3A_298 = vector.broadcast %parallel_loop3A_297 : f32 to vector<16xf32>
        %parallel_loop3A_299 = arith.addf %parallel_loop3A_296, %parallel_loop3A_298 : vector<16xf32>
        %parallel_loop3A_300 = arith.mulf %parallel_loop3A_285, %parallel_loop3A_285 : vector<16xf32>
        %parallel_loop3A_301 = arith.mulf %parallel_loop3A_290, %parallel_loop3A_290 : vector<16xf32>
        %parallel_loop3A_302 = arith.addf %parallel_loop3A_300, %parallel_loop3A_301 : vector<16xf32>
        %parallel_loop3A_303 = arith.mulf %parallel_loop3A_295, %parallel_loop3A_295 : vector<16xf32>
        %parallel_loop3A_304 = arith.addf %parallel_loop3A_302, %parallel_loop3A_303 : vector<16xf32>
        %parallel_loop3A_305 = arith.mulf %parallel_loop3A_304, %mul3A_20 : vector<16xf32>
        %parallel_loop3A_306 = arith.addf %parallel_loop3A_299, %parallel_loop3A_305 : vector<16xf32>
        %parallel_loop3A_307 = vector.bitcast %parallel_loop3A_306 : vector<16xf32> to vector<16xi32>
        %parallel_loop3A_308 = arith.constant 1 : i32
        %parallel_loop3A_309 = vector.broadcast %parallel_loop3A_308 : i32 to vector<16xi32>
        %parallel_loop3A_310 = arith.shrui %parallel_loop3A_307, %parallel_loop3A_309 : vector<16xi32>
        %parallel_loop3A_311 = arith.constant 1595932665 : i32
        %parallel_loop3A_312 = vector.broadcast %parallel_loop3A_311 : i32 to vector<16xi32>
        %parallel_loop3A_313 = arith.subi %parallel_loop3A_312, %parallel_loop3A_310 : vector<16xi32>
        %parallel_loop3A_314 = vector.bitcast %parallel_loop3A_313 : vector<16xi32> to vector<16xf32>
        %parallel_loop3A_315 = arith.constant 0.703952252 : f32
        %parallel_loop3A_316 = vector.broadcast %parallel_loop3A_315 : f32 to vector<16xf32>
        %parallel_loop3A_317 = arith.mulf %parallel_loop3A_316, %parallel_loop3A_314 : vector<16xf32>
        %parallel_loop3A_318 = arith.mulf %parallel_loop3A_306, %parallel_loop3A_314 : vector<16xf32>
        %parallel_loop3A_319 = arith.mulf %parallel_loop3A_318, %parallel_loop3A_314 : vector<16xf32>
        %parallel_loop3A_320 = arith.constant 2.38924456 : f32
        %parallel_loop3A_321 = vector.broadcast %parallel_loop3A_320 : f32 to vector<16xf32>
        %parallel_loop3A_322 = arith.subf %parallel_loop3A_321, %parallel_loop3A_319 : vector<16xf32>
        %parallel_loop3A_323 = arith.mulf %parallel_loop3A_317, %parallel_loop3A_322 : vector<16xf32>
        %parallel_loop3A_324 = arith.mulf %parallel_loop3A_323, %get3A_7 : vector<16xf32>
        %parallel_loop3A_325 = arith.mulf %parallel_loop3A_280, %parallel_loop3A_323 : vector<16xf32>
        %parallel_loop3A_326 = arith.constant 32 : i32
        %parallel_loop3A_327 = arith.addi %parallel_loop3A_131, %parallel_loop3A_326 : i32
        %parallel_loop3A_328 = arith.index_cast %parallel_loop3A_327 : i32 to index
        %parallel_loop3A_329 = tpu.vector_load %arg14[%parallel_loop3A_328] {strides = array<i32>} : memref<20480xf32, #tpu.memory_space<vmem>>, vector<16xf32>,
        tpu.vector_store %arg14[%parallel_loop3A_328], %parallel_loop3A_325 {strides = array<i32>} : memref<20480xf32, #tpu.memory_space<vmem>>, vector<16xf32>,
        %parallel_loop3A_330 = arith.mulf %parallel_loop3A_285, %parallel_loop3A_324 : vector<16xf32>
        %parallel_loop3A_331 = arith.constant 128 : i32
        %parallel_loop3A_332 = arith.addi %parallel_loop3A_131, %parallel_loop3A_331 : i32
        %parallel_loop3A_333 = arith.constant 32 : i32
        %parallel_loop3A_334 = arith.addi %parallel_loop3A_332, %parallel_loop3A_333 : i32
        %parallel_loop3A_335 = arith.index_cast %parallel_loop3A_334 : i32 to index
        %parallel_loop3A_336 = tpu.vector_load %arg14[%parallel_loop3A_335] {strides = array<i32>} : memref<20480xf32, #tpu.memory_space<vmem>>, vector<16xf32>,
        tpu.vector_store %arg14[%parallel_loop3A_335], %parallel_loop3A_330 {strides = array<i32>} : memref<20480xf32, #tpu.memory_space<vmem>>, vector<16xf32>,
        %parallel_loop3A_337 = arith.mulf %parallel_loop3A_290, %parallel_loop3A_324 : vector<16xf32>
        %parallel_loop3A_338 = arith.constant 256 : i32
        %parallel_loop3A_339 = arith.addi %parallel_loop3A_131, %parallel_loop3A_338 : i32
        %parallel_loop3A_340 = arith.constant 32 : i32
        %parallel_loop3A_341 = arith.addi %parallel_loop3A_339, %parallel_loop3A_340 : i32
        %parallel_loop3A_342 = arith.index_cast %parallel_loop3A_341 : i32 to index
        %parallel_loop3A_343 = tpu.vector_load %arg14[%parallel_loop3A_342] {strides = array<i32>} : memref<20480xf32, #tpu.memory_space<vmem>>, vector<16xf32>,
        tpu.vector_store %arg14[%parallel_loop3A_342], %parallel_loop3A_337 {strides = array<i32>} : memref<20480xf32, #tpu.memory_space<vmem>>, vector<16xf32>,
        %parallel_loop3A_344 = arith.mulf %parallel_loop3A_295, %parallel_loop3A_324 : vector<16xf32>
        %parallel_loop3A_345 = arith.constant 384 : i32
        %parallel_loop3A_346 = arith.addi %parallel_loop3A_131, %parallel_loop3A_345 : i32
        %parallel_loop3A_347 = arith.constant 32 : i32
        %parallel_loop3A_348 = arith.addi %parallel_loop3A_346, %parallel_loop3A_347 : i32
        %parallel_loop3A_349 = arith.index_cast %parallel_loop3A_348 : i32 to index
        %parallel_loop3A_350 = tpu.vector_load %arg14[%parallel_loop3A_349] {strides = array<i32>} : memref<20480xf32, #tpu.memory_space<vmem>>, vector<16xf32>,
        tpu.vector_store %arg14[%parallel_loop3A_349], %parallel_loop3A_344 {strides = array<i32>} : memref<20480xf32, #tpu.memory_space<vmem>>, vector<16xf32>,
        %parallel_loop3A_351 = arith.index_cast %parallel_loop3A_129 : i32 to index
        %parallel_loop3A_352 = arith.constant 48 : index
        %parallel_loop3A_353 = tpu.vector_load %arg13[%parallel_loop3A_351, %parallel_loop3A_352] {strides = array<i32>} : memref<160x128xf32, #tpu.memory_space<vmem>>, vector<16xf32>,
        %parallel_loop3A_354 = arith.constant 40 : i32
        %parallel_loop3A_355 = arith.addi %parallel_loop3A_354, %parallel_loop3A_129 : i32
        %parallel_loop3A_356 = arith.index_cast %parallel_loop3A_355 : i32 to index
        %parallel_loop3A_357 = arith.constant 48 : index
        %parallel_loop3A_358 = tpu.vector_load %arg13[%parallel_loop3A_356, %parallel_loop3A_357] {strides = array<i32>} : memref<160x128xf32, #tpu.memory_space<vmem>>, vector<16xf32>,
        %parallel_loop3A_359 = arith.constant 80 : i32
        %parallel_loop3A_360 = arith.addi %parallel_loop3A_359, %parallel_loop3A_129 : i32
        %parallel_loop3A_361 = arith.index_cast %parallel_loop3A_360 : i32 to index
        %parallel_loop3A_362 = arith.constant 48 : index
        %parallel_loop3A_363 = tpu.vector_load %arg13[%parallel_loop3A_361, %parallel_loop3A_362] {strides = array<i32>} : memref<160x128xf32, #tpu.memory_space<vmem>>, vector<16xf32>,
        %parallel_loop3A_364 = arith.constant 120 : i32
        %parallel_loop3A_365 = arith.addi %parallel_loop3A_364, %parallel_loop3A_129 : i32
        %parallel_loop3A_366 = arith.index_cast %parallel_loop3A_365 : i32 to index
        %parallel_loop3A_367 = arith.constant 48 : index
        %parallel_loop3A_368 = tpu.vector_load %arg13[%parallel_loop3A_366, %parallel_loop3A_367] {strides = array<i32>} : memref<160x128xf32, #tpu.memory_space<vmem>>, vector<16xf32>,
        %parallel_loop3A_369 = arith.mulf %parallel_loop3A_353, %parallel_loop3A_353 : vector<16xf32>
        %parallel_loop3A_370 = arith.constant 9.99999997E-7 : f32
        %parallel_loop3A_371 = vector.broadcast %parallel_loop3A_370 : f32 to vector<16xf32>
        %parallel_loop3A_372 = arith.addf %parallel_loop3A_369, %parallel_loop3A_371 : vector<16xf32>
        %parallel_loop3A_373 = arith.mulf %parallel_loop3A_358, %parallel_loop3A_358 : vector<16xf32>
        %parallel_loop3A_374 = arith.mulf %parallel_loop3A_363, %parallel_loop3A_363 : vector<16xf32>
        %parallel_loop3A_375 = arith.addf %parallel_loop3A_373, %parallel_loop3A_374 : vector<16xf32>
        %parallel_loop3A_376 = arith.mulf %parallel_loop3A_368, %parallel_loop3A_368 : vector<16xf32>
        %parallel_loop3A_377 = arith.addf %parallel_loop3A_375, %parallel_loop3A_376 : vector<16xf32>
        %parallel_loop3A_378 = arith.mulf %parallel_loop3A_377, %mul3A_21 : vector<16xf32>
        %parallel_loop3A_379 = arith.addf %parallel_loop3A_372, %parallel_loop3A_378 : vector<16xf32>
        %parallel_loop3A_380 = vector.bitcast %parallel_loop3A_379 : vector<16xf32> to vector<16xi32>
        %parallel_loop3A_381 = arith.constant 1 : i32
        %parallel_loop3A_382 = vector.broadcast %parallel_loop3A_381 : i32 to vector<16xi32>
        %parallel_loop3A_383 = arith.shrui %parallel_loop3A_380, %parallel_loop3A_382 : vector<16xi32>
        %parallel_loop3A_384 = arith.constant 1595932665 : i32
        %parallel_loop3A_385 = vector.broadcast %parallel_loop3A_384 : i32 to vector<16xi32>
        %parallel_loop3A_386 = arith.subi %parallel_loop3A_385, %parallel_loop3A_383 : vector<16xi32>
        %parallel_loop3A_387 = vector.bitcast %parallel_loop3A_386 : vector<16xi32> to vector<16xf32>
        %parallel_loop3A_388 = arith.constant 0.703952252 : f32
        %parallel_loop3A_389 = vector.broadcast %parallel_loop3A_388 : f32 to vector<16xf32>
        %parallel_loop3A_390 = arith.mulf %parallel_loop3A_389, %parallel_loop3A_387 : vector<16xf32>
        %parallel_loop3A_391 = arith.mulf %parallel_loop3A_379, %parallel_loop3A_387 : vector<16xf32>
        %parallel_loop3A_392 = arith.mulf %parallel_loop3A_391, %parallel_loop3A_387 : vector<16xf32>
        %parallel_loop3A_393 = arith.constant 2.38924456 : f32
        %parallel_loop3A_394 = vector.broadcast %parallel_loop3A_393 : f32 to vector<16xf32>
        %parallel_loop3A_395 = arith.subf %parallel_loop3A_394, %parallel_loop3A_392 : vector<16xf32>
        %parallel_loop3A_396 = arith.mulf %parallel_loop3A_390, %parallel_loop3A_395 : vector<16xf32>
        %parallel_loop3A_397 = arith.mulf %parallel_loop3A_396, %get3A_9 : vector<16xf32>
        %parallel_loop3A_398 = arith.mulf %parallel_loop3A_353, %parallel_loop3A_396 : vector<16xf32>
        %parallel_loop3A_399 = arith.constant 48 : i32
        %parallel_loop3A_400 = arith.addi %parallel_loop3A_131, %parallel_loop3A_399 : i32
        %parallel_loop3A_401 = arith.index_cast %parallel_loop3A_400 : i32 to index
        %parallel_loop3A_402 = tpu.vector_load %arg14[%parallel_loop3A_401] {strides = array<i32>} : memref<20480xf32, #tpu.memory_space<vmem>>, vector<16xf32>,
        tpu.vector_store %arg14[%parallel_loop3A_401], %parallel_loop3A_398 {strides = array<i32>} : memref<20480xf32, #tpu.memory_space<vmem>>, vector<16xf32>,
        %parallel_loop3A_403 = arith.mulf %parallel_loop3A_358, %parallel_loop3A_397 : vector<16xf32>
        %parallel_loop3A_404 = arith.constant 128 : i32
        %parallel_loop3A_405 = arith.addi %parallel_loop3A_131, %parallel_loop3A_404 : i32
        %parallel_loop3A_406 = arith.constant 48 : i32
        %parallel_loop3A_407 = arith.addi %parallel_loop3A_405, %parallel_loop3A_406 : i32
        %parallel_loop3A_408 = arith.index_cast %parallel_loop3A_407 : i32 to index
        %parallel_loop3A_409 = tpu.vector_load %arg14[%parallel_loop3A_408] {strides = array<i32>} : memref<20480xf32, #tpu.memory_space<vmem>>, vector<16xf32>,
        tpu.vector_store %arg14[%parallel_loop3A_408], %parallel_loop3A_403 {strides = array<i32>} : memref<20480xf32, #tpu.memory_space<vmem>>, vector<16xf32>,
        %parallel_loop3A_410 = arith.mulf %parallel_loop3A_363, %parallel_loop3A_397 : vector<16xf32>
        %parallel_loop3A_411 = arith.constant 256 : i32
        %parallel_loop3A_412 = arith.addi %parallel_loop3A_131, %parallel_loop3A_411 : i32
        %parallel_loop3A_413 = arith.constant 48 : i32
        %parallel_loop3A_414 = arith.addi %parallel_loop3A_412, %parallel_loop3A_413 : i32
        %parallel_loop3A_415 = arith.index_cast %parallel_loop3A_414 : i32 to index
        %parallel_loop3A_416 = tpu.vector_load %arg14[%parallel_loop3A_415] {strides = array<i32>} : memref<20480xf32, #tpu.memory_space<vmem>>, vector<16xf32>,
        tpu.vector_store %arg14[%parallel_loop3A_415], %parallel_loop3A_410 {strides = array<i32>} : memref<20480xf32, #tpu.memory_space<vmem>>, vector<16xf32>,
        %parallel_loop3A_417 = arith.mulf %parallel_loop3A_368, %parallel_loop3A_397 : vector<16xf32>
        %parallel_loop3A_418 = arith.constant 384 : i32
        %parallel_loop3A_419 = arith.addi %parallel_loop3A_131, %parallel_loop3A_418 : i32
        %parallel_loop3A_420 = arith.constant 48 : i32
        %parallel_loop3A_421 = arith.addi %parallel_loop3A_419, %parallel_loop3A_420 : i32
        %parallel_loop3A_422 = arith.index_cast %parallel_loop3A_421 : i32 to index
        %parallel_loop3A_423 = tpu.vector_load %arg14[%parallel_loop3A_422] {strides = array<i32>} : memref<20480xf32, #tpu.memory_space<vmem>>, vector<16xf32>,
        tpu.vector_store %arg14[%parallel_loop3A_422], %parallel_loop3A_417 {strides = array<i32>} : memref<20480xf32, #tpu.memory_space<vmem>>, vector<16xf32>,
        %parallel_loop3A_424 = arith.index_cast %parallel_loop3A_129 : i32 to index
        %parallel_loop3A_425 = arith.constant 64 : index
        %parallel_loop3A_426 = tpu.vector_load %arg13[%parallel_loop3A_424, %parallel_loop3A_425] {strides = array<i32>} : memref<160x128xf32, #tpu.memory_space<vmem>>, vector<16xf32>,
        %parallel_loop3A_427 = arith.constant 40 : i32
        %parallel_loop3A_428 = arith.addi %parallel_loop3A_427, %parallel_loop3A_129 : i32
        %parallel_loop3A_429 = arith.index_cast %parallel_loop3A_428 : i32 to index
        %parallel_loop3A_430 = arith.constant 64 : index
        %parallel_loop3A_431 = tpu.vector_load %arg13[%parallel_loop3A_429, %parallel_loop3A_430] {strides = array<i32>} : memref<160x128xf32, #tpu.memory_space<vmem>>, vector<16xf32>,
        %parallel_loop3A_432 = arith.constant 80 : i32
        %parallel_loop3A_433 = arith.addi %parallel_loop3A_432, %parallel_loop3A_129 : i32
        %parallel_loop3A_434 = arith.index_cast %parallel_loop3A_433 : i32 to index
        %parallel_loop3A_435 = arith.constant 64 : index
        %parallel_loop3A_436 = tpu.vector_load %arg13[%parallel_loop3A_434, %parallel_loop3A_435] {strides = array<i32>} : memref<160x128xf32, #tpu.memory_space<vmem>>, vector<16xf32>,
        %parallel_loop3A_437 = arith.constant 120 : i32
        %parallel_loop3A_438 = arith.addi %parallel_loop3A_437, %parallel_loop3A_129 : i32
        %parallel_loop3A_439 = arith.index_cast %parallel_loop3A_438 : i32 to index
        %parallel_loop3A_440 = arith.constant 64 : index
        %parallel_loop3A_441 = tpu.vector_load %arg13[%parallel_loop3A_439, %parallel_loop3A_440] {strides = array<i32>} : memref<160x128xf32, #tpu.memory_space<vmem>>, vector<16xf32>,
        %parallel_loop3A_442 = arith.mulf %parallel_loop3A_426, %parallel_loop3A_426 : vector<16xf32>
        %parallel_loop3A_443 = arith.constant 9.99999997E-7 : f32
        %parallel_loop3A_444 = vector.broadcast %parallel_loop3A_443 : f32 to vector<16xf32>
        %parallel_loop3A_445 = arith.addf %parallel_loop3A_442, %parallel_loop3A_444 : vector<16xf32>
        %parallel_loop3A_446 = arith.mulf %parallel_loop3A_431, %parallel_loop3A_431 : vector<16xf32>
        %parallel_loop3A_447 = arith.mulf %parallel_loop3A_436, %parallel_loop3A_436 : vector<16xf32>
        %parallel_loop3A_448 = arith.addf %parallel_loop3A_446, %parallel_loop3A_447 : vector<16xf32>
        %parallel_loop3A_449 = arith.mulf %parallel_loop3A_441, %parallel_loop3A_441 : vector<16xf32>
        %parallel_loop3A_450 = arith.addf %parallel_loop3A_448, %parallel_loop3A_449 : vector<16xf32>
        %parallel_loop3A_451 = arith.mulf %parallel_loop3A_450, %mul3A_22 : vector<16xf32>
        %parallel_loop3A_452 = arith.addf %parallel_loop3A_445, %parallel_loop3A_451 : vector<16xf32>
        %parallel_loop3A_453 = vector.bitcast %parallel_loop3A_452 : vector<16xf32> to vector<16xi32>
        %parallel_loop3A_454 = arith.constant 1 : i32
        %parallel_loop3A_455 = vector.broadcast %parallel_loop3A_454 : i32 to vector<16xi32>
        %parallel_loop3A_456 = arith.shrui %parallel_loop3A_453, %parallel_loop3A_455 : vector<16xi32>
        %parallel_loop3A_457 = arith.constant 1595932665 : i32
        %parallel_loop3A_458 = vector.broadcast %parallel_loop3A_457 : i32 to vector<16xi32>
        %parallel_loop3A_459 = arith.subi %parallel_loop3A_458, %parallel_loop3A_456 : vector<16xi32>
        %parallel_loop3A_460 = vector.bitcast %parallel_loop3A_459 : vector<16xi32> to vector<16xf32>
        %parallel_loop3A_461 = arith.constant 0.703952252 : f32
        %parallel_loop3A_462 = vector.broadcast %parallel_loop3A_461 : f32 to vector<16xf32>
        %parallel_loop3A_463 = arith.mulf %parallel_loop3A_462, %parallel_loop3A_460 : vector<16xf32>
        %parallel_loop3A_464 = arith.mulf %parallel_loop3A_452, %parallel_loop3A_460 : vector<16xf32>
        %parallel_loop3A_465 = arith.mulf %parallel_loop3A_464, %parallel_loop3A_460 : vector<16xf32>
        %parallel_loop3A_466 = arith.constant 2.38924456 : f32
        %parallel_loop3A_467 = vector.broadcast %parallel_loop3A_466 : f32 to vector<16xf32>
        %parallel_loop3A_468 = arith.subf %parallel_loop3A_467, %parallel_loop3A_465 : vector<16xf32>
        %parallel_loop3A_469 = arith.mulf %parallel_loop3A_463, %parallel_loop3A_468 : vector<16xf32>
        %parallel_loop3A_470 = arith.mulf %parallel_loop3A_469, %get3A_11 : vector<16xf32>
        %parallel_loop3A_471 = arith.mulf %parallel_loop3A_426, %parallel_loop3A_469 : vector<16xf32>
        %parallel_loop3A_472 = arith.constant 64 : i32
        %parallel_loop3A_473 = arith.addi %parallel_loop3A_131, %parallel_loop3A_472 : i32
        %parallel_loop3A_474 = arith.index_cast %parallel_loop3A_473 : i32 to index
        %parallel_loop3A_475 = tpu.vector_load %arg14[%parallel_loop3A_474] {strides = array<i32>} : memref<20480xf32, #tpu.memory_space<vmem>>, vector<16xf32>,
        tpu.vector_store %arg14[%parallel_loop3A_474], %parallel_loop3A_471 {strides = array<i32>} : memref<20480xf32, #tpu.memory_space<vmem>>, vector<16xf32>,
        %parallel_loop3A_476 = arith.mulf %parallel_loop3A_431, %parallel_loop3A_470 : vector<16xf32>
        %parallel_loop3A_477 = arith.constant 128 : i32
        %parallel_loop3A_478 = arith.addi %parallel_loop3A_131, %parallel_loop3A_477 : i32
        %parallel_loop3A_479 = arith.constant 64 : i32
        %parallel_loop3A_480 = arith.addi %parallel_loop3A_478, %parallel_loop3A_479 : i32
        %parallel_loop3A_481 = arith.index_cast %parallel_loop3A_480 : i32 to index
        %parallel_loop3A_482 = tpu.vector_load %arg14[%parallel_loop3A_481] {strides = array<i32>} : memref<20480xf32, #tpu.memory_space<vmem>>, vector<16xf32>,
        tpu.vector_store %arg14[%parallel_loop3A_481], %parallel_loop3A_476 {strides = array<i32>} : memref<20480xf32, #tpu.memory_space<vmem>>, vector<16xf32>,
        %parallel_loop3A_483 = arith.mulf %parallel_loop3A_436, %parallel_loop3A_470 : vector<16xf32>
        %parallel_loop3A_484 = arith.constant 256 : i32
        %parallel_loop3A_485 = arith.addi %parallel_loop3A_131, %parallel_loop3A_484 : i32
        %parallel_loop3A_486 = arith.constant 64 : i32
        %parallel_loop3A_487 = arith.addi %parallel_loop3A_485, %parallel_loop3A_486 : i32
        %parallel_loop3A_488 = arith.index_cast %parallel_loop3A_487 : i32 to index
        %parallel_loop3A_489 = tpu.vector_load %arg14[%parallel_loop3A_488] {strides = array<i32>} : memref<20480xf32, #tpu.memory_space<vmem>>, vector<16xf32>,
        tpu.vector_store %arg14[%parallel_loop3A_488], %parallel_loop3A_483 {strides = array<i32>} : memref<20480xf32, #tpu.memory_space<vmem>>, vector<16xf32>,
        %parallel_loop3A_490 = arith.mulf %parallel_loop3A_441, %parallel_loop3A_470 : vector<16xf32>
        %parallel_loop3A_491 = arith.constant 384 : i32
        %parallel_loop3A_492 = arith.addi %parallel_loop3A_131, %parallel_loop3A_491 : i32
        %parallel_loop3A_493 = arith.constant 64 : i32
        %parallel_loop3A_494 = arith.addi %parallel_loop3A_492, %parallel_loop3A_493 : i32
        %parallel_loop3A_495 = arith.index_cast %parallel_loop3A_494 : i32 to index
        %parallel_loop3A_496 = tpu.vector_load %arg14[%parallel_loop3A_495] {strides = array<i32>} : memref<20480xf32, #tpu.memory_space<vmem>>, vector<16xf32>,
        tpu.vector_store %arg14[%parallel_loop3A_495], %parallel_loop3A_490 {strides = array<i32>} : memref<20480xf32, #tpu.memory_space<vmem>>, vector<16xf32>,
        %parallel_loop3A_497 = arith.index_cast %parallel_loop3A_129 : i32 to index
        %parallel_loop3A_498 = arith.constant 80 : index
        %parallel_loop3A_499 = tpu.vector_load %arg13[%parallel_loop3A_497, %parallel_loop3A_498] {strides = array<i32>} : memref<160x128xf32, #tpu.memory_space<vmem>>, vector<16xf32>,
        %parallel_loop3A_500 = arith.constant 40 : i32
        %parallel_loop3A_501 = arith.addi %parallel_loop3A_500, %parallel_loop3A_129 : i32
        %parallel_loop3A_502 = arith.index_cast %parallel_loop3A_501 : i32 to index
        %parallel_loop3A_503 = arith.constant 80 : index
        %parallel_loop3A_504 = tpu.vector_load %arg13[%parallel_loop3A_502, %parallel_loop3A_503] {strides = array<i32>} : memref<160x128xf32, #tpu.memory_space<vmem>>, vector<16xf32>,
        %parallel_loop3A_505 = arith.constant 80 : i32
        %parallel_loop3A_506 = arith.addi %parallel_loop3A_505, %parallel_loop3A_129 : i32
        %parallel_loop3A_507 = arith.index_cast %parallel_loop3A_506 : i32 to index
        %parallel_loop3A_508 = arith.constant 80 : index
        %parallel_loop3A_509 = tpu.vector_load %arg13[%parallel_loop3A_507, %parallel_loop3A_508] {strides = array<i32>} : memref<160x128xf32, #tpu.memory_space<vmem>>, vector<16xf32>,
        %parallel_loop3A_510 = arith.constant 120 : i32
        %parallel_loop3A_511 = arith.addi %parallel_loop3A_510, %parallel_loop3A_129 : i32
        %parallel_loop3A_512 = arith.index_cast %parallel_loop3A_511 : i32 to index
        %parallel_loop3A_513 = arith.constant 80 : index
        %parallel_loop3A_514 = tpu.vector_load %arg13[%parallel_loop3A_512, %parallel_loop3A_513] {strides = array<i32>} : memref<160x128xf32, #tpu.memory_space<vmem>>, vector<16xf32>,
        %parallel_loop3A_515 = arith.mulf %parallel_loop3A_499, %parallel_loop3A_499 : vector<16xf32>
        %parallel_loop3A_516 = arith.constant 9.99999997E-7 : f32
        %parallel_loop3A_517 = vector.broadcast %parallel_loop3A_516 : f32 to vector<16xf32>
        %parallel_loop3A_518 = arith.addf %parallel_loop3A_515, %parallel_loop3A_517 : vector<16xf32>
        %parallel_loop3A_519 = arith.mulf %parallel_loop3A_504, %parallel_loop3A_504 : vector<16xf32>
        %parallel_loop3A_520 = arith.mulf %parallel_loop3A_509, %parallel_loop3A_509 : vector<16xf32>
        %parallel_loop3A_521 = arith.addf %parallel_loop3A_519, %parallel_loop3A_520 : vector<16xf32>
        %parallel_loop3A_522 = arith.mulf %parallel_loop3A_514, %parallel_loop3A_514 : vector<16xf32>
        %parallel_loop3A_523 = arith.addf %parallel_loop3A_521, %parallel_loop3A_522 : vector<16xf32>
        %parallel_loop3A_524 = arith.mulf %parallel_loop3A_523, %mul3A_23 : vector<16xf32>
        %parallel_loop3A_525 = arith.addf %parallel_loop3A_518, %parallel_loop3A_524 : vector<16xf32>
        %parallel_loop3A_526 = vector.bitcast %parallel_loop3A_525 : vector<16xf32> to vector<16xi32>
        %parallel_loop3A_527 = arith.constant 1 : i32
        %parallel_loop3A_528 = vector.broadcast %parallel_loop3A_527 : i32 to vector<16xi32>
        %parallel_loop3A_529 = arith.shrui %parallel_loop3A_526, %parallel_loop3A_528 : vector<16xi32>
        %parallel_loop3A_530 = arith.constant 1595932665 : i32
        %parallel_loop3A_531 = vector.broadcast %parallel_loop3A_530 : i32 to vector<16xi32>
        %parallel_loop3A_532 = arith.subi %parallel_loop3A_531, %parallel_loop3A_529 : vector<16xi32>
        %parallel_loop3A_533 = vector.bitcast %parallel_loop3A_532 : vector<16xi32> to vector<16xf32>
        %parallel_loop3A_534 = arith.constant 0.703952252 : f32
        %parallel_loop3A_535 = vector.broadcast %parallel_loop3A_534 : f32 to vector<16xf32>
        %parallel_loop3A_536 = arith.mulf %parallel_loop3A_535, %parallel_loop3A_533 : vector<16xf32>
        %parallel_loop3A_537 = arith.mulf %parallel_loop3A_525, %parallel_loop3A_533 : vector<16xf32>
        %parallel_loop3A_538 = arith.mulf %parallel_loop3A_537, %parallel_loop3A_533 : vector<16xf32>
        %parallel_loop3A_539 = arith.constant 2.38924456 : f32
        %parallel_loop3A_540 = vector.broadcast %parallel_loop3A_539 : f32 to vector<16xf32>
        %parallel_loop3A_541 = arith.subf %parallel_loop3A_540, %parallel_loop3A_538 : vector<16xf32>
        %parallel_loop3A_542 = arith.mulf %parallel_loop3A_536, %parallel_loop3A_541 : vector<16xf32>
        %parallel_loop3A_543 = arith.mulf %parallel_loop3A_542, %get3A_13 : vector<16xf32>
        %parallel_loop3A_544 = arith.mulf %parallel_loop3A_499, %parallel_loop3A_542 : vector<16xf32>
        %parallel_loop3A_545 = arith.constant 80 : i32
        %parallel_loop3A_546 = arith.addi %parallel_loop3A_131, %parallel_loop3A_545 : i32
        %parallel_loop3A_547 = arith.index_cast %parallel_loop3A_546 : i32 to index
        %parallel_loop3A_548 = tpu.vector_load %arg14[%parallel_loop3A_547] {strides = array<i32>} : memref<20480xf32, #tpu.memory_space<vmem>>, vector<16xf32>,
        tpu.vector_store %arg14[%parallel_loop3A_547], %parallel_loop3A_544 {strides = array<i32>} : memref<20480xf32, #tpu.memory_space<vmem>>, vector<16xf32>,
        %parallel_loop3A_549 = arith.mulf %parallel_loop3A_504, %parallel_loop3A_543 : vector<16xf32>
        %parallel_loop3A_550 = arith.constant 128 : i32
        %parallel_loop3A_551 = arith.addi %parallel_loop3A_131, %parallel_loop3A_550 : i32
        %parallel_loop3A_552 = arith.constant 80 : i32
        %parallel_loop3A_553 = arith.addi %parallel_loop3A_551, %parallel_loop3A_552 : i32
        %parallel_loop3A_554 = arith.index_cast %parallel_loop3A_553 : i32 to index
        %parallel_loop3A_555 = tpu.vector_load %arg14[%parallel_loop3A_554] {strides = array<i32>} : memref<20480xf32, #tpu.memory_space<vmem>>, vector<16xf32>,
        tpu.vector_store %arg14[%parallel_loop3A_554], %parallel_loop3A_549 {strides = array<i32>} : memref<20480xf32, #tpu.memory_space<vmem>>, vector<16xf32>,
        %parallel_loop3A_556 = arith.mulf %parallel_loop3A_509, %parallel_loop3A_543 : vector<16xf32>
        %parallel_loop3A_557 = arith.constant 256 : i32
        %parallel_loop3A_558 = arith.addi %parallel_loop3A_131, %parallel_loop3A_557 : i32
        %parallel_loop3A_559 = arith.constant 80 : i32
        %parallel_loop3A_560 = arith.addi %parallel_loop3A_558, %parallel_loop3A_559 : i32
        %parallel_loop3A_561 = arith.index_cast %parallel_loop3A_560 : i32 to index
        %parallel_loop3A_562 = tpu.vector_load %arg14[%parallel_loop3A_561] {strides = array<i32>} : memref<20480xf32, #tpu.memory_space<vmem>>, vector<16xf32>,
        tpu.vector_store %arg14[%parallel_loop3A_561], %parallel_loop3A_556 {strides = array<i32>} : memref<20480xf32, #tpu.memory_space<vmem>>, vector<16xf32>,
        %parallel_loop3A_563 = arith.mulf %parallel_loop3A_514, %parallel_loop3A_543 : vector<16xf32>
        %parallel_loop3A_564 = arith.constant 384 : i32
        %parallel_loop3A_565 = arith.addi %parallel_loop3A_131, %parallel_loop3A_564 : i32
        %parallel_loop3A_566 = arith.constant 80 : i32
        %parallel_loop3A_567 = arith.addi %parallel_loop3A_565, %parallel_loop3A_566 : i32
        %parallel_loop3A_568 = arith.index_cast %parallel_loop3A_567 : i32 to index
        %parallel_loop3A_569 = tpu.vector_load %arg14[%parallel_loop3A_568] {strides = array<i32>} : memref<20480xf32, #tpu.memory_space<vmem>>, vector<16xf32>,
        tpu.vector_store %arg14[%parallel_loop3A_568], %parallel_loop3A_563 {strides = array<i32>} : memref<20480xf32, #tpu.memory_space<vmem>>, vector<16xf32>,
        %parallel_loop3A_570 = arith.index_cast %parallel_loop3A_129 : i32 to index
        %parallel_loop3A_571 = arith.constant 96 : index
        %parallel_loop3A_572 = tpu.vector_load %arg13[%parallel_loop3A_570, %parallel_loop3A_571] {strides = array<i32>} : memref<160x128xf32, #tpu.memory_space<vmem>>, vector<16xf32>,
        %parallel_loop3A_573 = arith.constant 40 : i32
        %parallel_loop3A_574 = arith.addi %parallel_loop3A_573, %parallel_loop3A_129 : i32
        %parallel_loop3A_575 = arith.index_cast %parallel_loop3A_574 : i32 to index
        %parallel_loop3A_576 = arith.constant 96 : index
        %parallel_loop3A_577 = tpu.vector_load %arg13[%parallel_loop3A_575, %parallel_loop3A_576] {strides = array<i32>} : memref<160x128xf32, #tpu.memory_space<vmem>>, vector<16xf32>,
        %parallel_loop3A_578 = arith.constant 80 : i32
        %parallel_loop3A_579 = arith.addi %parallel_loop3A_578, %parallel_loop3A_129 : i32
        %parallel_loop3A_580 = arith.index_cast %parallel_loop3A_579 : i32 to index
        %parallel_loop3A_581 = arith.constant 96 : index
        %parallel_loop3A_582 = tpu.vector_load %arg13[%parallel_loop3A_580, %parallel_loop3A_581] {strides = array<i32>} : memref<160x128xf32, #tpu.memory_space<vmem>>, vector<16xf32>,
        %parallel_loop3A_583 = arith.constant 120 : i32
        %parallel_loop3A_584 = arith.addi %parallel_loop3A_583, %parallel_loop3A_129 : i32
        %parallel_loop3A_585 = arith.index_cast %parallel_loop3A_584 : i32 to index
        %parallel_loop3A_586 = arith.constant 96 : index
        %parallel_loop3A_587 = tpu.vector_load %arg13[%parallel_loop3A_585, %parallel_loop3A_586] {strides = array<i32>} : memref<160x128xf32, #tpu.memory_space<vmem>>, vector<16xf32>,
        %parallel_loop3A_588 = arith.mulf %parallel_loop3A_572, %parallel_loop3A_572 : vector<16xf32>
        %parallel_loop3A_589 = arith.constant 9.99999997E-7 : f32
        %parallel_loop3A_590 = vector.broadcast %parallel_loop3A_589 : f32 to vector<16xf32>
        %parallel_loop3A_591 = arith.addf %parallel_loop3A_588, %parallel_loop3A_590 : vector<16xf32>
        %parallel_loop3A_592 = arith.mulf %parallel_loop3A_577, %parallel_loop3A_577 : vector<16xf32>
        %parallel_loop3A_593 = arith.mulf %parallel_loop3A_582, %parallel_loop3A_582 : vector<16xf32>
        %parallel_loop3A_594 = arith.addf %parallel_loop3A_592, %parallel_loop3A_593 : vector<16xf32>
        %parallel_loop3A_595 = arith.mulf %parallel_loop3A_587, %parallel_loop3A_587 : vector<16xf32>
        %parallel_loop3A_596 = arith.addf %parallel_loop3A_594, %parallel_loop3A_595 : vector<16xf32>
        %parallel_loop3A_597 = arith.mulf %parallel_loop3A_596, %mul3A_24 : vector<16xf32>
        %parallel_loop3A_598 = arith.addf %parallel_loop3A_591, %parallel_loop3A_597 : vector<16xf32>
        %parallel_loop3A_599 = vector.bitcast %parallel_loop3A_598 : vector<16xf32> to vector<16xi32>
        %parallel_loop3A_600 = arith.constant 1 : i32
        %parallel_loop3A_601 = vector.broadcast %parallel_loop3A_600 : i32 to vector<16xi32>
        %parallel_loop3A_602 = arith.shrui %parallel_loop3A_599, %parallel_loop3A_601 : vector<16xi32>
        %parallel_loop3A_603 = arith.constant 1595932665 : i32
        %parallel_loop3A_604 = vector.broadcast %parallel_loop3A_603 : i32 to vector<16xi32>
        %parallel_loop3A_605 = arith.subi %parallel_loop3A_604, %parallel_loop3A_602 : vector<16xi32>
        %parallel_loop3A_606 = vector.bitcast %parallel_loop3A_605 : vector<16xi32> to vector<16xf32>
        %parallel_loop3A_607 = arith.constant 0.703952252 : f32
        %parallel_loop3A_608 = vector.broadcast %parallel_loop3A_607 : f32 to vector<16xf32>
        %parallel_loop3A_609 = arith.mulf %parallel_loop3A_608, %parallel_loop3A_606 : vector<16xf32>
        %parallel_loop3A_610 = arith.mulf %parallel_loop3A_598, %parallel_loop3A_606 : vector<16xf32>
        %parallel_loop3A_611 = arith.mulf %parallel_loop3A_610, %parallel_loop3A_606 : vector<16xf32>
        %parallel_loop3A_612 = arith.constant 2.38924456 : f32
        %parallel_loop3A_613 = vector.broadcast %parallel_loop3A_612 : f32 to vector<16xf32>
        %parallel_loop3A_614 = arith.subf %parallel_loop3A_613, %parallel_loop3A_611 : vector<16xf32>
        %parallel_loop3A_615 = arith.mulf %parallel_loop3A_609, %parallel_loop3A_614 : vector<16xf32>
        %parallel_loop3A_616 = arith.mulf %parallel_loop3A_615, %get3A_15 : vector<16xf32>
        %parallel_loop3A_617 = arith.mulf %parallel_loop3A_572, %parallel_loop3A_615 : vector<16xf32>
        %parallel_loop3A_618 = arith.constant 96 : i32
        %parallel_loop3A_619 = arith.addi %parallel_loop3A_131, %parallel_loop3A_618 : i32
        %parallel_loop3A_620 = arith.index_cast %parallel_loop3A_619 : i32 to index
        %parallel_loop3A_621 = tpu.vector_load %arg14[%parallel_loop3A_620] {strides = array<i32>} : memref<20480xf32, #tpu.memory_space<vmem>>, vector<16xf32>,
        tpu.vector_store %arg14[%parallel_loop3A_620], %parallel_loop3A_617 {strides = array<i32>} : memref<20480xf32, #tpu.memory_space<vmem>>, vector<16xf32>,
        %parallel_loop3A_622 = arith.mulf %parallel_loop3A_577, %parallel_loop3A_616 : vector<16xf32>
        %parallel_loop3A_623 = arith.constant 128 : i32
        %parallel_loop3A_624 = arith.addi %parallel_loop3A_131, %parallel_loop3A_623 : i32
        %parallel_loop3A_625 = arith.constant 96 : i32
        %parallel_loop3A_626 = arith.addi %parallel_loop3A_624, %parallel_loop3A_625 : i32
        %parallel_loop3A_627 = arith.index_cast %parallel_loop3A_626 : i32 to index
        %parallel_loop3A_628 = tpu.vector_load %arg14[%parallel_loop3A_627] {strides = array<i32>} : memref<20480xf32, #tpu.memory_space<vmem>>, vector<16xf32>,
        tpu.vector_store %arg14[%parallel_loop3A_627], %parallel_loop3A_622 {strides = array<i32>} : memref<20480xf32, #tpu.memory_space<vmem>>, vector<16xf32>,
        %parallel_loop3A_629 = arith.mulf %parallel_loop3A_582, %parallel_loop3A_616 : vector<16xf32>
        %parallel_loop3A_630 = arith.constant 256 : i32
        %parallel_loop3A_631 = arith.addi %parallel_loop3A_131, %parallel_loop3A_630 : i32
        %parallel_loop3A_632 = arith.constant 96 : i32
        %parallel_loop3A_633 = arith.addi %parallel_loop3A_631, %parallel_loop3A_632 : i32
        %parallel_loop3A_634 = arith.index_cast %parallel_loop3A_633 : i32 to index
        %parallel_loop3A_635 = tpu.vector_load %arg14[%parallel_loop3A_634] {strides = array<i32>} : memref<20480xf32, #tpu.memory_space<vmem>>, vector<16xf32>,
        tpu.vector_store %arg14[%parallel_loop3A_634], %parallel_loop3A_629 {strides = array<i32>} : memref<20480xf32, #tpu.memory_space<vmem>>, vector<16xf32>,
        %parallel_loop3A_636 = arith.mulf %parallel_loop3A_587, %parallel_loop3A_616 : vector<16xf32>
        %parallel_loop3A_637 = arith.constant 384 : i32
        %parallel_loop3A_638 = arith.addi %parallel_loop3A_131, %parallel_loop3A_637 : i32
        %parallel_loop3A_639 = arith.constant 96 : i32
        %parallel_loop3A_640 = arith.addi %parallel_loop3A_638, %parallel_loop3A_639 : i32
        %parallel_loop3A_641 = arith.index_cast %parallel_loop3A_640 : i32 to index
        %parallel_loop3A_642 = tpu.vector_load %arg14[%parallel_loop3A_641] {strides = array<i32>} : memref<20480xf32, #tpu.memory_space<vmem>>, vector<16xf32>,
        tpu.vector_store %arg14[%parallel_loop3A_641], %parallel_loop3A_636 {strides = array<i32>} : memref<20480xf32, #tpu.memory_space<vmem>>, vector<16xf32>,
        %parallel_loop3A_643 = arith.index_cast %parallel_loop3A_129 : i32 to index
        %parallel_loop3A_644 = arith.constant 112 : index
        %parallel_loop3A_645 = tpu.vector_load %arg13[%parallel_loop3A_643, %parallel_loop3A_644] {strides = array<i32>} : memref<160x128xf32, #tpu.memory_space<vmem>>, vector<16xf32>,
        %parallel_loop3A_646 = arith.constant 40 : i32
        %parallel_loop3A_647 = arith.addi %parallel_loop3A_646, %parallel_loop3A_129 : i32
        %parallel_loop3A_648 = arith.index_cast %parallel_loop3A_647 : i32 to index
        %parallel_loop3A_649 = arith.constant 112 : index
        %parallel_loop3A_650 = tpu.vector_load %arg13[%parallel_loop3A_648, %parallel_loop3A_649] {strides = array<i32>} : memref<160x128xf32, #tpu.memory_space<vmem>>, vector<16xf32>,
        %parallel_loop3A_651 = arith.constant 80 : i32
        %parallel_loop3A_652 = arith.addi %parallel_loop3A_651, %parallel_loop3A_129 : i32
        %parallel_loop3A_653 = arith.index_cast %parallel_loop3A_652 : i32 to index
        %parallel_loop3A_654 = arith.constant 112 : index
        %parallel_loop3A_655 = tpu.vector_load %arg13[%parallel_loop3A_653, %parallel_loop3A_654] {strides = array<i32>} : memref<160x128xf32, #tpu.memory_space<vmem>>, vector<16xf32>,
        %parallel_loop3A_656 = arith.constant 120 : i32
        %parallel_loop3A_657 = arith.addi %parallel_loop3A_656, %parallel_loop3A_129 : i32
        %parallel_loop3A_658 = arith.index_cast %parallel_loop3A_657 : i32 to index
        %parallel_loop3A_659 = arith.constant 112 : index
        %parallel_loop3A_660 = tpu.vector_load %arg13[%parallel_loop3A_658, %parallel_loop3A_659] {strides = array<i32>} : memref<160x128xf32, #tpu.memory_space<vmem>>, vector<16xf32>,
        %parallel_loop3A_661 = arith.mulf %parallel_loop3A_645, %parallel_loop3A_645 : vector<16xf32>
        %parallel_loop3A_662 = arith.constant 9.99999997E-7 : f32
        %parallel_loop3A_663 = vector.broadcast %parallel_loop3A_662 : f32 to vector<16xf32>
        %parallel_loop3A_664 = arith.addf %parallel_loop3A_661, %parallel_loop3A_663 : vector<16xf32>
        %parallel_loop3A_665 = arith.mulf %parallel_loop3A_650, %parallel_loop3A_650 : vector<16xf32>
        %parallel_loop3A_666 = arith.mulf %parallel_loop3A_655, %parallel_loop3A_655 : vector<16xf32>
        %parallel_loop3A_667 = arith.addf %parallel_loop3A_665, %parallel_loop3A_666 : vector<16xf32>
        %parallel_loop3A_668 = arith.mulf %parallel_loop3A_660, %parallel_loop3A_660 : vector<16xf32>
        %parallel_loop3A_669 = arith.addf %parallel_loop3A_667, %parallel_loop3A_668 : vector<16xf32>
        %parallel_loop3A_670 = arith.mulf %parallel_loop3A_669, %mul3A_25 : vector<16xf32>
        %parallel_loop3A_671 = arith.addf %parallel_loop3A_664, %parallel_loop3A_670 : vector<16xf32>
        %parallel_loop3A_672 = vector.bitcast %parallel_loop3A_671 : vector<16xf32> to vector<16xi32>
        %parallel_loop3A_673 = arith.constant 1 : i32
        %parallel_loop3A_674 = vector.broadcast %parallel_loop3A_673 : i32 to vector<16xi32>
        %parallel_loop3A_675 = arith.shrui %parallel_loop3A_672, %parallel_loop3A_674 : vector<16xi32>
        %parallel_loop3A_676 = arith.constant 1595932665 : i32
        %parallel_loop3A_677 = vector.broadcast %parallel_loop3A_676 : i32 to vector<16xi32>
        %parallel_loop3A_678 = arith.subi %parallel_loop3A_677, %parallel_loop3A_675 : vector<16xi32>
        %parallel_loop3A_679 = vector.bitcast %parallel_loop3A_678 : vector<16xi32> to vector<16xf32>
        %parallel_loop3A_680 = arith.constant 0.703952252 : f32
        %parallel_loop3A_681 = vector.broadcast %parallel_loop3A_680 : f32 to vector<16xf32>
        %parallel_loop3A_682 = arith.mulf %parallel_loop3A_681, %parallel_loop3A_679 : vector<16xf32>
        %parallel_loop3A_683 = arith.mulf %parallel_loop3A_671, %parallel_loop3A_679 : vector<16xf32>
        %parallel_loop3A_684 = arith.mulf %parallel_loop3A_683, %parallel_loop3A_679 : vector<16xf32>
        %parallel_loop3A_685 = arith.constant 2.38924456 : f32
        %parallel_loop3A_686 = vector.broadcast %parallel_loop3A_685 : f32 to vector<16xf32>
        %parallel_loop3A_687 = arith.subf %parallel_loop3A_686, %parallel_loop3A_684 : vector<16xf32>
        %parallel_loop3A_688 = arith.mulf %parallel_loop3A_682, %parallel_loop3A_687 : vector<16xf32>
        %parallel_loop3A_689 = arith.mulf %parallel_loop3A_688, %get3A_17 : vector<16xf32>
        %parallel_loop3A_690 = arith.mulf %parallel_loop3A_645, %parallel_loop3A_688 : vector<16xf32>
        %parallel_loop3A_691 = arith.constant 112 : i32
        %parallel_loop3A_692 = arith.addi %parallel_loop3A_131, %parallel_loop3A_691 : i32
        %parallel_loop3A_693 = arith.index_cast %parallel_loop3A_692 : i32 to index
        %parallel_loop3A_694 = tpu.vector_load %arg14[%parallel_loop3A_693] {strides = array<i32>} : memref<20480xf32, #tpu.memory_space<vmem>>, vector<16xf32>,
        tpu.vector_store %arg14[%parallel_loop3A_693], %parallel_loop3A_690 {strides = array<i32>} : memref<20480xf32, #tpu.memory_space<vmem>>, vector<16xf32>,
        %parallel_loop3A_695 = arith.mulf %parallel_loop3A_650, %parallel_loop3A_689 : vector<16xf32>
        %parallel_loop3A_696 = arith.constant 128 : i32
        %parallel_loop3A_697 = arith.addi %parallel_loop3A_131, %parallel_loop3A_696 : i32
        %parallel_loop3A_698 = arith.constant 112 : i32
        %parallel_loop3A_699 = arith.addi %parallel_loop3A_697, %parallel_loop3A_698 : i32
        %parallel_loop3A_700 = arith.index_cast %parallel_loop3A_699 : i32 to index
        %parallel_loop3A_701 = tpu.vector_load %arg14[%parallel_loop3A_700] {strides = array<i32>} : memref<20480xf32, #tpu.memory_space<vmem>>, vector<16xf32>,
        tpu.vector_store %arg14[%parallel_loop3A_700], %parallel_loop3A_695 {strides = array<i32>} : memref<20480xf32, #tpu.memory_space<vmem>>, vector<16xf32>,
        %parallel_loop3A_702 = arith.mulf %parallel_loop3A_655, %parallel_loop3A_689 : vector<16xf32>
        %parallel_loop3A_703 = arith.constant 256 : i32
        %parallel_loop3A_704 = arith.addi %parallel_loop3A_131, %parallel_loop3A_703 : i32
        %parallel_loop3A_705 = arith.constant 112 : i32
        %parallel_loop3A_706 = arith.addi %parallel_loop3A_704, %parallel_loop3A_705 : i32
        %parallel_loop3A_707 = arith.index_cast %parallel_loop3A_706 : i32 to index
        %parallel_loop3A_708 = tpu.vector_load %arg14[%parallel_loop3A_707] {strides = array<i32>} : memref<20480xf32, #tpu.memory_space<vmem>>, vector<16xf32>,
        tpu.vector_store %arg14[%parallel_loop3A_707], %parallel_loop3A_702 {strides = array<i32>} : memref<20480xf32, #tpu.memory_space<vmem>>, vector<16xf32>,
        %parallel_loop3A_709 = arith.mulf %parallel_loop3A_660, %parallel_loop3A_689 : vector<16xf32>
        %parallel_loop3A_710 = arith.constant 384 : i32
        %parallel_loop3A_711 = arith.addi %parallel_loop3A_131, %parallel_loop3A_710 : i32
        %parallel_loop3A_712 = arith.constant 112 : i32
        %parallel_loop3A_713 = arith.addi %parallel_loop3A_711, %parallel_loop3A_712 : i32
        %parallel_loop3A_714 = arith.index_cast %parallel_loop3A_713 : i32 to index
        %parallel_loop3A_715 = tpu.vector_load %arg14[%parallel_loop3A_714] {strides = array<i32>} : memref<20480xf32, #tpu.memory_space<vmem>>, vector<16xf32>,
        tpu.vector_store %arg14[%parallel_loop3A_714], %parallel_loop3A_709 {strides = array<i32>} : memref<20480xf32, #tpu.memory_space<vmem>>, vector<16xf32>,
      } {sc.loop_unroll_factor = 8 : i64, sc.parallel_access}
      %mul3A_122 = arith.constant 40 : i32
      %mul3A_123 = arith.muli %add3A_100, %mul3A_122 : i32
      %add3A_124 = arith.addi %mul3A_2, %mul3A_123 : i32
      %mul3A_125 = arith.constant 512 : i32
      %mul3A_126 = arith.muli %add3A_124, %mul3A_125 : i32
      %dma_start3A_127 = tpu.memref_slice %arg8[%mul3A_126] : memref<26214400xf32, #tpu.memory_space<hbm>> -> memref<20480xf32, #tpu.memory_space<hbm>>
      %dma_start3A_128 = tpu.memref_slice %arg8[%mul3A_126] : memref<26214400xf32, #tpu.memory_space<hbm>> -> memref<20480xf32, #tpu.memory_space<hbm>>
      tpu.enqueue_dma source(%arg14 : memref<20480xf32, #tpu.memory_space<vmem>>) target(%dma_start3A_128 : memref<20480xf32, #tpu.memory_space<hbm>>) target_semaphore(%arg17 : memref<!tpu.dma_semaphore, #tpu.memory_space<semaphore_mem>>)
    }
    %scan3A_61 = arith.constant 20 : i32
    %dma_wait3A = arith.constant 0 : i32
    %dma_wait3A_62 = tpu.memref_slice %arg8[%dma_wait3A] : memref<26214400xf32, #tpu.memory_space<hbm>> -> memref<20480xf32, #tpu.memory_space<hbm>>
    %dma_wait3A_63 = arith.constant 0 : i32
    %dma_wait3A_64 = tpu.memref_slice %arg8[%dma_wait3A_63] : memref<26214400xf32, #tpu.memory_space<hbm>> -> memref<20480xf32, #tpu.memory_space<hbm>>
    tpu.wait_dma2 semaphore(%arg17 : memref<!tpu.dma_semaphore, #tpu.memory_space<semaphore_mem>>) src(%arg12 : memref<20480xf32, #tpu.memory_space<vmem>>) dst(%dma_wait3A_64 : memref<20480xf32, #tpu.memory_space<hbm>>)
    %dma_wait3A_65 = arith.constant 0 : i32
    %dma_wait3A_66 = tpu.memref_slice %arg8[%dma_wait3A_65] : memref<26214400xf32, #tpu.memory_space<hbm>> -> memref<20480xf32, #tpu.memory_space<hbm>>
    %dma_wait3A_67 = arith.constant 0 : i32
    %dma_wait3A_68 = tpu.memref_slice %arg8[%dma_wait3A_67] : memref<26214400xf32, #tpu.memory_space<hbm>> -> memref<20480xf32, #tpu.memory_space<hbm>>
    tpu.wait_dma2 semaphore(%arg17 : memref<!tpu.dma_semaphore, #tpu.memory_space<semaphore_mem>>) src(%arg14 : memref<20480xf32, #tpu.memory_space<vmem>>) dst(%dma_wait3A_68 : memref<20480xf32, #tpu.memory_space<hbm>>)
    return
  }
}

</mosaic_0001>

<sc_bundles>
// kernel: kernel.3.cloned.1.call-start
scs
__scs_entry_jumppad:
0x0: {  	(pc) =	sbr.rel $0x88, $3  }
0x1: {  	(tag) =	ssettag $0x0;
	lr =	simm.s32 $0x1  }
0x2: {  	[smem:$0x3F9C] =	sst lr;
	_ =	strace $0xD0000000  }
0x3: {  	_ = 	snop  }
0x4: {  	_ = 	snop  }
0x5: {  	_ = 	snop  }
0x6: {  	_ = 	snop  }
0x7: {  	_ = 	snop  }
__scs_overlays_trampoline_lowered:
0x8: {  	[smem:$0x3FAB] =	sst s0  }
0x9: {  	[smem:$0x3FAC] =	sst s1  }
0xa: {  	[smem:$0x3FAD] =	sst s2  }
0xb: {  	[smem:$0x3FAE] =	sst s3  }
0xc: {  	[smem:$0x3FAF] =	sst s4  }
0xd: {  	[smem:$0x3FB0] =	sst s5  }
0xe: {  	[smem:$0x3FB1] =	sst s6  }
0xf: {  	[smem:$0x3FB2] =	sst s7  }
0x10: {  	[smem:$0x3FB3] =	sst s8  }
0x11: {  	[smem:$0x3FB4] =	sst s9;
	s0 =	simm.s32 @!p0 $0x0  }
0x12: {  	s1 =	sld [smem:$0x3F9A];
	s0 =	simm.s32 @p0 $0x1  }
0x13: {  	[smem:$0x3FB5] =	sst s0;
	s0 =	simm.s32 @!p1 $0x0  }
0x14: {  	s2 =	sld [smem:$0x3F99];
	s0 =	simm.s32 @p1 $0x1  }
0x15: {  	[smem:$0x3FB6] =	sst s0;
	s0 =	simm.s32 @!p2 $0x0  }
0x16: {  	s3 =	sld [smem:$0x3FDB];
	s0 =	simm.s32 @p2 $0x1  }
0x17: {  	s4 =	simm.s32 $0x1BF5;
	[smem:$0x3FB8] =	sst s0  }
0x18: {  	s0 =	sld [smem:$0x3F9B];
	_ =	swait.ge [sflag:s4], $0x0  }
0x19: {  	s7 =	sld [smem:$0x3F9C]  }
0x1a: {  	s8 =	sadd.s32 $0xFFFFE003, lr  }
0x1b: {  	s9 =	sadd.s32 $0xFFFFFEF7, lr;
	s5 =	simm.s32 $0xFFFFFFFF;
	p2 =	slt.u32 s8, $0xFFFFF086  }
0x1c: {  	p1 =	slt.u32 s9, $0xF7A;
	s5 =	simm.s32 @!p2 $0x0  }
0x1d: {  	s5 =	simm.s32 @p1 $0x1;
	p0 =	seq.s32 s7, s2  }
0x1e: {  	s7 =	smul.u32 @!p0 $0xF7A, s2;
	p2 =	seq.s32 @!p0 s5, $0x0  }
0x1f: {  	s9 =	smul.u32 $0xF7A, s1;
	s8 =	simm.s32 @!p0 $0x1BF5;
	p2 =	por !p2, p0  }
0x20: {  	[sflag:s8] =	ssyncset.s32 @!p0 $0xFFFFF086;
	s6 =	sadd.s32 @!p0 s3, s7;
	s7 =	simm.s32 @!p0 $0x108  }
0x21: {  	s3 =	sadd.s32 s3, s9;
	s6 =	sadd.s32 @!p0 $0x88, s6;
	s7 =	simm.s32 @p2 $0x1082  }
0x22: {  	[simem:s7], [sflag:s8] =	dma.local @!p0 [hbm:s6], $0xF7A  }
0x23: {  	s9 =	sor.u32 $0xD0000000, s2;
	s6 =	simm.s32 $0x108;
	_ =	swait.ge @!p0 [sflag:s8], $0x0  }
0x24: {  	s3 =	sadd.s32 $0x88, s3;
	s6 =	simm.s32 @!p1 $0x1082;
	[sflag:s4] =	ssyncset.s32 $0xFFFFF086  }
0x25: {  	[simem:s6], [sflag:s4] =	dma.local [hbm:s3], $0xF7A  }
0x26: {  	[smem:$0x3F9C] =	sst s1;
	(tag) =	ssettag s2;
	_ =	strace s9  }
0x27: {  	s1 =	sld [smem:$0x3FAC]  }
0x28: {  	s2 =	sld [smem:$0x3FAD]  }
0x29: {  	s4 =	sld [smem:$0x3FAF]  }
0x2a: {  	p0 =	seq.s32 s5, $0x0;
	s5 =	sld [smem:$0x3FB0]  }
0x2b: {  	s6 =	sld [smem:$0x3FB1]  }
0x2c: {  	s7 =	sld [smem:$0x3FB2]  }
0x2d: {  	s3 =	simm.s32 $0x108;
	s8 =	sld [smem:$0x3FB3]  }
0x2e: {  	s3 =	simm.s32 @!p0 $0x1082;
	s9 =	sld [smem:$0x3FB4]  }
0x2f: {  	lr =	sadd.s32 s0, s3;
	s0 =	sld [smem:$0x3FAB]  }
0x30: {  	s3 =	sld [smem:$0x3FAE]  }
0x31: {  	[smem:$0x3FB7] =	sst s10  }
0x32: {  	s10 =	sld [smem:$0x3FB5];
	_ =	sdelay $0x3  }
0x33: {  	p0 =	seq.s32 s10, $0x1;
	s10 =	sld [smem:$0x3FB7];
	_ =	sdelay $0x3  }
0x34: {  	[smem:$0x3FB7] =	sst s10  }
0x35: {  	s10 =	sld [smem:$0x3FB6];
	_ =	sdelay $0x3  }
0x36: {  	p1 =	seq.s32 s10, $0x1;
	s10 =	sld [smem:$0x3FB7];
	_ =	sdelay $0x3  }
0x37: {  	[smem:$0x3FB7] =	sst s10  }
0x38: {  	s10 =	sld [smem:$0x3FB8]  }
0x39: {  	_ = 	snop;
	(pc) =	sbr.ind lr, $3  }
0x3a: {  	_ = 	snop  }
0x3b: {  	_ = 	snop  }
0x3c: {  	p2 =	seq.s32 s10, $0x1;
	s10 =	sld [smem:$0x3FB7]  }
0x3d: {  	_ =	shalt  }
0x3e: {  	_ =	shalt  }
0x3f: {  	_ =	shalt  }
0x40: {  	_ =	shalt  }
0x41: {  	_ =	shalt  }
0x42: {  	_ =	shalt  }
0x43: {  	_ =	shalt  }
0x44: {  	_ =	shalt  }
0x45: {  	_ =	shalt  }
0x46: {  	_ =	shalt  }
0x47: {  	_ =	shalt  }
0x48: {  	_ =	shalt  }
0x49: {  	_ =	shalt  }
0x4a: {  	_ =	shalt  }
0x4b: {  	_ =	shalt  }
0x4c: {  	_ =	shalt  }
0x4d: {  	_ =	shalt  }
0x4e: {  	_ =	shalt  }
0x4f: {  	_ =	shalt  }
0x50: {  	_ =	shalt  }
0x51: {  	_ =	shalt  }
0x52: {  	_ =	shalt  }
0x53: {  	_ =	shalt  }
0x54: {  	_ =	shalt  }
0x55: {  	_ =	shalt  }
0x56: {  	_ =	shalt  }
0x57: {  	_ =	shalt  }
0x58: {  	_ =	shalt  }
0x59: {  	_ =	shalt  }
0x5a: {  	_ =	shalt  }
0x5b: {  	_ =	shalt  }
0x5c: {  	_ =	shalt  }
0x5d: {  	_ =	shalt  }
0x5e: {  	_ =	shalt  }
0x5f: {  	_ =	shalt  }
0x60: {  	_ =	shalt  }
0x61: {  	_ =	shalt  }
0x62: {  	_ =	shalt  }
0x63: {  	_ =	shalt  }
0x64: {  	_ =	shalt  }
0x65: {  	_ =	shalt  }
0x66: {  	_ =	shalt  }
0x67: {  	_ =	shalt  }
0x68: {  	_ =	shalt  }
0x69: {  	_ =	shalt  }
0x6a: {  	_ =	shalt  }
0x6b: {  	_ =	shalt  }
0x6c: {  	_ =	shalt  }
0x6d: {  	_ =	shalt  }
0x6e: {  	_ =	shalt  }
0x6f: {  	_ =	shalt  }
0x70: {  	_ =	shalt  }
0x71: {  	_ =	shalt  }
0x72: {  	_ =	shalt  }
0x73: {  	_ =	shalt  }
0x74: {  	_ =	shalt  }
0x75: {  	_ =	shalt  }
0x76: {  	_ =	shalt  }
0x77: {  	_ =	shalt  }
0x78: {  	_ =	shalt  }
0x79: {  	_ =	shalt  }
0x7a: {  	_ =	shalt  }
0x7b: {  	_ =	shalt  }
0x7c: {  	_ =	shalt  }
0x7d: {  	_ =	shalt  }
0x7e: {  	_ =	shalt  }
0x7f: {  	_ =	shalt  }
0x80: {  	_ =	shalt  }
0x81: {  	_ =	shalt  }
0x82: {  	_ =	shalt  }
0x83: {  	_ =	shalt  }
0x84: {  	_ =	shalt  }
0x85: {  	_ =	shalt  }
0x86: {  	_ =	shalt  }
0x87: {  	_ =	shalt  }
.Lfunc_end0:
.L_simem_size_0:
called_computation_lowered:
.L_overlay_start_0:
0x88: {  	s2 =	sld [smem:$0x3FD9]  }
0x89: {  	s3 =	sld [smem:$0x3FFE];
	_ =	sdelay $0x1  }
0x8a: {  	s1 =	srdreg.scid  }
0x8b: {  	s0 =	sand.u32 $0x1, s1  }
0x8c: {  	s17 =	sshll.u32 s0, $0xA;
	s2 =	sadd.s32 s3, s2  }
0x8d: {  	s2 =	sadd.s32 s2, s17  }
0x8e: {  	[smem:$0x3FC3] =	sst s2  }
0x8f: {  	_ = 	snop  }
0x90: {  	s2 =	sld [smem:$0x3FC8]  }
0x91: {  	s18 =	sld [smem:$0x3FC7]  }
0x92: {  	s4 =	sld [smem:$0x3FC6]  }
0x93: {  	s5 =	sld [smem:$0x3FC5]  }
0x94: {  	s6 =	sld [smem:$0x3FD0];
	(tm) =	ssettm $0x1  }
0x95: {  	s7 =	sld [smem:$0x3FFB];
	_ =	sdelay $0x3  }
0x96: {  	_ =	strace s7  }
0x97: {  	s7 =	sld [smem:$0x3FFC];
	_ =	sdelay $0x3  }
0x98: {  	_ =	strace s7  }
0x99: {  	s7 =	sld [smem:$0x3FFD];
	_ =	sdelay $0x3  }
0x9a: {  	_ =	strace s7  }
0x9b: {  	_ =	strace $0x8FFFFFFF  }
0x9c: {  	s19 =	sld [smem:$0x3FDB];
	_ =	sdelay $0x1  }
0x9d: {  	s8 =	simm.s32 $_scs_section_size  }
0x9e: {  	s9 =	simm.s32 $_size__tile_overlayer_lowered;
	s10 =	simm.s32 $_tile_overlayer_lowered  }
0x9f: {  	s22 =	simm.s32 $0x1BFF;
	s21 =	sshll.u32 s10, $0x1;
	s7 =	sadd.s32 s8, s19  }
0xa0: {  	s11 =	simm.s32 $0x0;
	s20 =	sshll.u32 s9, $0x1;
	s9 =	sadd.s32 s21, s7  }
0xa1: {  	[timem:s11], [sflag:s22] =	dma.local [hbm:s9], s20  }
0xa2: {  	_ =	swait.ge [sflag:s22], s20  }
0xa3: {  	s8 =	ssub.s32 $0x0, s20;
	[sflag:s22] =	ssyncset.done $0x0  }
0xa4: {  	[sflag:s22] =	ssyncadd.s32 s8;
	_ =	sdelay $0x1  }
0xa5: {  	s23 =	simm.s32 $0x1B8B  }
0xa6: {  	_ =	swait.ge [sflag:s23], $0x1  }
0xa7: {  	[sflag:s23] =	ssyncset.done $0x0  }
0xa8: {  	s25 =	simm.s32 $0x1B8E;
	s24 =	sld [smem:$0x3FFE];
	[sflag:s23] =	ssyncadd.s32 $0xFFFFFFFF  }
0xa9: {  	s26 =	simm.s32 $execute0_lowered;
	[smem:$0x3FD2] =	sst s25  }
0xaa: {  	s9 =	sshll.u32 s26, $0x1;
	_ =	strace $0x80000046;
	[dreg:$0x1] =	wrdreg $0xFFFFFFFF  }
0xab: {  	s28 =	simm.s32 $_size_execute0_lowered;
	s7 =	sadd.s32 s7, s9;
	[dreg:$0x0] =	wrdreg $0x0  }
0xac: {  	s9 =	sshll.u32 s28, $0x1;
	[dreg:$0x2] =	wrdreg s7  }
0xad: {  	[dreg:$0x3] =	wrdreg s9  }
0xae: {  	[dreg:$0x4] =	wrdreg $0xC0  }
0xaf: {  	_ =	task [dreg:s11], $0x5FFFF  }
0xb0: {  	[dreg:$0x1] =	wrdreg $0xFFFFFFFF  }
0xb1: {  	[dreg:$0x0] =	wrdreg $0x60  }
0xb2: {  	[dreg:$0x2] =	wrdreg s24  }
0xb3: {  	[dreg:$0x3] =	wrdreg s2  }
0xb4: {  	[dreg:$0x4] =	wrdreg s18  }
0xb5: {  	[dreg:$0x5] =	wrdreg s4  }
0xb6: {  	[dreg:$0x6] =	wrdreg s5  }
0xb7: {  	[dreg:$0x7] =	wrdreg s6  }
0xb8: {  	[dreg:$0x8] =	wrdreg $0x9  }
0xb9: {  	_ =	task.clear_ibuf [dreg:s11], $0x9FFFF;
	_ =	strace $0x90000046  }
0xba: {  	s29 =	simm.s32 $0x9;
	_ =	strace $0x80000048  }
0xbb: {  	_ =	swait.ge [sflag:s29], $0x1  }
0xbc: {  	[sflag:s29] =	ssyncadd.s32 $0xFFFFFFFF  }
0xbd: {  	_ =	strace $0x90000048  }
0xbe: {  	_ =	sfence  }
0xbf: {  	s30 =	sld [smem:$0x0];
	_ =	sdelay $0x2  }
0xc0: {  	s31 =	sshll.u32 s1, $0xD;
	s1 =	sshrl.u32 s1, $0x2  }
0xc1: {  	s3 =	sand.u32 $0x4000, s31;
	s1 =	sadd.s32 s1, s30  }
0xc2: {  	s0 =	sor.u32 s3, s0;
	s1 =	sshll.u32 s1, $0x11  }
0xc3: {  	s0 =	sor.u32 s1, s0  }
0xc4: {  	s0 =	sadd.s32 $0x8F2B, s0  }
0xc5: {  	[sflag:s0] =	ssyncadd.remote.s32 $0x1  }
0xc6: {  	_ =	sfence.sel $0xFFFF  }
0xc7: {  	[dreg:$0x0] =	wrdreg $0xFFFFFFFF;
	(pc) =	sbr.abs _section_cstart, $3  }
0xc8: {  	[dreg:$0x1] =	wrdreg $0xFFFFFFFF  }
0xc9: {  	_ =	task.clear_ibuf [dreg:s11], $0x2FFFF;
	_ =	strace $0x9FFFFFFF  }
0xca: {  	(tm) =	ssettm $0x7FFFFFFF  }
0xcb: {  	_ =	shalt  }
tec
execute0_lowered:
.L_overlay_start_1:
0x0: {  	(tag) =	ssettag $0x1  }
0x1: {  	s0 =	rddreg [dreg:$0x0]  }
0x2: {  	s1 =	rddreg [dreg:$0x1]  }
0x3: {  	s2 =	rddreg [dreg:$0x2]  }
0x4: {  	s4 =	srdreg.scid;
	s5 =	stileid.u32  }
0x5: {  	s3 =	rddreg [dreg:$0x3];
	s4 =	sand.u32 $0x1, s4;
	s6 =	sshll.u32 s5, $0x1  }
0x6: {  	s8 =	simm.s32 $0x0;
	s5 =	rddreg [dreg:$0x4];
	s7 =	sor.u32 s4, s6  }
0x7: {  	s14 =	simm.s32 $0x28;
	[smem:$0x7FF] =	sst s8;
	s7 =	smul.u32 $0x640, s7  }
0x8: {  	s19 =	simm.s32 $0x1;
	s25 =	simm.s32 $0x2;
	s6 =	rddreg [dreg:$0x5]  }
0x9: {  	s4 =	ssub.s32 $0x2, s4;
	_ =	strace $0x80000047;
	s9 =	sshrl.u32 s7, $0x3  }
0xa: {  	s10 =	sshrl.u32 s4, $0x1;
	s9 =	sadd.s32 s9, s0;
	s0 =	sadd.s32 $0x400, s0  }
0xb: {  	s30 =	ssub.s32 s4, s10;
	[dreg:$0x7] =	wrdreg s0;
	s31 =	sadd.s32 $0x600, s9  }
0xc: {  	s26 =	simm.s32 $0xF700;
	s0 =	smax.u32 s30, $0x1;
	[dreg:$0x8] =	wrdreg s31  }
0xd: {  	s28 =	simm.s32 $0x3;
	s4 =	simm.s32 $0x0;
	[dreg:$0x9] =	wrdreg s0  }
.LBB2_1:
0xe: {  	[dreg:$0xa] =	wrdreg s4  }
0xf: {  	s0 =	rddreg [dreg:$0x8];
	s21 =	simm.s32 $0x4  }
0x10: {  	[tilespmem:s8], [sflag:$0x4] =	stream.linear.gather [hbm4b:s0+s8], $0x640, $0x38;
	[tilespmem:$0x14700] =	vst v63  }
0x11: {  	_ =	swait.ge [sflag:s21], $0x640  }
0x12: {  	[sflag:s21] =	ssyncset.done $0x0  }
0x13: {  	s9 =	simm.s32 $0x680;
	s22 =	rddreg [dreg:$0x7];
	[sflag:s21] =	ssyncadd.s32 $0xFFFFF9C0  }
0x14: {  	[tilespmem:s9], [sflag:$0x4] =	stream.linear.gather [hbm4b:s22+s8], $0x80, $0x38;
	[tilespmem:$0x14700] =	vst v63  }
0x15: {  	_ =	swait.ge [sflag:s21], $0x80  }
0x16: {  	[sflag:s21] =	ssyncset.done $0x0  }
0x17: {  	[sflag:s21] =	ssyncadd.s32 $0xFFFFFF80  }
0x18: {  	v0 =	vld [tilespmem:$0x680]  }
0x19: {  	v1 =	vld [tilespmem:$0x690]  }
0x1a: {  	v2 =	vld [tilespmem:$0x6A0]  }
0x1b: {  	v3 =	vld [tilespmem:$0x6B0]  }
0x1c: {  	v4 =	vld [tilespmem:$0x6C0]  }
0x1d: {  	v5 =	vld [tilespmem:$0x6D0]  }
0x1e: {  	s23 =	simm.s32 $0x700;
	v6 =	vld [tilespmem:$0x6E0]  }
0x1f: {  	v7 =	vld [tilespmem:$0x6F0];
	[tilespmem:s23], [sflag:$0x1] =	stream.indirect.gather [hbm4b:s1+s14], $0x80, s8, s14, $0xb8  }
0x20: {  	s24 =	simm.s32 $0x1B00  }
0x21: {  	[tilespmem:s24], [sflag:$0x1] =	stream.indirect.gather [hbm4b:s2+s14], $0x80, s8, s14, $0xb8;
	[tilespmem:$0x14700] =	vst v63  }
0x22: {  	s29 =	simm.s32 $0x2F00;
	v8 =	vmul.f32 v0, v0;
	v9 =	vmul.f32 v1, v1  }
0x23: {  	[tilespmem:s29], [sflag:$0x1] =	stream.indirect.gather [hbm4b:s3+s14], $0x80, s8, s14, $0xb8;
	v10 =	vmul.f32 v2, v2;
	v11 =	vmul.f32 v3, v3;
	[tilespmem:$0x14700] =	vst v63  }
0x24: {  	s31 =	simm.s32 $0x4300;
	s30 =	simm.s32 $0x0;
	v12 =	vmul.f32 v4, v4;
	v13 =	vmul.f32 v5, v5  }
0x25: {  	v14 =	vmul.f32 v6, v6;
	v15 =	vmul.f32 v7, v7;
	[tilespmem:s31], [sflag:$0x1] =	stream.indirect.gather [hbm4b:s5+s14], $0x80, s8, s14, $0xb8;
	[tilespmem:$0x14700] =	vst v63  }
.LBB2_2:
0x26: {  	s31 =	sshllo.u32 s30, $0x1  }
0x27: {  	_ =	swait.ge [sflag:s19], $0x5000;
	s0 =	smul.u32 $0xA0, s31  }
0x28: {  	[sflag:s19] =	ssyncset.done $0x0  }
0x29: {  	s4 =	simm.s32 $0xA700;
	[sflag:s19] =	ssyncadd.s32 $0xFFFFB000;
	s0 =	sshra.s32 s0, $0x2  }
0x2a: {  	[tilespmem:s4], [sflag:$0x2] =	stream.indirect.gather [hbm4b:s1+s14], $0x80, s0, s14, $0xb8;
	[tilespmem:$0x14700] =	vst v63  }
0x2b: {  	s23 =	simm.s32 $0xBB00  }
0x2c: {  	[tilespmem:s23], [sflag:$0x2] =	stream.indirect.gather [hbm4b:s2+s14], $0x80, s0, s14, $0xb8;
	[tilespmem:$0x14700] =	vst v63  }
0x2d: {  	s24 =	simm.s32 $0xCF00  }
0x2e: {  	[tilespmem:s24], [sflag:$0x2] =	stream.indirect.gather [hbm4b:s3+s14], $0x80, s0, s14, $0xb8;
	[tilespmem:$0x14700] =	vst v63  }
0x2f: {  	s29 =	simm.s32 $0xE300;
	p0 =	seq.s32 s30, $0x0  }
0x30: {  	[tilespmem:s29], [sflag:$0x2] =	stream.indirect.gather [hbm4b:s5+s14], $0x80, s0, s14, $0xb8;
	[tilespmem:$0x14700] =	vst v63  }
0x31: {  	s0 =	simm.s32 @!p0 $0x3  }
0x32: {  	_ =	swait.ge @!p0 [sflag:s0], $0x5000  }
0x33: {  	[sflag:s0] =	ssyncset.done @!p0 $0x0  }
0x34: {  	s4 =	simm.s32 $0x0;
	[sflag:s0] =	ssyncadd.s32 @!p0 $0xFFFFB000  }
.LBB2_3:
0x35: {  	s20 =	sshll.u32 s4, $0x9  }
0x36: {  	s0 =	sshra.s32 s20, $0x2  }
0x37: {  	v16 =	vld [tilespmem:s0+$0x1B00]  }
0x38: {  	v17 =	vld [tilespmem:s0+$0x2F00];
	_ =	sdelay $0x1  }
0x39: {  	v18 =	vld [tilespmem:s0+$0x4300];
	_ =	sdelay $0x1  }
0x3a: {  	v19 =	vld [tilespmem:s0+$0x700]  }
0x3b: {  	v20 =	vmul.f32 v16, v16;
	v21 =	vmul.f32 v17, v17;
	_ =	sdelay $0x1  }
0x3c: {  	v25 =	vmul.f32 v18, v18;
	v20 =	vadd.f32 v21, v20;
	_ =	sdelay $0x1  }
0x3d: {  	v22 =	vmul.f32 v19, v19;
	v20 =	vadd.f32 v25, v20;
	_ =	sdelay $0x1  }
0x3e: {  	v26 =	vadd.f32 $9.999999970e-07, v22;
	v20 =	vmul.f32 v20, v8;
	_ =	sdelay $0x1  }
0x3f: {  	v20 =	vadd.f32 v20, v26;
	_ =	sdelay $0x1  }
0x40: {  	v21 =	vshrl.u32 v20, $0x1  }
0x41: {  	v21 =	vsub.s32 $0x5F1FFFF9, v21  }
0x42: {  	v20 =	vmul.f32 v21, v20;
	_ =	sdelay $0x1  }
0x43: {  	v20 =	vmul.f32 v21, v20;
	_ =	sdelay $0x1  }
0x44: {  	v21 =	vmul.f32 $7.039522520e-01, v21;
	v20 =	vsub.f32 $2.389244560e+00, v20;
	_ =	sdelay $0x1  }
0x45: {  	v20 =	vmul.f32 v20, v21;
	_ =	sdelay $0x1  }
0x46: {  	v21 =	vmul.f32 v20, v0  }
0x47: {  	v19 =	vmul.f32 v20, v19  }
0x48: {  	s13 =	sand.u32 $0x3FFFFE00, s20;
	v16 =	vmul.f32 v21, v16  }
0x49: {  	[tilespmem:s13+$0x5700] =	vst v19;
	v17 =	vmul.f32 v21, v17  }
0x4a: {  	[tilespmem:s13+$0x5780] =	vst v16;
	v16 =	vmul.f32 v21, v18  }
0x4b: {  	[tilespmem:s13+$0x5800] =	vst v17  }
0x4c: {  	[tilespmem:s13+$0x5880] =	vst v16  }
0x4d: {  	v16 =	vld [tilespmem:s0+$0x1B10]  }
0x4e: {  	v17 =	vld [tilespmem:s0+$0x2F10];
	_ =	sdelay $0x1  }
0x4f: {  	v27 =	vld [tilespmem:s0+$0x4310];
	_ =	sdelay $0x1  }
0x50: {  	v19 =	vld [tilespmem:s0+$0x710]  }
0x51: {  	v28 =	vmul.f32 v16, v16;
	v29 =	vmul.f32 v17, v17;
	_ =	sdelay $0x1  }
0x52: {  	v30 =	vmul.f32 v27, v27;
	v20 =	vadd.f32 v29, v28;
	_ =	sdelay $0x1  }
0x53: {  	v31 =	vmul.f32 v19, v19;
	v20 =	vadd.f32 v30, v20;
	_ =	sdelay $0x1  }
0x54: {  	v32 =	vadd.f32 $9.999999970e-07, v31;
	v20 =	vmul.f32 v20, v9;
	_ =	sdelay $0x1  }
0x55: {  	v20 =	vadd.f32 v20, v32;
	_ =	sdelay $0x1  }
0x56: {  	v21 =	vshrl.u32 v20, $0x1  }
0x57: {  	v21 =	vsub.s32 $0x5F1FFFF9, v21  }
0x58: {  	v20 =	vmul.f32 v21, v20;
	_ =	sdelay $0x1  }
0x59: {  	v20 =	vmul.f32 v21, v20;
	_ =	sdelay $0x1  }
0x5a: {  	v21 =	vmul.f32 $7.039522520e-01, v21;
	v20 =	vsub.f32 $2.389244560e+00, v20;
	_ =	sdelay $0x1  }
0x5b: {  	v20 =	vmul.f32 v20, v21;
	_ =	sdelay $0x1  }
0x5c: {  	v21 =	vmul.f32 v20, v1  }
0x5d: {  	v19 =	vmul.f32 v20, v19  }
0x5e: {  	v16 =	vmul.f32 v21, v16  }
0x5f: {  	[tilespmem:s13+$0x5710] =	vst v19;
	v17 =	vmul.f32 v21, v17  }
0x60: {  	[tilespmem:s13+$0x5790] =	vst v16;
	v16 =	vmul.f32 v21, v27  }
0x61: {  	[tilespmem:s13+$0x5810] =	vst v17  }
0x62: {  	[tilespmem:s13+$0x5890] =	vst v16  }
0x63: {  	v16 =	vld [tilespmem:s0+$0x1B20]  }
0x64: {  	v17 =	vld [tilespmem:s0+$0x2F20];
	_ =	sdelay $0x1  }
0x65: {  	v33 =	vld [tilespmem:s0+$0x4320];
	_ =	sdelay $0x1  }
0x66: {  	v19 =	vld [tilespmem:s0+$0x720]  }
0x67: {  	v36 =	vld [tilespmem:s0+$0x1B80];
	v34 =	vmul.f32 v16, v16;
	v35 =	vmul.f32 v17, v17  }
0x68: {  	v23 =	vld [tilespmem:s0+$0x2F80]  }
0x69: {  	v37 =	vmul.f32 v33, v33;
	v20 =	vadd.f32 v35, v34  }
0x6a: {  	s9 =	sor.u32 $0x200, s20;
	v38 =	vld [tilespmem:s0+$0x4380]  }
0x6b: {  	s12 =	sshra.s32 s9, $0x2;
	v24 =	vmul.f32 v19, v19;
	v20 =	vadd.f32 v37, v20  }
0x6c: {  	v25 =	vld [tilespmem:s12+$0x700];
	v26 =	vmul.f32 v36, v36  }
0x6d: {  	v27 =	vmul.f32 v23, v23;
	v24 =	vadd.f32 $9.999999970e-07, v24;
	v20 =	vmul.f32 v20, v10;
	_ =	sdelay $0x1  }
0x6e: {  	v40 =	vmul.f32 v38, v38;
	v39 =	vadd.f32 v27, v26;
	v20 =	vadd.f32 v20, v24;
	_ =	sdelay $0x1  }
0x6f: {  	v28 =	vmul.f32 v25, v25;
	v24 =	vadd.f32 v40, v39;
	v41 =	vshrl.u32 v20, $0x1  }
0x70: {  	v27 =	vsub.s32 $0x5F1FFFF9, v41  }
0x71: {  	v42 =	vadd.f32 $9.999999970e-07, v28;
	v24 =	vmul.f32 v24, v8;
	v20 =	vmul.f32 v27, v20;
	_ =	sdelay $0x1  }
0x72: {  	v24 =	vadd.f32 v24, v42;
	v20 =	vmul.f32 v27, v20;
	_ =	sdelay $0x1  }
0x73: {  	v43 =	vmul.f32 $7.039522520e-01, v27;
	v44 =	vshrl.u32 v24, $0x1;
	v20 =	vsub.f32 $2.389244560e+00, v20  }
0x74: {  	v45 =	vsub.s32 $0x5F1FFFF9, v44  }
0x75: {  	v24 =	vmul.f32 v45, v24;
	v20 =	vmul.f32 v20, v43;
	_ =	sdelay $0x1  }
0x76: {  	v47 =	vmul.f32 v45, v24;
	v46 =	vmul.f32 v20, v2  }
0x77: {  	v48 =	vmul.f32 $7.039522520e-01, v45  }
0x78: {  	v19 =	vmul.f32 v20, v19;
	v20 =	vsub.f32 $2.389244560e+00, v47;
	v17 =	vmul.f32 v46, v17  }
0x79: {  	v16 =	vmul.f32 v46, v16  }
0x7a: {  	[tilespmem:s13+$0x5820] =	vst v17;
	v17 =	vmul.f32 v20, v48  }
0x7b: {  	[tilespmem:s13+$0x57A0] =	vst v16;
	v16 =	vmul.f32 v46, v33  }
0x7c: {  	[tilespmem:s13+$0x5720] =	vst v19;
	v49 =	vmul.f32 v17, v0  }
0x7d: {  	[tilespmem:s13+$0x58A0] =	vst v16;
	v17 =	vmul.f32 v17, v25  }
0x7e: {  	s15 =	sand.u32 $0x3FFFFE00, s9;
	v16 =	vld [tilespmem:s0+$0x1B30];
	v51 =	vmul.f32 v49, v36  }
0x7f: {  	v50 =	vld [tilespmem:s0+$0x2F30];
	[tilespmem:s15+$0x5700] =	vst v17;
	v17 =	vmul.f32 v49, v23  }
0x80: {  	v18 =	vmul.f32 v49, v38;
	[tilespmem:s15+$0x5780] =	vst v51  }
0x81: {  	v52 =	vld [tilespmem:s0+$0x4330];
	[tilespmem:s15+$0x5800] =	vst v17  }
0x82: {  	v17 =	vld [tilespmem:s0+$0x730];
	[tilespmem:s15+$0x5880] =	vst v18  }
0x83: {  	v18 =	vld [tilespmem:s0+$0x1B90]  }
0x84: {  	v56 =	vld [tilespmem:s0+$0x2F90];
	v53 =	vmul.f32 v16, v16;
	v54 =	vmul.f32 v50, v50;
	_ =	sdelay $0x1  }
0x85: {  	v57 =	vld [tilespmem:s0+$0x4390];
	v55 =	vmul.f32 v52, v52;
	v20 =	vadd.f32 v54, v53;
	_ =	sdelay $0x1  }
0x86: {  	v59 =	vld [tilespmem:s12+$0x710];
	v58 =	vmul.f32 v17, v17;
	v20 =	vadd.f32 v55, v20  }
0x87: {  	v60 =	vmul.f32 v18, v18;
	v61 =	vmul.f32 v56, v56  }
0x88: {  	v24 =	vadd.f32 $9.999999970e-07, v58;
	v20 =	vmul.f32 v20, v11  }
0x89: {  	v63 =	vmul.f32 v57, v57;
	v62 =	vadd.f32 v61, v60  }
0x8a: {  	v20 =	vadd.f32 v20, v24  }
0x8b: {  	v33 =	vmul.f32 v59, v59;
	v24 =	vadd.f32 v63, v62  }
0x8c: {  	v32 =	vshrl.u32 v20, $0x1  }
0x8d: {  	v35 =	vadd.f32 $9.999999970e-07, v33;
	v24 =	vmul.f32 v24, v9;
	v34 =	vsub.s32 $0x5F1FFFF9, v32  }
0x8e: {  	v20 =	vmul.f32 v34, v20  }
0x8f: {  	v24 =	vadd.f32 v24, v35  }
0x90: {  	v29 =	vld [tilespmem:s0+$0x3000];
	v20 =	vmul.f32 v34, v20  }
0x91: {  	v36 =	vld [tilespmem:s0+$0x1C00];
	v37 =	vshrl.u32 v24, $0x1  }
0x92: {  	v26 =	vmul.f32 $7.039522520e-01, v34;
	v28 =	vsub.s32 $0x5F1FFFF9, v37;
	v20 =	vsub.f32 $2.389244560e+00, v20  }
0x93: {  	s21 =	sor.u32 $0x400, s20;
	v38 =	vld [tilespmem:s0+$0x4400];
	v24 =	vmul.f32 v28, v24  }
0x94: {  	s11 =	sshra.s32 s21, $0x2;
	v20 =	vmul.f32 v20, v26  }
0x95: {  	v31 =	vld [tilespmem:s11+$0x700];
	v33 =	vmul.f32 v29, v29;
	v24 =	vmul.f32 v28, v24  }
0x96: {  	v32 =	vmul.f32 v36, v36;
	v30 =	vmul.f32 v20, v3  }
0x97: {  	v39 =	vmul.f32 $7.039522520e-01, v28;
	v17 =	vmul.f32 v20, v17;
	v24 =	vsub.f32 $2.389244560e+00, v24  }
0x98: {  	v41 =	vmul.f32 v38, v38;
	v40 =	vadd.f32 v33, v32;
	v16 =	vmul.f32 v30, v16  }
0x99: {  	[tilespmem:s13+$0x5730] =	vst v17;
	v17 =	vmul.f32 v30, v50;
	v42 =	vmul.f32 v24, v39  }
0x9a: {  	v43 =	vmul.f32 v31, v31;
	v44 =	vadd.f32 v41, v40;
	[tilespmem:s13+$0x57B0] =	vst v16;
	v16 =	vmul.f32 v30, v52  }
0x9b: {  	[tilespmem:s13+$0x5830] =	vst v17;
	v17 =	vmul.f32 v42, v1  }
0x9c: {  	v45 =	vadd.f32 $9.999999970e-07, v43;
	v46 =	vmul.f32 v44, v8;
	[tilespmem:s13+$0x58B0] =	vst v16;
	v16 =	vmul.f32 v42, v59  }
0x9d: {  	v18 =	vmul.f32 v17, v18  }
0x9e: {  	v19 =	vadd.f32 v46, v45;
	v22 =	vld [tilespmem:s0+$0x1B40];
	[tilespmem:s15+$0x5710] =	vst v16;
	v16 =	vmul.f32 v17, v56  }
0x9f: {  	v47 =	vld [tilespmem:s0+$0x2F40];
	[tilespmem:s15+$0x5790] =	vst v18;
	v17 =	vmul.f32 v17, v57  }
0xa0: {  	v18 =	vld [tilespmem:s0+$0x4340];
	[tilespmem:s15+$0x5810] =	vst v16;
	v16 =	vshrl.u32 v19, $0x1  }
0xa1: {  	v48 =	vld [tilespmem:s0+$0x740];
	[tilespmem:s15+$0x5890] =	vst v17;
	v16 =	vsub.s32 $0x5F1FFFF9, v16  }
0xa2: {  	v17 =	vld [tilespmem:s0+$0x1BA0];
	v19 =	vmul.f32 v16, v19  }
0xa3: {  	v51 =	vld [tilespmem:s0+$0x2FA0];
	v49 =	vmul.f32 v22, v22  }
0xa4: {  	v53 =	vld [tilespmem:s0+$0x43A0];
	v50 =	vmul.f32 v47, v47;
	v19 =	vmul.f32 v16, v19  }
0xa5: {  	v52 =	vmul.f32 v18, v18  }
0xa6: {  	v55 =	vld [tilespmem:s12+$0x720];
	v21 =	vadd.f32 v50, v49;
	v16 =	vmul.f32 $7.039522520e-01, v16;
	v19 =	vsub.f32 $2.389244560e+00, v19  }
0xa7: {  	v54 =	vmul.f32 v48, v48;
	v56 =	vmul.f32 v17, v17  }
0xa8: {  	v21 =	vadd.f32 v52, v21;
	v57 =	vmul.f32 v51, v51;
	v16 =	vmul.f32 v19, v16  }
0xa9: {  	v58 =	vadd.f32 $9.999999970e-07, v54;
	v60 =	vmul.f32 v53, v53  }
0xaa: {  	v21 =	vmul.f32 v21, v12;
	v59 =	vadd.f32 v57, v56;
	v61 =	vmul.f32 v16, v0  }
0xab: {  	v62 =	vmul.f32 v55, v55;
	v16 =	vmul.f32 v16, v31  }
0xac: {  	s16 =	sand.u32 $0x3FFFFE00, s21;
	v19 =	vadd.f32 v21, v58;
	v30 =	vadd.f32 v60, v59;
	v27 =	vmul.f32 v61, v36  }
0xad: {  	v21 =	vadd.f32 $9.999999970e-07, v62;
	[tilespmem:s16+$0x5700] =	vst v16;
	v16 =	vmul.f32 v61, v29  }
0xae: {  	v63 =	vshrl.u32 v19, $0x1;
	v34 =	vmul.f32 v30, v10;
	v26 =	vmul.f32 v61, v38;
	[tilespmem:s16+$0x5780] =	vst v27  }
0xaf: {  	v35 =	vsub.s32 $0x5F1FFFF9, v63;
	[tilespmem:s16+$0x5800] =	vst v16  }
0xb0: {  	v16 =	vmul.f32 v35, v19;
	v36 =	vadd.f32 v34, v21;
	[tilespmem:s16+$0x5880] =	vst v26  }
0xb1: {  	v37 =	vld [tilespmem:s0+$0x1C10]  }
0xb2: {  	v39 =	vld [tilespmem:s0+$0x3010];
	v16 =	vmul.f32 v35, v16;
	v38 =	vshrl.u32 v36, $0x1  }
0xb3: {  	v40 =	vld [tilespmem:s0+$0x4410];
	v26 =	vsub.s32 $0x5F1FFFF9, v38  }
0xb4: {  	v27 =	vmul.f32 $7.039522520e-01, v35;
	v16 =	vsub.f32 $2.389244560e+00, v16;
	v19 =	vmul.f32 v26, v36;
	_ =	sdelay $0x1  }
0xb5: {  	v41 =	vld [tilespmem:s11+$0x710];
	v16 =	vmul.f32 v16, v27;
	v19 =	vmul.f32 v26, v19  }
0xb6: {  	v42 =	vmul.f32 v37, v37;
	v43 =	vmul.f32 v39, v39  }
0xb7: {  	v26 =	vmul.f32 $7.039522520e-01, v26;
	v46 =	vmul.f32 v40, v40;
	v19 =	vsub.f32 $2.389244560e+00, v19  }
0xb8: {  	v44 =	vmul.f32 v16, v4;
	v16 =	vmul.f32 v16, v48;
	v45 =	vadd.f32 v43, v42  }
0xb9: {  	v19 =	vmul.f32 v19, v26  }
0xba: {  	[tilespmem:s13+$0x5740] =	vst v16;
	v16 =	vmul.f32 v44, v47;
	v47 =	vmul.f32 v41, v41;
	v20 =	vadd.f32 v46, v45  }
0xbb: {  	v48 =	vmul.f32 v19, v2  }
0xbc: {  	[tilespmem:s13+$0x5840] =	vst v16;
	v16 =	vmul.f32 v19, v55;
	v49 =	vadd.f32 $9.999999970e-07, v47;
	v20 =	vmul.f32 v20, v9  }
0xbd: {  	v17 =	vmul.f32 v48, v17  }
0xbe: {  	[tilespmem:s15+$0x5720] =	vst v16;
	v16 =	vmul.f32 v48, v51;
	v50 =	vadd.f32 v20, v49  }
0xbf: {  	v18 =	vmul.f32 v44, v18;
	[tilespmem:s15+$0x57A0] =	vst v17  }
0xc0: {  	v17 =	vmul.f32 v48, v53;
	[tilespmem:s15+$0x5820] =	vst v16;
	v16 =	vshrl.u32 v50, $0x1  }
0xc1: {  	[tilespmem:s13+$0x58C0] =	vst v18;
	v16 =	vsub.s32 $0x5F1FFFF9, v16  }
0xc2: {  	v22 =	vmul.f32 v44, v22;
	[tilespmem:s15+$0x58A0] =	vst v17;
	v18 =	vmul.f32 v16, v50  }
0xc3: {  	v17 =	vld [tilespmem:s0+$0x1BB0]  }
0xc4: {  	[tilespmem:s13+$0x57C0] =	vst v22;
	v20 =	vld [tilespmem:s0+$0x2FB0];
	v18 =	vmul.f32 v16, v18  }
0xc5: {  	v19 =	vld [tilespmem:s0+$0x1B50]  }
0xc6: {  	v23 =	vld [tilespmem:s0+$0x43B0];
	v16 =	vmul.f32 $7.039522520e-01, v16;
	v18 =	vsub.f32 $2.389244560e+00, v18  }
0xc7: {  	v22 =	vld [tilespmem:s0+$0x2F50]  }
0xc8: {  	v51 =	vld [tilespmem:s12+$0x730];
	v16 =	vmul.f32 v18, v16  }
0xc9: {  	v24 =	vld [tilespmem:s0+$0x4350];
	v52 =	vmul.f32 v17, v17;
	v53 =	vmul.f32 v20, v20  }
0xca: {  	v54 =	vmul.f32 v19, v19;
	v57 =	vmul.f32 v16, v1  }
0xcb: {  	v56 =	vmul.f32 v23, v23;
	v26 =	vadd.f32 v53, v52;
	v16 =	vmul.f32 v16, v41  }
0xcc: {  	v28 =	vld [tilespmem:s0+$0x750];
	v55 =	vmul.f32 v22, v22;
	v21 =	vmul.f32 v57, v37  }
0xcd: {  	v59 =	vmul.f32 v51, v51;
	v26 =	vadd.f32 v56, v26;
	[tilespmem:s16+$0x5710] =	vst v16;
	v16 =	vmul.f32 v57, v39  }
0xce: {  	v58 =	vmul.f32 v24, v24;
	v61 =	vmul.f32 v57, v40;
	[tilespmem:s16+$0x5790] =	vst v21  }
0xcf: {  	v18 =	vadd.f32 v55, v54;
	v27 =	vadd.f32 $9.999999970e-07, v59;
	v26 =	vmul.f32 v26, v11;
	[tilespmem:s16+$0x5810] =	vst v16  }
0xd0: {  	v33 =	vld [tilespmem:s0+$0x1C80];
	[tilespmem:s16+$0x5890] =	vst v61  }
0xd1: {  	s22 =	sor.u32 $0x600, s20;
	v60 =	vmul.f32 v28, v28;
	v18 =	vadd.f32 v58, v18;
	v21 =	vld [tilespmem:s0+$0x1C20];
	v16 =	vadd.f32 v26, v27  }
0xd2: {  	s18 =	sshra.s32 s22, $0x2;
	v27 =	vld [tilespmem:s0+$0x3020]  }
0xd3: {  	v38 =	vld [tilespmem:s18+$0x700];
	v62 =	vadd.f32 $9.999999970e-07, v60;
	v18 =	vmul.f32 v18, v13;
	v26 =	vshrl.u32 v16, $0x1  }
0xd4: {  	v31 =	vld [tilespmem:s0+$0x4420];
	v26 =	vsub.s32 $0x5F1FFFF9, v26  }
0xd5: {  	v42 =	vld [tilespmem:s0+$0x3080];
	v18 =	vadd.f32 v18, v62;
	v16 =	vmul.f32 v26, v16  }
0xd6: {  	v45 =	vmul.f32 v33, v33;
	v30 =	vld [tilespmem:s11+$0x720];
	v35 =	vmul.f32 v21, v21  }
0xd7: {  	v37 =	vld [tilespmem:s0+$0x4480];
	v29 =	vshrl.u32 v18, $0x1;
	v36 =	vmul.f32 v27, v27;
	v16 =	vmul.f32 v26, v16  }
0xd8: {  	v49 =	vmul.f32 v38, v38;
	v29 =	vsub.s32 $0x5F1FFFF9, v29;
	v34 =	vmul.f32 $7.039522520e-01, v26  }
0xd9: {  	v43 =	vmul.f32 v31, v31;
	v35 =	vadd.f32 v36, v35;
	v16 =	vsub.f32 $2.389244560e+00, v16  }
0xda: {  	v39 =	vmul.f32 v42, v42;
	v18 =	vmul.f32 v29, v18  }
0xdb: {  	v44 =	vmul.f32 v30, v30;
	v35 =	vadd.f32 v43, v35;
	v16 =	vmul.f32 v16, v34  }
0xdc: {  	v47 =	vmul.f32 v37, v37;
	v18 =	vmul.f32 v29, v18  }
0xdd: {  	v34 =	vadd.f32 $9.999999970e-07, v44;
	v35 =	vmul.f32 v35, v10;
	v46 =	vmul.f32 v16, v3  }
0xde: {  	v63 =	vmul.f32 $7.039522520e-01, v29;
	v36 =	vadd.f32 v39, v45;
	v16 =	vmul.f32 v16, v51  }
0xdf: {  	v18 =	vsub.f32 $2.389244560e+00, v18;
	v48 =	vadd.f32 v35, v34;
	v17 =	vmul.f32 v46, v17  }
0xe0: {  	v50 =	vadd.f32 v47, v36;
	[tilespmem:s15+$0x5730] =	vst v16;
	v16 =	vmul.f32 v46, v20  }
0xe1: {  	v52 =	vadd.f32 $9.999999970e-07, v49;
	v18 =	vmul.f32 v18, v63;
	[tilespmem:s15+$0x57B0] =	vst v17;
	v17 =	vshrl.u32 v48, $0x1  }
0xe2: {  	v53 =	vmul.f32 v50, v8;
	v51 =	vmul.f32 v46, v23;
	[tilespmem:s15+$0x5830] =	vst v16;
	v16 =	vsub.s32 $0x5F1FFFF9, v17  }
0xe3: {  	v17 =	vmul.f32 v16, v48  }
0xe4: {  	v55 =	vmul.f32 v18, v5;
	v54 =	vadd.f32 v53, v52;
	[tilespmem:s15+$0x58B0] =	vst v51  }
0xe5: {  	v25 =	vld [tilespmem:s0+$0x1BC0];
	v17 =	vmul.f32 v16, v17  }
0xe6: {  	v18 =	vmul.f32 v18, v28;
	v19 =	vmul.f32 v55, v19;
	v56 =	vshrl.u32 v54, $0x1;
	v29 =	vld [tilespmem:s0+$0x2FC0]  }
0xe7: {  	v57 =	vsub.s32 $0x5F1FFFF9, v56;
	v16 =	vmul.f32 $7.039522520e-01, v16;
	v17 =	vsub.f32 $2.389244560e+00, v17  }
0xe8: {  	v22 =	vmul.f32 v55, v22;
	v32 =	vld [tilespmem:s0+$0x43C0];
	v20 =	vmul.f32 v57, v54  }
0xe9: {  	v23 =	vmul.f32 v55, v24;
	v16 =	vmul.f32 v17, v16  }
0xea: {  	[tilespmem:s13+$0x5750] =	vst v18;
	v58 =	vld [tilespmem:s12+$0x740];
	v59 =	vmul.f32 v25, v25;
	v17 =	vmul.f32 v57, v20  }
0xeb: {  	[tilespmem:s13+$0x57D0] =	vst v19;
	v60 =	vmul.f32 v29, v29;
	v61 =	vmul.f32 v16, v2  }
0xec: {  	[tilespmem:s13+$0x5850] =	vst v22;
	v28 =	vmul.f32 $7.039522520e-01, v57;
	v17 =	vsub.f32 $2.389244560e+00, v17;
	v30 =	vmul.f32 v16, v30  }
0xed: {  	[tilespmem:s13+$0x58D0] =	vst v23;
	v62 =	vmul.f32 v32, v32;
	v18 =	vadd.f32 v60, v59;
	v63 =	vmul.f32 v61, v21  }
0xee: {  	v34 =	vmul.f32 v17, v28;
	[tilespmem:s16+$0x5720] =	vst v30;
	v27 =	vmul.f32 v61, v27  }
0xef: {  	v22 =	vld [tilespmem:s0+$0x2F60];
	v35 =	vmul.f32 v58, v58;
	v18 =	vadd.f32 v62, v18;
	v19 =	vmul.f32 v61, v31;
	[tilespmem:s16+$0x57A0] =	vst v63  }
0xf0: {  	v17 =	vld [tilespmem:s0+$0x1B60];
	v36 =	vmul.f32 v34, v0;
	[tilespmem:s16+$0x5820] =	vst v27  }
0xf1: {  	v23 =	vadd.f32 $9.999999970e-07, v35;
	v18 =	vmul.f32 v18, v12;
	v21 =	vmul.f32 v34, v38;
	v27 =	vld [tilespmem:s0+$0x4360];
	[tilespmem:s16+$0x58A0] =	vst v19  }
0xf2: {  	s17 =	sand.u32 $0x3FFFFE00, s22;
	v28 =	vld [tilespmem:s0+$0x1C30];
	v38 =	vmul.f32 v36, v33  }
0xf3: {  	v18 =	vadd.f32 v18, v23;
	v23 =	vld [tilespmem:s0+$0x3030];
	[tilespmem:s17+$0x5700] =	vst v21;
	v39 =	vmul.f32 v36, v42  }
0xf4: {  	v16 =	vld [tilespmem:s0+$0x760];
	v40 =	vmul.f32 v36, v37;
	[tilespmem:s17+$0x5780] =	vst v38  }
0xf5: {  	v26 =	vld [tilespmem:s0+$0x4430];
	v41 =	vshrl.u32 v18, $0x1;
	[tilespmem:s17+$0x5800] =	vst v39  }
0xf6: {  	v43 =	vmul.f32 v22, v22;
	v20 =	vld [tilespmem:s11+$0x730];
	v42 =	vmul.f32 v17, v17;
	v21 =	vsub.s32 $0x5F1FFFF9, v41;
	[tilespmem:s17+$0x5880] =	vst v40  }
0xf7: {  	v18 =	vmul.f32 v21, v18;
	v31 =	vld [tilespmem:s0+$0x1C90];
	v44 =	vmul.f32 v27, v27  }
0xf8: {  	v34 =	vld [tilespmem:s0+$0x3090];
	v19 =	vadd.f32 v43, v42;
	v45 =	vmul.f32 v28, v28;
	v46 =	vmul.f32 v23, v23  }
0xf9: {  	v47 =	vmul.f32 v16, v16;
	v37 =	vld [tilespmem:s0+$0x4490];
	v18 =	vmul.f32 v21, v18  }
0xfa: {  	v50 =	vld [tilespmem:s18+$0x710];
	v48 =	vmul.f32 v26, v26;
	v19 =	vadd.f32 v44, v19;
	v30 =	vadd.f32 v46, v45  }
0xfb: {  	v21 =	vmul.f32 $7.039522520e-01, v21;
	v49 =	vmul.f32 v20, v20;
	v18 =	vsub.f32 $2.389244560e+00, v18  }
0xfc: {  	v19 =	vmul.f32 v19, v14;
	v30 =	vadd.f32 v48, v30;
	v51 =	vmul.f32 v31, v31  }
0xfd: {  	v52 =	vmul.f32 v34, v34;
	v18 =	vmul.f32 v18, v21  }
0xfe: {  	v53 =	vadd.f32 $9.999999970e-07, v49;
	v54 =	vmul.f32 v37, v37;
	v30 =	vmul.f32 v30, v11  }
0xff: {  	v56 =	vmul.f32 v50, v50;
	v33 =	vadd.f32 v52, v51;
	v55 =	vmul.f32 v18, v4  }
0x100: {  	v18 =	vmul.f32 v18, v58;
	v58 =	vadd.f32 $9.999999970e-07, v47;
	v21 =	vadd.f32 v30, v53  }
0x101: {  	v24 =	vadd.f32 $9.999999970e-07, v56;
	v57 =	vadd.f32 v54, v33;
	v25 =	vmul.f32 v55, v25  }
0x102: {  	v29 =	vmul.f32 v55, v29;
	[tilespmem:s15+$0x5740] =	vst v18;
	v60 =	vmul.f32 v55, v32;
	v59 =	vshrl.u32 v21, $0x1  }
0x103: {  	v19 =	vadd.f32 v19, v58;
	v30 =	vmul.f32 v57, v9;
	[tilespmem:s15+$0x57C0] =	vst v25;
	v18 =	vsub.s32 $0x5F1FFFF9, v59  }
0x104: {  	[tilespmem:s15+$0x5840] =	vst v29;
	v21 =	vmul.f32 v18, v21  }
0x105: {  	[tilespmem:s15+$0x58C0] =	vst v60;
	v61 =	vshrl.u32 v19, $0x1;
	v24 =	vadd.f32 v30, v24  }
0x106: {  	v29 =	vld [tilespmem:s0+$0x1BD0];
	v25 =	vsub.s32 $0x5F1FFFF9, v61;
	v21 =	vmul.f32 v18, v21  }
0x107: {  	v32 =	vld [tilespmem:s0+$0x2FD0];
	v19 =	vmul.f32 v25, v19;
	v30 =	vshrl.u32 v24, $0x1  }
0x108: {  	v18 =	vmul.f32 $7.039522520e-01, v18;
	v30 =	vsub.s32 $0x5F1FFFF9, v30;
	v21 =	vsub.f32 $2.389244560e+00, v21  }
0x109: {  	v33 =	vld [tilespmem:s0+$0x43D0];
	v24 =	vmul.f32 v30, v24  }
0x10a: {  	v19 =	vmul.f32 v25, v19;
	v18 =	vmul.f32 v21, v18  }
0x10b: {  	v35 =	vld [tilespmem:s12+$0x750];
	v63 =	vmul.f32 v29, v29;
	v62 =	vmul.f32 v30, v24  }
0x10c: {  	v43 =	vmul.f32 v32, v32;
	v42 =	vmul.f32 v18, v3  }
0x10d: {  	v30 =	vmul.f32 $7.039522520e-01, v30;
	v21 =	vsub.f32 $2.389244560e+00, v62;
	v18 =	vmul.f32 v18, v20  }
0x10e: {  	v45 =	vmul.f32 v33, v33;
	v24 =	vadd.f32 v43, v63;
	v44 =	vmul.f32 v42, v28  }
0x10f: {  	v21 =	vmul.f32 v21, v30;
	[tilespmem:s16+$0x5730] =	vst v18;
	v46 =	vmul.f32 v42, v23  }
0x110: {  	v49 =	vmul.f32 v35, v35;
	v24 =	vadd.f32 v45, v24;
	v47 =	vmul.f32 v42, v26;
	[tilespmem:s16+$0x57B0] =	vst v44  }
0x111: {  	v51 =	vmul.f32 $7.039522520e-01, v25;
	v19 =	vsub.f32 $2.389244560e+00, v19;
	v48 =	vmul.f32 v21, v1;
	[tilespmem:s16+$0x5830] =	vst v46  }
0x112: {  	v53 =	vadd.f32 $9.999999970e-07, v49;
	v24 =	vmul.f32 v24, v13;
	v50 =	vmul.f32 v21, v50;
	[tilespmem:s16+$0x58B0] =	vst v47  }
0x113: {  	v19 =	vmul.f32 v19, v51;
	v21 =	vld [tilespmem:s0+$0x1C40];
	v52 =	vmul.f32 v48, v31  }
0x114: {  	v56 =	vadd.f32 v24, v53;
	v25 =	vld [tilespmem:s0+$0x3040];
	[tilespmem:s17+$0x5710] =	vst v50;
	v54 =	vmul.f32 v48, v34  }
0x115: {  	v57 =	vmul.f32 v19, v6;
	v55 =	vmul.f32 v48, v37;
	[tilespmem:s17+$0x5790] =	vst v52  }
0x116: {  	v26 =	vld [tilespmem:s0+$0x4440];
	v58 =	vshrl.u32 v56, $0x1;
	[tilespmem:s17+$0x5810] =	vst v54  }
0x117: {  	v16 =	vmul.f32 v19, v16;
	v17 =	vmul.f32 v57, v17;
	v60 =	vld [tilespmem:s11+$0x740];
	v19 =	vsub.s32 $0x5F1FFFF9, v58;
	[tilespmem:s17+$0x5890] =	vst v55  }
0x118: {  	v59 =	vmul.f32 v19, v56;
	v20 =	vld [tilespmem:s0+$0x1CA0]  }
0x119: {  	[tilespmem:s13+$0x57E0] =	vst v17;
	v28 =	vld [tilespmem:s0+$0x30A0];
	v17 =	vmul.f32 v21, v21;
	v61 =	vmul.f32 v25, v25  }
0x11a: {  	[tilespmem:s13+$0x5760] =	vst v16;
	v16 =	vmul.f32 v57, v27  }
0x11b: {  	v27 =	vld [tilespmem:s0+$0x44A0];
	v18 =	vmul.f32 v19, v59;
	v62 =	vmul.f32 v26, v26;
	v17 =	vadd.f32 v61, v17  }
0x11c: {  	v22 =	vmul.f32 v57, v22;
	v30 =	vld [tilespmem:s18+$0x720];
	v19 =	vmul.f32 $7.039522520e-01, v19  }
0x11d: {  	v41 =	vmul.f32 v60, v60;
	v18 =	vsub.f32 $2.389244560e+00, v18;
	v17 =	vadd.f32 v62, v17  }
0x11e: {  	v63 =	vmul.f32 v20, v20;
	v40 =	vmul.f32 v28, v28  }
0x11f: {  	[tilespmem:s13+$0x5860] =	vst v22;
	v44 =	vadd.f32 $9.999999970e-07, v41;
	v18 =	vmul.f32 v18, v19;
	v17 =	vmul.f32 v17, v12  }
0x120: {  	[tilespmem:s13+$0x58E0] =	vst v16;
	v43 =	vmul.f32 v27, v27;
	v42 =	vadd.f32 v40, v63  }
0x121: {  	v16 =	vld [tilespmem:s0+$0x1B70];
	v46 =	vmul.f32 v30, v30;
	v45 =	vmul.f32 v18, v5;
	v31 =	vadd.f32 v17, v44  }
0x122: {  	v24 =	vld [tilespmem:s0+$0x2F70];
	v18 =	vmul.f32 v18, v35;
	v22 =	vadd.f32 v43, v42  }
0x123: {  	v37 =	vld [tilespmem:s0+$0x3100];
	v48 =	vadd.f32 $9.999999970e-07, v46;
	v17 =	vmul.f32 v45, v29;
	v51 =	vshrl.u32 v31, $0x1  }
0x124: {  	[tilespmem:s15+$0x5750] =	vst v18;
	v50 =	vmul.f32 v45, v32;
	v22 =	vmul.f32 v22, v10;
	v32 =	vsub.s32 $0x5F1FFFF9, v51  }
0x125: {  	v23 =	vld [tilespmem:s0+$0x4500];
	v33 =	vmul.f32 v45, v33;
	[tilespmem:s15+$0x57D0] =	vst v17;
	v52 =	vmul.f32 v32, v31  }
0x126: {  	v19 =	vld [tilespmem:s0+$0x4370];
	[tilespmem:s15+$0x5850] =	vst v50;
	v22 =	vadd.f32 v22, v48  }
0x127: {  	v47 =	vmul.f32 v16, v16;
	v17 =	vld [tilespmem:s0+$0x770];
	[tilespmem:s15+$0x58D0] =	vst v33;
	v18 =	vmul.f32 v32, v52  }
0x128: {  	v49 =	vmul.f32 v24, v24;
	v41 =	vmul.f32 v37, v37;
	v34 =	vld [tilespmem:s0+$0x1BE0];
	v54 =	vshrl.u32 v22, $0x1  }
0x129: {  	v32 =	vmul.f32 $7.039522520e-01, v32;
	v31 =	vsub.s32 $0x5F1FFFF9, v54;
	v18 =	vsub.f32 $2.389244560e+00, v18  }
0x12a: {  	v42 =	vmul.f32 v23, v23;
	v35 =	vld [tilespmem:s0+$0x2FE0];
	v22 =	vmul.f32 v31, v22  }
0x12b: {  	v55 =	vmul.f32 v19, v19;
	v18 =	vmul.f32 v18, v32  }
0x12c: {  	v38 =	vld [tilespmem:s0+$0x43E0];
	v56 =	vmul.f32 v17, v17;
	v22 =	vmul.f32 v31, v22  }
0x12d: {  	v57 =	vmul.f32 v34, v34;
	v32 =	vld [tilespmem:s0+$0x1D00];
	v40 =	vmul.f32 v18, v4  }
0x12e: {  	v31 =	vmul.f32 $7.039522520e-01, v31;
	v22 =	vsub.f32 $2.389244560e+00, v22;
	v18 =	vmul.f32 v18, v60  }
0x12f: {  	s23 =	sor.u32 $0x800, s20;
	v53 =	vadd.f32 v49, v47;
	v58 =	vmul.f32 v35, v35;
	v21 =	vmul.f32 v40, v21  }
0x130: {  	s10 =	sshra.s32 s23, $0x2;
	v22 =	vmul.f32 v22, v31;
	v25 =	vmul.f32 v40, v25;
	[tilespmem:s16+$0x5740] =	vst v18  }
0x131: {  	v29 =	vadd.f32 v55, v53;
	v62 =	vmul.f32 v38, v38;
	v59 =	vmul.f32 v40, v26;
	v40 =	vld [tilespmem:s10+$0x700];
	[tilespmem:s16+$0x57C0] =	vst v21  }
0x132: {  	v36 =	vadd.f32 v58, v57;
	v31 =	vld [tilespmem:s12+$0x760];
	v61 =	vmul.f32 v32, v32;
	v60 =	vmul.f32 v22, v2;
	[tilespmem:s16+$0x5840] =	vst v25  }
0x133: {  	v29 =	vmul.f32 v29, v15;
	v33 =	vadd.f32 $9.999999970e-07, v56;
	v22 =	vmul.f32 v22, v30;
	[tilespmem:s16+$0x58C0] =	vst v59  }
0x134: {  	v44 =	vadd.f32 v62, v36;
	v41 =	vadd.f32 v41, v61;
	v36 =	vld [tilespmem:s0+$0x1C50];
	v63 =	vmul.f32 v60, v20  }
0x135: {  	v48 =	vadd.f32 v29, v33;
	v29 =	vld [tilespmem:s0+$0x4450];
	[tilespmem:s17+$0x5720] =	vst v22;
	v45 =	vmul.f32 v60, v28  }
0x136: {  	v28 =	vld [tilespmem:s0+$0x3050];
	v46 =	vmul.f32 v60, v27;
	v47 =	vmul.f32 v40, v40;
	v20 =	vadd.f32 v42, v41;
	[tilespmem:s17+$0x57A0] =	vst v63  }
0x137: {  	v27 =	vld [tilespmem:s11+$0x750];
	v43 =	vmul.f32 v31, v31;
	[tilespmem:s17+$0x5820] =	vst v45  }
0x138: {  	[tilespmem:s17+$0x58A0] =	vst v46;
	v50 =	vadd.f32 $9.999999970e-07, v47;
	v20 =	vmul.f32 v20, v8  }
0x139: {  	v49 =	vmul.f32 v44, v14;
	v25 =	vadd.f32 $9.999999970e-07, v43;
	v26 =	vld [tilespmem:s0+$0x1CB0]  }
0x13a: {  	v51 =	vshrl.u32 v48, $0x1;
	v42 =	vld [tilespmem:s0+$0x44B0];
	v18 =	vadd.f32 v20, v50  }
0x13b: {  	v52 =	vmul.f32 v36, v36;
	v22 =	vadd.f32 v49, v25;
	v25 =	vld [tilespmem:s0+$0x30B0];
	v53 =	vmul.f32 v28, v28  }
0x13c: {  	v56 =	vmul.f32 v29, v29;
	v43 =	vmul.f32 v27, v27;
	v55 =	vshrl.u32 v18, $0x1  }
0x13d: {  	v54 =	vshrl.u32 v22, $0x1;
	v30 =	vadd.f32 v53, v52;
	v41 =	vsub.s32 $0x5F1FFFF9, v55  }
0x13e: {  	v39 =	vsub.s32 $0x5F1FFFF9, v54;
	v44 =	vmul.f32 v26, v26;
	v18 =	vmul.f32 v41, v18  }
0x13f: {  	v57 =	vmul.f32 v42, v42;
	v30 =	vadd.f32 v56, v30;
	v22 =	vmul.f32 v39, v22  }
0x140: {  	v33 =	vld [tilespmem:s18+$0x730];
	v20 =	vsub.s32 $0x5F1FFFF9, v51;
	v45 =	vmul.f32 v25, v25;
	v18 =	vmul.f32 v41, v18  }
0x141: {  	v43 =	vadd.f32 $9.999999970e-07, v43;
	v30 =	vmul.f32 v30, v13;
	v22 =	vmul.f32 v39, v22  }
0x142: {  	v41 =	vmul.f32 $7.039522520e-01, v41;
	v44 =	vadd.f32 v45, v44;
	v18 =	vsub.f32 $2.389244560e+00, v18  }
0x143: {  	v39 =	vmul.f32 $7.039522520e-01, v39;
	v30 =	vadd.f32 v30, v43;
	v22 =	vsub.f32 $2.389244560e+00, v22  }
0x144: {  	v21 =	vmul.f32 v20, v48;
	v44 =	vadd.f32 v57, v44;
	v18 =	vmul.f32 v18, v41  }
0x145: {  	v58 =	vmul.f32 v33, v33;
	v59 =	vshrl.u32 v30, $0x1;
	v22 =	vmul.f32 v22, v39  }
0x146: {  	v44 =	vmul.f32 v44, v11;
	v61 =	vsub.s32 $0x5F1FFFF9, v59;
	v60 =	vmul.f32 v18, v0  }
0x147: {  	v18 =	vmul.f32 v18, v40;
	v30 =	vmul.f32 v61, v30  }
0x148: {  	s9 =	sand.u32 $0x3FFFFE00, s23;
	v43 =	vadd.f32 $9.999999970e-07, v58;
	v63 =	vmul.f32 v22, v6;
	v22 =	vmul.f32 v22, v31  }
0x149: {  	v21 =	vmul.f32 v20, v21;
	v32 =	vmul.f32 v60, v32;
	[tilespmem:s9+$0x5700] =	vst v18  }
0x14a: {  	v62 =	vadd.f32 v44, v43;
	v43 =	vmul.f32 v60, v37;
	v30 =	vmul.f32 v61, v30;
	[tilespmem:s15+$0x5760] =	vst v22  }
0x14b: {  	v20 =	vmul.f32 $7.039522520e-01, v20;
	v23 =	vmul.f32 v60, v23;
	[tilespmem:s9+$0x5780] =	vst v32  }
0x14c: {  	v47 =	vmul.f32 $7.039522520e-01, v61;
	v45 =	vmul.f32 v63, v34;
	[tilespmem:s9+$0x5800] =	vst v43;
	v30 =	vsub.f32 $2.389244560e+00, v30  }
0x14d: {  	v21 =	vsub.f32 $2.389244560e+00, v21;
	v49 =	vmul.f32 v63, v35;
	v44 =	vshrl.u32 v62, $0x1;
	[tilespmem:s9+$0x5880] =	vst v23  }
0x14e: {  	v50 =	vmul.f32 v63, v38;
	v46 =	vsub.s32 $0x5F1FFFF9, v44;
	[tilespmem:s15+$0x57E0] =	vst v45;
	v35 =	vld [tilespmem:s0+$0x1D10];
	v18 =	vmul.f32 v30, v47  }
0x14f: {  	[tilespmem:s15+$0x5860] =	vst v49;
	v48 =	vmul.f32 v46, v62;
	v34 =	vld [tilespmem:s0+$0x3110]  }
0x150: {  	v54 =	vmul.f32 v21, v20;
	[tilespmem:s15+$0x58E0] =	vst v50;
	v37 =	vld [tilespmem:s0+$0x4510];
	v52 =	vmul.f32 v18, v5  }
0x151: {  	v21 =	vld [tilespmem:s0+$0x1BF0];
	v51 =	vmul.f32 v46, v48;
	v18 =	vmul.f32 v18, v27  }
0x152: {  	v53 =	vmul.f32 $7.039522520e-01, v46;
	v22 =	vld [tilespmem:s0+$0x2FF0];
	v55 =	vmul.f32 v52, v36  }
0x153: {  	v30 =	vsub.f32 $2.389244560e+00, v51;
	v36 =	vld [tilespmem:s10+$0x710];
	v56 =	vmul.f32 v35, v35;
	[tilespmem:s16+$0x5750] =	vst v18;
	v58 =	vmul.f32 v52, v28  }
0x154: {  	v20 =	vld [tilespmem:s0+$0x43F0];
	v57 =	vmul.f32 v34, v34;
	v59 =	vmul.f32 v52, v29;
	[tilespmem:s16+$0x57D0] =	vst v55  }
0x155: {  	v30 =	vmul.f32 v30, v53;
	[tilespmem:s16+$0x5850] =	vst v58  }
0x156: {  	v23 =	vld [tilespmem:s12+$0x770];
	v62 =	vmul.f32 v37, v37;
	v63 =	vmul.f32 v21, v21;
	v61 =	vadd.f32 v57, v56;
	[tilespmem:s16+$0x58D0] =	vst v59  }
0x157: {  	v41 =	vmul.f32 v22, v22;
	v60 =	vmul.f32 v30, v3;
	v29 =	vld [tilespmem:s11+$0x760]  }
0x158: {  	v39 =	vmul.f32 v30, v33;
	v28 =	vld [tilespmem:s0+$0x1C60];
	v32 =	vadd.f32 v62, v61;
	v40 =	vmul.f32 v36, v36  }
0x159: {  	v45 =	vmul.f32 v20, v20;
	v33 =	vadd.f32 v41, v63;
	v27 =	vld [tilespmem:s0+$0x3060];
	v26 =	vmul.f32 v60, v26  }
0x15a: {  	v41 =	vld [tilespmem:s0+$0x4580];
	[tilespmem:s17+$0x5730] =	vst v39;
	v43 =	vmul.f32 v60, v25;
	v32 =	vmul.f32 v32, v9;
	v30 =	vadd.f32 $9.999999970e-07, v40  }
0x15b: {  	s24 =	sor.u32 $0xA00, s20;
	v48 =	vmul.f32 v23, v23;
	v44 =	vmul.f32 v60, v42;
	v25 =	vld [tilespmem:s0+$0x4460];
	[tilespmem:s17+$0x57B0] =	vst v26  }
0x15c: {  	s29 =	sshra.s32 s24, $0x2;
	v42 =	vld [tilespmem:s0+$0x3180];
	[tilespmem:s17+$0x5830] =	vst v43;
	v46 =	vadd.f32 v32, v30  }
0x15d: {  	v39 =	vmul.f32 v54, v7;
	v47 =	vadd.f32 v45, v33;
	v33 =	vadd.f32 $9.999999970e-07, v48;
	v48 =	vld [tilespmem:s29+$0x700];
	[tilespmem:s17+$0x58B0] =	vst v44  }
0x15e: {  	v18 =	vmul.f32 v54, v17;
	v31 =	vld [tilespmem:s0+$0x1CC0];
	v49 =	vshrl.u32 v46, $0x1  }
0x15f: {  	v17 =	vmul.f32 v39, v16;
	v50 =	vmul.f32 v47, v15;
	v30 =	vld [tilespmem:s0+$0x30C0];
	v38 =	vsub.s32 $0x5F1FFFF9, v49  }
0x160: {  	v40 =	vld [tilespmem:s0+$0x1D80];
	v51 =	vmul.f32 v29, v29;
	v26 =	vmul.f32 v38, v46  }
0x161: {  	v52 =	vmul.f32 v28, v28;
	v53 =	vmul.f32 v27, v27;
	v32 =	vld [tilespmem:s0+$0x44C0]  }
0x162: {  	v45 =	vld [tilespmem:s18+$0x740];
	v60 =	vmul.f32 v41, v41;
	v54 =	vadd.f32 $9.999999970e-07, v51;
	v26 =	vmul.f32 v38, v26  }
0x163: {  	v43 =	vadd.f32 v53, v52;
	v55 =	vmul.f32 v25, v25;
	v46 =	vmul.f32 v31, v31  }
0x164: {  	v47 =	vmul.f32 v30, v30;
	v38 =	vmul.f32 $7.039522520e-01, v38;
	v26 =	vsub.f32 $2.389244560e+00, v26  }
0x165: {  	v43 =	vadd.f32 v55, v43;
	v56 =	vmul.f32 v40, v40;
	v49 =	vmul.f32 v42, v42  }
0x166: {  	v57 =	vmul.f32 v32, v32;
	v46 =	vadd.f32 v47, v46;
	v26 =	vmul.f32 v26, v38  }
0x167: {  	v63 =	vmul.f32 v48, v48;
	v61 =	vmul.f32 v45, v45;
	v59 =	vadd.f32 v49, v56  }
0x168: {  	v58 =	vmul.f32 v43, v14;
	v46 =	vadd.f32 v57, v46;
	v62 =	vmul.f32 v26, v1  }
0x169: {  	v49 =	vadd.f32 $9.999999970e-07, v61;
	v43 =	vadd.f32 v60, v59;
	v26 =	vmul.f32 v26, v36  }
0x16a: {  	v52 =	vadd.f32 v58, v54;
	v46 =	vmul.f32 v46, v12;
	v35 =	vmul.f32 v62, v35  }
0x16b: {  	v43 =	vmul.f32 v43, v8;
	v36 =	vadd.f32 $9.999999970e-07, v63;
	[tilespmem:s9+$0x5710] =	vst v26;
	v34 =	vmul.f32 v62, v34  }
0x16c: {  	v54 =	vshrl.u32 v52, $0x1;
	v44 =	vadd.f32 v46, v49;
	v51 =	vmul.f32 v62, v37;
	[tilespmem:s9+$0x5790] =	vst v35  }
0x16d: {  	v16 =	vmul.f32 v39, v24;
	v57 =	vsub.s32 $0x5F1FFFF9, v54;
	v49 =	vld [tilespmem:s0+$0x1E00];
	v36 =	vadd.f32 v43, v36;
	[tilespmem:s9+$0x5810] =	vst v34  }
0x16e: {  	v19 =	vmul.f32 v39, v19;
	v37 =	vmul.f32 v57, v52;
	v53 =	vshrl.u32 v44, $0x1;
	[tilespmem:s9+$0x5890] =	vst v51;
	v51 =	vld [tilespmem:s0+$0x3200]  }
0x16f: {  	v24 =	vadd.f32 v50, v33;
	v55 =	vsub.s32 $0x5F1FFFF9, v53;
	v56 =	vshrl.u32 v36, $0x1;
	v33 =	vld [tilespmem:s0+$0x1D20]  }
0x170: {  	v37 =	vmul.f32 v57, v37;
	v58 =	vmul.f32 v55, v44;
	v34 =	vld [tilespmem:s0+$0x3120];
	v59 =	vsub.s32 $0x5F1FFFF9, v56  }
0x171: {  	v50 =	vshrl.u32 v24, $0x1;
	v39 =	vmul.f32 $7.039522520e-01, v57;
	v35 =	vld [tilespmem:s0+$0x4520];
	v36 =	vmul.f32 v59, v36  }
0x172: {  	v53 =	vld [tilespmem:s0+$0x1E80];
	v38 =	vmul.f32 $7.039522520e-01, v55;
	v37 =	vsub.f32 $2.389244560e+00, v37;
	v43 =	vmul.f32 v55, v58  }
0x173: {  	v26 =	vsub.s32 $0x5F1FFFF9, v50;
	v46 =	vld [tilespmem:s10+$0x720];
	v44 =	vmul.f32 $7.039522520e-01, v59;
	v36 =	vmul.f32 v59, v36  }
0x174: {  	v56 =	vld [tilespmem:s0+$0x3280];
	v54 =	vmul.f32 v49, v49;
	v37 =	vmul.f32 v37, v39;
	v43 =	vsub.f32 $2.389244560e+00, v43  }
0x175: {  	v60 =	vmul.f32 v33, v33;
	v50 =	vmul.f32 v34, v34;
	v36 =	vsub.f32 $2.389244560e+00, v36  }
0x176: {  	v55 =	vmul.f32 v51, v51;
	v62 =	vmul.f32 v35, v35  }
0x177: {  	s21 =	sor.u32 $0xC00, s20;
	v38 =	vmul.f32 v43, v38;
	v61 =	vadd.f32 v50, v60;
	v36 =	vmul.f32 v36, v44;
	v44 =	vld [tilespmem:s0+$0x4600]  }
0x178: {  	s23 =	sshra.s32 s21, $0x2;
	v57 =	vmul.f32 v53, v53;
	v52 =	vmul.f32 v46, v46  }
0x179: {  	v58 =	vmul.f32 v56, v56;
	v50 =	vld [tilespmem:s23+$0x700];
	v39 =	vmul.f32 v38, v4;
	v43 =	vadd.f32 v62, v61  }
0x17a: {  	s12 =	sand.u32 $0x3FFFFE00, s24;
	s24 =	sor.u32 $0xE00, s20;
	v60 =	vadd.f32 v55, v54;
	v55 =	vld [tilespmem:s0+$0x4680];
	v38 =	vmul.f32 v38, v45;
	v63 =	vmul.f32 v36, v0  }
0x17b: {  	s22 =	sshra.s32 s24, $0x2;
	v36 =	vmul.f32 v36, v48;
	v43 =	vmul.f32 v43, v10  }
0x17c: {  	v52 =	vadd.f32 $9.999999970e-07, v52;
	v45 =	vld [tilespmem:s22+$0x700];
	v40 =	vmul.f32 v63, v40;
	v61 =	vmul.f32 v44, v44  }
0x17d: {  	[tilespmem:s12+$0x5700] =	vst v36;
	v62 =	vmul.f32 v63, v42;
	v63 =	vmul.f32 v63, v41  }
0x17e: {  	v43 =	vadd.f32 v43, v52;
	[tilespmem:s12+$0x5780] =	vst v40;
	v52 =	vmul.f32 v50, v50;
	v54 =	vadd.f32 v61, v60  }
0x17f: {  	v36 =	vadd.f32 v58, v57;
	[tilespmem:s12+$0x5880] =	vst v63;
	v63 =	vmul.f32 v55, v55  }
0x180: {  	[tilespmem:s12+$0x5800] =	vst v62;
	v59 =	vshrl.u32 v43, $0x1;
	v60 =	vadd.f32 $9.999999970e-07, v52;
	v61 =	vmul.f32 v54, v8  }
0x181: {  	v57 =	vmul.f32 v45, v45;
	v48 =	vld [tilespmem:s0+$0x1D90];
	v62 =	vsub.s32 $0x5F1FFFF9, v59  }
0x182: {  	v52 =	vld [tilespmem:s0+$0x3190];
	v36 =	vadd.f32 v63, v36;
	v43 =	vmul.f32 v62, v43;
	v40 =	vadd.f32 v61, v60  }
0x183: {  	v24 =	vmul.f32 v26, v24;
	v41 =	vadd.f32 $9.999999970e-07, v57  }
0x184: {  	v36 =	vmul.f32 v36, v8;
	v58 =	vmul.f32 v62, v43;
	v43 =	vld [tilespmem:s0+$0x4590];
	v59 =	vshrl.u32 v40, $0x1  }
0x185: {  	v31 =	vmul.f32 v39, v31;
	v30 =	vmul.f32 v39, v30;
	v47 =	vsub.s32 $0x5F1FFFF9, v59  }
0x186: {  	v32 =	vmul.f32 v39, v32;
	v54 =	vld [tilespmem:s29+$0x710];
	v36 =	vadd.f32 v36, v41;
	v40 =	vmul.f32 v47, v40  }
0x187: {  	v57 =	vmul.f32 v48, v48;
	v39 =	vsub.f32 $2.389244560e+00, v58;
	v58 =	vmul.f32 v52, v52  }
0x188: {  	v42 =	vmul.f32 $7.039522520e-01, v62;
	v62 =	vshrl.u32 v36, $0x1;
	v40 =	vmul.f32 v47, v40  }
0x189: {  	v60 =	vadd.f32 v58, v57;
	v57 =	vsub.s32 $0x5F1FFFF9, v62;
	v61 =	vmul.f32 v43, v43  }
0x18a: {  	v47 =	vmul.f32 $7.039522520e-01, v47;
	v36 =	vmul.f32 v57, v36;
	v40 =	vsub.f32 $2.389244560e+00, v40  }
0x18b: {  	[tilespmem:s17+$0x5740] =	vst v38;
	v63 =	vmul.f32 v54, v54;
	v39 =	vmul.f32 v39, v42  }
0x18c: {  	[tilespmem:s17+$0x57C0] =	vst v31;
	v41 =	vadd.f32 v61, v60;
	v36 =	vmul.f32 v57, v36;
	v40 =	vmul.f32 v40, v47  }
0x18d: {  	[tilespmem:s17+$0x5840] =	vst v30;
	v47 =	vmul.f32 v39, v46;
	v39 =	vmul.f32 v39, v2  }
0x18e: {  	[tilespmem:s17+$0x58C0] =	vst v32;
	v60 =	vmul.f32 v41, v9;
	v62 =	vmul.f32 v40, v50  }
0x18f: {  	s21 =	sand.u32 $0x3FFFFE00, s21;
	v59 =	vadd.f32 $9.999999970e-07, v63;
	v61 =	vmul.f32 v40, v0;
	[tilespmem:s9+$0x5720] =	vst v47;
	v33 =	vmul.f32 v39, v33  }
0x190: {  	v63 =	vmul.f32 $7.039522520e-01, v57;
	v36 =	vsub.f32 $2.389244560e+00, v36;
	v34 =	vmul.f32 v39, v34;
	[tilespmem:s21+$0x5700] =	vst v62  }
0x191: {  	v29 =	vmul.f32 v37, v29;
	v38 =	vadd.f32 v60, v59;
	v42 =	vmul.f32 v61, v49;
	[tilespmem:s9+$0x57A0] =	vst v33  }
0x192: {  	v32 =	vld [tilespmem:s18+$0x750];
	v36 =	vmul.f32 v36, v63;
	v46 =	vmul.f32 v61, v51;
	[tilespmem:s9+$0x5820] =	vst v34  }
0x193: {  	v30 =	vld [tilespmem:s0+$0x1CD0];
	v58 =	vmul.f32 v37, v6;
	v47 =	vshrl.u32 v38, $0x1;
	v49 =	vmul.f32 v61, v44;
	[tilespmem:s21+$0x5780] =	vst v42  }
0x194: {  	v31 =	vld [tilespmem:s0+$0x30D0];
	v35 =	vmul.f32 v39, v35;
	v50 =	vmul.f32 v36, v0;
	v37 =	vsub.s32 $0x5F1FFFF9, v47;
	[tilespmem:s21+$0x5800] =	vst v46  }
0x195: {  	v36 =	vmul.f32 v36, v45;
	v33 =	vld [tilespmem:s0+$0x44D0];
	v38 =	vmul.f32 v37, v38;
	[tilespmem:s21+$0x5880] =	vst v49  }
0x196: {  	s24 =	sand.u32 $0x3FFFFE00, s24;
	v24 =	vmul.f32 v26, v24;
	[tilespmem:s9+$0x58A0] =	vst v35;
	v51 =	vmul.f32 v50, v53;
	v40 =	vld [tilespmem:s0+$0x1E10]  }
0x197: {  	[tilespmem:s24+$0x5700] =	vst v36;
	v53 =	vmul.f32 v50, v56;
	v44 =	vld [tilespmem:s0+$0x3210];
	v38 =	vmul.f32 v37, v38  }
0x198: {  	v28 =	vmul.f32 v58, v28;
	v47 =	vld [tilespmem:s0+$0x1D30];
	v41 =	vmul.f32 v50, v55;
	[tilespmem:s24+$0x5780] =	vst v51  }
0x199: {  	v27 =	vmul.f32 v58, v27;
	v42 =	vld [tilespmem:s0+$0x4610];
	v37 =	vmul.f32 $7.039522520e-01, v37;
	[tilespmem:s24+$0x5800] =	vst v53;
	v38 =	vsub.f32 $2.389244560e+00, v38  }
0x19a: {  	v61 =	vmul.f32 v31, v31;
	v56 =	vmul.f32 v32, v32;
	v39 =	vld [tilespmem:s23+$0x710];
	[tilespmem:s24+$0x5880] =	vst v41  }
0x19b: {  	v41 =	vmul.f32 v30, v30;
	v45 =	vld [tilespmem:s0+$0x3290];
	v57 =	vmul.f32 v38, v37  }
0x19c: {  	v53 =	vld [tilespmem:s0+$0x3130];
	v59 =	vmul.f32 v40, v40;
	v60 =	vmul.f32 v44, v44  }
0x19d: {  	v36 =	vadd.f32 $9.999999970e-07, v56;
	v50 =	vmul.f32 v33, v33;
	v56 =	vmul.f32 v47, v47;
	v38 =	vld [tilespmem:s0+$0x1E90]  }
0x19e: {  	v51 =	vld [tilespmem:s0+$0x4690];
	v63 =	vmul.f32 v42, v42;
	v62 =	vmul.f32 v57, v1;
	v35 =	vadd.f32 v60, v59  }
0x19f: {  	v55 =	vld [tilespmem:s22+$0x710];
	v34 =	vmul.f32 v57, v54;
	v57 =	vmul.f32 v39, v39;
	v59 =	vadd.f32 v61, v41  }
0x1a0: {  	v41 =	vld [tilespmem:s0+$0x4530];
	v61 =	vmul.f32 v45, v45;
	v48 =	vmul.f32 v62, v48;
	v35 =	vadd.f32 v63, v35  }
0x1a1: {  	v52 =	vmul.f32 v62, v52;
	[tilespmem:s12+$0x5710] =	vst v34;
	v43 =	vmul.f32 v62, v43  }
0x1a2: {  	v49 =	vld [tilespmem:s10+$0x730];
	v62 =	vadd.f32 $9.999999970e-07, v57;
	v60 =	vmul.f32 v38, v38;
	[tilespmem:s12+$0x5790] =	vst v48;
	v35 =	vmul.f32 v35, v9  }
0x1a3: {  	v37 =	vadd.f32 v50, v59;
	v63 =	vmul.f32 v51, v51;
	v57 =	vmul.f32 v53, v53;
	[tilespmem:s12+$0x5810] =	vst v52  }
0x1a4: {  	v59 =	vmul.f32 v55, v55;
	[tilespmem:s12+$0x5890] =	vst v43;
	v34 =	vadd.f32 v61, v60;
	v35 =	vadd.f32 v35, v62  }
0x1a5: {  	v43 =	vmul.f32 v37, v13;
	v46 =	vadd.f32 v57, v56;
	v48 =	vld [tilespmem:s0+$0x1DA0];
	v60 =	vmul.f32 v41, v41  }
0x1a6: {  	v37 =	vmul.f32 v58, v25;
	v52 =	vld [tilespmem:s0+$0x31A0];
	v34 =	vadd.f32 v63, v34;
	v61 =	vshrl.u32 v35, $0x1  }
0x1a7: {  	v63 =	vmul.f32 v49, v49;
	v46 =	vadd.f32 v60, v46;
	v54 =	vsub.s32 $0x5F1FFFF9, v61  }
0x1a8: {  	v62 =	vadd.f32 $9.999999970e-07, v59;
	v34 =	vmul.f32 v34, v9;
	v35 =	vmul.f32 v54, v35  }
0x1a9: {  	v36 =	vadd.f32 v43, v36;
	v43 =	vld [tilespmem:s0+$0x45A0];
	v50 =	vadd.f32 $9.999999970e-07, v63;
	v46 =	vmul.f32 v46, v11  }
0x1aa: {  	v25 =	vmul.f32 $7.039522520e-01, v26;
	v34 =	vadd.f32 v34, v62;
	v60 =	vmul.f32 v54, v35  }
0x1ab: {  	v61 =	vmul.f32 v48, v48;
	v62 =	vmul.f32 v52, v52;
	v26 =	vadd.f32 v46, v50  }
0x1ac: {  	v35 =	vld [tilespmem:s29+$0x720];
	v54 =	vmul.f32 $7.039522520e-01, v54;
	v63 =	vshrl.u32 v34, $0x1;
	v59 =	vsub.f32 $2.389244560e+00, v60  }
0x1ad: {  	v58 =	vsub.s32 $0x5F1FFFF9, v63;
	v60 =	vadd.f32 v62, v61;
	v62 =	vshrl.u32 v26, $0x1  }
0x1ae: {  	v61 =	vmul.f32 v43, v43;
	v34 =	vmul.f32 v58, v34;
	v57 =	vsub.s32 $0x5F1FFFF9, v62  }
0x1af: {  	v54 =	vmul.f32 v59, v54;
	v26 =	vmul.f32 v57, v26  }
0x1b0: {  	v59 =	vmul.f32 $7.039522520e-01, v57;
	v34 =	vmul.f32 v58, v34  }
0x1b1: {  	v46 =	vadd.f32 v61, v60;
	v60 =	vmul.f32 v35, v35;
	v58 =	vmul.f32 $7.039522520e-01, v58  }
0x1b2: {  	v56 =	vshrl.u32 v36, $0x1;
	v63 =	vmul.f32 v54, v1;
	v39 =	vmul.f32 v54, v39  }
0x1b3: {  	v46 =	vmul.f32 v46, v10;
	v26 =	vmul.f32 v57, v26;
	v34 =	vsub.f32 $2.389244560e+00, v34  }
0x1b4: {  	v54 =	vadd.f32 $9.999999970e-07, v60;
	v40 =	vmul.f32 v63, v40;
	v61 =	vmul.f32 v63, v44  }
0x1b5: {  	[tilespmem:s21+$0x5710] =	vst v39;
	v44 =	vsub.s32 $0x5F1FFFF9, v56;
	v62 =	vmul.f32 v63, v42;
	v34 =	vmul.f32 v34, v58  }
0x1b6: {  	v26 =	vsub.f32 $2.389244560e+00, v26;
	v36 =	vmul.f32 v44, v36;
	v63 =	vadd.f32 v46, v54;
	[tilespmem:s21+$0x5790] =	vst v40  }
0x1b7: {  	v39 =	vmul.f32 $7.039522520e-01, v44;
	[tilespmem:s21+$0x5810] =	vst v61;
	v58 =	vmul.f32 v34, v1  }
0x1b8: {  	[tilespmem:s21+$0x5890] =	vst v62;
	v26 =	vmul.f32 v26, v59;
	v34 =	vmul.f32 v34, v55;
	v46 =	vshrl.u32 v63, $0x1  }
0x1b9: {  	v50 =	vld [tilespmem:s0+$0x1E20];
	v46 =	vsub.s32 $0x5F1FFFF9, v46;
	v38 =	vmul.f32 v58, v38;
	v60 =	vmul.f32 v58, v45  }
0x1ba: {  	v54 =	vld [tilespmem:s0+$0x3220];
	[tilespmem:s24+$0x5710] =	vst v34;
	v42 =	vmul.f32 v46, v63;
	v61 =	vmul.f32 v58, v51  }
0x1bb: {  	v40 =	vld [tilespmem:s0+$0x4620];
	v34 =	vmul.f32 v44, v36;
	v63 =	vmul.f32 v26, v3;
	[tilespmem:s24+$0x5790] =	vst v38  }
0x1bc: {  	v57 =	vmul.f32 $7.039522520e-01, v46;
	[tilespmem:s24+$0x5810] =	vst v60;
	v62 =	vmul.f32 v46, v42  }
0x1bd: {  	v26 =	vmul.f32 v26, v49;
	v42 =	vld [tilespmem:s23+$0x720];
	[tilespmem:s24+$0x5890] =	vst v61;
	v47 =	vmul.f32 v63, v47;
	v34 =	vsub.f32 $2.389244560e+00, v34  }
0x1be: {  	v38 =	vmul.f32 v63, v41;
	v45 =	vld [tilespmem:s0+$0x1EA0];
	v58 =	vmul.f32 v50, v50;
	v36 =	vsub.f32 $2.389244560e+00, v62  }
0x1bf: {  	v59 =	vmul.f32 v54, v54;
	v55 =	vld [tilespmem:s0+$0x32A0];
	v39 =	vmul.f32 v34, v39  }
0x1c0: {  	v61 =	vmul.f32 v40, v40;
	v36 =	vmul.f32 v36, v57  }
0x1c1: {  	[tilespmem:s9+$0x5730] =	vst v26;
	v49 =	vld [tilespmem:s0+$0x46A0];
	v62 =	vmul.f32 v63, v53;
	v60 =	vadd.f32 v59, v58;
	v53 =	vmul.f32 v39, v5  }
0x1c2: {  	v46 =	vld [tilespmem:s22+$0x720];
	[tilespmem:s9+$0x57B0] =	vst v47;
	v63 =	vmul.f32 v42, v42;
	v26 =	vmul.f32 v36, v2  }
0x1c3: {  	[tilespmem:s9+$0x58B0] =	vst v38;
	v44 =	vadd.f32 v61, v60;
	v56 =	vmul.f32 v45, v45;
	v35 =	vmul.f32 v36, v35  }
0x1c4: {  	[tilespmem:s9+$0x5830] =	vst v62;
	v57 =	vmul.f32 v55, v55;
	v60 =	vmul.f32 v26, v48  }
0x1c5: {  	v58 =	vadd.f32 $9.999999970e-07, v63;
	v59 =	vmul.f32 v44, v10;
	[tilespmem:s12+$0x5720] =	vst v35;
	v63 =	vmul.f32 v26, v52  }
0x1c6: {  	v34 =	vld [tilespmem:s10+$0x740];
	v62 =	vmul.f32 v49, v49;
	v61 =	vadd.f32 v57, v56;
	v26 =	vmul.f32 v26, v43;
	[tilespmem:s12+$0x57A0] =	vst v60  }
0x1c7: {  	v32 =	vmul.f32 v39, v32;
	v51 =	vmul.f32 v46, v46;
	v36 =	vld [tilespmem:s0+$0x3140];
	v41 =	vadd.f32 v59, v58;
	[tilespmem:s12+$0x5820] =	vst v63  }
0x1c8: {  	v30 =	vmul.f32 v53, v30;
	v31 =	vmul.f32 v53, v31;
	v35 =	vld [tilespmem:s0+$0x1D40];
	v52 =	vadd.f32 v62, v61;
	[tilespmem:s12+$0x58A0] =	vst v26  }
0x1c9: {  	v44 =	vmul.f32 v53, v33;
	v53 =	vsub.f32 $2.389244560e+00, v24;
	v56 =	vshrl.u32 v41, $0x1;
	v43 =	vld [tilespmem:s0+$0x1DB0]  }
0x1ca: {  	v38 =	vadd.f32 $9.999999970e-07, v51;
	v47 =	vld [tilespmem:s0+$0x31B0];
	v57 =	vsub.s32 $0x5F1FFFF9, v56;
	v58 =	vmul.f32 v52, v10  }
0x1cb: {  	[tilespmem:s16+$0x5760] =	vst v29;
	v29 =	vmul.f32 v34, v34;
	v41 =	vmul.f32 v57, v41  }
0x1cc: {  	v61 =	vmul.f32 v36, v36;
	v48 =	vld [tilespmem:s0+$0x45B0];
	v52 =	vmul.f32 v53, v25;
	v38 =	vadd.f32 v58, v38  }
0x1cd: {  	v33 =	vld [tilespmem:s0+$0x4540];
	v60 =	vmul.f32 v35, v35;
	v59 =	vmul.f32 v57, v41  }
0x1ce: {  	[tilespmem:s16+$0x5860] =	vst v27;
	v27 =	vld [tilespmem:s29+$0x730];
	v26 =	vmul.f32 $7.039522520e-01, v57;
	v62 =	vshrl.u32 v38, $0x1;
	v63 =	vmul.f32 v43, v43  }
0x1cf: {  	[tilespmem:s16+$0x57E0] =	vst v28;
	v56 =	vmul.f32 v47, v47;
	v39 =	vsub.f32 $2.389244560e+00, v59;
	v51 =	vsub.s32 $0x5F1FFFF9, v62  }
0x1d0: {  	[tilespmem:s16+$0x58E0] =	vst v37;
	v23 =	vmul.f32 v52, v23;
	v38 =	vmul.f32 v51, v38  }
0x1d1: {  	[tilespmem:s17+$0x5750] =	vst v32;
	v59 =	vmul.f32 v48, v48;
	v24 =	vadd.f32 v56, v63;
	v26 =	vmul.f32 v39, v26  }
0x1d2: {  	[tilespmem:s17+$0x57D0] =	vst v30;
	v28 =	vadd.f32 v61, v60;
	v57 =	vmul.f32 v33, v33;
	v58 =	vmul.f32 v51, v38  }
0x1d3: {  	[tilespmem:s17+$0x5850] =	vst v31;
	v62 =	vmul.f32 v27, v27;
	v30 =	vadd.f32 v59, v24;
	v60 =	vmul.f32 v26, v2  }
0x1d4: {  	[tilespmem:s17+$0x58D0] =	vst v44;
	v61 =	vmul.f32 $7.039522520e-01, v51;
	v26 =	vmul.f32 v26, v42;
	v37 =	vsub.f32 $2.389244560e+00, v58  }
0x1d5: {  	v31 =	vld [tilespmem:s0+$0x1CE0];
	v28 =	vadd.f32 v57, v28;
	v30 =	vmul.f32 v30, v11;
	v63 =	vmul.f32 v60, v50  }
0x1d6: {  	v29 =	vadd.f32 $9.999999970e-07, v29;
	v24 =	vld [tilespmem:s11+$0x770];
	[tilespmem:s21+$0x5720] =	vst v26;
	v44 =	vmul.f32 v60, v54;
	v50 =	vmul.f32 v37, v61  }
0x1d7: {  	v51 =	vadd.f32 $9.999999970e-07, v62;
	v38 =	vmul.f32 v60, v40;
	v54 =	vmul.f32 v28, v12;
	[tilespmem:s21+$0x57A0] =	vst v63  }
0x1d8: {  	v25 =	vld [tilespmem:s0+$0x1C70];
	v28 =	vmul.f32 v52, v7;
	[tilespmem:s21+$0x5820] =	vst v44;
	v53 =	vmul.f32 v50, v2  }
0x1d9: {  	v30 =	vadd.f32 v30, v51;
	[tilespmem:s21+$0x58A0] =	vst v38;
	v40 =	vadd.f32 v54, v29;
	v29 =	vld [tilespmem:s0+$0x30E0];
	v32 =	vmul.f32 v50, v46  }
0x1da: {  	v61 =	vmul.f32 v31, v31;
	v37 =	vld [tilespmem:s0+$0x1E30];
	v56 =	vmul.f32 v53, v45  }
0x1db: {  	v38 =	vmul.f32 v24, v24;
	v57 =	vshrl.u32 v30, $0x1;
	v42 =	vld [tilespmem:s0+$0x3230];
	[tilespmem:s24+$0x5720] =	vst v32;
	v58 =	vmul.f32 v53, v55  }
0x1dc: {  	v44 =	vld [tilespmem:s0+$0x4630];
	v59 =	vsub.s32 $0x5F1FFFF9, v57;
	v60 =	vshrl.u32 v40, $0x1;
	v26 =	vmul.f32 v53, v49;
	[tilespmem:s24+$0x57A0] =	vst v56  }
0x1dd: {  	v30 =	vmul.f32 v59, v30;
	v45 =	vmul.f32 v25, v25;
	v41 =	vsub.s32 $0x5F1FFFF9, v60;
	[tilespmem:s24+$0x5820] =	vst v58  }
0x1de: {  	v46 =	vld [tilespmem:s23+$0x730];
	v39 =	vmul.f32 $7.039522520e-01, v59;
	v62 =	vmul.f32 v41, v40;
	[tilespmem:s24+$0x58A0] =	vst v26  }
0x1df: {  	v30 =	vmul.f32 v59, v30;
	v40 =	vld [tilespmem:s0+$0x1EB0];
	v63 =	vmul.f32 v37, v37  }
0x1e0: {  	v56 =	vmul.f32 v42, v42;
	v51 =	vld [tilespmem:s0+$0x32B0];
	v26 =	vmul.f32 v41, v62  }
0x1e1: {  	v59 =	vmul.f32 v29, v29;
	v58 =	vmul.f32 v44, v44;
	v53 =	vld [tilespmem:s0+$0x46B0];
	v57 =	vsub.f32 $2.389244560e+00, v30  }
0x1e2: {  	v41 =	vmul.f32 $7.039522520e-01, v41;
	v50 =	vld [tilespmem:s22+$0x730];
	v49 =	vadd.f32 v56, v63;
	v26 =	vsub.f32 $2.389244560e+00, v26  }
0x1e3: {  	v60 =	vmul.f32 v46, v46;
	v54 =	vadd.f32 v59, v61;
	v39 =	vmul.f32 v57, v39  }
0x1e4: {  	v30 =	vld [tilespmem:s0+$0x44E0];
	v49 =	vadd.f32 v58, v49;
	v41 =	vmul.f32 v26, v41;
	v61 =	vmul.f32 v40, v40  }
0x1e5: {  	v62 =	vmul.f32 v51, v51;
	v56 =	vmul.f32 v39, v3  }
0x1e6: {  	v52 =	vadd.f32 $9.999999970e-07, v60;
	v63 =	vmul.f32 v53, v53;
	v49 =	vmul.f32 v49, v11  }
0x1e7: {  	v27 =	vmul.f32 v39, v27;
	v60 =	vmul.f32 v50, v50  }
0x1e8: {  	v26 =	vld [tilespmem:s0+$0x3070];
	v55 =	vadd.f32 v62, v61;
	v43 =	vmul.f32 v56, v43;
	v39 =	vadd.f32 v49, v52  }
0x1e9: {  	v58 =	vmul.f32 v30, v30;
	[tilespmem:s12+$0x5730] =	vst v27;
	v62 =	vmul.f32 v56, v47  }
0x1ea: {  	v61 =	vadd.f32 v63, v55;
	v63 =	vmul.f32 v56, v48;
	[tilespmem:s12+$0x57B0] =	vst v43;
	v56 =	vshrl.u32 v39, $0x1  }
0x1eb: {  	v34 =	vmul.f32 v41, v34;
	v59 =	vadd.f32 $9.999999970e-07, v60;
	[tilespmem:s12+$0x5830] =	vst v62;
	v57 =	vsub.s32 $0x5F1FFFF9, v56  }
0x1ec: {  	v32 =	vld [tilespmem:s18+$0x760];
	v54 =	vadd.f32 v58, v54;
	v60 =	vmul.f32 v61, v11;
	[tilespmem:s12+$0x58B0] =	vst v63;
	v61 =	vmul.f32 v57, v39  }
0x1ed: {  	v52 =	vmul.f32 v26, v26;
	v62 =	vmul.f32 v41, v4;
	v49 =	vld [tilespmem:s0+$0x1DC0]  }
0x1ee: {  	v48 =	vmul.f32 v54, v14;
	v41 =	vld [tilespmem:s0+$0x31C0];
	v63 =	vadd.f32 v60, v59;
	v27 =	vmul.f32 v57, v61  }
0x1ef: {  	v35 =	vmul.f32 v62, v35;
	v36 =	vmul.f32 v62, v36  }
0x1f0: {  	v43 =	vmul.f32 $7.039522520e-01, v57;
	v56 =	vld [tilespmem:s0+$0x45C0];
	v60 =	vshrl.u32 v63, $0x1;
	v27 =	vsub.f32 $2.389244560e+00, v27  }
0x1f1: {  	v33 =	vmul.f32 v62, v33;
	v39 =	vmul.f32 v32, v32;
	v54 =	vsub.s32 $0x5F1FFFF9, v60  }
0x1f2: {  	v47 =	vmul.f32 v54, v63;
	v43 =	vmul.f32 v27, v43  }
0x1f3: {  	[tilespmem:s9+$0x5740] =	vst v34;
	v45 =	vadd.f32 v52, v45;
	v52 =	vld [tilespmem:s29+$0x740];
	v61 =	vmul.f32 v49, v49;
	v62 =	vmul.f32 v41, v41  }
0x1f4: {  	[tilespmem:s9+$0x57C0] =	vst v35;
	v39 =	vadd.f32 $9.999999970e-07, v39;
	v27 =	vld [tilespmem:s0+$0x4470];
	v47 =	vmul.f32 v54, v47;
	v55 =	vmul.f32 v43, v3  }
0x1f5: {  	[tilespmem:s9+$0x5840] =	vst v36;
	v59 =	vmul.f32 v56, v56;
	v58 =	vadd.f32 v62, v61;
	v63 =	vmul.f32 v43, v46  }
0x1f6: {  	[tilespmem:s9+$0x58C0] =	vst v33;
	v54 =	vmul.f32 $7.039522520e-01, v54;
	v57 =	vsub.f32 $2.389244560e+00, v47;
	v60 =	vmul.f32 v55, v37  }
0x1f7: {  	v21 =	vmul.f32 v28, v21;
	v34 =	vadd.f32 v59, v58;
	[tilespmem:s21+$0x5730] =	vst v63;
	v61 =	vmul.f32 v55, v42  }
0x1f8: {  	v37 =	vadd.f32 v48, v39;
	v48 =	vmul.f32 v55, v44;
	v62 =	vmul.f32 v57, v54;
	[tilespmem:s21+$0x57B0] =	vst v60  }
0x1f9: {  	v63 =	vmul.f32 v52, v52;
	v54 =	vmul.f32 v27, v27;
	[tilespmem:s21+$0x5830] =	vst v61  }
0x1fa: {  	v33 =	vld [tilespmem:s0+$0x1D50];
	v34 =	vmul.f32 v34, v12;
	[tilespmem:s21+$0x58B0] =	vst v48;
	v57 =	vmul.f32 v62, v3  }
0x1fb: {  	v55 =	vshrl.u32 v37, $0x1;
	v42 =	vadd.f32 $9.999999970e-07, v63;
	v58 =	vmul.f32 v62, v50;
	v44 =	vld [tilespmem:s0+$0x1E40]  }
0x1fc: {  	v59 =	vadd.f32 v54, v45;
	v60 =	vsub.s32 $0x5F1FFFF9, v55;
	v45 =	vld [tilespmem:s0+$0x3240];
	v40 =	vmul.f32 v57, v40  }
0x1fd: {  	v46 =	vld [tilespmem:s0+$0x4640];
	v37 =	vmul.f32 v60, v37;
	v42 =	vadd.f32 v34, v42;
	[tilespmem:s24+$0x5730] =	vst v58;
	v61 =	vmul.f32 v57, v51  }
0x1fe: {  	v38 =	vadd.f32 $9.999999970e-07, v38;
	v54 =	vld [tilespmem:s10+$0x750];
	v39 =	vmul.f32 v59, v15;
	v36 =	vmul.f32 v57, v53;
	[tilespmem:s24+$0x57B0] =	vst v40  }
0x1ff: {  	v34 =	vld [tilespmem:s0+$0x3150];
	v55 =	vmul.f32 $7.039522520e-01, v60;
	v37 =	vmul.f32 v60, v37;
	v62 =	vshrl.u32 v42, $0x1;
	[tilespmem:s24+$0x5830] =	vst v61  }
0x200: {  	v60 =	vmul.f32 v33, v33;
	v35 =	vadd.f32 v39, v38;
	v63 =	vsub.s32 $0x5F1FFFF9, v62;
	v39 =	vld [tilespmem:s23+$0x740];
	[tilespmem:s24+$0x58B0] =	vst v36  }
0x201: {  	v40 =	vmul.f32 v63, v42;
	v42 =	vld [tilespmem:s0+$0x1EC0];
	v57 =	vmul.f32 v44, v44  }
0x202: {  	v37 =	vsub.f32 $2.389244560e+00, v37;
	v58 =	vmul.f32 v45, v45;
	v48 =	vld [tilespmem:s0+$0x32C0];
	v61 =	vmul.f32 v46, v46  }
0x203: {  	v53 =	vld [tilespmem:s0+$0x46C0];
	v38 =	vmul.f32 $7.039522520e-01, v63;
	v59 =	vshrl.u32 v35, $0x1;
	v40 =	vmul.f32 v63, v40  }
0x204: {  	v36 =	vmul.f32 v37, v55;
	v37 =	vld [tilespmem:s0+$0x4550];
	v43 =	vadd.f32 v58, v57;
	v50 =	vsub.s32 $0x5F1FFFF9, v59  }
0x205: {  	v47 =	vld [tilespmem:s22+$0x740];
	v62 =	vmul.f32 v34, v34;
	v35 =	vmul.f32 v50, v35;
	v40 =	vsub.f32 $2.389244560e+00, v40  }
0x206: {  	v63 =	vmul.f32 v39, v39;
	v43 =	vadd.f32 v61, v43;
	v32 =	vmul.f32 v36, v32  }
0x207: {  	v51 =	vadd.f32 v62, v60;
	v60 =	vmul.f32 v42, v42;
	v61 =	vmul.f32 v48, v48  }
0x208: {  	v38 =	vmul.f32 v40, v38;
	v62 =	vadd.f32 $9.999999970e-07, v63;
	v43 =	vmul.f32 v43, v12  }
0x209: {  	v63 =	vmul.f32 v37, v37;
	v55 =	vadd.f32 v61, v60;
	v60 =	vmul.f32 v53, v53  }
0x20a: {  	v61 =	vmul.f32 v54, v54;
	v40 =	vadd.f32 v43, v62;
	v62 =	vmul.f32 v47, v47  }
0x20b: {  	v51 =	vadd.f32 v63, v51;
	v55 =	vadd.f32 v60, v55;
	v63 =	vmul.f32 v38, v4  }
0x20c: {  	v38 =	vmul.f32 v38, v52;
	v60 =	vshrl.u32 v40, $0x1;
	v57 =	vadd.f32 $9.999999970e-07, v62  }
0x20d: {  	v52 =	vsub.s32 $0x5F1FFFF9, v60;
	v55 =	vmul.f32 v55, v12;
	v51 =	vmul.f32 v51, v13  }
0x20e: {  	v43 =	vadd.f32 $9.999999970e-07, v61;
	v49 =	vmul.f32 v63, v49;
	v40 =	vmul.f32 v52, v40  }
0x20f: {  	v35 =	vmul.f32 v50, v35;
	[tilespmem:s12+$0x5740] =	vst v38;
	v62 =	vmul.f32 v63, v41;
	v55 =	vadd.f32 v55, v57  }
0x210: {  	v63 =	vmul.f32 v63, v56;
	v43 =	vadd.f32 v51, v43;
	[tilespmem:s12+$0x57C0] =	vst v49;
	v61 =	vmul.f32 v52, v40  }
0x211: {  	v57 =	vmul.f32 $7.039522520e-01, v52;
	[tilespmem:s12+$0x5840] =	vst v62;
	v52 =	vmul.f32 v36, v6;
	v56 =	vshrl.u32 v55, $0x1  }
0x212: {  	[tilespmem:s12+$0x58C0] =	vst v63;
	v59 =	vshrl.u32 v43, $0x1;
	v38 =	vsub.f32 $2.389244560e+00, v61;
	v49 =	vsub.s32 $0x5F1FFFF9, v56  }
0x213: {  	v41 =	vld [tilespmem:s0+$0x1DD0];
	v31 =	vmul.f32 v52, v31;
	v36 =	vsub.s32 $0x5F1FFFF9, v59;
	v58 =	vmul.f32 v49, v55  }
0x214: {  	v29 =	vmul.f32 v52, v29;
	v43 =	vmul.f32 v36, v43  }
0x215: {  	v38 =	vmul.f32 v38, v57;
	v40 =	vmul.f32 v49, v58  }
0x216: {  	[tilespmem:s17+$0x5760] =	vst v32;
	v30 =	vmul.f32 v52, v30;
	v61 =	vmul.f32 $7.039522520e-01, v49  }
0x217: {  	v51 =	vld [tilespmem:s0+$0x31D0];
	[tilespmem:s17+$0x57E0] =	vst v31;
	v62 =	vmul.f32 v36, v43;
	v60 =	vmul.f32 v38, v4;
	v40 =	vsub.f32 $2.389244560e+00, v40  }
0x218: {  	[tilespmem:s17+$0x5860] =	vst v29;
	v49 =	vmul.f32 v41, v41;
	v38 =	vmul.f32 v38, v39  }
0x219: {  	[tilespmem:s17+$0x58E0] =	vst v30;
	v43 =	vld [tilespmem:s0+$0x45D0];
	v44 =	vmul.f32 v60, v44;
	v39 =	vmul.f32 v40, v61  }
0x21a: {  	v36 =	vmul.f32 $7.039522520e-01, v36;
	[tilespmem:s21+$0x5740] =	vst v38;
	v63 =	vmul.f32 v60, v45  }
0x21b: {  	v32 =	vsub.f32 $2.389244560e+00, v62;
	v55 =	vmul.f32 v60, v46;
	[tilespmem:s21+$0x57C0] =	vst v44;
	v57 =	vmul.f32 v39, v4  }
0x21c: {  	v56 =	vmul.f32 v51, v51;
	v40 =	vld [tilespmem:s29+$0x750];
	[tilespmem:s21+$0x5840] =	vst v63;
	v39 =	vmul.f32 v39, v47  }
0x21d: {  	v29 =	vld [tilespmem:s18+$0x770];
	v32 =	vmul.f32 v32, v36;
	[tilespmem:s21+$0x58C0] =	vst v55;
	v42 =	vmul.f32 v57, v42  }
0x21e: {  	v59 =	vmul.f32 v43, v43;
	v45 =	vld [tilespmem:s0+$0x1E50];
	[tilespmem:s24+$0x5740] =	vst v39;
	v60 =	vmul.f32 v57, v48  }
0x21f: {  	v58 =	vadd.f32 v56, v49;
	v36 =	vld [tilespmem:s0+$0x3250];
	v62 =	vmul.f32 v32, v5;
	v38 =	vmul.f32 v57, v53;
	[tilespmem:s24+$0x57C0] =	vst v42  }
0x220: {  	v50 =	vmul.f32 $7.039522520e-01, v50;
	v35 =	vsub.f32 $2.389244560e+00, v35;
	v44 =	vld [tilespmem:s0+$0x4650];
	v47 =	vmul.f32 v32, v54;
	[tilespmem:s24+$0x5840] =	vst v60  }
0x221: {  	v46 =	vld [tilespmem:s23+$0x750];
	v31 =	vadd.f32 v59, v58;
	v48 =	vmul.f32 v62, v33;
	v61 =	vmul.f32 v40, v40;
	[tilespmem:s24+$0x58C0] =	vst v38  }
0x222: {  	v35 =	vmul.f32 v35, v50;
	[tilespmem:s9+$0x5750] =	vst v47;
	v34 =	vmul.f32 v62, v34;
	v38 =	vld [tilespmem:s0+$0x1ED0]  }
0x223: {  	v37 =	vmul.f32 v62, v37;
	v31 =	vmul.f32 v31, v13;
	[tilespmem:s9+$0x57D0] =	vst v48;
	v63 =	vadd.f32 $9.999999970e-07, v61;
	v39 =	vld [tilespmem:s0+$0x32D0]  }
0x224: {  	[tilespmem:s9+$0x5850] =	vst v34;
	v52 =	vmul.f32 v45, v45;
	v53 =	vmul.f32 v36, v36;
	v42 =	vld [tilespmem:s0+$0x46D0]  }
0x225: {  	v22 =	vmul.f32 v28, v22;
	v20 =	vmul.f32 v28, v20;
	[tilespmem:s9+$0x58D0] =	vst v37;
	v37 =	vld [tilespmem:s22+$0x750];
	v49 =	vadd.f32 v31, v63  }
0x226: {  	v24 =	vmul.f32 v35, v24;
	v55 =	vmul.f32 v44, v44;
	v33 =	vld [tilespmem:s0+$0x1D60];
	v31 =	vadd.f32 v53, v52  }
0x227: {  	v48 =	vmul.f32 v29, v29;
	v57 =	vmul.f32 v46, v46;
	v32 =	vld [tilespmem:s0+$0x3160];
	v54 =	vshrl.u32 v49, $0x1  }
0x228: {  	v31 =	vadd.f32 v55, v31;
	v56 =	vsub.s32 $0x5F1FFFF9, v54;
	v58 =	vmul.f32 v38, v38  }
0x229: {  	v59 =	vmul.f32 v39, v39;
	v30 =	vmul.f32 v56, v49  }
0x22a: {  	v60 =	vadd.f32 $9.999999970e-07, v57;
	v61 =	vmul.f32 v42, v42;
	v31 =	vmul.f32 v31, v13  }
0x22b: {  	v34 =	vld [tilespmem:s0+$0x4560];
	v62 =	vmul.f32 v37, v37;
	v47 =	vadd.f32 v59, v58;
	v30 =	vmul.f32 v56, v30  }
0x22c: {  	v63 =	vmul.f32 v33, v33;
	v57 =	vmul.f32 v32, v32;
	v31 =	vadd.f32 v31, v60  }
0x22d: {  	v28 =	vmul.f32 $7.039522520e-01, v56;
	v47 =	vadd.f32 v61, v47;
	v30 =	vsub.f32 $2.389244560e+00, v30  }
0x22e: {  	v49 =	vmul.f32 v35, v7;
	v52 =	vadd.f32 $9.999999970e-07, v62;
	v56 =	vshrl.u32 v31, $0x1  }
0x22f: {  	v47 =	vmul.f32 v47, v13;
	v28 =	vmul.f32 v30, v28;
	v30 =	vsub.s32 $0x5F1FFFF9, v56  }
0x230: {  	v59 =	vmul.f32 v34, v34;
	v31 =	vmul.f32 v30, v31  }
0x231: {  	v54 =	vld [tilespmem:s10+$0x760];
	v25 =	vmul.f32 v49, v25;
	v47 =	vadd.f32 v47, v52;
	v58 =	vmul.f32 v28, v5  }
0x232: {  	v50 =	vadd.f32 v57, v63;
	v40 =	vmul.f32 v28, v40;
	v28 =	vld [tilespmem:s0+$0x1CF0];
	v31 =	vmul.f32 v30, v31  }
0x233: {  	v62 =	vshrl.u32 v47, $0x1;
	v30 =	vmul.f32 $7.039522520e-01, v30;
	v60 =	vmul.f32 v58, v41  }
0x234: {  	[tilespmem:s12+$0x5750] =	vst v40;
	v61 =	vmul.f32 v58, v51;
	v51 =	vsub.s32 $0x5F1FFFF9, v62;
	v63 =	vsub.f32 $2.389244560e+00, v31  }
0x235: {  	v56 =	vmul.f32 v58, v43;
	v31 =	vld [tilespmem:s0+$0x30F0];
	v57 =	vmul.f32 v51, v47;
	[tilespmem:s12+$0x57D0] =	vst v60  }
0x236: {  	v50 =	vadd.f32 v59, v50;
	v58 =	vmul.f32 v54, v54;
	[tilespmem:s12+$0x5850] =	vst v61;
	v59 =	vmul.f32 v63, v30  }
0x237: {  	[tilespmem:s12+$0x58D0] =	vst v56;
	v30 =	vld [tilespmem:s0+$0x44F0];
	v60 =	vmul.f32 v28, v28;
	v61 =	vmul.f32 v51, v57  }
0x238: {  	v62 =	vadd.f32 $9.999999970e-07, v58;
	v63 =	vmul.f32 v50, v14;
	v50 =	vld [tilespmem:s0+$0x1DE0];
	v53 =	vmul.f32 v59, v5  }
0x239: {  	v55 =	vld [tilespmem:s0+$0x31E0];
	v57 =	vmul.f32 $7.039522520e-01, v51;
	v41 =	vmul.f32 v59, v46;
	v40 =	vsub.f32 $2.389244560e+00, v61  }
0x23a: {  	v58 =	vmul.f32 v31, v31;
	v45 =	vmul.f32 v53, v45  }
0x23b: {  	v47 =	vld [tilespmem:s0+$0x45E0];
	v43 =	vadd.f32 v63, v62;
	[tilespmem:s21+$0x5750] =	vst v41;
	v36 =	vmul.f32 v53, v36;
	v40 =	vmul.f32 v40, v57  }
0x23c: {  	v44 =	vmul.f32 v53, v44;
	v59 =	vadd.f32 v58, v60;
	v60 =	vmul.f32 v30, v30;
	[tilespmem:s21+$0x57D0] =	vst v45  }
0x23d: {  	v61 =	vshrl.u32 v43, $0x1;
	v62 =	vmul.f32 v50, v50;
	[tilespmem:s21+$0x5850] =	vst v36;
	v63 =	vmul.f32 v40, v5  }
0x23e: {  	v52 =	vld [tilespmem:s29+$0x760];
	v56 =	vmul.f32 v55, v55;
	v45 =	vsub.s32 $0x5F1FFFF9, v61;
	[tilespmem:s21+$0x58D0] =	vst v44;
	v37 =	vmul.f32 v40, v37  }
0x23f: {  	v57 =	vadd.f32 v60, v59;
	v58 =	vmul.f32 v45, v43;
	v43 =	vld [tilespmem:s0+$0x1E60];
	v38 =	vmul.f32 v63, v38  }
0x240: {  	v59 =	vadd.f32 v56, v62;
	v60 =	vmul.f32 v47, v47;
	v51 =	vld [tilespmem:s0+$0x3260];
	[tilespmem:s24+$0x5750] =	vst v37;
	v61 =	vmul.f32 v63, v39  }
0x241: {  	v62 =	vadd.f32 $9.999999970e-07, v48;
	v41 =	vld [tilespmem:s0+$0x4660];
	v36 =	vmul.f32 v63, v42;
	v40 =	vmul.f32 v57, v15;
	[tilespmem:s24+$0x57D0] =	vst v38  }
0x242: {  	v26 =	vmul.f32 v49, v26;
	v63 =	vmul.f32 v45, v58;
	v46 =	vadd.f32 v60, v59;
	[tilespmem:s24+$0x5850] =	vst v61  }
0x243: {  	v27 =	vmul.f32 v49, v27;
	v48 =	vmul.f32 v52, v52;
	[tilespmem:s24+$0x58D0] =	vst v36;
	v37 =	vadd.f32 v40, v62;
	v40 =	vld [tilespmem:s23+$0x760]  }
0x244: {  	v53 =	vmul.f32 $7.039522520e-01, v45;
	v35 =	vsub.f32 $2.389244560e+00, v63;
	v38 =	vmul.f32 v46, v14;
	v42 =	vld [tilespmem:s0+$0x1EE0]  }
0x245: {  	v39 =	vadd.f32 $9.999999970e-07, v48;
	v46 =	vld [tilespmem:s0+$0x32E0];
	v56 =	vmul.f32 v43, v43;
	v57 =	vmul.f32 v51, v51  }
0x246: {  	v60 =	vmul.f32 v41, v41;
	v35 =	vmul.f32 v35, v53  }
0x247: {  	v44 =	vld [tilespmem:s0+$0x46E0];
	v58 =	vshrl.u32 v37, $0x1;
	v36 =	vadd.f32 v38, v39;
	v59 =	vadd.f32 v57, v56  }
0x248: {  	v39 =	vld [tilespmem:s22+$0x760];
	v45 =	vsub.s32 $0x5F1FFFF9, v58;
	v48 =	vmul.f32 v35, v54;
	v35 =	vmul.f32 v35, v6  }
0x249: {  	v37 =	vmul.f32 v45, v37;
	v62 =	vmul.f32 v40, v40;
	v38 =	vadd.f32 v60, v59  }
0x24a: {  	v61 =	vshrl.u32 v36, $0x1;
	v63 =	vmul.f32 v42, v42;
	v60 =	vmul.f32 v46, v46  }
0x24b: {  	v49 =	vsub.s32 $0x5F1FFFF9, v61;
	v53 =	vadd.f32 $9.999999970e-07, v62;
	v38 =	vmul.f32 v38, v14  }
0x24c: {  	v61 =	vmul.f32 v44, v44;
	v36 =	vmul.f32 v49, v36;
	v54 =	vadd.f32 v60, v63  }
0x24d: {  	v33 =	vmul.f32 v35, v33;
	v62 =	vmul.f32 v39, v39;
	v38 =	vadd.f32 v38, v53  }
0x24e: {  	v32 =	vmul.f32 v35, v32;
	v36 =	vmul.f32 v49, v36;
	v54 =	vadd.f32 v61, v54  }
0x24f: {  	v49 =	vmul.f32 $7.039522520e-01, v49;
	v53 =	vadd.f32 $9.999999970e-07, v62;
	v63 =	vshrl.u32 v38, $0x1  }
0x250: {  	v36 =	vsub.f32 $2.389244560e+00, v36;
	v54 =	vmul.f32 v54, v14;
	v56 =	vsub.s32 $0x5F1FFFF9, v63  }
0x251: {  	[tilespmem:s9+$0x5760] =	vst v48;
	v37 =	vmul.f32 v45, v37;
	v38 =	vmul.f32 v56, v38  }
0x252: {  	v34 =	vmul.f32 v35, v34;
	[tilespmem:s9+$0x57E0] =	vst v33;
	v60 =	vmul.f32 v36, v49;
	v61 =	vadd.f32 v54, v53  }
0x253: {  	[tilespmem:s9+$0x5860] =	vst v32;
	v37 =	vsub.f32 $2.389244560e+00, v37;
	v53 =	vmul.f32 $7.039522520e-01, v45;
	v38 =	vmul.f32 v56, v38  }
0x254: {  	[tilespmem:s9+$0x58E0] =	vst v34;
	v62 =	vmul.f32 v60, v6;
	v35 =	vmul.f32 v60, v52;
	v63 =	vshrl.u32 v61, $0x1  }
0x255: {  	v52 =	vmul.f32 $7.039522520e-01, v56;
	v48 =	vsub.s32 $0x5F1FFFF9, v63;
	v38 =	vsub.f32 $2.389244560e+00, v38  }
0x256: {  	v45 =	vld [tilespmem:s0+$0x1D70];
	v32 =	vmul.f32 v37, v53;
	v36 =	vmul.f32 v48, v61  }
0x257: {  	v54 =	vmul.f32 v62, v50;
	v38 =	vmul.f32 v38, v52  }
0x258: {  	v49 =	vld [tilespmem:s0+$0x3170];
	[tilespmem:s12+$0x5760] =	vst v35;
	v56 =	vmul.f32 v62, v55;
	v36 =	vmul.f32 v48, v36  }
0x259: {  	v33 =	vmul.f32 v62, v47;
	[tilespmem:s12+$0x57E0] =	vst v54;
	v57 =	vmul.f32 v38, v6  }
0x25a: {  	v37 =	vld [tilespmem:s0+$0x4570];
	v59 =	vmul.f32 $7.039522520e-01, v48;
	[tilespmem:s12+$0x5860] =	vst v56;
	v58 =	vmul.f32 v38, v40;
	v36 =	vsub.f32 $2.389244560e+00, v36  }
0x25b: {  	[tilespmem:s12+$0x58E0] =	vst v33;
	v62 =	vmul.f32 v45, v45;
	v60 =	vmul.f32 v57, v43  }
0x25c: {  	v48 =	vld [tilespmem:s0+$0x45F0];
	[tilespmem:s21+$0x5760] =	vst v58;
	v61 =	vmul.f32 v57, v51;
	v36 =	vmul.f32 v36, v59  }
0x25d: {  	v52 =	vmul.f32 v49, v49;
	v40 =	vld [tilespmem:s10+$0x770];
	v63 =	vmul.f32 v57, v41;
	[tilespmem:s21+$0x57E0] =	vst v60  }
0x25e: {  	v43 =	vld [tilespmem:s0+$0x1DF0];
	[tilespmem:s21+$0x5860] =	vst v61;
	v53 =	vmul.f32 v36, v6  }
0x25f: {  	v55 =	vmul.f32 v37, v37;
	v34 =	vadd.f32 v52, v62;
	v41 =	vld [tilespmem:s0+$0x31F0];
	[tilespmem:s21+$0x58E0] =	vst v63;
	v54 =	vmul.f32 v36, v39  }
0x260: {  	v47 =	vmul.f32 v32, v7;
	v38 =	vld [tilespmem:s0+$0x1E70];
	v56 =	vmul.f32 v53, v42  }
0x261: {  	v29 =	vmul.f32 v32, v29;
	v34 =	vadd.f32 v55, v34;
	v32 =	vld [tilespmem:s0+$0x3270];
	[tilespmem:s24+$0x5760] =	vst v54;
	v57 =	vmul.f32 v53, v46  }
0x262: {  	v58 =	vmul.f32 v40, v40;
	v33 =	vld [tilespmem:s23+$0x770];
	v35 =	vmul.f32 v53, v44;
	[tilespmem:s24+$0x57E0] =	vst v56  }
0x263: {  	v34 =	vmul.f32 v34, v15;
	v42 =	vld [tilespmem:s29+$0x770];
	[tilespmem:s24+$0x5860] =	vst v57  }
0x264: {  	v44 =	vld [tilespmem:s0+$0x4670];
	v59 =	vmul.f32 v43, v43;
	v60 =	vmul.f32 v41, v41;
	v46 =	vadd.f32 $9.999999970e-07, v58;
	[tilespmem:s24+$0x58E0] =	vst v35  }
0x265: {  	[tilespmem:s13+$0x57F0] =	vst v17;
	v17 =	vmul.f32 v47, v30;
	v62 =	vmul.f32 v48, v48;
	v39 =	vld [tilespmem:s0+$0x1EF0]  }
0x266: {  	v61 =	vadd.f32 v60, v59;
	v63 =	vadd.f32 v34, v46;
	v50 =	vld [tilespmem:s0+$0x32F0];
	v52 =	vmul.f32 v38, v38  }
0x267: {  	v36 =	vld [tilespmem:s0+$0x46F0];
	v53 =	vmul.f32 v32, v32;
	v59 =	vmul.f32 v33, v33  }
0x268: {  	[tilespmem:s13+$0x5870] =	vst v16;
	v54 =	vmul.f32 v42, v42;
	v35 =	vadd.f32 v62, v61;
	v16 =	vshrl.u32 v63, $0x1  }
0x269: {  	[tilespmem:s13+$0x5770] =	vst v18;
	v55 =	vmul.f32 v44, v44;
	v34 =	vadd.f32 v53, v52;
	v16 =	vsub.s32 $0x5F1FFFF9, v16  }
0x26a: {  	[tilespmem:s13+$0x58F0] =	vst v19;
	v56 =	vadd.f32 $9.999999970e-07, v54;
	v57 =	vmul.f32 v35, v15;
	v18 =	vmul.f32 v16, v63  }
0x26b: {  	[tilespmem:s15+$0x5770] =	vst v23;
	v35 =	vld [tilespmem:s22+$0x770];
	v58 =	vadd.f32 v55, v34;
	v60 =	vmul.f32 v39, v39;
	v61 =	vmul.f32 v50, v50  }
0x26c: {  	[tilespmem:s15+$0x57F0] =	vst v21;
	v30 =	vmul.f32 v36, v36;
	v19 =	vadd.f32 v57, v56;
	v18 =	vmul.f32 v16, v18  }
0x26d: {  	[tilespmem:s15+$0x5870] =	vst v22;
	v62 =	vadd.f32 $9.999999970e-07, v59;
	v16 =	vmul.f32 $7.039522520e-01, v16;
	v23 =	vmul.f32 v58, v15  }
0x26e: {  	[tilespmem:s15+$0x58F0] =	vst v20;
	v63 =	vadd.f32 v61, v60;
	v18 =	vsub.f32 $2.389244560e+00, v18;
	v34 =	vshrl.u32 v19, $0x1  }
0x26f: {  	[tilespmem:s16+$0x5770] =	vst v24;
	v28 =	vmul.f32 v47, v28;
	v22 =	vadd.f32 v23, v62;
	v23 =	vsub.s32 $0x5F1FFFF9, v34  }
0x270: {  	[tilespmem:s16+$0x57F0] =	vst v25;
	v20 =	vadd.f32 v30, v63;
	v46 =	vmul.f32 v35, v35;
	v16 =	vmul.f32 v18, v16  }
0x271: {  	[tilespmem:s16+$0x5870] =	vst v26;
	v31 =	vmul.f32 v47, v31;
	v47 =	vmul.f32 v23, v19;
	v51 =	vshrl.u32 v22, $0x1  }
0x272: {  	[tilespmem:s16+$0x58F0] =	vst v27;
	v21 =	vadd.f32 $9.999999970e-07, v46;
	v20 =	vmul.f32 v20, v15;
	v52 =	vmul.f32 v16, v7  }
0x273: {  	[tilespmem:s17+$0x5770] =	vst v29;
	v18 =	vmul.f32 v23, v47;
	v19 =	vsub.s32 $0x5F1FFFF9, v51;
	v16 =	vmul.f32 v16, v40  }
0x274: {  	[tilespmem:s17+$0x57F0] =	vst v28;
	v23 =	vmul.f32 $7.039522520e-01, v23;
	v53 =	vmul.f32 v19, v22  }
0x275: {  	[tilespmem:s17+$0x5870] =	vst v31;
	v20 =	vadd.f32 v20, v21;
	v54 =	vmul.f32 v52, v45;
	v18 =	vsub.f32 $2.389244560e+00, v18  }
0x276: {  	[tilespmem:s17+$0x58F0] =	vst v17;
	v17 =	vmul.f32 v52, v49;
	v21 =	vmul.f32 v19, v53  }
0x277: {  	[tilespmem:s9+$0x5770] =	vst v16;
	v16 =	vmul.f32 v52, v37;
	v55 =	vshrl.u32 v20, $0x1;
	v18 =	vmul.f32 v18, v23  }
0x278: {  	v19 =	vmul.f32 $7.039522520e-01, v19;
	v23 =	vsub.s32 $0x5F1FFFF9, v55;
	v21 =	vsub.f32 $2.389244560e+00, v21  }
0x279: {  	[tilespmem:s9+$0x57F0] =	vst v54;
	v20 =	vmul.f32 v23, v20;
	v56 =	vmul.f32 v18, v7  }
0x27a: {  	[tilespmem:s9+$0x5870] =	vst v17;
	v17 =	vmul.f32 v18, v42;
	v57 =	vmul.f32 v21, v19  }
0x27b: {  	[tilespmem:s9+$0x58F0] =	vst v16;
	v58 =	vmul.f32 v23, v20;
	v16 =	vmul.f32 v56, v43  }
0x27c: {  	v60 =	vmul.f32 $7.039522520e-01, v23;
	[tilespmem:s12+$0x5770] =	vst v17;
	v17 =	vmul.f32 v56, v41  }
0x27d: {  	v59 =	vmul.f32 v56, v48;
	v19 =	vsub.f32 $2.389244560e+00, v58;
	[tilespmem:s12+$0x57F0] =	vst v16;
	v16 =	vmul.f32 v57, v7  }
0x27e: {  	[tilespmem:s12+$0x5870] =	vst v17;
	v17 =	vmul.f32 v57, v33  }
0x27f: {  	[tilespmem:s12+$0x58F0] =	vst v59;
	v61 =	vmul.f32 v19, v60;
	v62 =	vmul.f32 v16, v38  }
0x280: {  	[tilespmem:s21+$0x5770] =	vst v17;
	v17 =	vmul.f32 v16, v32  }
0x281: {  	v16 =	vmul.f32 v16, v44;
	v63 =	vmul.f32 v61, v7;
	[tilespmem:s21+$0x57F0] =	vst v62  }
0x282: {  	p0 =	slt.u32 s4, $0x20;
	[tilespmem:s21+$0x5870] =	vst v17;
	v17 =	vmul.f32 v61, v35  }
.Ltmp0:
0x283: {  	[tilespmem:s21+$0x58F0] =	vst v16;
	v16 =	vmul.f32 v63, v39;
	(pc) =	sbr.rel @p0 .LBB2_3-.Ltmp0, $4  }
0x284: {  	[tilespmem:s24+$0x5770] =	vst v17;
	v17 =	vmul.f32 v63, v50  }
0x285: {  	[tilespmem:s24+$0x57F0] =	vst v16;
	v16 =	vmul.f32 v63, v36  }
0x286: {  	s29 =	sadd.s32 $0x8, s4;
	[tilespmem:s24+$0x5870] =	vst v17  }
0x287: {  	s4 =	smov.u32 s29;
	[tilespmem:s24+$0x58F0] =	vst v16  }
0x288: {  	s0 =	smul.u32 $0x50, s30;
	_ =	sdelay $0x1  }
0x289: {  	s0 =	sadd.s32 s7, s0  }
0x28a: {  	s0 =	sshll.u32 s0, $0x6  }
0x28b: {  	s4 =	simm.s32 $0x5700;
	p0 =	seq.s32 s30, $0x13;
	s0 =	sadd.s32 s6, s0  }
0x28c: {  	[hbm4b:s0+s8] =	stream.linear.scatter [tilespmem:s4], [sflag:$0x3], $0x5000, $0x38;
	[tilespmem:$0x14700] =	vst v63  }
0x28d: {  	s0 =	smul.u32 @!p0 $0x140, s30  }
0x28e: {  	_ =	swait.ge [sflag:s25], $0x5000  }
0x28f: {  	s9 =	simm.s32 @!p0 $0x700;
	[sflag:s25] =	ssyncset.done $0x0;
	s0 =	sshra.s32 @!p0 s0, $0x2  }
0x290: {  	s4 =	simm.s32 @!p0 $0x28;
	[sflag:s25] =	ssyncadd.s32 $0xFFFFB000;
	s0 =	sadd.s32 @!p0 $0x50, s0  }
0x291: {  	[tilespmem:s9], [sflag:$0x1] =	stream.indirect.gather @!p0 [hbm4b:s1+s4], $0x80, s0, s4, $0xb8;
	[tilespmem:$0x14700] =	vst v63  }
0x292: {  	s9 =	simm.s32 @!p0 $0x1B00  }
0x293: {  	[tilespmem:s9], [sflag:$0x1] =	stream.indirect.gather @!p0 [hbm4b:s2+s4], $0x80, s0, s4, $0xb8;
	[tilespmem:$0x14700] =	vst v63  }
0x294: {  	s9 =	simm.s32 @!p0 $0x2F00  }
0x295: {  	[tilespmem:s9], [sflag:$0x1] =	stream.indirect.gather @!p0 [hbm4b:s3+s4], $0x80, s0, s4, $0xb8;
	[tilespmem:$0x14700] =	vst v63  }
0x296: {  	p1 =	seq.s32 @!p0 s30, $0x0;
	s9 =	simm.s32 @!p0 $0x4300  }
0x297: {  	[tilespmem:s9], [sflag:$0x1] =	stream.indirect.gather @!p0 [hbm4b:s5+s4], $0x80, s0, s4, $0xb8;
	[tilespmem:$0x14700] =	vst v63  }
0x298: {  	p0 =	por p0, !p1  }
0x299: {  	_ =	swait.ge @p0 [sflag:s28], $0x5000  }
0x29a: {  	[sflag:s28] =	ssyncset.done @p0 $0x0  }
0x29b: {  	s4 =	simm.s32 $0x0;
	[sflag:s28] =	ssyncadd.s32 @p0 $0xFFFFB000  }
.LBB2_5:
0x29c: {  	s20 =	sshll.u32 s4, $0x9  }
0x29d: {  	s0 =	sshra.s32 s20, $0x2  }
0x29e: {  	v16 =	vld [tilespmem:s0+$0xBB00]  }
0x29f: {  	v17 =	vld [tilespmem:s0+$0xCF00];
	_ =	sdelay $0x1  }
0x2a0: {  	v18 =	vld [tilespmem:s0+$0xE300];
	_ =	sdelay $0x1  }
0x2a1: {  	v19 =	vld [tilespmem:s0+$0xA700]  }
0x2a2: {  	v20 =	vmul.f32 v16, v16;
	v21 =	vmul.f32 v17, v17;
	_ =	sdelay $0x1  }
0x2a3: {  	v25 =	vmul.f32 v18, v18;
	v20 =	vadd.f32 v21, v20;
	_ =	sdelay $0x1  }
0x2a4: {  	v22 =	vmul.f32 v19, v19;
	v20 =	vadd.f32 v25, v20;
	_ =	sdelay $0x1  }
0x2a5: {  	v26 =	vadd.f32 $9.999999970e-07, v22;
	v20 =	vmul.f32 v20, v8;
	_ =	sdelay $0x1  }
0x2a6: {  	v20 =	vadd.f32 v20, v26;
	_ =	sdelay $0x1  }
0x2a7: {  	v21 =	vshrl.u32 v20, $0x1  }
0x2a8: {  	v21 =	vsub.s32 $0x5F1FFFF9, v21  }
0x2a9: {  	v20 =	vmul.f32 v21, v20;
	_ =	sdelay $0x1  }
0x2aa: {  	v20 =	vmul.f32 v21, v20;
	_ =	sdelay $0x1  }
0x2ab: {  	v21 =	vmul.f32 $7.039522520e-01, v21;
	v20 =	vsub.f32 $2.389244560e+00, v20;
	_ =	sdelay $0x1  }
0x2ac: {  	v20 =	vmul.f32 v20, v21;
	_ =	sdelay $0x1  }
0x2ad: {  	v21 =	vmul.f32 v20, v0  }
0x2ae: {  	v19 =	vmul.f32 v20, v19  }
0x2af: {  	s13 =	sand.u32 $0x3FFFFE00, s20;
	v16 =	vmul.f32 v21, v16  }
0x2b0: {  	[tilespmem:s13+$0xF700] =	vst v19;
	v17 =	vmul.f32 v21, v17  }
0x2b1: {  	[tilespmem:s13+$0xF780] =	vst v16;
	v16 =	vmul.f32 v21, v18  }
0x2b2: {  	[tilespmem:s13+$0xF800] =	vst v17  }
0x2b3: {  	[tilespmem:s13+$0xF880] =	vst v16  }
0x2b4: {  	v16 =	vld [tilespmem:s0+$0xBB10]  }
0x2b5: {  	v17 =	vld [tilespmem:s0+$0xCF10];
	_ =	sdelay $0x1  }
0x2b6: {  	v27 =	vld [tilespmem:s0+$0xE310];
	_ =	sdelay $0x1  }
0x2b7: {  	v19 =	vld [tilespmem:s0+$0xA710]  }
0x2b8: {  	v28 =	vmul.f32 v16, v16;
	v29 =	vmul.f32 v17, v17;
	_ =	sdelay $0x1  }
0x2b9: {  	v30 =	vmul.f32 v27, v27;
	v20 =	vadd.f32 v29, v28;
	_ =	sdelay $0x1  }
0x2ba: {  	v31 =	vmul.f32 v19, v19;
	v20 =	vadd.f32 v30, v20;
	_ =	sdelay $0x1  }
0x2bb: {  	v32 =	vadd.f32 $9.999999970e-07, v31;
	v20 =	vmul.f32 v20, v9;
	_ =	sdelay $0x1  }
0x2bc: {  	v20 =	vadd.f32 v20, v32;
	_ =	sdelay $0x1  }
0x2bd: {  	v21 =	vshrl.u32 v20, $0x1  }
0x2be: {  	v21 =	vsub.s32 $0x5F1FFFF9, v21  }
0x2bf: {  	v20 =	vmul.f32 v21, v20;
	_ =	sdelay $0x1  }
0x2c0: {  	v20 =	vmul.f32 v21, v20;
	_ =	sdelay $0x1  }
0x2c1: {  	v21 =	vmul.f32 $7.039522520e-01, v21;
	v20 =	vsub.f32 $2.389244560e+00, v20;
	_ =	sdelay $0x1  }
0x2c2: {  	v20 =	vmul.f32 v20, v21;
	_ =	sdelay $0x1  }
0x2c3: {  	v21 =	vmul.f32 v20, v1  }
0x2c4: {  	v19 =	vmul.f32 v20, v19  }
0x2c5: {  	v16 =	vmul.f32 v21, v16  }
0x2c6: {  	[tilespmem:s13+$0xF710] =	vst v19;
	v17 =	vmul.f32 v21, v17  }
0x2c7: {  	[tilespmem:s13+$0xF790] =	vst v16;
	v16 =	vmul.f32 v21, v27  }
0x2c8: {  	[tilespmem:s13+$0xF810] =	vst v17  }
0x2c9: {  	[tilespmem:s13+$0xF890] =	vst v16  }
0x2ca: {  	v16 =	vld [tilespmem:s0+$0xBB20]  }
0x2cb: {  	v17 =	vld [tilespmem:s0+$0xCF20];
	_ =	sdelay $0x1  }
0x2cc: {  	v33 =	vld [tilespmem:s0+$0xE320];
	_ =	sdelay $0x1  }
0x2cd: {  	v19 =	vld [tilespmem:s0+$0xA720]  }
0x2ce: {  	v36 =	vld [tilespmem:s0+$0xBB80];
	v34 =	vmul.f32 v16, v16;
	v35 =	vmul.f32 v17, v17  }
0x2cf: {  	v23 =	vld [tilespmem:s0+$0xCF80]  }
0x2d0: {  	v37 =	vmul.f32 v33, v33;
	v20 =	vadd.f32 v35, v34  }
0x2d1: {  	s9 =	sor.u32 $0x200, s20;
	v38 =	vld [tilespmem:s0+$0xE380]  }
0x2d2: {  	s12 =	sshra.s32 s9, $0x2;
	v24 =	vmul.f32 v19, v19;
	v20 =	vadd.f32 v37, v20  }
0x2d3: {  	v25 =	vld [tilespmem:s12+$0xA700];
	v26 =	vmul.f32 v36, v36  }
0x2d4: {  	v27 =	vmul.f32 v23, v23;
	v24 =	vadd.f32 $9.999999970e-07, v24;
	v20 =	vmul.f32 v20, v10;
	_ =	sdelay $0x1  }
0x2d5: {  	v40 =	vmul.f32 v38, v38;
	v39 =	vadd.f32 v27, v26;
	v20 =	vadd.f32 v20, v24;
	_ =	sdelay $0x1  }
0x2d6: {  	v28 =	vmul.f32 v25, v25;
	v24 =	vadd.f32 v40, v39;
	v41 =	vshrl.u32 v20, $0x1  }
0x2d7: {  	v27 =	vsub.s32 $0x5F1FFFF9, v41  }
0x2d8: {  	v42 =	vadd.f32 $9.999999970e-07, v28;
	v24 =	vmul.f32 v24, v8;
	v20 =	vmul.f32 v27, v20;
	_ =	sdelay $0x1  }
0x2d9: {  	v24 =	vadd.f32 v24, v42;
	v20 =	vmul.f32 v27, v20;
	_ =	sdelay $0x1  }
0x2da: {  	v43 =	vmul.f32 $7.039522520e-01, v27;
	v44 =	vshrl.u32 v24, $0x1;
	v20 =	vsub.f32 $2.389244560e+00, v20  }
0x2db: {  	v45 =	vsub.s32 $0x5F1FFFF9, v44  }
0x2dc: {  	v24 =	vmul.f32 v45, v24;
	v20 =	vmul.f32 v20, v43;
	_ =	sdelay $0x1  }
0x2dd: {  	v47 =	vmul.f32 v45, v24;
	v46 =	vmul.f32 v20, v2  }
0x2de: {  	v48 =	vmul.f32 $7.039522520e-01, v45  }
0x2df: {  	v19 =	vmul.f32 v20, v19;
	v20 =	vsub.f32 $2.389244560e+00, v47;
	v17 =	vmul.f32 v46, v17  }
0x2e0: {  	v16 =	vmul.f32 v46, v16  }
0x2e1: {  	[tilespmem:s13+$0xF820] =	vst v17;
	v17 =	vmul.f32 v20, v48  }
0x2e2: {  	[tilespmem:s13+$0xF7A0] =	vst v16;
	v16 =	vmul.f32 v46, v33  }
0x2e3: {  	[tilespmem:s13+$0xF720] =	vst v19;
	v49 =	vmul.f32 v17, v0  }
0x2e4: {  	[tilespmem:s13+$0xF8A0] =	vst v16;
	v17 =	vmul.f32 v17, v25  }
0x2e5: {  	s15 =	sand.u32 $0x3FFFFE00, s9;
	v16 =	vld [tilespmem:s0+$0xBB30];
	v51 =	vmul.f32 v49, v36  }
0x2e6: {  	v50 =	vld [tilespmem:s0+$0xCF30];
	[tilespmem:s15+$0xF700] =	vst v17;
	v17 =	vmul.f32 v49, v23  }
0x2e7: {  	v18 =	vmul.f32 v49, v38;
	[tilespmem:s15+$0xF780] =	vst v51  }
0x2e8: {  	v52 =	vld [tilespmem:s0+$0xE330];
	[tilespmem:s15+$0xF800] =	vst v17  }
0x2e9: {  	v17 =	vld [tilespmem:s0+$0xA730];
	[tilespmem:s15+$0xF880] =	vst v18  }
0x2ea: {  	v18 =	vld [tilespmem:s0+$0xBB90]  }
0x2eb: {  	v56 =	vld [tilespmem:s0+$0xCF90];
	v53 =	vmul.f32 v16, v16;
	v54 =	vmul.f32 v50, v50;
	_ =	sdelay $0x1  }
0x2ec: {  	v57 =	vld [tilespmem:s0+$0xE390];
	v55 =	vmul.f32 v52, v52;
	v20 =	vadd.f32 v54, v53;
	_ =	sdelay $0x1  }
0x2ed: {  	v59 =	vld [tilespmem:s12+$0xA710];
	v58 =	vmul.f32 v17, v17;
	v20 =	vadd.f32 v55, v20  }
0x2ee: {  	v60 =	vmul.f32 v18, v18;
	v61 =	vmul.f32 v56, v56  }
0x2ef: {  	v24 =	vadd.f32 $9.999999970e-07, v58;
	v20 =	vmul.f32 v20, v11  }
0x2f0: {  	v63 =	vmul.f32 v57, v57;
	v62 =	vadd.f32 v61, v60  }
0x2f1: {  	v20 =	vadd.f32 v20, v24  }
0x2f2: {  	v33 =	vmul.f32 v59, v59;
	v24 =	vadd.f32 v63, v62  }
0x2f3: {  	v32 =	vshrl.u32 v20, $0x1  }
0x2f4: {  	v35 =	vadd.f32 $9.999999970e-07, v33;
	v24 =	vmul.f32 v24, v9;
	v34 =	vsub.s32 $0x5F1FFFF9, v32  }
0x2f5: {  	v20 =	vmul.f32 v34, v20  }
0x2f6: {  	v24 =	vadd.f32 v24, v35  }
0x2f7: {  	v29 =	vld [tilespmem:s0+$0xD000];
	v20 =	vmul.f32 v34, v20  }
0x2f8: {  	v36 =	vld [tilespmem:s0+$0xBC00];
	v37 =	vshrl.u32 v24, $0x1  }
0x2f9: {  	v26 =	vmul.f32 $7.039522520e-01, v34;
	v28 =	vsub.s32 $0x5F1FFFF9, v37;
	v20 =	vsub.f32 $2.389244560e+00, v20  }
0x2fa: {  	s21 =	sor.u32 $0x400, s20;
	v38 =	vld [tilespmem:s0+$0xE400];
	v24 =	vmul.f32 v28, v24  }
0x2fb: {  	s11 =	sshra.s32 s21, $0x2;
	v20 =	vmul.f32 v20, v26  }
0x2fc: {  	v31 =	vld [tilespmem:s11+$0xA700];
	v33 =	vmul.f32 v29, v29;
	v24 =	vmul.f32 v28, v24  }
0x2fd: {  	v32 =	vmul.f32 v36, v36;
	v30 =	vmul.f32 v20, v3  }
0x2fe: {  	v39 =	vmul.f32 $7.039522520e-01, v28;
	v17 =	vmul.f32 v20, v17;
	v24 =	vsub.f32 $2.389244560e+00, v24  }
0x2ff: {  	v41 =	vmul.f32 v38, v38;
	v40 =	vadd.f32 v33, v32;
	v16 =	vmul.f32 v30, v16  }
0x300: {  	[tilespmem:s13+$0xF730] =	vst v17;
	v17 =	vmul.f32 v30, v50;
	v42 =	vmul.f32 v24, v39  }
0x301: {  	v43 =	vmul.f32 v31, v31;
	v44 =	vadd.f32 v41, v40;
	[tilespmem:s13+$0xF7B0] =	vst v16;
	v16 =	vmul.f32 v30, v52  }
0x302: {  	[tilespmem:s13+$0xF830] =	vst v17;
	v17 =	vmul.f32 v42, v1  }
0x303: {  	v45 =	vadd.f32 $9.999999970e-07, v43;
	v46 =	vmul.f32 v44, v8;
	[tilespmem:s13+$0xF8B0] =	vst v16;
	v16 =	vmul.f32 v42, v59  }
0x304: {  	v18 =	vmul.f32 v17, v18  }
0x305: {  	v19 =	vadd.f32 v46, v45;
	v22 =	vld [tilespmem:s0+$0xBB40];
	[tilespmem:s15+$0xF710] =	vst v16;
	v16 =	vmul.f32 v17, v56  }
0x306: {  	v47 =	vld [tilespmem:s0+$0xCF40];
	[tilespmem:s15+$0xF790] =	vst v18;
	v17 =	vmul.f32 v17, v57  }
0x307: {  	v18 =	vld [tilespmem:s0+$0xE340];
	[tilespmem:s15+$0xF810] =	vst v16;
	v16 =	vshrl.u32 v19, $0x1  }
0x308: {  	v48 =	vld [tilespmem:s0+$0xA740];
	[tilespmem:s15+$0xF890] =	vst v17;
	v16 =	vsub.s32 $0x5F1FFFF9, v16  }
0x309: {  	v17 =	vld [tilespmem:s0+$0xBBA0];
	v19 =	vmul.f32 v16, v19  }
0x30a: {  	v51 =	vld [tilespmem:s0+$0xCFA0];
	v49 =	vmul.f32 v22, v22  }
0x30b: {  	v53 =	vld [tilespmem:s0+$0xE3A0];
	v50 =	vmul.f32 v47, v47;
	v19 =	vmul.f32 v16, v19  }
0x30c: {  	v52 =	vmul.f32 v18, v18  }
0x30d: {  	v55 =	vld [tilespmem:s12+$0xA720];
	v21 =	vadd.f32 v50, v49;
	v16 =	vmul.f32 $7.039522520e-01, v16;
	v19 =	vsub.f32 $2.389244560e+00, v19  }
0x30e: {  	v54 =	vmul.f32 v48, v48;
	v56 =	vmul.f32 v17, v17  }
0x30f: {  	v21 =	vadd.f32 v52, v21;
	v57 =	vmul.f32 v51, v51;
	v16 =	vmul.f32 v19, v16  }
0x310: {  	v58 =	vadd.f32 $9.999999970e-07, v54;
	v60 =	vmul.f32 v53, v53  }
0x311: {  	v21 =	vmul.f32 v21, v12;
	v59 =	vadd.f32 v57, v56;
	v61 =	vmul.f32 v16, v0  }
0x312: {  	v62 =	vmul.f32 v55, v55;
	v16 =	vmul.f32 v16, v31  }
0x313: {  	s16 =	sand.u32 $0x3FFFFE00, s21;
	v19 =	vadd.f32 v21, v58;
	v30 =	vadd.f32 v60, v59;
	v27 =	vmul.f32 v61, v36  }
0x314: {  	v21 =	vadd.f32 $9.999999970e-07, v62;
	[tilespmem:s16+$0xF700] =	vst v16;
	v16 =	vmul.f32 v61, v29  }
0x315: {  	v63 =	vshrl.u32 v19, $0x1;
	v34 =	vmul.f32 v30, v10;
	v26 =	vmul.f32 v61, v38;
	[tilespmem:s16+$0xF780] =	vst v27  }
0x316: {  	v35 =	vsub.s32 $0x5F1FFFF9, v63;
	[tilespmem:s16+$0xF800] =	vst v16  }
0x317: {  	v16 =	vmul.f32 v35, v19;
	v36 =	vadd.f32 v34, v21;
	[tilespmem:s16+$0xF880] =	vst v26  }
0x318: {  	v37 =	vld [tilespmem:s0+$0xBC10]  }
0x319: {  	v39 =	vld [tilespmem:s0+$0xD010];
	v16 =	vmul.f32 v35, v16;
	v38 =	vshrl.u32 v36, $0x1  }
0x31a: {  	v40 =	vld [tilespmem:s0+$0xE410];
	v26 =	vsub.s32 $0x5F1FFFF9, v38  }
0x31b: {  	v27 =	vmul.f32 $7.039522520e-01, v35;
	v16 =	vsub.f32 $2.389244560e+00, v16;
	v19 =	vmul.f32 v26, v36;
	_ =	sdelay $0x1  }
0x31c: {  	v41 =	vld [tilespmem:s11+$0xA710];
	v16 =	vmul.f32 v16, v27;
	v19 =	vmul.f32 v26, v19  }
0x31d: {  	v42 =	vmul.f32 v37, v37;
	v43 =	vmul.f32 v39, v39  }
0x31e: {  	v26 =	vmul.f32 $7.039522520e-01, v26;
	v46 =	vmul.f32 v40, v40;
	v19 =	vsub.f32 $2.389244560e+00, v19  }
0x31f: {  	v44 =	vmul.f32 v16, v4;
	v16 =	vmul.f32 v16, v48;
	v45 =	vadd.f32 v43, v42  }
0x320: {  	v19 =	vmul.f32 v19, v26  }
0x321: {  	[tilespmem:s13+$0xF740] =	vst v16;
	v16 =	vmul.f32 v44, v47;
	v47 =	vmul.f32 v41, v41;
	v20 =	vadd.f32 v46, v45  }
0x322: {  	v48 =	vmul.f32 v19, v2  }
0x323: {  	[tilespmem:s13+$0xF840] =	vst v16;
	v16 =	vmul.f32 v19, v55;
	v49 =	vadd.f32 $9.999999970e-07, v47;
	v20 =	vmul.f32 v20, v9  }
0x324: {  	v17 =	vmul.f32 v48, v17  }
0x325: {  	[tilespmem:s15+$0xF720] =	vst v16;
	v16 =	vmul.f32 v48, v51;
	v50 =	vadd.f32 v20, v49  }
0x326: {  	v18 =	vmul.f32 v44, v18;
	[tilespmem:s15+$0xF7A0] =	vst v17  }
0x327: {  	v17 =	vmul.f32 v48, v53;
	[tilespmem:s15+$0xF820] =	vst v16;
	v16 =	vshrl.u32 v50, $0x1  }
0x328: {  	[tilespmem:s13+$0xF8C0] =	vst v18;
	v16 =	vsub.s32 $0x5F1FFFF9, v16  }
0x329: {  	v22 =	vmul.f32 v44, v22;
	[tilespmem:s15+$0xF8A0] =	vst v17;
	v18 =	vmul.f32 v16, v50  }
0x32a: {  	v17 =	vld [tilespmem:s0+$0xBBB0]  }
0x32b: {  	[tilespmem:s13+$0xF7C0] =	vst v22;
	v20 =	vld [tilespmem:s0+$0xCFB0];
	v18 =	vmul.f32 v16, v18  }
0x32c: {  	v19 =	vld [tilespmem:s0+$0xBB50]  }
0x32d: {  	v23 =	vld [tilespmem:s0+$0xE3B0];
	v16 =	vmul.f32 $7.039522520e-01, v16;
	v18 =	vsub.f32 $2.389244560e+00, v18  }
0x32e: {  	v22 =	vld [tilespmem:s0+$0xCF50]  }
0x32f: {  	v51 =	vld [tilespmem:s12+$0xA730];
	v16 =	vmul.f32 v18, v16  }
0x330: {  	v24 =	vld [tilespmem:s0+$0xE350];
	v52 =	vmul.f32 v17, v17;
	v53 =	vmul.f32 v20, v20  }
0x331: {  	v54 =	vmul.f32 v19, v19;
	v57 =	vmul.f32 v16, v1  }
0x332: {  	v56 =	vmul.f32 v23, v23;
	v26 =	vadd.f32 v53, v52;
	v16 =	vmul.f32 v16, v41  }
0x333: {  	v28 =	vld [tilespmem:s0+$0xA750];
	v55 =	vmul.f32 v22, v22;
	v21 =	vmul.f32 v57, v37  }
0x334: {  	v59 =	vmul.f32 v51, v51;
	v26 =	vadd.f32 v56, v26;
	[tilespmem:s16+$0xF710] =	vst v16;
	v16 =	vmul.f32 v57, v39  }
0x335: {  	v58 =	vmul.f32 v24, v24;
	v61 =	vmul.f32 v57, v40;
	[tilespmem:s16+$0xF790] =	vst v21  }
0x336: {  	v18 =	vadd.f32 v55, v54;
	v27 =	vadd.f32 $9.999999970e-07, v59;
	v26 =	vmul.f32 v26, v11;
	[tilespmem:s16+$0xF810] =	vst v16  }
0x337: {  	v33 =	vld [tilespmem:s0+$0xBC80];
	[tilespmem:s16+$0xF890] =	vst v61  }
0x338: {  	s22 =	sor.u32 $0x600, s20;
	v60 =	vmul.f32 v28, v28;
	v18 =	vadd.f32 v58, v18;
	v21 =	vld [tilespmem:s0+$0xBC20];
	v16 =	vadd.f32 v26, v27  }
0x339: {  	s18 =	sshra.s32 s22, $0x2;
	v27 =	vld [tilespmem:s0+$0xD020]  }
0x33a: {  	v38 =	vld [tilespmem:s18+$0xA700];
	v62 =	vadd.f32 $9.999999970e-07, v60;
	v18 =	vmul.f32 v18, v13;
	v26 =	vshrl.u32 v16, $0x1  }
0x33b: {  	v31 =	vld [tilespmem:s0+$0xE420];
	v26 =	vsub.s32 $0x5F1FFFF9, v26  }
0x33c: {  	v42 =	vld [tilespmem:s0+$0xD080];
	v18 =	vadd.f32 v18, v62;
	v16 =	vmul.f32 v26, v16  }
0x33d: {  	v45 =	vmul.f32 v33, v33;
	v30 =	vld [tilespmem:s11+$0xA720];
	v35 =	vmul.f32 v21, v21  }
0x33e: {  	v37 =	vld [tilespmem:s0+$0xE480];
	v29 =	vshrl.u32 v18, $0x1;
	v36 =	vmul.f32 v27, v27;
	v16 =	vmul.f32 v26, v16  }
0x33f: {  	v49 =	vmul.f32 v38, v38;
	v29 =	vsub.s32 $0x5F1FFFF9, v29;
	v34 =	vmul.f32 $7.039522520e-01, v26  }
0x340: {  	v43 =	vmul.f32 v31, v31;
	v35 =	vadd.f32 v36, v35;
	v16 =	vsub.f32 $2.389244560e+00, v16  }
0x341: {  	v39 =	vmul.f32 v42, v42;
	v18 =	vmul.f32 v29, v18  }
0x342: {  	v44 =	vmul.f32 v30, v30;
	v35 =	vadd.f32 v43, v35;
	v16 =	vmul.f32 v16, v34  }
0x343: {  	v47 =	vmul.f32 v37, v37;
	v18 =	vmul.f32 v29, v18  }
0x344: {  	v34 =	vadd.f32 $9.999999970e-07, v44;
	v35 =	vmul.f32 v35, v10;
	v46 =	vmul.f32 v16, v3  }
0x345: {  	v63 =	vmul.f32 $7.039522520e-01, v29;
	v36 =	vadd.f32 v39, v45;
	v16 =	vmul.f32 v16, v51  }
0x346: {  	v18 =	vsub.f32 $2.389244560e+00, v18;
	v48 =	vadd.f32 v35, v34;
	v17 =	vmul.f32 v46, v17  }
0x347: {  	v50 =	vadd.f32 v47, v36;
	[tilespmem:s15+$0xF730] =	vst v16;
	v16 =	vmul.f32 v46, v20  }
0x348: {  	v52 =	vadd.f32 $9.999999970e-07, v49;
	v18 =	vmul.f32 v18, v63;
	[tilespmem:s15+$0xF7B0] =	vst v17;
	v17 =	vshrl.u32 v48, $0x1  }
0x349: {  	v53 =	vmul.f32 v50, v8;
	v51 =	vmul.f32 v46, v23;
	[tilespmem:s15+$0xF830] =	vst v16;
	v16 =	vsub.s32 $0x5F1FFFF9, v17  }
0x34a: {  	v17 =	vmul.f32 v16, v48  }
0x34b: {  	v55 =	vmul.f32 v18, v5;
	v54 =	vadd.f32 v53, v52;
	[tilespmem:s15+$0xF8B0] =	vst v51  }
0x34c: {  	v25 =	vld [tilespmem:s0+$0xBBC0];
	v17 =	vmul.f32 v16, v17  }
0x34d: {  	v18 =	vmul.f32 v18, v28;
	v19 =	vmul.f32 v55, v19;
	v56 =	vshrl.u32 v54, $0x1;
	v29 =	vld [tilespmem:s0+$0xCFC0]  }
0x34e: {  	v57 =	vsub.s32 $0x5F1FFFF9, v56;
	v16 =	vmul.f32 $7.039522520e-01, v16;
	v17 =	vsub.f32 $2.389244560e+00, v17  }
0x34f: {  	v22 =	vmul.f32 v55, v22;
	v32 =	vld [tilespmem:s0+$0xE3C0];
	v20 =	vmul.f32 v57, v54  }
0x350: {  	v23 =	vmul.f32 v55, v24;
	v16 =	vmul.f32 v17, v16  }
0x351: {  	[tilespmem:s13+$0xF750] =	vst v18;
	v58 =	vld [tilespmem:s12+$0xA740];
	v59 =	vmul.f32 v25, v25;
	v17 =	vmul.f32 v57, v20  }
0x352: {  	[tilespmem:s13+$0xF7D0] =	vst v19;
	v60 =	vmul.f32 v29, v29;
	v61 =	vmul.f32 v16, v2  }
0x353: {  	[tilespmem:s13+$0xF850] =	vst v22;
	v28 =	vmul.f32 $7.039522520e-01, v57;
	v17 =	vsub.f32 $2.389244560e+00, v17;
	v30 =	vmul.f32 v16, v30  }
0x354: {  	[tilespmem:s13+$0xF8D0] =	vst v23;
	v62 =	vmul.f32 v32, v32;
	v18 =	vadd.f32 v60, v59;
	v63 =	vmul.f32 v61, v21  }
0x355: {  	v34 =	vmul.f32 v17, v28;
	[tilespmem:s16+$0xF720] =	vst v30;
	v27 =	vmul.f32 v61, v27  }
0x356: {  	v22 =	vld [tilespmem:s0+$0xCF60];
	v35 =	vmul.f32 v58, v58;
	v18 =	vadd.f32 v62, v18;
	v19 =	vmul.f32 v61, v31;
	[tilespmem:s16+$0xF7A0] =	vst v63  }
0x357: {  	v17 =	vld [tilespmem:s0+$0xBB60];
	v36 =	vmul.f32 v34, v0;
	[tilespmem:s16+$0xF820] =	vst v27  }
0x358: {  	v23 =	vadd.f32 $9.999999970e-07, v35;
	v18 =	vmul.f32 v18, v12;
	v21 =	vmul.f32 v34, v38;
	v27 =	vld [tilespmem:s0+$0xE360];
	[tilespmem:s16+$0xF8A0] =	vst v19  }
0x359: {  	s17 =	sand.u32 $0x3FFFFE00, s22;
	v28 =	vld [tilespmem:s0+$0xBC30];
	v38 =	vmul.f32 v36, v33  }
0x35a: {  	v18 =	vadd.f32 v18, v23;
	v23 =	vld [tilespmem:s0+$0xD030];
	[tilespmem:s17+$0xF700] =	vst v21;
	v39 =	vmul.f32 v36, v42  }
0x35b: {  	v16 =	vld [tilespmem:s0+$0xA760];
	v40 =	vmul.f32 v36, v37;
	[tilespmem:s17+$0xF780] =	vst v38  }
0x35c: {  	v26 =	vld [tilespmem:s0+$0xE430];
	v41 =	vshrl.u32 v18, $0x1;
	[tilespmem:s17+$0xF800] =	vst v39  }
0x35d: {  	v43 =	vmul.f32 v22, v22;
	v20 =	vld [tilespmem:s11+$0xA730];
	v42 =	vmul.f32 v17, v17;
	v21 =	vsub.s32 $0x5F1FFFF9, v41;
	[tilespmem:s17+$0xF880] =	vst v40  }
0x35e: {  	v18 =	vmul.f32 v21, v18;
	v31 =	vld [tilespmem:s0+$0xBC90];
	v44 =	vmul.f32 v27, v27  }
0x35f: {  	v34 =	vld [tilespmem:s0+$0xD090];
	v19 =	vadd.f32 v43, v42;
	v45 =	vmul.f32 v28, v28;
	v46 =	vmul.f32 v23, v23  }
0x360: {  	v47 =	vmul.f32 v16, v16;
	v37 =	vld [tilespmem:s0+$0xE490];
	v18 =	vmul.f32 v21, v18  }
0x361: {  	v50 =	vld [tilespmem:s18+$0xA710];
	v48 =	vmul.f32 v26, v26;
	v19 =	vadd.f32 v44, v19;
	v30 =	vadd.f32 v46, v45  }
0x362: {  	v21 =	vmul.f32 $7.039522520e-01, v21;
	v49 =	vmul.f32 v20, v20;
	v18 =	vsub.f32 $2.389244560e+00, v18  }
0x363: {  	v19 =	vmul.f32 v19, v14;
	v30 =	vadd.f32 v48, v30;
	v51 =	vmul.f32 v31, v31  }
0x364: {  	v52 =	vmul.f32 v34, v34;
	v18 =	vmul.f32 v18, v21  }
0x365: {  	v53 =	vadd.f32 $9.999999970e-07, v49;
	v54 =	vmul.f32 v37, v37;
	v30 =	vmul.f32 v30, v11  }
0x366: {  	v56 =	vmul.f32 v50, v50;
	v33 =	vadd.f32 v52, v51;
	v55 =	vmul.f32 v18, v4  }
0x367: {  	v18 =	vmul.f32 v18, v58;
	v58 =	vadd.f32 $9.999999970e-07, v47;
	v21 =	vadd.f32 v30, v53  }
0x368: {  	v24 =	vadd.f32 $9.999999970e-07, v56;
	v57 =	vadd.f32 v54, v33;
	v25 =	vmul.f32 v55, v25  }
0x369: {  	v29 =	vmul.f32 v55, v29;
	[tilespmem:s15+$0xF740] =	vst v18;
	v60 =	vmul.f32 v55, v32;
	v59 =	vshrl.u32 v21, $0x1  }
0x36a: {  	v19 =	vadd.f32 v19, v58;
	v30 =	vmul.f32 v57, v9;
	[tilespmem:s15+$0xF7C0] =	vst v25;
	v18 =	vsub.s32 $0x5F1FFFF9, v59  }
0x36b: {  	[tilespmem:s15+$0xF840] =	vst v29;
	v21 =	vmul.f32 v18, v21  }
0x36c: {  	[tilespmem:s15+$0xF8C0] =	vst v60;
	v61 =	vshrl.u32 v19, $0x1;
	v24 =	vadd.f32 v30, v24  }
0x36d: {  	v29 =	vld [tilespmem:s0+$0xBBD0];
	v25 =	vsub.s32 $0x5F1FFFF9, v61;
	v21 =	vmul.f32 v18, v21  }
0x36e: {  	v32 =	vld [tilespmem:s0+$0xCFD0];
	v19 =	vmul.f32 v25, v19;
	v30 =	vshrl.u32 v24, $0x1  }
0x36f: {  	v18 =	vmul.f32 $7.039522520e-01, v18;
	v30 =	vsub.s32 $0x5F1FFFF9, v30;
	v21 =	vsub.f32 $2.389244560e+00, v21  }
0x370: {  	v33 =	vld [tilespmem:s0+$0xE3D0];
	v24 =	vmul.f32 v30, v24  }
0x371: {  	v19 =	vmul.f32 v25, v19;
	v18 =	vmul.f32 v21, v18  }
0x372: {  	v35 =	vld [tilespmem:s12+$0xA750];
	v63 =	vmul.f32 v29, v29;
	v62 =	vmul.f32 v30, v24  }
0x373: {  	v43 =	vmul.f32 v32, v32;
	v42 =	vmul.f32 v18, v3  }
0x374: {  	v30 =	vmul.f32 $7.039522520e-01, v30;
	v21 =	vsub.f32 $2.389244560e+00, v62;
	v18 =	vmul.f32 v18, v20  }
0x375: {  	v45 =	vmul.f32 v33, v33;
	v24 =	vadd.f32 v43, v63;
	v44 =	vmul.f32 v42, v28  }
0x376: {  	v21 =	vmul.f32 v21, v30;
	[tilespmem:s16+$0xF730] =	vst v18;
	v46 =	vmul.f32 v42, v23  }
0x377: {  	v49 =	vmul.f32 v35, v35;
	v24 =	vadd.f32 v45, v24;
	v47 =	vmul.f32 v42, v26;
	[tilespmem:s16+$0xF7B0] =	vst v44  }
0x378: {  	v51 =	vmul.f32 $7.039522520e-01, v25;
	v19 =	vsub.f32 $2.389244560e+00, v19;
	v48 =	vmul.f32 v21, v1;
	[tilespmem:s16+$0xF830] =	vst v46  }
0x379: {  	v53 =	vadd.f32 $9.999999970e-07, v49;
	v24 =	vmul.f32 v24, v13;
	v50 =	vmul.f32 v21, v50;
	[tilespmem:s16+$0xF8B0] =	vst v47  }
0x37a: {  	v19 =	vmul.f32 v19, v51;
	v21 =	vld [tilespmem:s0+$0xBC40];
	v52 =	vmul.f32 v48, v31  }
0x37b: {  	v56 =	vadd.f32 v24, v53;
	v25 =	vld [tilespmem:s0+$0xD040];
	[tilespmem:s17+$0xF710] =	vst v50;
	v54 =	vmul.f32 v48, v34  }
0x37c: {  	v57 =	vmul.f32 v19, v6;
	v55 =	vmul.f32 v48, v37;
	[tilespmem:s17+$0xF790] =	vst v52  }
0x37d: {  	v26 =	vld [tilespmem:s0+$0xE440];
	v58 =	vshrl.u32 v56, $0x1;
	[tilespmem:s17+$0xF810] =	vst v54  }
0x37e: {  	v16 =	vmul.f32 v19, v16;
	v17 =	vmul.f32 v57, v17;
	v60 =	vld [tilespmem:s11+$0xA740];
	v19 =	vsub.s32 $0x5F1FFFF9, v58;
	[tilespmem:s17+$0xF890] =	vst v55  }
0x37f: {  	v59 =	vmul.f32 v19, v56;
	v20 =	vld [tilespmem:s0+$0xBCA0]  }
0x380: {  	[tilespmem:s13+$0xF7E0] =	vst v17;
	v28 =	vld [tilespmem:s0+$0xD0A0];
	v17 =	vmul.f32 v21, v21;
	v61 =	vmul.f32 v25, v25  }
0x381: {  	[tilespmem:s13+$0xF760] =	vst v16;
	v16 =	vmul.f32 v57, v27  }
0x382: {  	v27 =	vld [tilespmem:s0+$0xE4A0];
	v18 =	vmul.f32 v19, v59;
	v62 =	vmul.f32 v26, v26;
	v17 =	vadd.f32 v61, v17  }
0x383: {  	v22 =	vmul.f32 v57, v22;
	v30 =	vld [tilespmem:s18+$0xA720];
	v19 =	vmul.f32 $7.039522520e-01, v19  }
0x384: {  	v41 =	vmul.f32 v60, v60;
	v18 =	vsub.f32 $2.389244560e+00, v18;
	v17 =	vadd.f32 v62, v17  }
0x385: {  	v63 =	vmul.f32 v20, v20;
	v40 =	vmul.f32 v28, v28  }
0x386: {  	[tilespmem:s13+$0xF860] =	vst v22;
	v44 =	vadd.f32 $9.999999970e-07, v41;
	v18 =	vmul.f32 v18, v19;
	v17 =	vmul.f32 v17, v12  }
0x387: {  	[tilespmem:s13+$0xF8E0] =	vst v16;
	v43 =	vmul.f32 v27, v27;
	v42 =	vadd.f32 v40, v63  }
0x388: {  	v16 =	vld [tilespmem:s0+$0xBB70];
	v46 =	vmul.f32 v30, v30;
	v45 =	vmul.f32 v18, v5;
	v31 =	vadd.f32 v17, v44  }
0x389: {  	v24 =	vld [tilespmem:s0+$0xCF70];
	v18 =	vmul.f32 v18, v35;
	v22 =	vadd.f32 v43, v42  }
0x38a: {  	v37 =	vld [tilespmem:s0+$0xD100];
	v48 =	vadd.f32 $9.999999970e-07, v46;
	v17 =	vmul.f32 v45, v29;
	v51 =	vshrl.u32 v31, $0x1  }
0x38b: {  	[tilespmem:s15+$0xF750] =	vst v18;
	v50 =	vmul.f32 v45, v32;
	v22 =	vmul.f32 v22, v10;
	v32 =	vsub.s32 $0x5F1FFFF9, v51  }
0x38c: {  	v23 =	vld [tilespmem:s0+$0xE500];
	v33 =	vmul.f32 v45, v33;
	[tilespmem:s15+$0xF7D0] =	vst v17;
	v52 =	vmul.f32 v32, v31  }
0x38d: {  	v19 =	vld [tilespmem:s0+$0xE370];
	[tilespmem:s15+$0xF850] =	vst v50;
	v22 =	vadd.f32 v22, v48  }
0x38e: {  	v47 =	vmul.f32 v16, v16;
	v17 =	vld [tilespmem:s0+$0xA770];
	[tilespmem:s15+$0xF8D0] =	vst v33;
	v18 =	vmul.f32 v32, v52  }
0x38f: {  	v49 =	vmul.f32 v24, v24;
	v41 =	vmul.f32 v37, v37;
	v34 =	vld [tilespmem:s0+$0xBBE0];
	v54 =	vshrl.u32 v22, $0x1  }
0x390: {  	v32 =	vmul.f32 $7.039522520e-01, v32;
	v31 =	vsub.s32 $0x5F1FFFF9, v54;
	v18 =	vsub.f32 $2.389244560e+00, v18  }
0x391: {  	v42 =	vmul.f32 v23, v23;
	v35 =	vld [tilespmem:s0+$0xCFE0];
	v22 =	vmul.f32 v31, v22  }
0x392: {  	v55 =	vmul.f32 v19, v19;
	v18 =	vmul.f32 v18, v32  }
0x393: {  	v38 =	vld [tilespmem:s0+$0xE3E0];
	v56 =	vmul.f32 v17, v17;
	v22 =	vmul.f32 v31, v22  }
0x394: {  	v57 =	vmul.f32 v34, v34;
	v32 =	vld [tilespmem:s0+$0xBD00];
	v40 =	vmul.f32 v18, v4  }
0x395: {  	v31 =	vmul.f32 $7.039522520e-01, v31;
	v22 =	vsub.f32 $2.389244560e+00, v22;
	v18 =	vmul.f32 v18, v60  }
0x396: {  	s23 =	sor.u32 $0x800, s20;
	v53 =	vadd.f32 v49, v47;
	v58 =	vmul.f32 v35, v35;
	v21 =	vmul.f32 v40, v21  }
0x397: {  	s10 =	sshra.s32 s23, $0x2;
	v22 =	vmul.f32 v22, v31;
	v25 =	vmul.f32 v40, v25;
	[tilespmem:s16+$0xF740] =	vst v18  }
0x398: {  	v29 =	vadd.f32 v55, v53;
	v62 =	vmul.f32 v38, v38;
	v59 =	vmul.f32 v40, v26;
	v40 =	vld [tilespmem:s10+$0xA700];
	[tilespmem:s16+$0xF7C0] =	vst v21  }
0x399: {  	v36 =	vadd.f32 v58, v57;
	v31 =	vld [tilespmem:s12+$0xA760];
	v61 =	vmul.f32 v32, v32;
	v60 =	vmul.f32 v22, v2;
	[tilespmem:s16+$0xF840] =	vst v25  }
0x39a: {  	v29 =	vmul.f32 v29, v15;
	v33 =	vadd.f32 $9.999999970e-07, v56;
	v22 =	vmul.f32 v22, v30;
	[tilespmem:s16+$0xF8C0] =	vst v59  }
0x39b: {  	v44 =	vadd.f32 v62, v36;
	v41 =	vadd.f32 v41, v61;
	v36 =	vld [tilespmem:s0+$0xBC50];
	v63 =	vmul.f32 v60, v20  }
0x39c: {  	v48 =	vadd.f32 v29, v33;
	v29 =	vld [tilespmem:s0+$0xE450];
	[tilespmem:s17+$0xF720] =	vst v22;
	v45 =	vmul.f32 v60, v28  }
0x39d: {  	v28 =	vld [tilespmem:s0+$0xD050];
	v46 =	vmul.f32 v60, v27;
	v47 =	vmul.f32 v40, v40;
	v20 =	vadd.f32 v42, v41;
	[tilespmem:s17+$0xF7A0] =	vst v63  }
0x39e: {  	v27 =	vld [tilespmem:s11+$0xA750];
	v43 =	vmul.f32 v31, v31;
	[tilespmem:s17+$0xF820] =	vst v45  }
0x39f: {  	[tilespmem:s17+$0xF8A0] =	vst v46;
	v50 =	vadd.f32 $9.999999970e-07, v47;
	v20 =	vmul.f32 v20, v8  }
0x3a0: {  	v49 =	vmul.f32 v44, v14;
	v25 =	vadd.f32 $9.999999970e-07, v43;
	v26 =	vld [tilespmem:s0+$0xBCB0]  }
0x3a1: {  	v51 =	vshrl.u32 v48, $0x1;
	v42 =	vld [tilespmem:s0+$0xE4B0];
	v18 =	vadd.f32 v20, v50  }
0x3a2: {  	v52 =	vmul.f32 v36, v36;
	v22 =	vadd.f32 v49, v25;
	v25 =	vld [tilespmem:s0+$0xD0B0];
	v53 =	vmul.f32 v28, v28  }
0x3a3: {  	v56 =	vmul.f32 v29, v29;
	v43 =	vmul.f32 v27, v27;
	v55 =	vshrl.u32 v18, $0x1  }
0x3a4: {  	v54 =	vshrl.u32 v22, $0x1;
	v30 =	vadd.f32 v53, v52;
	v41 =	vsub.s32 $0x5F1FFFF9, v55  }
0x3a5: {  	v39 =	vsub.s32 $0x5F1FFFF9, v54;
	v44 =	vmul.f32 v26, v26;
	v18 =	vmul.f32 v41, v18  }
0x3a6: {  	v57 =	vmul.f32 v42, v42;
	v30 =	vadd.f32 v56, v30;
	v22 =	vmul.f32 v39, v22  }
0x3a7: {  	v33 =	vld [tilespmem:s18+$0xA730];
	v20 =	vsub.s32 $0x5F1FFFF9, v51;
	v45 =	vmul.f32 v25, v25;
	v18 =	vmul.f32 v41, v18  }
0x3a8: {  	v43 =	vadd.f32 $9.999999970e-07, v43;
	v30 =	vmul.f32 v30, v13;
	v22 =	vmul.f32 v39, v22  }
0x3a9: {  	v41 =	vmul.f32 $7.039522520e-01, v41;
	v44 =	vadd.f32 v45, v44;
	v18 =	vsub.f32 $2.389244560e+00, v18  }
0x3aa: {  	v39 =	vmul.f32 $7.039522520e-01, v39;
	v30 =	vadd.f32 v30, v43;
	v22 =	vsub.f32 $2.389244560e+00, v22  }
0x3ab: {  	v21 =	vmul.f32 v20, v48;
	v44 =	vadd.f32 v57, v44;
	v18 =	vmul.f32 v18, v41  }
0x3ac: {  	v58 =	vmul.f32 v33, v33;
	v59 =	vshrl.u32 v30, $0x1;
	v22 =	vmul.f32 v22, v39  }
0x3ad: {  	v44 =	vmul.f32 v44, v11;
	v61 =	vsub.s32 $0x5F1FFFF9, v59;
	v60 =	vmul.f32 v18, v0  }
0x3ae: {  	v18 =	vmul.f32 v18, v40;
	v30 =	vmul.f32 v61, v30  }
0x3af: {  	s9 =	sand.u32 $0x3FFFFE00, s23;
	v43 =	vadd.f32 $9.999999970e-07, v58;
	v63 =	vmul.f32 v22, v6;
	v22 =	vmul.f32 v22, v31  }
0x3b0: {  	v21 =	vmul.f32 v20, v21;
	v32 =	vmul.f32 v60, v32;
	[tilespmem:s9+$0xF700] =	vst v18  }
0x3b1: {  	v62 =	vadd.f32 v44, v43;
	v43 =	vmul.f32 v60, v37;
	v30 =	vmul.f32 v61, v30;
	[tilespmem:s15+$0xF760] =	vst v22  }
0x3b2: {  	v20 =	vmul.f32 $7.039522520e-01, v20;
	v23 =	vmul.f32 v60, v23;
	[tilespmem:s9+$0xF780] =	vst v32  }
0x3b3: {  	v47 =	vmul.f32 $7.039522520e-01, v61;
	v45 =	vmul.f32 v63, v34;
	[tilespmem:s9+$0xF800] =	vst v43;
	v30 =	vsub.f32 $2.389244560e+00, v30  }
0x3b4: {  	v21 =	vsub.f32 $2.389244560e+00, v21;
	v49 =	vmul.f32 v63, v35;
	v44 =	vshrl.u32 v62, $0x1;
	[tilespmem:s9+$0xF880] =	vst v23  }
0x3b5: {  	v50 =	vmul.f32 v63, v38;
	v46 =	vsub.s32 $0x5F1FFFF9, v44;
	[tilespmem:s15+$0xF7E0] =	vst v45;
	v35 =	vld [tilespmem:s0+$0xBD10];
	v18 =	vmul.f32 v30, v47  }
0x3b6: {  	[tilespmem:s15+$0xF860] =	vst v49;
	v48 =	vmul.f32 v46, v62;
	v34 =	vld [tilespmem:s0+$0xD110]  }
0x3b7: {  	v54 =	vmul.f32 v21, v20;
	[tilespmem:s15+$0xF8E0] =	vst v50;
	v37 =	vld [tilespmem:s0+$0xE510];
	v52 =	vmul.f32 v18, v5  }
0x3b8: {  	v21 =	vld [tilespmem:s0+$0xBBF0];
	v51 =	vmul.f32 v46, v48;
	v18 =	vmul.f32 v18, v27  }
0x3b9: {  	v53 =	vmul.f32 $7.039522520e-01, v46;
	v22 =	vld [tilespmem:s0+$0xCFF0];
	v55 =	vmul.f32 v52, v36  }
0x3ba: {  	v30 =	vsub.f32 $2.389244560e+00, v51;
	v36 =	vld [tilespmem:s10+$0xA710];
	v56 =	vmul.f32 v35, v35;
	[tilespmem:s16+$0xF750] =	vst v18;
	v58 =	vmul.f32 v52, v28  }
0x3bb: {  	v20 =	vld [tilespmem:s0+$0xE3F0];
	v57 =	vmul.f32 v34, v34;
	v59 =	vmul.f32 v52, v29;
	[tilespmem:s16+$0xF7D0] =	vst v55  }
0x3bc: {  	v30 =	vmul.f32 v30, v53;
	[tilespmem:s16+$0xF850] =	vst v58  }
0x3bd: {  	v23 =	vld [tilespmem:s12+$0xA770];
	v62 =	vmul.f32 v37, v37;
	v63 =	vmul.f32 v21, v21;
	v61 =	vadd.f32 v57, v56;
	[tilespmem:s16+$0xF8D0] =	vst v59  }
0x3be: {  	v41 =	vmul.f32 v22, v22;
	v60 =	vmul.f32 v30, v3;
	v29 =	vld [tilespmem:s11+$0xA760]  }
0x3bf: {  	v39 =	vmul.f32 v30, v33;
	v28 =	vld [tilespmem:s0+$0xBC60];
	v32 =	vadd.f32 v62, v61;
	v40 =	vmul.f32 v36, v36  }
0x3c0: {  	v45 =	vmul.f32 v20, v20;
	v33 =	vadd.f32 v41, v63;
	v27 =	vld [tilespmem:s0+$0xD060];
	v26 =	vmul.f32 v60, v26  }
0x3c1: {  	v41 =	vld [tilespmem:s0+$0xE580];
	[tilespmem:s17+$0xF730] =	vst v39;
	v43 =	vmul.f32 v60, v25;
	v32 =	vmul.f32 v32, v9;
	v30 =	vadd.f32 $9.999999970e-07, v40  }
0x3c2: {  	s24 =	sor.u32 $0xA00, s20;
	v48 =	vmul.f32 v23, v23;
	v44 =	vmul.f32 v60, v42;
	v25 =	vld [tilespmem:s0+$0xE460];
	[tilespmem:s17+$0xF7B0] =	vst v26  }
0x3c3: {  	s29 =	sshra.s32 s24, $0x2;
	v42 =	vld [tilespmem:s0+$0xD180];
	[tilespmem:s17+$0xF830] =	vst v43;
	v46 =	vadd.f32 v32, v30  }
0x3c4: {  	v39 =	vmul.f32 v54, v7;
	v47 =	vadd.f32 v45, v33;
	v33 =	vadd.f32 $9.999999970e-07, v48;
	v48 =	vld [tilespmem:s29+$0xA700];
	[tilespmem:s17+$0xF8B0] =	vst v44  }
0x3c5: {  	v18 =	vmul.f32 v54, v17;
	v31 =	vld [tilespmem:s0+$0xBCC0];
	v49 =	vshrl.u32 v46, $0x1  }
0x3c6: {  	v17 =	vmul.f32 v39, v16;
	v50 =	vmul.f32 v47, v15;
	v30 =	vld [tilespmem:s0+$0xD0C0];
	v38 =	vsub.s32 $0x5F1FFFF9, v49  }
0x3c7: {  	v40 =	vld [tilespmem:s0+$0xBD80];
	v51 =	vmul.f32 v29, v29;
	v26 =	vmul.f32 v38, v46  }
0x3c8: {  	v52 =	vmul.f32 v28, v28;
	v53 =	vmul.f32 v27, v27;
	v32 =	vld [tilespmem:s0+$0xE4C0]  }
0x3c9: {  	v45 =	vld [tilespmem:s18+$0xA740];
	v60 =	vmul.f32 v41, v41;
	v54 =	vadd.f32 $9.999999970e-07, v51;
	v26 =	vmul.f32 v38, v26  }
0x3ca: {  	v43 =	vadd.f32 v53, v52;
	v55 =	vmul.f32 v25, v25;
	v46 =	vmul.f32 v31, v31  }
0x3cb: {  	v47 =	vmul.f32 v30, v30;
	v38 =	vmul.f32 $7.039522520e-01, v38;
	v26 =	vsub.f32 $2.389244560e+00, v26  }
0x3cc: {  	v43 =	vadd.f32 v55, v43;
	v56 =	vmul.f32 v40, v40;
	v49 =	vmul.f32 v42, v42  }
0x3cd: {  	v57 =	vmul.f32 v32, v32;
	v46 =	vadd.f32 v47, v46;
	v26 =	vmul.f32 v26, v38  }
0x3ce: {  	v63 =	vmul.f32 v48, v48;
	v61 =	vmul.f32 v45, v45;
	v59 =	vadd.f32 v49, v56  }
0x3cf: {  	v58 =	vmul.f32 v43, v14;
	v46 =	vadd.f32 v57, v46;
	v62 =	vmul.f32 v26, v1  }
0x3d0: {  	v49 =	vadd.f32 $9.999999970e-07, v61;
	v43 =	vadd.f32 v60, v59;
	v26 =	vmul.f32 v26, v36  }
0x3d1: {  	v52 =	vadd.f32 v58, v54;
	v46 =	vmul.f32 v46, v12;
	v35 =	vmul.f32 v62, v35  }
0x3d2: {  	v43 =	vmul.f32 v43, v8;
	v36 =	vadd.f32 $9.999999970e-07, v63;
	[tilespmem:s9+$0xF710] =	vst v26;
	v34 =	vmul.f32 v62, v34  }
0x3d3: {  	v54 =	vshrl.u32 v52, $0x1;
	v44 =	vadd.f32 v46, v49;
	v51 =	vmul.f32 v62, v37;
	[tilespmem:s9+$0xF790] =	vst v35  }
0x3d4: {  	v16 =	vmul.f32 v39, v24;
	v57 =	vsub.s32 $0x5F1FFFF9, v54;
	v49 =	vld [tilespmem:s0+$0xBE00];
	v36 =	vadd.f32 v43, v36;
	[tilespmem:s9+$0xF810] =	vst v34  }
0x3d5: {  	v19 =	vmul.f32 v39, v19;
	v37 =	vmul.f32 v57, v52;
	v53 =	vshrl.u32 v44, $0x1;
	[tilespmem:s9+$0xF890] =	vst v51;
	v51 =	vld [tilespmem:s0+$0xD200]  }
0x3d6: {  	v24 =	vadd.f32 v50, v33;
	v55 =	vsub.s32 $0x5F1FFFF9, v53;
	v56 =	vshrl.u32 v36, $0x1;
	v33 =	vld [tilespmem:s0+$0xBD20]  }
0x3d7: {  	v37 =	vmul.f32 v57, v37;
	v58 =	vmul.f32 v55, v44;
	v34 =	vld [tilespmem:s0+$0xD120];
	v59 =	vsub.s32 $0x5F1FFFF9, v56  }
0x3d8: {  	v50 =	vshrl.u32 v24, $0x1;
	v39 =	vmul.f32 $7.039522520e-01, v57;
	v35 =	vld [tilespmem:s0+$0xE520];
	v36 =	vmul.f32 v59, v36  }
0x3d9: {  	v53 =	vld [tilespmem:s0+$0xBE80];
	v38 =	vmul.f32 $7.039522520e-01, v55;
	v37 =	vsub.f32 $2.389244560e+00, v37;
	v43 =	vmul.f32 v55, v58  }
0x3da: {  	v26 =	vsub.s32 $0x5F1FFFF9, v50;
	v46 =	vld [tilespmem:s10+$0xA720];
	v44 =	vmul.f32 $7.039522520e-01, v59;
	v36 =	vmul.f32 v59, v36  }
0x3db: {  	v56 =	vld [tilespmem:s0+$0xD280];
	v54 =	vmul.f32 v49, v49;
	v37 =	vmul.f32 v37, v39;
	v43 =	vsub.f32 $2.389244560e+00, v43  }
0x3dc: {  	v60 =	vmul.f32 v33, v33;
	v50 =	vmul.f32 v34, v34;
	v36 =	vsub.f32 $2.389244560e+00, v36  }
0x3dd: {  	v55 =	vmul.f32 v51, v51;
	v62 =	vmul.f32 v35, v35  }
0x3de: {  	s21 =	sor.u32 $0xC00, s20;
	v38 =	vmul.f32 v43, v38;
	v61 =	vadd.f32 v50, v60;
	v36 =	vmul.f32 v36, v44;
	v44 =	vld [tilespmem:s0+$0xE600]  }
0x3df: {  	s23 =	sshra.s32 s21, $0x2;
	v57 =	vmul.f32 v53, v53;
	v52 =	vmul.f32 v46, v46  }
0x3e0: {  	v58 =	vmul.f32 v56, v56;
	v50 =	vld [tilespmem:s23+$0xA700];
	v39 =	vmul.f32 v38, v4;
	v43 =	vadd.f32 v62, v61  }
0x3e1: {  	s12 =	sand.u32 $0x3FFFFE00, s24;
	s24 =	sor.u32 $0xE00, s20;
	v60 =	vadd.f32 v55, v54;
	v55 =	vld [tilespmem:s0+$0xE680];
	v38 =	vmul.f32 v38, v45;
	v63 =	vmul.f32 v36, v0  }
0x3e2: {  	s22 =	sshra.s32 s24, $0x2;
	v36 =	vmul.f32 v36, v48;
	v43 =	vmul.f32 v43, v10  }
0x3e3: {  	v52 =	vadd.f32 $9.999999970e-07, v52;
	v45 =	vld [tilespmem:s22+$0xA700];
	v40 =	vmul.f32 v63, v40;
	v61 =	vmul.f32 v44, v44  }
0x3e4: {  	[tilespmem:s12+$0xF700] =	vst v36;
	v62 =	vmul.f32 v63, v42;
	v63 =	vmul.f32 v63, v41  }
0x3e5: {  	v43 =	vadd.f32 v43, v52;
	[tilespmem:s12+$0xF780] =	vst v40;
	v52 =	vmul.f32 v50, v50;
	v54 =	vadd.f32 v61, v60  }
0x3e6: {  	v36 =	vadd.f32 v58, v57;
	[tilespmem:s12+$0xF880] =	vst v63;
	v63 =	vmul.f32 v55, v55  }
0x3e7: {  	[tilespmem:s12+$0xF800] =	vst v62;
	v59 =	vshrl.u32 v43, $0x1;
	v60 =	vadd.f32 $9.999999970e-07, v52;
	v61 =	vmul.f32 v54, v8  }
0x3e8: {  	v57 =	vmul.f32 v45, v45;
	v48 =	vld [tilespmem:s0+$0xBD90];
	v62 =	vsub.s32 $0x5F1FFFF9, v59  }
0x3e9: {  	v52 =	vld [tilespmem:s0+$0xD190];
	v36 =	vadd.f32 v63, v36;
	v43 =	vmul.f32 v62, v43;
	v40 =	vadd.f32 v61, v60  }
0x3ea: {  	v24 =	vmul.f32 v26, v24;
	v41 =	vadd.f32 $9.999999970e-07, v57  }
0x3eb: {  	v36 =	vmul.f32 v36, v8;
	v58 =	vmul.f32 v62, v43;
	v43 =	vld [tilespmem:s0+$0xE590];
	v59 =	vshrl.u32 v40, $0x1  }
0x3ec: {  	v31 =	vmul.f32 v39, v31;
	v30 =	vmul.f32 v39, v30;
	v47 =	vsub.s32 $0x5F1FFFF9, v59  }
0x3ed: {  	v32 =	vmul.f32 v39, v32;
	v54 =	vld [tilespmem:s29+$0xA710];
	v36 =	vadd.f32 v36, v41;
	v40 =	vmul.f32 v47, v40  }
0x3ee: {  	v57 =	vmul.f32 v48, v48;
	v39 =	vsub.f32 $2.389244560e+00, v58;
	v58 =	vmul.f32 v52, v52  }
0x3ef: {  	v42 =	vmul.f32 $7.039522520e-01, v62;
	v62 =	vshrl.u32 v36, $0x1;
	v40 =	vmul.f32 v47, v40  }
0x3f0: {  	v60 =	vadd.f32 v58, v57;
	v57 =	vsub.s32 $0x5F1FFFF9, v62;
	v61 =	vmul.f32 v43, v43  }
0x3f1: {  	v47 =	vmul.f32 $7.039522520e-01, v47;
	v36 =	vmul.f32 v57, v36;
	v40 =	vsub.f32 $2.389244560e+00, v40  }
0x3f2: {  	[tilespmem:s17+$0xF740] =	vst v38;
	v63 =	vmul.f32 v54, v54;
	v39 =	vmul.f32 v39, v42  }
0x3f3: {  	[tilespmem:s17+$0xF7C0] =	vst v31;
	v41 =	vadd.f32 v61, v60;
	v36 =	vmul.f32 v57, v36;
	v40 =	vmul.f32 v40, v47  }
0x3f4: {  	[tilespmem:s17+$0xF840] =	vst v30;
	v47 =	vmul.f32 v39, v46;
	v39 =	vmul.f32 v39, v2  }
0x3f5: {  	[tilespmem:s17+$0xF8C0] =	vst v32;
	v60 =	vmul.f32 v41, v9;
	v62 =	vmul.f32 v40, v50  }
0x3f6: {  	s21 =	sand.u32 $0x3FFFFE00, s21;
	v59 =	vadd.f32 $9.999999970e-07, v63;
	v61 =	vmul.f32 v40, v0;
	[tilespmem:s9+$0xF720] =	vst v47;
	v33 =	vmul.f32 v39, v33  }
0x3f7: {  	v63 =	vmul.f32 $7.039522520e-01, v57;
	v36 =	vsub.f32 $2.389244560e+00, v36;
	v34 =	vmul.f32 v39, v34;
	[tilespmem:s21+$0xF700] =	vst v62  }
0x3f8: {  	v29 =	vmul.f32 v37, v29;
	v38 =	vadd.f32 v60, v59;
	v42 =	vmul.f32 v61, v49;
	[tilespmem:s9+$0xF7A0] =	vst v33  }
0x3f9: {  	v32 =	vld [tilespmem:s18+$0xA750];
	v36 =	vmul.f32 v36, v63;
	v46 =	vmul.f32 v61, v51;
	[tilespmem:s9+$0xF820] =	vst v34  }
0x3fa: {  	v30 =	vld [tilespmem:s0+$0xBCD0];
	v58 =	vmul.f32 v37, v6;
	v47 =	vshrl.u32 v38, $0x1;
	v49 =	vmul.f32 v61, v44;
	[tilespmem:s21+$0xF780] =	vst v42  }
0x3fb: {  	v31 =	vld [tilespmem:s0+$0xD0D0];
	v35 =	vmul.f32 v39, v35;
	v50 =	vmul.f32 v36, v0;
	v37 =	vsub.s32 $0x5F1FFFF9, v47;
	[tilespmem:s21+$0xF800] =	vst v46  }
0x3fc: {  	v36 =	vmul.f32 v36, v45;
	v33 =	vld [tilespmem:s0+$0xE4D0];
	v38 =	vmul.f32 v37, v38;
	[tilespmem:s21+$0xF880] =	vst v49  }
0x3fd: {  	s24 =	sand.u32 $0x3FFFFE00, s24;
	v24 =	vmul.f32 v26, v24;
	[tilespmem:s9+$0xF8A0] =	vst v35;
	v51 =	vmul.f32 v50, v53;
	v40 =	vld [tilespmem:s0+$0xBE10]  }
0x3fe: {  	[tilespmem:s24+$0xF700] =	vst v36;
	v53 =	vmul.f32 v50, v56;
	v44 =	vld [tilespmem:s0+$0xD210];
	v38 =	vmul.f32 v37, v38  }
0x3ff: {  	v28 =	vmul.f32 v58, v28;
	v47 =	vld [tilespmem:s0+$0xBD30];
	v41 =	vmul.f32 v50, v55;
	[tilespmem:s24+$0xF780] =	vst v51  }
0x400: {  	v27 =	vmul.f32 v58, v27;
	v42 =	vld [tilespmem:s0+$0xE610];
	v37 =	vmul.f32 $7.039522520e-01, v37;
	[tilespmem:s24+$0xF800] =	vst v53;
	v38 =	vsub.f32 $2.389244560e+00, v38  }
0x401: {  	v61 =	vmul.f32 v31, v31;
	v56 =	vmul.f32 v32, v32;
	v39 =	vld [tilespmem:s23+$0xA710];
	[tilespmem:s24+$0xF880] =	vst v41  }
0x402: {  	v41 =	vmul.f32 v30, v30;
	v45 =	vld [tilespmem:s0+$0xD290];
	v57 =	vmul.f32 v38, v37  }
0x403: {  	v53 =	vld [tilespmem:s0+$0xD130];
	v59 =	vmul.f32 v40, v40;
	v60 =	vmul.f32 v44, v44  }
0x404: {  	v36 =	vadd.f32 $9.999999970e-07, v56;
	v50 =	vmul.f32 v33, v33;
	v56 =	vmul.f32 v47, v47;
	v38 =	vld [tilespmem:s0+$0xBE90]  }
0x405: {  	v51 =	vld [tilespmem:s0+$0xE690];
	v63 =	vmul.f32 v42, v42;
	v62 =	vmul.f32 v57, v1;
	v35 =	vadd.f32 v60, v59  }
0x406: {  	v55 =	vld [tilespmem:s22+$0xA710];
	v34 =	vmul.f32 v57, v54;
	v57 =	vmul.f32 v39, v39;
	v59 =	vadd.f32 v61, v41  }
0x407: {  	v41 =	vld [tilespmem:s0+$0xE530];
	v61 =	vmul.f32 v45, v45;
	v48 =	vmul.f32 v62, v48;
	v35 =	vadd.f32 v63, v35  }
0x408: {  	v52 =	vmul.f32 v62, v52;
	[tilespmem:s12+$0xF710] =	vst v34;
	v43 =	vmul.f32 v62, v43  }
0x409: {  	v49 =	vld [tilespmem:s10+$0xA730];
	v62 =	vadd.f32 $9.999999970e-07, v57;
	v60 =	vmul.f32 v38, v38;
	[tilespmem:s12+$0xF790] =	vst v48;
	v35 =	vmul.f32 v35, v9  }
0x40a: {  	v37 =	vadd.f32 v50, v59;
	v63 =	vmul.f32 v51, v51;
	v57 =	vmul.f32 v53, v53;
	[tilespmem:s12+$0xF810] =	vst v52  }
0x40b: {  	v59 =	vmul.f32 v55, v55;
	[tilespmem:s12+$0xF890] =	vst v43;
	v34 =	vadd.f32 v61, v60;
	v35 =	vadd.f32 v35, v62  }
0x40c: {  	v43 =	vmul.f32 v37, v13;
	v46 =	vadd.f32 v57, v56;
	v48 =	vld [tilespmem:s0+$0xBDA0];
	v60 =	vmul.f32 v41, v41  }
0x40d: {  	v37 =	vmul.f32 v58, v25;
	v52 =	vld [tilespmem:s0+$0xD1A0];
	v34 =	vadd.f32 v63, v34;
	v61 =	vshrl.u32 v35, $0x1  }
0x40e: {  	v63 =	vmul.f32 v49, v49;
	v46 =	vadd.f32 v60, v46;
	v54 =	vsub.s32 $0x5F1FFFF9, v61  }
0x40f: {  	v62 =	vadd.f32 $9.999999970e-07, v59;
	v34 =	vmul.f32 v34, v9;
	v35 =	vmul.f32 v54, v35  }
0x410: {  	v36 =	vadd.f32 v43, v36;
	v43 =	vld [tilespmem:s0+$0xE5A0];
	v50 =	vadd.f32 $9.999999970e-07, v63;
	v46 =	vmul.f32 v46, v11  }
0x411: {  	v25 =	vmul.f32 $7.039522520e-01, v26;
	v34 =	vadd.f32 v34, v62;
	v60 =	vmul.f32 v54, v35  }
0x412: {  	v61 =	vmul.f32 v48, v48;
	v62 =	vmul.f32 v52, v52;
	v26 =	vadd.f32 v46, v50  }
0x413: {  	v35 =	vld [tilespmem:s29+$0xA720];
	v54 =	vmul.f32 $7.039522520e-01, v54;
	v63 =	vshrl.u32 v34, $0x1;
	v59 =	vsub.f32 $2.389244560e+00, v60  }
0x414: {  	v58 =	vsub.s32 $0x5F1FFFF9, v63;
	v60 =	vadd.f32 v62, v61;
	v62 =	vshrl.u32 v26, $0x1  }
0x415: {  	v61 =	vmul.f32 v43, v43;
	v34 =	vmul.f32 v58, v34;
	v57 =	vsub.s32 $0x5F1FFFF9, v62  }
0x416: {  	v54 =	vmul.f32 v59, v54;
	v26 =	vmul.f32 v57, v26  }
0x417: {  	v59 =	vmul.f32 $7.039522520e-01, v57;
	v34 =	vmul.f32 v58, v34  }
0x418: {  	v46 =	vadd.f32 v61, v60;
	v60 =	vmul.f32 v35, v35;
	v58 =	vmul.f32 $7.039522520e-01, v58  }
0x419: {  	v56 =	vshrl.u32 v36, $0x1;
	v63 =	vmul.f32 v54, v1;
	v39 =	vmul.f32 v54, v39  }
0x41a: {  	v46 =	vmul.f32 v46, v10;
	v26 =	vmul.f32 v57, v26;
	v34 =	vsub.f32 $2.389244560e+00, v34  }
0x41b: {  	v54 =	vadd.f32 $9.999999970e-07, v60;
	v40 =	vmul.f32 v63, v40;
	v61 =	vmul.f32 v63, v44  }
0x41c: {  	[tilespmem:s21+$0xF710] =	vst v39;
	v44 =	vsub.s32 $0x5F1FFFF9, v56;
	v62 =	vmul.f32 v63, v42;
	v34 =	vmul.f32 v34, v58  }
0x41d: {  	v26 =	vsub.f32 $2.389244560e+00, v26;
	v36 =	vmul.f32 v44, v36;
	v63 =	vadd.f32 v46, v54;
	[tilespmem:s21+$0xF790] =	vst v40  }
0x41e: {  	v39 =	vmul.f32 $7.039522520e-01, v44;
	[tilespmem:s21+$0xF810] =	vst v61;
	v58 =	vmul.f32 v34, v1  }
0x41f: {  	[tilespmem:s21+$0xF890] =	vst v62;
	v26 =	vmul.f32 v26, v59;
	v34 =	vmul.f32 v34, v55;
	v46 =	vshrl.u32 v63, $0x1  }
0x420: {  	v50 =	vld [tilespmem:s0+$0xBE20];
	v46 =	vsub.s32 $0x5F1FFFF9, v46;
	v38 =	vmul.f32 v58, v38;
	v60 =	vmul.f32 v58, v45  }
0x421: {  	v54 =	vld [tilespmem:s0+$0xD220];
	[tilespmem:s24+$0xF710] =	vst v34;
	v42 =	vmul.f32 v46, v63;
	v61 =	vmul.f32 v58, v51  }
0x422: {  	v40 =	vld [tilespmem:s0+$0xE620];
	v34 =	vmul.f32 v44, v36;
	v63 =	vmul.f32 v26, v3;
	[tilespmem:s24+$0xF790] =	vst v38  }
0x423: {  	v57 =	vmul.f32 $7.039522520e-01, v46;
	[tilespmem:s24+$0xF810] =	vst v60;
	v62 =	vmul.f32 v46, v42  }
0x424: {  	v26 =	vmul.f32 v26, v49;
	v42 =	vld [tilespmem:s23+$0xA720];
	[tilespmem:s24+$0xF890] =	vst v61;
	v47 =	vmul.f32 v63, v47;
	v34 =	vsub.f32 $2.389244560e+00, v34  }
0x425: {  	v38 =	vmul.f32 v63, v41;
	v45 =	vld [tilespmem:s0+$0xBEA0];
	v58 =	vmul.f32 v50, v50;
	v36 =	vsub.f32 $2.389244560e+00, v62  }
0x426: {  	v59 =	vmul.f32 v54, v54;
	v55 =	vld [tilespmem:s0+$0xD2A0];
	v39 =	vmul.f32 v34, v39  }
0x427: {  	v61 =	vmul.f32 v40, v40;
	v36 =	vmul.f32 v36, v57  }
0x428: {  	[tilespmem:s9+$0xF730] =	vst v26;
	v49 =	vld [tilespmem:s0+$0xE6A0];
	v62 =	vmul.f32 v63, v53;
	v60 =	vadd.f32 v59, v58;
	v53 =	vmul.f32 v39, v5  }
0x429: {  	v46 =	vld [tilespmem:s22+$0xA720];
	[tilespmem:s9+$0xF7B0] =	vst v47;
	v63 =	vmul.f32 v42, v42;
	v26 =	vmul.f32 v36, v2  }
0x42a: {  	[tilespmem:s9+$0xF8B0] =	vst v38;
	v44 =	vadd.f32 v61, v60;
	v56 =	vmul.f32 v45, v45;
	v35 =	vmul.f32 v36, v35  }
0x42b: {  	[tilespmem:s9+$0xF830] =	vst v62;
	v57 =	vmul.f32 v55, v55;
	v60 =	vmul.f32 v26, v48  }
0x42c: {  	v58 =	vadd.f32 $9.999999970e-07, v63;
	v59 =	vmul.f32 v44, v10;
	[tilespmem:s12+$0xF720] =	vst v35;
	v63 =	vmul.f32 v26, v52  }
0x42d: {  	v34 =	vld [tilespmem:s10+$0xA740];
	v62 =	vmul.f32 v49, v49;
	v61 =	vadd.f32 v57, v56;
	v26 =	vmul.f32 v26, v43;
	[tilespmem:s12+$0xF7A0] =	vst v60  }
0x42e: {  	v32 =	vmul.f32 v39, v32;
	v51 =	vmul.f32 v46, v46;
	v36 =	vld [tilespmem:s0+$0xD140];
	v41 =	vadd.f32 v59, v58;
	[tilespmem:s12+$0xF820] =	vst v63  }
0x42f: {  	v30 =	vmul.f32 v53, v30;
	v31 =	vmul.f32 v53, v31;
	v35 =	vld [tilespmem:s0+$0xBD40];
	v52 =	vadd.f32 v62, v61;
	[tilespmem:s12+$0xF8A0] =	vst v26  }
0x430: {  	v44 =	vmul.f32 v53, v33;
	v53 =	vsub.f32 $2.389244560e+00, v24;
	v56 =	vshrl.u32 v41, $0x1;
	v43 =	vld [tilespmem:s0+$0xBDB0]  }
0x431: {  	v38 =	vadd.f32 $9.999999970e-07, v51;
	v47 =	vld [tilespmem:s0+$0xD1B0];
	v57 =	vsub.s32 $0x5F1FFFF9, v56;
	v58 =	vmul.f32 v52, v10  }
0x432: {  	[tilespmem:s16+$0xF760] =	vst v29;
	v29 =	vmul.f32 v34, v34;
	v41 =	vmul.f32 v57, v41  }
0x433: {  	v61 =	vmul.f32 v36, v36;
	v48 =	vld [tilespmem:s0+$0xE5B0];
	v52 =	vmul.f32 v53, v25;
	v38 =	vadd.f32 v58, v38  }
0x434: {  	v33 =	vld [tilespmem:s0+$0xE540];
	v60 =	vmul.f32 v35, v35;
	v59 =	vmul.f32 v57, v41  }
0x435: {  	[tilespmem:s16+$0xF860] =	vst v27;
	v27 =	vld [tilespmem:s29+$0xA730];
	v26 =	vmul.f32 $7.039522520e-01, v57;
	v62 =	vshrl.u32 v38, $0x1;
	v63 =	vmul.f32 v43, v43  }
0x436: {  	[tilespmem:s16+$0xF7E0] =	vst v28;
	v56 =	vmul.f32 v47, v47;
	v39 =	vsub.f32 $2.389244560e+00, v59;
	v51 =	vsub.s32 $0x5F1FFFF9, v62  }
0x437: {  	[tilespmem:s16+$0xF8E0] =	vst v37;
	v23 =	vmul.f32 v52, v23;
	v38 =	vmul.f32 v51, v38  }
0x438: {  	[tilespmem:s17+$0xF750] =	vst v32;
	v59 =	vmul.f32 v48, v48;
	v24 =	vadd.f32 v56, v63;
	v26 =	vmul.f32 v39, v26  }
0x439: {  	[tilespmem:s17+$0xF7D0] =	vst v30;
	v28 =	vadd.f32 v61, v60;
	v57 =	vmul.f32 v33, v33;
	v58 =	vmul.f32 v51, v38  }
0x43a: {  	[tilespmem:s17+$0xF850] =	vst v31;
	v62 =	vmul.f32 v27, v27;
	v30 =	vadd.f32 v59, v24;
	v60 =	vmul.f32 v26, v2  }
0x43b: {  	[tilespmem:s17+$0xF8D0] =	vst v44;
	v61 =	vmul.f32 $7.039522520e-01, v51;
	v26 =	vmul.f32 v26, v42;
	v37 =	vsub.f32 $2.389244560e+00, v58  }
0x43c: {  	v31 =	vld [tilespmem:s0+$0xBCE0];
	v28 =	vadd.f32 v57, v28;
	v30 =	vmul.f32 v30, v11;
	v63 =	vmul.f32 v60, v50  }
0x43d: {  	v29 =	vadd.f32 $9.999999970e-07, v29;
	v24 =	vld [tilespmem:s11+$0xA770];
	[tilespmem:s21+$0xF720] =	vst v26;
	v44 =	vmul.f32 v60, v54;
	v50 =	vmul.f32 v37, v61  }
0x43e: {  	v51 =	vadd.f32 $9.999999970e-07, v62;
	v38 =	vmul.f32 v60, v40;
	v54 =	vmul.f32 v28, v12;
	[tilespmem:s21+$0xF7A0] =	vst v63  }
0x43f: {  	v25 =	vld [tilespmem:s0+$0xBC70];
	v28 =	vmul.f32 v52, v7;
	[tilespmem:s21+$0xF820] =	vst v44;
	v53 =	vmul.f32 v50, v2  }
0x440: {  	v30 =	vadd.f32 v30, v51;
	[tilespmem:s21+$0xF8A0] =	vst v38;
	v40 =	vadd.f32 v54, v29;
	v29 =	vld [tilespmem:s0+$0xD0E0];
	v32 =	vmul.f32 v50, v46  }
0x441: {  	v61 =	vmul.f32 v31, v31;
	v37 =	vld [tilespmem:s0+$0xBE30];
	v56 =	vmul.f32 v53, v45  }
0x442: {  	v38 =	vmul.f32 v24, v24;
	v57 =	vshrl.u32 v30, $0x1;
	v42 =	vld [tilespmem:s0+$0xD230];
	[tilespmem:s24+$0xF720] =	vst v32;
	v58 =	vmul.f32 v53, v55  }
0x443: {  	v44 =	vld [tilespmem:s0+$0xE630];
	v59 =	vsub.s32 $0x5F1FFFF9, v57;
	v60 =	vshrl.u32 v40, $0x1;
	v26 =	vmul.f32 v53, v49;
	[tilespmem:s24+$0xF7A0] =	vst v56  }
0x444: {  	v30 =	vmul.f32 v59, v30;
	v45 =	vmul.f32 v25, v25;
	v41 =	vsub.s32 $0x5F1FFFF9, v60;
	[tilespmem:s24+$0xF820] =	vst v58  }
0x445: {  	v46 =	vld [tilespmem:s23+$0xA730];
	v39 =	vmul.f32 $7.039522520e-01, v59;
	v62 =	vmul.f32 v41, v40;
	[tilespmem:s24+$0xF8A0] =	vst v26  }
0x446: {  	v30 =	vmul.f32 v59, v30;
	v40 =	vld [tilespmem:s0+$0xBEB0];
	v63 =	vmul.f32 v37, v37  }
0x447: {  	v56 =	vmul.f32 v42, v42;
	v51 =	vld [tilespmem:s0+$0xD2B0];
	v26 =	vmul.f32 v41, v62  }
0x448: {  	v59 =	vmul.f32 v29, v29;
	v58 =	vmul.f32 v44, v44;
	v53 =	vld [tilespmem:s0+$0xE6B0];
	v57 =	vsub.f32 $2.389244560e+00, v30  }
0x449: {  	v41 =	vmul.f32 $7.039522520e-01, v41;
	v50 =	vld [tilespmem:s22+$0xA730];
	v49 =	vadd.f32 v56, v63;
	v26 =	vsub.f32 $2.389244560e+00, v26  }
0x44a: {  	v60 =	vmul.f32 v46, v46;
	v54 =	vadd.f32 v59, v61;
	v39 =	vmul.f32 v57, v39  }
0x44b: {  	v30 =	vld [tilespmem:s0+$0xE4E0];
	v49 =	vadd.f32 v58, v49;
	v41 =	vmul.f32 v26, v41;
	v61 =	vmul.f32 v40, v40  }
0x44c: {  	v62 =	vmul.f32 v51, v51;
	v56 =	vmul.f32 v39, v3  }
0x44d: {  	v52 =	vadd.f32 $9.999999970e-07, v60;
	v63 =	vmul.f32 v53, v53;
	v49 =	vmul.f32 v49, v11  }
0x44e: {  	v27 =	vmul.f32 v39, v27;
	v60 =	vmul.f32 v50, v50  }
0x44f: {  	v26 =	vld [tilespmem:s0+$0xD070];
	v55 =	vadd.f32 v62, v61;
	v43 =	vmul.f32 v56, v43;
	v39 =	vadd.f32 v49, v52  }
0x450: {  	v58 =	vmul.f32 v30, v30;
	[tilespmem:s12+$0xF730] =	vst v27;
	v62 =	vmul.f32 v56, v47  }
0x451: {  	v61 =	vadd.f32 v63, v55;
	v63 =	vmul.f32 v56, v48;
	[tilespmem:s12+$0xF7B0] =	vst v43;
	v56 =	vshrl.u32 v39, $0x1  }
0x452: {  	v34 =	vmul.f32 v41, v34;
	v59 =	vadd.f32 $9.999999970e-07, v60;
	[tilespmem:s12+$0xF830] =	vst v62;
	v57 =	vsub.s32 $0x5F1FFFF9, v56  }
0x453: {  	v32 =	vld [tilespmem:s18+$0xA760];
	v54 =	vadd.f32 v58, v54;
	v60 =	vmul.f32 v61, v11;
	[tilespmem:s12+$0xF8B0] =	vst v63;
	v61 =	vmul.f32 v57, v39  }
0x454: {  	v52 =	vmul.f32 v26, v26;
	v62 =	vmul.f32 v41, v4;
	v49 =	vld [tilespmem:s0+$0xBDC0]  }
0x455: {  	v48 =	vmul.f32 v54, v14;
	v41 =	vld [tilespmem:s0+$0xD1C0];
	v63 =	vadd.f32 v60, v59;
	v27 =	vmul.f32 v57, v61  }
0x456: {  	v35 =	vmul.f32 v62, v35;
	v36 =	vmul.f32 v62, v36  }
0x457: {  	v43 =	vmul.f32 $7.039522520e-01, v57;
	v56 =	vld [tilespmem:s0+$0xE5C0];
	v60 =	vshrl.u32 v63, $0x1;
	v27 =	vsub.f32 $2.389244560e+00, v27  }
0x458: {  	v33 =	vmul.f32 v62, v33;
	v39 =	vmul.f32 v32, v32;
	v54 =	vsub.s32 $0x5F1FFFF9, v60  }
0x459: {  	v47 =	vmul.f32 v54, v63;
	v43 =	vmul.f32 v27, v43  }
0x45a: {  	[tilespmem:s9+$0xF740] =	vst v34;
	v45 =	vadd.f32 v52, v45;
	v52 =	vld [tilespmem:s29+$0xA740];
	v61 =	vmul.f32 v49, v49;
	v62 =	vmul.f32 v41, v41  }
0x45b: {  	[tilespmem:s9+$0xF7C0] =	vst v35;
	v39 =	vadd.f32 $9.999999970e-07, v39;
	v27 =	vld [tilespmem:s0+$0xE470];
	v47 =	vmul.f32 v54, v47;
	v55 =	vmul.f32 v43, v3  }
0x45c: {  	[tilespmem:s9+$0xF840] =	vst v36;
	v59 =	vmul.f32 v56, v56;
	v58 =	vadd.f32 v62, v61;
	v63 =	vmul.f32 v43, v46  }
0x45d: {  	[tilespmem:s9+$0xF8C0] =	vst v33;
	v54 =	vmul.f32 $7.039522520e-01, v54;
	v57 =	vsub.f32 $2.389244560e+00, v47;
	v60 =	vmul.f32 v55, v37  }
0x45e: {  	v21 =	vmul.f32 v28, v21;
	v34 =	vadd.f32 v59, v58;
	[tilespmem:s21+$0xF730] =	vst v63;
	v61 =	vmul.f32 v55, v42  }
0x45f: {  	v37 =	vadd.f32 v48, v39;
	v48 =	vmul.f32 v55, v44;
	v62 =	vmul.f32 v57, v54;
	[tilespmem:s21+$0xF7B0] =	vst v60  }
0x460: {  	v63 =	vmul.f32 v52, v52;
	v54 =	vmul.f32 v27, v27;
	[tilespmem:s21+$0xF830] =	vst v61  }
0x461: {  	v33 =	vld [tilespmem:s0+$0xBD50];
	v34 =	vmul.f32 v34, v12;
	[tilespmem:s21+$0xF8B0] =	vst v48;
	v57 =	vmul.f32 v62, v3  }
0x462: {  	v55 =	vshrl.u32 v37, $0x1;
	v42 =	vadd.f32 $9.999999970e-07, v63;
	v58 =	vmul.f32 v62, v50;
	v44 =	vld [tilespmem:s0+$0xBE40]  }
0x463: {  	v59 =	vadd.f32 v54, v45;
	v60 =	vsub.s32 $0x5F1FFFF9, v55;
	v45 =	vld [tilespmem:s0+$0xD240];
	v40 =	vmul.f32 v57, v40  }
0x464: {  	v46 =	vld [tilespmem:s0+$0xE640];
	v37 =	vmul.f32 v60, v37;
	v42 =	vadd.f32 v34, v42;
	[tilespmem:s24+$0xF730] =	vst v58;
	v61 =	vmul.f32 v57, v51  }
0x465: {  	v38 =	vadd.f32 $9.999999970e-07, v38;
	v54 =	vld [tilespmem:s10+$0xA750];
	v39 =	vmul.f32 v59, v15;
	v36 =	vmul.f32 v57, v53;
	[tilespmem:s24+$0xF7B0] =	vst v40  }
0x466: {  	v34 =	vld [tilespmem:s0+$0xD150];
	v55 =	vmul.f32 $7.039522520e-01, v60;
	v37 =	vmul.f32 v60, v37;
	v62 =	vshrl.u32 v42, $0x1;
	[tilespmem:s24+$0xF830] =	vst v61  }
0x467: {  	v60 =	vmul.f32 v33, v33;
	v35 =	vadd.f32 v39, v38;
	v63 =	vsub.s32 $0x5F1FFFF9, v62;
	v39 =	vld [tilespmem:s23+$0xA740];
	[tilespmem:s24+$0xF8B0] =	vst v36  }
0x468: {  	v40 =	vmul.f32 v63, v42;
	v42 =	vld [tilespmem:s0+$0xBEC0];
	v57 =	vmul.f32 v44, v44  }
0x469: {  	v37 =	vsub.f32 $2.389244560e+00, v37;
	v58 =	vmul.f32 v45, v45;
	v48 =	vld [tilespmem:s0+$0xD2C0];
	v61 =	vmul.f32 v46, v46  }
0x46a: {  	v53 =	vld [tilespmem:s0+$0xE6C0];
	v38 =	vmul.f32 $7.039522520e-01, v63;
	v59 =	vshrl.u32 v35, $0x1;
	v40 =	vmul.f32 v63, v40  }
0x46b: {  	v36 =	vmul.f32 v37, v55;
	v37 =	vld [tilespmem:s0+$0xE550];
	v43 =	vadd.f32 v58, v57;
	v50 =	vsub.s32 $0x5F1FFFF9, v59  }
0x46c: {  	v47 =	vld [tilespmem:s22+$0xA740];
	v62 =	vmul.f32 v34, v34;
	v35 =	vmul.f32 v50, v35;
	v40 =	vsub.f32 $2.389244560e+00, v40  }
0x46d: {  	v63 =	vmul.f32 v39, v39;
	v43 =	vadd.f32 v61, v43;
	v32 =	vmul.f32 v36, v32  }
0x46e: {  	v51 =	vadd.f32 v62, v60;
	v60 =	vmul.f32 v42, v42;
	v61 =	vmul.f32 v48, v48  }
0x46f: {  	v38 =	vmul.f32 v40, v38;
	v62 =	vadd.f32 $9.999999970e-07, v63;
	v43 =	vmul.f32 v43, v12  }
0x470: {  	v63 =	vmul.f32 v37, v37;
	v55 =	vadd.f32 v61, v60;
	v60 =	vmul.f32 v53, v53  }
0x471: {  	v61 =	vmul.f32 v54, v54;
	v40 =	vadd.f32 v43, v62;
	v62 =	vmul.f32 v47, v47  }
0x472: {  	v51 =	vadd.f32 v63, v51;
	v55 =	vadd.f32 v60, v55;
	v63 =	vmul.f32 v38, v4  }
0x473: {  	v38 =	vmul.f32 v38, v52;
	v60 =	vshrl.u32 v40, $0x1;
	v57 =	vadd.f32 $9.999999970e-07, v62  }
0x474: {  	v52 =	vsub.s32 $0x5F1FFFF9, v60;
	v55 =	vmul.f32 v55, v12;
	v51 =	vmul.f32 v51, v13  }
0x475: {  	v43 =	vadd.f32 $9.999999970e-07, v61;
	v49 =	vmul.f32 v63, v49;
	v40 =	vmul.f32 v52, v40  }
0x476: {  	v35 =	vmul.f32 v50, v35;
	[tilespmem:s12+$0xF740] =	vst v38;
	v62 =	vmul.f32 v63, v41;
	v55 =	vadd.f32 v55, v57  }
0x477: {  	v63 =	vmul.f32 v63, v56;
	v43 =	vadd.f32 v51, v43;
	[tilespmem:s12+$0xF7C0] =	vst v49;
	v61 =	vmul.f32 v52, v40  }
0x478: {  	v57 =	vmul.f32 $7.039522520e-01, v52;
	[tilespmem:s12+$0xF840] =	vst v62;
	v52 =	vmul.f32 v36, v6;
	v56 =	vshrl.u32 v55, $0x1  }
0x479: {  	[tilespmem:s12+$0xF8C0] =	vst v63;
	v59 =	vshrl.u32 v43, $0x1;
	v38 =	vsub.f32 $2.389244560e+00, v61;
	v49 =	vsub.s32 $0x5F1FFFF9, v56  }
0x47a: {  	v41 =	vld [tilespmem:s0+$0xBDD0];
	v31 =	vmul.f32 v52, v31;
	v36 =	vsub.s32 $0x5F1FFFF9, v59;
	v58 =	vmul.f32 v49, v55  }
0x47b: {  	v29 =	vmul.f32 v52, v29;
	v43 =	vmul.f32 v36, v43  }
0x47c: {  	v38 =	vmul.f32 v38, v57;
	v40 =	vmul.f32 v49, v58  }
0x47d: {  	[tilespmem:s17+$0xF760] =	vst v32;
	v30 =	vmul.f32 v52, v30;
	v61 =	vmul.f32 $7.039522520e-01, v49  }
0x47e: {  	v51 =	vld [tilespmem:s0+$0xD1D0];
	[tilespmem:s17+$0xF7E0] =	vst v31;
	v62 =	vmul.f32 v36, v43;
	v60 =	vmul.f32 v38, v4;
	v40 =	vsub.f32 $2.389244560e+00, v40  }
0x47f: {  	[tilespmem:s17+$0xF860] =	vst v29;
	v49 =	vmul.f32 v41, v41;
	v38 =	vmul.f32 v38, v39  }
0x480: {  	[tilespmem:s17+$0xF8E0] =	vst v30;
	v43 =	vld [tilespmem:s0+$0xE5D0];
	v44 =	vmul.f32 v60, v44;
	v39 =	vmul.f32 v40, v61  }
0x481: {  	v36 =	vmul.f32 $7.039522520e-01, v36;
	[tilespmem:s21+$0xF740] =	vst v38;
	v63 =	vmul.f32 v60, v45  }
0x482: {  	v32 =	vsub.f32 $2.389244560e+00, v62;
	v55 =	vmul.f32 v60, v46;
	[tilespmem:s21+$0xF7C0] =	vst v44;
	v57 =	vmul.f32 v39, v4  }
0x483: {  	v56 =	vmul.f32 v51, v51;
	v40 =	vld [tilespmem:s29+$0xA750];
	[tilespmem:s21+$0xF840] =	vst v63;
	v39 =	vmul.f32 v39, v47  }
0x484: {  	v29 =	vld [tilespmem:s18+$0xA770];
	v32 =	vmul.f32 v32, v36;
	[tilespmem:s21+$0xF8C0] =	vst v55;
	v42 =	vmul.f32 v57, v42  }
0x485: {  	v59 =	vmul.f32 v43, v43;
	v45 =	vld [tilespmem:s0+$0xBE50];
	[tilespmem:s24+$0xF740] =	vst v39;
	v60 =	vmul.f32 v57, v48  }
0x486: {  	v58 =	vadd.f32 v56, v49;
	v36 =	vld [tilespmem:s0+$0xD250];
	v62 =	vmul.f32 v32, v5;
	v38 =	vmul.f32 v57, v53;
	[tilespmem:s24+$0xF7C0] =	vst v42  }
0x487: {  	v50 =	vmul.f32 $7.039522520e-01, v50;
	v35 =	vsub.f32 $2.389244560e+00, v35;
	v44 =	vld [tilespmem:s0+$0xE650];
	v47 =	vmul.f32 v32, v54;
	[tilespmem:s24+$0xF840] =	vst v60  }
0x488: {  	v46 =	vld [tilespmem:s23+$0xA750];
	v31 =	vadd.f32 v59, v58;
	v48 =	vmul.f32 v62, v33;
	v61 =	vmul.f32 v40, v40;
	[tilespmem:s24+$0xF8C0] =	vst v38  }
0x489: {  	v35 =	vmul.f32 v35, v50;
	[tilespmem:s9+$0xF750] =	vst v47;
	v34 =	vmul.f32 v62, v34;
	v38 =	vld [tilespmem:s0+$0xBED0]  }
0x48a: {  	v37 =	vmul.f32 v62, v37;
	v31 =	vmul.f32 v31, v13;
	[tilespmem:s9+$0xF7D0] =	vst v48;
	v63 =	vadd.f32 $9.999999970e-07, v61;
	v39 =	vld [tilespmem:s0+$0xD2D0]  }
0x48b: {  	[tilespmem:s9+$0xF850] =	vst v34;
	v52 =	vmul.f32 v45, v45;
	v53 =	vmul.f32 v36, v36;
	v42 =	vld [tilespmem:s0+$0xE6D0]  }
0x48c: {  	v22 =	vmul.f32 v28, v22;
	v20 =	vmul.f32 v28, v20;
	[tilespmem:s9+$0xF8D0] =	vst v37;
	v37 =	vld [tilespmem:s22+$0xA750];
	v49 =	vadd.f32 v31, v63  }
0x48d: {  	v24 =	vmul.f32 v35, v24;
	v55 =	vmul.f32 v44, v44;
	v33 =	vld [tilespmem:s0+$0xBD60];
	v31 =	vadd.f32 v53, v52  }
0x48e: {  	v48 =	vmul.f32 v29, v29;
	v57 =	vmul.f32 v46, v46;
	v32 =	vld [tilespmem:s0+$0xD160];
	v54 =	vshrl.u32 v49, $0x1  }
0x48f: {  	v31 =	vadd.f32 v55, v31;
	v56 =	vsub.s32 $0x5F1FFFF9, v54;
	v58 =	vmul.f32 v38, v38  }
0x490: {  	v59 =	vmul.f32 v39, v39;
	v30 =	vmul.f32 v56, v49  }
0x491: {  	v60 =	vadd.f32 $9.999999970e-07, v57;
	v61 =	vmul.f32 v42, v42;
	v31 =	vmul.f32 v31, v13  }
0x492: {  	v34 =	vld [tilespmem:s0+$0xE560];
	v62 =	vmul.f32 v37, v37;
	v47 =	vadd.f32 v59, v58;
	v30 =	vmul.f32 v56, v30  }
0x493: {  	v63 =	vmul.f32 v33, v33;
	v57 =	vmul.f32 v32, v32;
	v31 =	vadd.f32 v31, v60  }
0x494: {  	v28 =	vmul.f32 $7.039522520e-01, v56;
	v47 =	vadd.f32 v61, v47;
	v30 =	vsub.f32 $2.389244560e+00, v30  }
0x495: {  	v49 =	vmul.f32 v35, v7;
	v52 =	vadd.f32 $9.999999970e-07, v62;
	v56 =	vshrl.u32 v31, $0x1  }
0x496: {  	v47 =	vmul.f32 v47, v13;
	v28 =	vmul.f32 v30, v28;
	v30 =	vsub.s32 $0x5F1FFFF9, v56  }
0x497: {  	v59 =	vmul.f32 v34, v34;
	v31 =	vmul.f32 v30, v31  }
0x498: {  	v54 =	vld [tilespmem:s10+$0xA760];
	v25 =	vmul.f32 v49, v25;
	v47 =	vadd.f32 v47, v52;
	v58 =	vmul.f32 v28, v5  }
0x499: {  	v50 =	vadd.f32 v57, v63;
	v40 =	vmul.f32 v28, v40;
	v28 =	vld [tilespmem:s0+$0xBCF0];
	v31 =	vmul.f32 v30, v31  }
0x49a: {  	v62 =	vshrl.u32 v47, $0x1;
	v30 =	vmul.f32 $7.039522520e-01, v30;
	v60 =	vmul.f32 v58, v41  }
0x49b: {  	[tilespmem:s12+$0xF750] =	vst v40;
	v61 =	vmul.f32 v58, v51;
	v51 =	vsub.s32 $0x5F1FFFF9, v62;
	v63 =	vsub.f32 $2.389244560e+00, v31  }
0x49c: {  	v56 =	vmul.f32 v58, v43;
	v31 =	vld [tilespmem:s0+$0xD0F0];
	v57 =	vmul.f32 v51, v47;
	[tilespmem:s12+$0xF7D0] =	vst v60  }
0x49d: {  	v50 =	vadd.f32 v59, v50;
	v58 =	vmul.f32 v54, v54;
	[tilespmem:s12+$0xF850] =	vst v61;
	v59 =	vmul.f32 v63, v30  }
0x49e: {  	[tilespmem:s12+$0xF8D0] =	vst v56;
	v30 =	vld [tilespmem:s0+$0xE4F0];
	v60 =	vmul.f32 v28, v28;
	v61 =	vmul.f32 v51, v57  }
0x49f: {  	v62 =	vadd.f32 $9.999999970e-07, v58;
	v63 =	vmul.f32 v50, v14;
	v50 =	vld [tilespmem:s0+$0xBDE0];
	v53 =	vmul.f32 v59, v5  }
0x4a0: {  	v55 =	vld [tilespmem:s0+$0xD1E0];
	v57 =	vmul.f32 $7.039522520e-01, v51;
	v41 =	vmul.f32 v59, v46;
	v40 =	vsub.f32 $2.389244560e+00, v61  }
0x4a1: {  	v58 =	vmul.f32 v31, v31;
	v45 =	vmul.f32 v53, v45  }
0x4a2: {  	v47 =	vld [tilespmem:s0+$0xE5E0];
	v43 =	vadd.f32 v63, v62;
	[tilespmem:s21+$0xF750] =	vst v41;
	v36 =	vmul.f32 v53, v36;
	v40 =	vmul.f32 v40, v57  }
0x4a3: {  	v44 =	vmul.f32 v53, v44;
	v59 =	vadd.f32 v58, v60;
	v60 =	vmul.f32 v30, v30;
	[tilespmem:s21+$0xF7D0] =	vst v45  }
0x4a4: {  	v61 =	vshrl.u32 v43, $0x1;
	v62 =	vmul.f32 v50, v50;
	[tilespmem:s21+$0xF850] =	vst v36;
	v63 =	vmul.f32 v40, v5  }
0x4a5: {  	v52 =	vld [tilespmem:s29+$0xA760];
	v56 =	vmul.f32 v55, v55;
	v45 =	vsub.s32 $0x5F1FFFF9, v61;
	[tilespmem:s21+$0xF8D0] =	vst v44;
	v37 =	vmul.f32 v40, v37  }
0x4a6: {  	v57 =	vadd.f32 v60, v59;
	v58 =	vmul.f32 v45, v43;
	v43 =	vld [tilespmem:s0+$0xBE60];
	v38 =	vmul.f32 v63, v38  }
0x4a7: {  	v59 =	vadd.f32 v56, v62;
	v60 =	vmul.f32 v47, v47;
	v51 =	vld [tilespmem:s0+$0xD260];
	[tilespmem:s24+$0xF750] =	vst v37;
	v61 =	vmul.f32 v63, v39  }
0x4a8: {  	v62 =	vadd.f32 $9.999999970e-07, v48;
	v41 =	vld [tilespmem:s0+$0xE660];
	v36 =	vmul.f32 v63, v42;
	v40 =	vmul.f32 v57, v15;
	[tilespmem:s24+$0xF7D0] =	vst v38  }
0x4a9: {  	v26 =	vmul.f32 v49, v26;
	v63 =	vmul.f32 v45, v58;
	v46 =	vadd.f32 v60, v59;
	[tilespmem:s24+$0xF850] =	vst v61  }
0x4aa: {  	v27 =	vmul.f32 v49, v27;
	v48 =	vmul.f32 v52, v52;
	[tilespmem:s24+$0xF8D0] =	vst v36;
	v37 =	vadd.f32 v40, v62;
	v40 =	vld [tilespmem:s23+$0xA760]  }
0x4ab: {  	v53 =	vmul.f32 $7.039522520e-01, v45;
	v35 =	vsub.f32 $2.389244560e+00, v63;
	v38 =	vmul.f32 v46, v14;
	v42 =	vld [tilespmem:s0+$0xBEE0]  }
0x4ac: {  	v39 =	vadd.f32 $9.999999970e-07, v48;
	v46 =	vld [tilespmem:s0+$0xD2E0];
	v56 =	vmul.f32 v43, v43;
	v57 =	vmul.f32 v51, v51  }
0x4ad: {  	v60 =	vmul.f32 v41, v41;
	v35 =	vmul.f32 v35, v53  }
0x4ae: {  	v44 =	vld [tilespmem:s0+$0xE6E0];
	v58 =	vshrl.u32 v37, $0x1;
	v36 =	vadd.f32 v38, v39;
	v59 =	vadd.f32 v57, v56  }
0x4af: {  	v39 =	vld [tilespmem:s22+$0xA760];
	v45 =	vsub.s32 $0x5F1FFFF9, v58;
	v48 =	vmul.f32 v35, v54;
	v35 =	vmul.f32 v35, v6  }
0x4b0: {  	v37 =	vmul.f32 v45, v37;
	v62 =	vmul.f32 v40, v40;
	v38 =	vadd.f32 v60, v59  }
0x4b1: {  	v61 =	vshrl.u32 v36, $0x1;
	v63 =	vmul.f32 v42, v42;
	v60 =	vmul.f32 v46, v46  }
0x4b2: {  	v49 =	vsub.s32 $0x5F1FFFF9, v61;
	v53 =	vadd.f32 $9.999999970e-07, v62;
	v38 =	vmul.f32 v38, v14  }
0x4b3: {  	v61 =	vmul.f32 v44, v44;
	v36 =	vmul.f32 v49, v36;
	v54 =	vadd.f32 v60, v63  }
0x4b4: {  	v33 =	vmul.f32 v35, v33;
	v62 =	vmul.f32 v39, v39;
	v38 =	vadd.f32 v38, v53  }
0x4b5: {  	v32 =	vmul.f32 v35, v32;
	v36 =	vmul.f32 v49, v36;
	v54 =	vadd.f32 v61, v54  }
0x4b6: {  	v49 =	vmul.f32 $7.039522520e-01, v49;
	v53 =	vadd.f32 $9.999999970e-07, v62;
	v63 =	vshrl.u32 v38, $0x1  }
0x4b7: {  	v36 =	vsub.f32 $2.389244560e+00, v36;
	v54 =	vmul.f32 v54, v14;
	v56 =	vsub.s32 $0x5F1FFFF9, v63  }
0x4b8: {  	[tilespmem:s9+$0xF760] =	vst v48;
	v37 =	vmul.f32 v45, v37;
	v38 =	vmul.f32 v56, v38  }
0x4b9: {  	v34 =	vmul.f32 v35, v34;
	[tilespmem:s9+$0xF7E0] =	vst v33;
	v60 =	vmul.f32 v36, v49;
	v61 =	vadd.f32 v54, v53  }
0x4ba: {  	[tilespmem:s9+$0xF860] =	vst v32;
	v37 =	vsub.f32 $2.389244560e+00, v37;
	v53 =	vmul.f32 $7.039522520e-01, v45;
	v38 =	vmul.f32 v56, v38  }
0x4bb: {  	[tilespmem:s9+$0xF8E0] =	vst v34;
	v62 =	vmul.f32 v60, v6;
	v35 =	vmul.f32 v60, v52;
	v63 =	vshrl.u32 v61, $0x1  }
0x4bc: {  	v52 =	vmul.f32 $7.039522520e-01, v56;
	v48 =	vsub.s32 $0x5F1FFFF9, v63;
	v38 =	vsub.f32 $2.389244560e+00, v38  }
0x4bd: {  	v45 =	vld [tilespmem:s0+$0xBD70];
	v32 =	vmul.f32 v37, v53;
	v36 =	vmul.f32 v48, v61  }
0x4be: {  	v54 =	vmul.f32 v62, v50;
	v38 =	vmul.f32 v38, v52  }
0x4bf: {  	v49 =	vld [tilespmem:s0+$0xD170];
	[tilespmem:s12+$0xF760] =	vst v35;
	v56 =	vmul.f32 v62, v55;
	v36 =	vmul.f32 v48, v36  }
0x4c0: {  	v33 =	vmul.f32 v62, v47;
	[tilespmem:s12+$0xF7E0] =	vst v54;
	v57 =	vmul.f32 v38, v6  }
0x4c1: {  	v37 =	vld [tilespmem:s0+$0xE570];
	v59 =	vmul.f32 $7.039522520e-01, v48;
	[tilespmem:s12+$0xF860] =	vst v56;
	v58 =	vmul.f32 v38, v40;
	v36 =	vsub.f32 $2.389244560e+00, v36  }
0x4c2: {  	[tilespmem:s12+$0xF8E0] =	vst v33;
	v62 =	vmul.f32 v45, v45;
	v60 =	vmul.f32 v57, v43  }
0x4c3: {  	v48 =	vld [tilespmem:s0+$0xE5F0];
	[tilespmem:s21+$0xF760] =	vst v58;
	v61 =	vmul.f32 v57, v51;
	v36 =	vmul.f32 v36, v59  }
0x4c4: {  	v52 =	vmul.f32 v49, v49;
	v40 =	vld [tilespmem:s10+$0xA770];
	v63 =	vmul.f32 v57, v41;
	[tilespmem:s21+$0xF7E0] =	vst v60  }
0x4c5: {  	v43 =	vld [tilespmem:s0+$0xBDF0];
	[tilespmem:s21+$0xF860] =	vst v61;
	v53 =	vmul.f32 v36, v6  }
0x4c6: {  	v55 =	vmul.f32 v37, v37;
	v34 =	vadd.f32 v52, v62;
	v41 =	vld [tilespmem:s0+$0xD1F0];
	[tilespmem:s21+$0xF8E0] =	vst v63;
	v54 =	vmul.f32 v36, v39  }
0x4c7: {  	v47 =	vmul.f32 v32, v7;
	v38 =	vld [tilespmem:s0+$0xBE70];
	v56 =	vmul.f32 v53, v42  }
0x4c8: {  	v29 =	vmul.f32 v32, v29;
	v34 =	vadd.f32 v55, v34;
	v32 =	vld [tilespmem:s0+$0xD270];
	[tilespmem:s24+$0xF760] =	vst v54;
	v57 =	vmul.f32 v53, v46  }
0x4c9: {  	v58 =	vmul.f32 v40, v40;
	v33 =	vld [tilespmem:s23+$0xA770];
	v35 =	vmul.f32 v53, v44;
	[tilespmem:s24+$0xF7E0] =	vst v56  }
0x4ca: {  	v34 =	vmul.f32 v34, v15;
	v42 =	vld [tilespmem:s29+$0xA770];
	[tilespmem:s24+$0xF860] =	vst v57  }
0x4cb: {  	v44 =	vld [tilespmem:s0+$0xE670];
	v59 =	vmul.f32 v43, v43;
	v60 =	vmul.f32 v41, v41;
	v46 =	vadd.f32 $9.999999970e-07, v58;
	[tilespmem:s24+$0xF8E0] =	vst v35  }
0x4cc: {  	[tilespmem:s13+$0xF7F0] =	vst v17;
	v17 =	vmul.f32 v47, v30;
	v62 =	vmul.f32 v48, v48;
	v39 =	vld [tilespmem:s0+$0xBEF0]  }
0x4cd: {  	v61 =	vadd.f32 v60, v59;
	v63 =	vadd.f32 v34, v46;
	v50 =	vld [tilespmem:s0+$0xD2F0];
	v52 =	vmul.f32 v38, v38  }
0x4ce: {  	v36 =	vld [tilespmem:s0+$0xE6F0];
	v53 =	vmul.f32 v32, v32;
	v59 =	vmul.f32 v33, v33  }
0x4cf: {  	[tilespmem:s13+$0xF870] =	vst v16;
	v54 =	vmul.f32 v42, v42;
	v35 =	vadd.f32 v62, v61;
	v16 =	vshrl.u32 v63, $0x1  }
0x4d0: {  	[tilespmem:s13+$0xF770] =	vst v18;
	v55 =	vmul.f32 v44, v44;
	v34 =	vadd.f32 v53, v52;
	v16 =	vsub.s32 $0x5F1FFFF9, v16  }
0x4d1: {  	[tilespmem:s13+$0xF8F0] =	vst v19;
	v56 =	vadd.f32 $9.999999970e-07, v54;
	v57 =	vmul.f32 v35, v15;
	v18 =	vmul.f32 v16, v63  }
0x4d2: {  	[tilespmem:s15+$0xF770] =	vst v23;
	v35 =	vld [tilespmem:s22+$0xA770];
	v58 =	vadd.f32 v55, v34;
	v60 =	vmul.f32 v39, v39;
	v61 =	vmul.f32 v50, v50  }
0x4d3: {  	[tilespmem:s15+$0xF7F0] =	vst v21;
	v30 =	vmul.f32 v36, v36;
	v19 =	vadd.f32 v57, v56;
	v18 =	vmul.f32 v16, v18  }
0x4d4: {  	[tilespmem:s15+$0xF870] =	vst v22;
	v62 =	vadd.f32 $9.999999970e-07, v59;
	v16 =	vmul.f32 $7.039522520e-01, v16;
	v23 =	vmul.f32 v58, v15  }
0x4d5: {  	[tilespmem:s15+$0xF8F0] =	vst v20;
	v63 =	vadd.f32 v61, v60;
	v18 =	vsub.f32 $2.389244560e+00, v18;
	v34 =	vshrl.u32 v19, $0x1  }
0x4d6: {  	[tilespmem:s16+$0xF770] =	vst v24;
	v28 =	vmul.f32 v47, v28;
	v22 =	vadd.f32 v23, v62;
	v23 =	vsub.s32 $0x5F1FFFF9, v34  }
0x4d7: {  	[tilespmem:s16+$0xF7F0] =	vst v25;
	v20 =	vadd.f32 v30, v63;
	v46 =	vmul.f32 v35, v35;
	v16 =	vmul.f32 v18, v16  }
0x4d8: {  	[tilespmem:s16+$0xF870] =	vst v26;
	v31 =	vmul.f32 v47, v31;
	v47 =	vmul.f32 v23, v19;
	v51 =	vshrl.u32 v22, $0x1  }
0x4d9: {  	[tilespmem:s16+$0xF8F0] =	vst v27;
	v21 =	vadd.f32 $9.999999970e-07, v46;
	v20 =	vmul.f32 v20, v15;
	v52 =	vmul.f32 v16, v7  }
0x4da: {  	[tilespmem:s17+$0xF770] =	vst v29;
	v18 =	vmul.f32 v23, v47;
	v19 =	vsub.s32 $0x5F1FFFF9, v51;
	v16 =	vmul.f32 v16, v40  }
0x4db: {  	[tilespmem:s17+$0xF7F0] =	vst v28;
	v23 =	vmul.f32 $7.039522520e-01, v23;
	v53 =	vmul.f32 v19, v22  }
0x4dc: {  	[tilespmem:s17+$0xF870] =	vst v31;
	v20 =	vadd.f32 v20, v21;
	v54 =	vmul.f32 v52, v45;
	v18 =	vsub.f32 $2.389244560e+00, v18  }
0x4dd: {  	[tilespmem:s17+$0xF8F0] =	vst v17;
	v17 =	vmul.f32 v52, v49;
	v21 =	vmul.f32 v19, v53  }
0x4de: {  	[tilespmem:s9+$0xF770] =	vst v16;
	v16 =	vmul.f32 v52, v37;
	v55 =	vshrl.u32 v20, $0x1;
	v18 =	vmul.f32 v18, v23  }
0x4df: {  	v19 =	vmul.f32 $7.039522520e-01, v19;
	v23 =	vsub.s32 $0x5F1FFFF9, v55;
	v21 =	vsub.f32 $2.389244560e+00, v21  }
0x4e0: {  	[tilespmem:s9+$0xF7F0] =	vst v54;
	v20 =	vmul.f32 v23, v20;
	v56 =	vmul.f32 v18, v7  }
0x4e1: {  	[tilespmem:s9+$0xF870] =	vst v17;
	v17 =	vmul.f32 v18, v42;
	v57 =	vmul.f32 v21, v19  }
0x4e2: {  	[tilespmem:s9+$0xF8F0] =	vst v16;
	v58 =	vmul.f32 v23, v20;
	v16 =	vmul.f32 v56, v43  }
0x4e3: {  	v60 =	vmul.f32 $7.039522520e-01, v23;
	[tilespmem:s12+$0xF770] =	vst v17;
	v17 =	vmul.f32 v56, v41  }
0x4e4: {  	v59 =	vmul.f32 v56, v48;
	v19 =	vsub.f32 $2.389244560e+00, v58;
	[tilespmem:s12+$0xF7F0] =	vst v16;
	v16 =	vmul.f32 v57, v7  }
0x4e5: {  	[tilespmem:s12+$0xF870] =	vst v17;
	v17 =	vmul.f32 v57, v33  }
0x4e6: {  	[tilespmem:s12+$0xF8F0] =	vst v59;
	v61 =	vmul.f32 v19, v60;
	v62 =	vmul.f32 v16, v38  }
0x4e7: {  	[tilespmem:s21+$0xF770] =	vst v17;
	v17 =	vmul.f32 v16, v32  }
0x4e8: {  	v16 =	vmul.f32 v16, v44;
	v63 =	vmul.f32 v61, v7;
	[tilespmem:s21+$0xF7F0] =	vst v62  }
0x4e9: {  	p0 =	slt.u32 s4, $0x20;
	[tilespmem:s21+$0xF870] =	vst v17;
	v17 =	vmul.f32 v61, v35  }
.Ltmp1:
0x4ea: {  	[tilespmem:s21+$0xF8F0] =	vst v16;
	v16 =	vmul.f32 v63, v39;
	(pc) =	sbr.rel @p0 .LBB2_5-.Ltmp1, $4  }
0x4eb: {  	[tilespmem:s24+$0xF770] =	vst v17;
	v17 =	vmul.f32 v63, v50  }
0x4ec: {  	[tilespmem:s24+$0xF7F0] =	vst v16;
	v16 =	vmul.f32 v63, v36  }
0x4ed: {  	s29 =	sadd.s32 $0x8, s4;
	[tilespmem:s24+$0xF870] =	vst v17  }
0x4ee: {  	s4 =	smov.u32 s29;
	[tilespmem:s24+$0xF8F0] =	vst v16  }
0x4ef: {  	s0 =	smul.u32 $0x28, s31;
	s30 =	sadd.s32 $0x1, s30  }
0x4f0: {  	p0 =	sne.s32 s30, $0x14  }
.Ltmp2:
0x4f1: {  	s0 =	sadd.s32 s7, s0;
	(pc) =	sbr.rel @p0 .LBB2_2-.Ltmp2, $4  }
0x4f2: {  	s0 =	sshll.u32 s0, $0x6  }
0x4f3: {  	s0 =	sand.u32 $0x1FFFFE00, s0  }
0x4f4: {  	s0 =	sadd.s32 s6, s0  }
0x4f5: {  	[hbm4b:s0+s8] =	stream.linear.scatter [tilespmem:s26], [sflag:$0x3], $0x5000, $0x38;
	[tilespmem:$0x14700] =	vst v63  }
0x4f6: {  	_ =	swait.ge [sflag:s28], $0x5000  }
0x4f7: {  	[sflag:s28] =	ssyncset.done $0x0  }
0x4f8: {  	[sflag:s28] =	ssyncadd.s32 $0xFFFFB000  }
0x4f9: {  	_ =	swait.ge [sflag:s28], $0x5000  }
0x4fa: {  	s4 =	rddreg [dreg:$0xa]  }
0x4fb: {  	s0 =	rddreg [dreg:$0x9];
	s4 =	sadd.s32 $0x1, s4  }
0x4fc: {  	p0 =	sne.s32 s4, s0  }
.Ltmp3:
0x4fd: {  	_ = 	snop;
	(pc) =	sbr.rel @p0 .LBB2_1-.Ltmp3, $3  }
0x4fe: {  	_ =	sdelay $0x1  }
0x4ff: {  	[sflag:s28] =	ssyncset.done $0x0  }
0x500: {  	[sflag:s28] =	ssyncadd.s32 $0xFFFFB000  }
0x501: {  	_ =	sfence.sel $0x180000  }
0x502: {  	[bflag:$0x0] =	sbarrier.arrive $0xFFFF  }
0x503: {  	_ =	strace $0x90000047  }
0x504: {  	s0 =	stileid.u32;
	[bflag:$0x2] =	sbarrier.arrive $0xFFFF  }
0x505: {  	p0 =	sne.s32 s0, $0x0;
	s0 =	rddreg [dreg:$0x6]  }
0x506: {  	s0 =	sadd.s32 @!p0 $0x100000, s0  }
0x507: {  	[sflag:s0] =	ssyncadd.tile.s32 @!p0 $0x1;
	_ =	shalt  }
.Lfunc_end2:
_tile_overlayer_lowered:
.L_overlay_start_2:
0x508: {  	(tag) =	ssettag $0x2  }
0x509: {  	s0 =	rddreg [dreg:$0x0];
	s2 =	stileid.u32  }
0x50a: {  	s1 =	rddreg [dreg:$0x1];
	p0 =	sne.s32 s2, $0x0  }
0x50b: {  	s3 =	rddreg [dreg:$0x2];
	[bflag:$0x3] =	sbarrier.arrive $0xFFFF;
	s2 =	simm.s32 @!p0 $0x1C04  }
0x50c: {  	[timem:s3], [sflag:s2] =	dma.local @!p0 [hbm:s0], s1  }
0x50d: {  	s0 =	simm.s32 @!p0 $0x4  }
0x50e: {  	_ =	swait.ge @!p0 [sflag:s0], s1  }
0x50f: {  	s1 =	ssub.s32 @!p0 $0x0, s1;
	[sflag:s0] =	ssyncset.done @!p0 $0x0  }
0x510: {  	[sflag:s0] =	ssyncadd.s32 @!p0 s1  }
0x511: {  	[bflag:$0x3] =	sbarrier.arrive $0xFFFF  }
0x512: {  	_ =	shalt  }

</sc_bundles>
